<compile_context>
chip_gen: v7x
topology: tpu7x:2x2x1
jax: 0.10.2.dev20260603
libtpu: 0.0.44.dev20260713+nightly
codegen_flags: <defaults>
</compile_context>

<pallas_src>
import functools

import jax
import jax.numpy as jnp
from jax import lax
from jax.experimental import pallas as pl
from jax.experimental.pallas import tpu as pltpu
from jax.experimental.pallas import tpu_sc as plsc

N = 10000
E = 320000
M = 640000
H = 128
EPS_BN = 1e-5

BE = 3200
NB = E // BE

NC = 2
NS = 16
NWORK = NC * NS
NPAD = 10240
MW = M // NWORK

_SC_MESH = plsc.VectorSubcoreMesh(core_axis_name="c", subcore_axis_name="s")


def _dot_t(x, w):
    return lax.dot_general(x, w, (((1,), (1,)), ((), ())),
                           preferred_element_type=jnp.float32)


def _dot(x, w):
    return lax.dot_general(x, w, (((1,), (0,)), ((), ())),
                           preferred_element_type=jnp.float32)


_CCH = 5000


def _counts_body(i0_hbm, i1_hbm, ones_hbm, zer_hbm, cnt1_hbm, cnt0_hbm,
                 idx_v, ones_v, zer_v, cnt1_sh, cnt0_sh):
    c = lax.axis_index("c")
    s = lax.axis_index("s")
    w = c * NS + s
    pltpu.sync_copy(ones_hbm, ones_v)
    pltpu.sync_copy(zer_hbm, zer_v)
    ez = E // NS
    pltpu.sync_copy(zer_v, cnt1_sh.at[pl.ds(s * ez, ez)])
    pltpu.sync_copy(zer_v.at[pl.ds(0, NPAD // NS)],
                    cnt0_sh.at[pl.ds(s * (NPAD // NS), NPAD // NS)])
    plsc.subcore_barrier()
    base = w * MW

    def chunk(k, _):
        off = base + k * _CCH
        pltpu.sync_copy(i1_hbm.at[pl.ds(off, _CCH)], idx_v)
        pltpu.sync_copy(ones_v, cnt1_sh.at[idx_v], add=True)
        pltpu.sync_copy(i0_hbm.at[pl.ds(off, _CCH)], idx_v)
        pltpu.sync_copy(ones_v, cnt0_sh.at[idx_v], add=True)
        return 0

    lax.fori_loop(0, MW // _CCH, chunk, 0)
    plsc.subcore_barrier()
    pltpu.sync_copy(cnt1_sh.at[pl.ds(s * ez, ez)], zer_v)
    pltpu.sync_copy(zer_v,
                    cnt1_hbm.at[pl.ds(pl.multiple_of(c * E + s * ez, 8), ez)])
    nz = NPAD // NS
    pltpu.sync_copy(cnt0_sh.at[pl.ds(s * nz, nz)], zer_v.at[pl.ds(0, nz)])
    pltpu.sync_copy(zer_v.at[pl.ds(0, nz)],
                    cnt0_hbm.at[pl.ds(pl.multiple_of(c * NPAD + s * nz, 8),
                                      nz)])


def _run_counts(i0x, i1x, ones_c, zer_c):
    f = pl.kernel(
        _counts_body,
        out_type=(jax.ShapeDtypeStruct((NC * E,), jnp.float32),
                  jax.ShapeDtypeStruct((NC * NPAD,), jnp.float32)),
        mesh=_SC_MESH,
        scratch_types=[
            pltpu.VMEM((_CCH,), jnp.int32),
            pltpu.VMEM((_CCH,), jnp.float32),
            pltpu.VMEM((E // NS,), jnp.float32),
            pltpu.VMEM_SHARED((E,), jnp.float32),
            pltpu.VMEM_SHARED((NPAD,), jnp.float32),
        ],
    )
    return f(i0x, i1x, ones_c, zer_c)


_BT = 160


def _lvl_body(i0_hbm, i1_hbm, t1_hbm, msg_hbm, zrow_hbm, lvl_hbm,
              i1_v, t1_v, msg_v, sem, acc_sh):
    c = lax.axis_index("c")
    s = lax.axis_index("s")
    w = c * NS + s
    pltpu.sync_copy(zrow_hbm, t1_v)

    def zinit(j, _):
        pltpu.sync_copy(t1_v, acc_sh.at[pl.ds(s * 640 + j * _BT, _BT)])
        return 0

    lax.fori_loop(0, 640 // _BT, zinit, 0)
    plsc.subcore_barrier()
    base = w * MW

    def batch(k, _):
        off = base + k * _BT
        pltpu.sync_copy(i1_hbm.at[pl.ds(off, _BT)], i1_v)
        pltpu.async_copy(t1_hbm.at[i1_v], t1_v, sem).wait()
        pltpu.sync_copy(msg_hbm.at[pl.ds(off, _BT)], msg_v)

        def row(r, _):
            for c8 in range(8):
                sl = pl.ds(c8 * 16, 16)
                t1_v[r, sl] = t1_v[r, sl] - msg_v[r, sl]
            return 0

        lax.fori_loop(0, _BT, row, 0)
        pltpu.sync_copy(i0_hbm.at[pl.ds(off, _BT)], i1_v)
        pltpu.sync_copy(t1_v, acc_sh.at[i1_v], add=True)
        return 0

    lax.fori_loop(0, MW // _BT, batch, 0)
    plsc.subcore_barrier()

    def wout(j, _):
        pltpu.sync_copy(acc_sh.at[pl.ds(s * 640 + j * _BT, _BT)], t1_v)
        pltpu.sync_copy(t1_v, lvl_hbm.at[c, pl.ds(s * 640 + j * _BT, _BT)])
        return 0

    lax.fori_loop(0, 640 // _BT, wout, 0)


def _run_lvl(i0x, i1x, T1, msg, zrow):
    f = pl.kernel(
        _lvl_body,
        out_type=jax.ShapeDtypeStruct((NC, NPAD, H), jnp.float32),
        mesh=_SC_MESH,
        compiler_params=pltpu.CompilerParams(needs_layout_passes=False),
        scratch_types=[
            pltpu.VMEM((_BT,), jnp.int32),
            pltpu.VMEM((_BT, H), jnp.float32),
            pltpu.VMEM((_BT, H), jnp.float32),
            pltpu.SemaphoreType.DMA,
            pltpu.VMEM_SHARED((NPAD, H), jnp.float32),
        ],
    )
    return f(i0x, i1x, T1, msg, zrow)


def _p_kernel(node_ref, wa_ref, cnt0_ref, p_ref, sp2_ref):
    p = _dot_t(node_ref[...], wa_ref[...])
    p_ref[...] = p
    sp2_ref[...] = _dot(cnt0_ref[...], p * p)


def _run_p(node_rep, Wa, cnt0p):
    return pl.pallas_call(
        _p_kernel,
        out_shape=(jax.ShapeDtypeStruct((N, H), jnp.float32),
                   jax.ShapeDtypeStruct((8, H), jnp.float32)),
    )(node_rep, Wa, cnt0p)


def _q_kernel(edge_ref, wb_ref, q_ref):
    q_ref[...] = _dot_t(edge_ref[...], wb_ref[...])


def _run_q(edge_rep, Wb):
    return pl.pallas_call(
        _q_kernel,
        grid=(NB,),
        in_specs=[pl.BlockSpec((BE, H), lambda i: (i, 0)),
                  pl.BlockSpec((H, H), lambda i: (0, 0))],
        out_specs=pl.BlockSpec((BE, H), lambda i: (i, 0)),
        out_shape=jax.ShapeDtypeStruct((E, H), jnp.float32),
    )(edge_rep, Wb)


def _e1_kernel(edge_ref, lift_ref, q_ref, cnt1_ref, wla_ref, eps2_ref,
               z1_ref, stats1_ref, sums_ref, g_ref,
               acc1_ref, accs_ref, accg_ref):
    i = pl.program_id(0)

    @pl.when(i == 0)
    def _():
        acc1_ref[...] = jnp.zeros_like(acc1_ref)
        accs_ref[...] = jnp.zeros_like(accs_ref)
        accg_ref[...] = jnp.zeros_like(accg_ref)

    e = edge_ref[...]
    l = lift_ref[...]
    q = q_ref[...]
    w = cnt1_ref[0]
    y = (1.0 + eps2_ref[0, 0]) * e + l
    z1 = _dot_t(y, wla_ref[...])
    z1_ref[...] = z1

    acc1_ref[0:1, :] += jnp.sum(z1, axis=0, keepdims=True)
    acc1_ref[1:2, :] += jnp.sum(z1 * z1, axis=0, keepdims=True)
    accs_ref[0:1, :] += jnp.sum(l, axis=0, keepdims=True)
    sq = _dot(w, q)
    sq2 = _dot(w, q * q)
    accs_ref[1:2, :] += sq[0:1, :]
    accs_ref[2:3, :] += sq2[0:1, :]
    accg_ref[...] += lax.dot_general(l, q, (((0,), (0,)), ((), ())),
                                     preferred_element_type=jnp.float32)

    @pl.when(i == NB - 1)
    def _():
        stats1_ref[...] = acc1_ref[...]
        sums_ref[...] = accs_ref[...]
        g_ref[...] = accg_ref[...]


def _run_e1(edge_rep, lift, Q, cnt1p, W_lifta, eps2):
    return pl.pallas_call(
        _e1_kernel,
        grid=(NB,),
        in_specs=[pl.BlockSpec((BE, H), lambda i: (i, 0)),
                  pl.BlockSpec((BE, H), lambda i: (i, 0)),
                  pl.BlockSpec((BE, H), lambda i: (i, 0)),
                  pl.BlockSpec((1, 8, BE), lambda i: (i, 0, 0)),
                  pl.BlockSpec((H, H), lambda i: (0, 0)),
                  pl.BlockSpec((1, 1), lambda i: (0, 0))],
        out_specs=(pl.BlockSpec((BE, H), lambda i: (i, 0)),
                   pl.BlockSpec((8, H), lambda i: (0, 0)),
                   pl.BlockSpec((8, H), lambda i: (0, 0)),
                   pl.BlockSpec((H, H), lambda i: (0, 0))),
        out_shape=(jax.ShapeDtypeStruct((E, H), jnp.float32),
                   jax.ShapeDtypeStruct((8, H), jnp.float32),
                   jax.ShapeDtypeStruct((8, H), jnp.float32),
                   jax.ShapeDtypeStruct((H, H), jnp.float32)),
        scratch_shapes=[pltpu.VMEM((8, H), jnp.float32),
                        pltpu.VMEM((8, H), jnp.float32),
                        pltpu.VMEM((H, H), jnp.float32)],
    )(edge_rep, lift, Q, cnt1p, W_lifta, eps2)


def _e2_kernel(z1_ref, ab_ref, w_ref, z2_ref, stats2_ref, acc_ref):
    i = pl.program_id(0)

    @pl.when(i == 0)
    def _():
        acc_ref[...] = jnp.zeros_like(acc_ref)

    a = jnp.maximum(z1_ref[...] * ab_ref[0:1, :] + ab_ref[1:2, :], 0.0)
    z2 = _dot_t(a, w_ref[...])
    z2_ref[...] = z2
    acc_ref[0:1, :] += jnp.sum(z2, axis=0, keepdims=True)
    acc_ref[1:2, :] += jnp.sum(z2 * z2, axis=0, keepdims=True)

    @pl.when(i == NB - 1)
    def _():
        stats2_ref[...] = acc_ref[...]


def _run_e2(z1, ab, W):
    return pl.pallas_call(
        _e2_kernel,
        grid=(NB,),
        in_specs=[pl.BlockSpec((BE, H), lambda i: (i, 0)),
                  pl.BlockSpec((8, H), lambda i: (0, 0)),
                  pl.BlockSpec((H, H), lambda i: (0, 0))],
        out_specs=(pl.BlockSpec((BE, H), lambda i: (i, 0)),
                   pl.BlockSpec((8, H), lambda i: (0, 0))),
        out_shape=(jax.ShapeDtypeStruct((E, H), jnp.float32),
                   jax.ShapeDtypeStruct((8, H), jnp.float32)),
        scratch_shapes=[pltpu.VMEM((8, H), jnp.float32)],
    )(z1, ab, W)


def _e3_kernel(z2_ref, ab_ref, out_ref):
    out_ref[...] = jnp.maximum(z2_ref[...] * ab_ref[0:1, :] + ab_ref[1:2, :],
                               0.0)


def _run_e3(z2, ab):
    return pl.pallas_call(
        _e3_kernel,
        grid=(NB,),
        in_specs=[pl.BlockSpec((BE, H), lambda i: (i, 0)),
                  pl.BlockSpec((8, H), lambda i: (0, 0))],
        out_specs=pl.BlockSpec((BE, H), lambda i: (i, 0)),
        out_shape=jax.ShapeDtypeStruct((E, H), jnp.float32),
    )(z2, ab)


def _node_kernel(node_ref, lvl_ref, w2a_ref, gb2a_ref, w2b_ref, gb2b_ref,
                 eps1_ref, out_ref):
    x = (1.0 + eps1_ref[0, 0]) * node_ref[...] + lvl_ref[...]
    z1 = _dot_t(x, w2a_ref[...])
    m1 = jnp.mean(z1, axis=0, keepdims=True)
    v1 = jnp.mean(z1 * z1, axis=0, keepdims=True) - m1 * m1
    a1 = gb2a_ref[0:1, :] * lax.rsqrt(v1 + EPS_BN)
    a = jnp.maximum(a1 * (z1 - m1) + gb2a_ref[1:2, :], 0.0)
    z2 = _dot_t(a, w2b_ref[...])
    m2 = jnp.mean(z2, axis=0, keepdims=True)
    v2 = jnp.mean(z2 * z2, axis=0, keepdims=True) - m2 * m2
    a2 = gb2b_ref[0:1, :] * lax.rsqrt(v2 + EPS_BN)
    out_ref[...] = jnp.maximum(a2 * (z2 - m2) + gb2b_ref[1:2, :], 0.0)


def _run_node(node_rep, lvl, W2a, gb2a, W2b, gb2b, eps1):
    return pl.pallas_call(
        _node_kernel,
        out_shape=jax.ShapeDtypeStruct((N, H), jnp.float32),
    )(node_rep, lvl, W2a, gb2a, W2b, gb2b, eps1)


def kernel(node_rep, edge_rep, node2edge_index,
           W_lvl1, g_lvl1, b_lvl1,
           W_lvl2a, g_lvl2a, b_lvl2a,
           W_lvl2b, g_lvl2b, b_lvl2b,
           W_lifta, g_lifta, b_lifta,
           W_liftb, g_liftb, b_liftb,
           eps1, eps2):
    i0 = node2edge_index[0]
    i1 = node2edge_index[1]
    Wa = W_lvl1[:, :H]
    Wb = W_lvl1[:, H:]
    eps1_2d = jnp.reshape(eps1.astype(jnp.float32), (1, 1))
    eps2_2d = jnp.reshape(eps2.astype(jnp.float32), (1, 1))

    i0x = i0.astype(jnp.int32)
    i1x = i1.astype(jnp.int32)
    ones_c = jnp.ones((_CCH,), jnp.float32)
    zer_c = jnp.zeros((E // NS,), jnp.float32)
    zrow = jnp.zeros((_BT, H), jnp.float32)
    cnt1_p, cnt0_p = _run_counts(i0x, i1x, ones_c, zer_c)
    cnt0 = (cnt0_p[:NPAD] + cnt0_p[NPAD:])[:N]
    cnt1 = cnt1_p[:E] + cnt1_p[E:]
    lift = jnp.zeros((E, H), jnp.float32).at[i1].add(
        jnp.take(node_rep, i0, axis=0))

    cnt0p = jnp.concatenate([cnt0[None, :], jnp.zeros((7, N), jnp.float32)],
                            axis=0)
    cnt1p = jnp.concatenate([cnt1.reshape(NB, 1, BE),
                             jnp.zeros((NB, 7, BE), jnp.float32)], axis=1)

    P, sP2 = _run_p(node_rep, Wa, cnt0p)
    Q = _run_q(edge_rep, Wb)
    z1e, stats1, sums, G = _run_e1(edge_rep, lift, Q, cnt1p, W_lifta, eps2_2d)

    sL = sums[0]
    sQ = sums[1]
    sQ2 = sums[2]
    sP = sL @ Wa.T
    mu1 = (sP + sQ) / M
    cross = jnp.sum(Wa * G.T, axis=1)
    ex2 = (sP2[0] + sQ2 + 2.0 * cross) / M
    var1 = ex2 - mu1 * mu1
    alpha1 = g_lvl1 * lax.rsqrt(var1 + EPS_BN)
    beta1 = b_lvl1 - alpha1 * mu1

    msg = jnp.maximum(alpha1 * (jnp.take(P, i0, axis=0)
                                + jnp.take(Q, i1, axis=0)) + beta1, 0.0)
    T1 = jnp.zeros((E, H), jnp.float32).at[i1].add(msg)
    lvl_p = _run_lvl(i0x, i1x, T1, msg, zrow)
    lvl = (lvl_p[0] + lvl_p[1])[:N]

    m1 = stats1[0] / E
    v1 = stats1[1] / E - m1 * m1
    a1 = g_lifta * lax.rsqrt(v1 + EPS_BN)
    ab1 = jnp.stack([a1, b_lifta - a1 * m1])
    ab1 = jnp.concatenate([ab1, jnp.zeros((6, H), jnp.float32)], axis=0)
    z2e, stats2 = _run_e2(z1e, ab1, W_liftb)
    m2 = stats2[0] / E
    v2 = stats2[1] / E - m2 * m2
    a2 = g_liftb * lax.rsqrt(v2 + EPS_BN)
    ab2 = jnp.stack([a2, b_liftb - a2 * m2])
    ab2 = jnp.concatenate([ab2, jnp.zeros((6, H), jnp.float32)], axis=0)
    edge_out = _run_e3(z2e, ab2)

    gb2a = jnp.concatenate([jnp.stack([g_lvl2a, b_lvl2a]),
                            jnp.zeros((6, H), jnp.float32)], axis=0)
    gb2b = jnp.concatenate([jnp.stack([g_lvl2b, b_lvl2b]),
                            jnp.zeros((6, H), jnp.float32)], axis=0)
    node_out = _run_node(node_rep, lvl, W_lvl2a, gb2a, W_lvl2b, gb2b, eps1_2d)

    return (node_out, edge_out)

# --- scband reference (transcript-rebuilt; emitter-appended) ---
"""Pipeline reference for scband-split-layer-17368847745440 (READ-ONLY COPY).

The authoritative reference and input builder live on the scoring server;
editing this copy changes nothing except your own understanding.
"""

import jax, jax.numpy as jnp
import numpy as np

N = 10000
E = 320000
M = 640000
H = 128
EPS_BN = 1e-5


def _lin(k, out_dim, in_dim):
    return jax.random.normal(k, (out_dim, in_dim), jnp.float32) * (1.0 / np.sqrt(in_dim))


def setup_inputs(seed: int = 0) -> dict:
    key = jax.random.key(seed)
    ks = jax.random.split(key, 12)
    node_rep = jax.random.normal(ks[0], (N, H), jnp.float32)
    edge_rep = jax.random.normal(ks[1], (E, H), jnp.float32)
    i0 = jax.random.randint(ks[2], (M,), 0, N)
    i1 = jax.random.randint(ks[3], (M,), 0, E)
    node2edge_index = jnp.stack([i0, i1], axis=0)
    ones = jnp.ones((H,), jnp.float32)
    zeros = jnp.zeros((H,), jnp.float32)
    return {
        "node_rep": node_rep,
        "edge_rep": edge_rep,
        "node2edge_index": node2edge_index,
        "W_lvl1": _lin(ks[4], H, 2 * H), "g_lvl1": ones, "b_lvl1": zeros,
        "W_lvl2a": _lin(ks[5], H, H), "g_lvl2a": ones, "b_lvl2a": zeros,
        "W_lvl2b": _lin(ks[6], H, H), "g_lvl2b": ones, "b_lvl2b": zeros,
        "W_lifta": _lin(ks[7], H, H), "g_lifta": ones, "b_lifta": zeros,
        "W_liftb": _lin(ks[8], H, H), "g_liftb": ones, "b_liftb": zeros,
        "eps1": jnp.float32(0.0),
        "eps2": jnp.float32(0.0),
    }


def _bn_relu(x, g, b):
    m = jnp.mean(x, axis=0)
    v = jnp.var(x, axis=0)
    return jax.nn.relu(g * (x - m) / jnp.sqrt(v + EPS_BN) + b)


def reference(node_rep, edge_rep, node2edge_index,
              W_lvl1, g_lvl1, b_lvl1,
              W_lvl2a, g_lvl2a, b_lvl2a,
              W_lvl2b, g_lvl2b, b_lvl2b,
              W_lifta, g_lifta, b_lifta,
              W_liftb, g_liftb, b_liftb,
              eps1, eps2):
    i0 = node2edge_index[0]
    i1 = node2edge_index[1]
    node2edge_val = jnp.take(node_rep, i0, axis=0)
    node2edge_msg = jnp.concatenate([node2edge_val, jnp.take(edge_rep, i1, axis=0)], axis=-1)
    node2edge_msg = _bn_relu(node2edge_msg @ W_lvl1.T, g_lvl1, b_lvl1)
    cat_edge_rep = jax.ops.segment_sum(
        jnp.concatenate([node2edge_msg, node2edge_val], axis=-1), i1, num_segments=E)
    lvl_aggr_edge = cat_edge_rep[:, :H]
    lift_aggr = cat_edge_rep[:, H:]
    lvl_aggr_edge = jnp.take(lvl_aggr_edge, i1, axis=0) - node2edge_msg
    lvl_aggr = jax.ops.segment_sum(lvl_aggr_edge, i0, num_segments=N)
    x = (1.0 + eps1) * node_rep + lvl_aggr
    x = _bn_relu(x @ W_lvl2a.T, g_lvl2a, b_lvl2a)
    node_out = _bn_relu(x @ W_lvl2b.T, g_lvl2b, b_lvl2b)
    y = (1.0 + eps2) * edge_rep + lift_aggr
    y = _bn_relu(y @ W_lifta.T, g_lifta, b_lifta)
    edge_out = _bn_relu(y @ W_liftb.T, g_liftb, b_liftb)
    return (node_out, edge_out)

if __name__ == "__main__":
    import jax
    _d = setup_inputs()
    print(jax.jit(kernel)(*tuple(_d.values())))

</pallas_src>

<mosaic_0001>
#map = affine_map<(d0, d1) -> (0)>
module attributes {stable_mosaic.version = 14 : i64} {
  func.func @_counts_body(%arg0: i32, %arg1: i32, %arg2: memref<640000xi32, #tpu.memory_space<hbm>>, %arg3: memref<640000xi32, #tpu.memory_space<hbm>>, %arg4: memref<5000xf32, #tpu.memory_space<hbm>>, %arg5: memref<20000xf32, #tpu.memory_space<hbm>>, %arg6: memref<640000xf32, #tpu.memory_space<hbm>>, %arg7: memref<20480xf32, #tpu.memory_space<hbm>>, %arg8: memref<5000xi32, #tpu.memory_space<vmem>>, %arg9: memref<5000xf32, #tpu.memory_space<vmem>>, %arg10: memref<20000xf32, #tpu.memory_space<vmem>>, %arg11: memref<320000xf32, #tpu.memory_space<vmem_shared>>, %arg12: memref<10240xf32, #tpu.memory_space<vmem_shared>>) attributes {dimension_semantics = [#tpu.dimension_semantics<core_parallel>, #tpu.dimension_semantics<subcore_parallel>], iteration_bounds = array<i64: 2, 16>, scalar_prefetch = 0 : i64, scratch_operands = 5 : i64, tpu.core_type = #tpu.core_type<sc_vector_subcore>, window_params = [{transform_indices = #map}, {transform_indices = #map}, {transform_indices = #map}, {transform_indices = #map}, {transform_indices = #map}, {transform_indices = #map}]} {
    %mul3A = arith.constant 16 : i32
    %mul3A_0 = arith.muli %arg0, %mul3A : i32
    %add3A = arith.addi %mul3A_0, %arg1 : i32
    "tpu.region"() ({
      %run_scoped3A = tpu.sem_alloc : memref<!tpu.dma_semaphore, #tpu.memory_space<semaphore_mem>>
      tpu.enqueue_dma source(%arg4 : memref<5000xf32, #tpu.memory_space<hbm>>) target(%arg9 : memref<5000xf32, #tpu.memory_space<vmem>>) target_semaphore(%run_scoped3A : memref<!tpu.dma_semaphore, #tpu.memory_space<semaphore_mem>>)
      tpu.wait_dma2 semaphore(%run_scoped3A : memref<!tpu.dma_semaphore, #tpu.memory_space<semaphore_mem>>) src(%arg4 : memref<5000xf32, #tpu.memory_space<hbm>>) dst(%arg9 : memref<5000xf32, #tpu.memory_space<vmem>>)
      tpu.yield
    }) : () -> ()
    "tpu.region"() ({
      %run_scoped3A = tpu.sem_alloc : memref<!tpu.dma_semaphore, #tpu.memory_space<semaphore_mem>>
      tpu.enqueue_dma source(%arg5 : memref<20000xf32, #tpu.memory_space<hbm>>) target(%arg10 : memref<20000xf32, #tpu.memory_space<vmem>>) target_semaphore(%run_scoped3A : memref<!tpu.dma_semaphore, #tpu.memory_space<semaphore_mem>>)
      tpu.wait_dma2 semaphore(%run_scoped3A : memref<!tpu.dma_semaphore, #tpu.memory_space<semaphore_mem>>) src(%arg5 : memref<20000xf32, #tpu.memory_space<hbm>>) dst(%arg10 : memref<20000xf32, #tpu.memory_space<vmem>>)
      tpu.yield
    }) : () -> ()
    %mul3A_1 = arith.constant 20000 : i32
    %mul3A_2 = arith.muli %arg1, %mul3A_1 : i32
    "tpu.region"() ({
      %run_scoped3A = tpu.sem_alloc : memref<!tpu.dma_semaphore, #tpu.memory_space<semaphore_mem>>
      %dma_start3A = tpu.memref_slice %arg11[%mul3A_2] : memref<320000xf32, #tpu.memory_space<vmem_shared>> -> memref<20000xf32, #tpu.memory_space<vmem_shared>>
      %dma_start3A_29 = tpu.memref_slice %arg11[%mul3A_2] : memref<320000xf32, #tpu.memory_space<vmem_shared>> -> memref<20000xf32, #tpu.memory_space<vmem_shared>>
      tpu.enqueue_dma source(%arg10 : memref<20000xf32, #tpu.memory_space<vmem>>) target(%dma_start3A_29 : memref<20000xf32, #tpu.memory_space<vmem_shared>>) target_semaphore(%run_scoped3A : memref<!tpu.dma_semaphore, #tpu.memory_space<semaphore_mem>>)
      %dma_wait3A = tpu.memref_slice %arg11[%mul3A_2] : memref<320000xf32, #tpu.memory_space<vmem_shared>> -> memref<20000xf32, #tpu.memory_space<vmem_shared>>
      %dma_wait3A_30 = tpu.memref_slice %arg11[%mul3A_2] : memref<320000xf32, #tpu.memory_space<vmem_shared>> -> memref<20000xf32, #tpu.memory_space<vmem_shared>>
      tpu.wait_dma2 semaphore(%run_scoped3A : memref<!tpu.dma_semaphore, #tpu.memory_space<semaphore_mem>>) src(%arg10 : memref<20000xf32, #tpu.memory_space<vmem>>) dst(%dma_wait3A_30 : memref<20000xf32, #tpu.memory_space<vmem_shared>>)
      tpu.yield
    }) : () -> ()
    %mul3A_3 = arith.constant 640 : i32
    %mul3A_4 = arith.muli %arg1, %mul3A_3 : i32
    "tpu.region"() ({
      %run_scoped3A = tpu.sem_alloc : memref<!tpu.dma_semaphore, #tpu.memory_space<semaphore_mem>>
      %dma_start3A = arith.constant 0 : i32
      %dma_start3A_29 = tpu.memref_slice %arg10[%dma_start3A] : memref<20000xf32, #tpu.memory_space<vmem>> -> memref<640xf32, #tpu.memory_space<vmem>>
      %dma_start3A_30 = tpu.memref_slice %arg12[%mul3A_4] : memref<10240xf32, #tpu.memory_space<vmem_shared>> -> memref<640xf32, #tpu.memory_space<vmem_shared>>
      %dma_start3A_31 = tpu.memref_slice %arg12[%mul3A_4] : memref<10240xf32, #tpu.memory_space<vmem_shared>> -> memref<640xf32, #tpu.memory_space<vmem_shared>>
      %dma_start3A_32 = arith.constant 0 : i32
      %dma_start3A_33 = tpu.memref_slice %arg10[%dma_start3A_32] : memref<20000xf32, #tpu.memory_space<vmem>> -> memref<640xf32, #tpu.memory_space<vmem>>
      tpu.enqueue_dma source(%dma_start3A_33 : memref<640xf32, #tpu.memory_space<vmem>>) target(%dma_start3A_31 : memref<640xf32, #tpu.memory_space<vmem_shared>>) target_semaphore(%run_scoped3A : memref<!tpu.dma_semaphore, #tpu.memory_space<semaphore_mem>>)
      %dma_wait3A = arith.constant 0 : i32
      %dma_wait3A_34 = tpu.memref_slice %arg10[%dma_wait3A] : memref<20000xf32, #tpu.memory_space<vmem>> -> memref<640xf32, #tpu.memory_space<vmem>>
      %dma_wait3A_35 = tpu.memref_slice %arg12[%mul3A_4] : memref<10240xf32, #tpu.memory_space<vmem_shared>> -> memref<640xf32, #tpu.memory_space<vmem_shared>>
      %dma_wait3A_36 = tpu.memref_slice %arg12[%mul3A_4] : memref<10240xf32, #tpu.memory_space<vmem_shared>> -> memref<640xf32, #tpu.memory_space<vmem_shared>>
      %dma_wait3A_37 = arith.constant 0 : i32
      %dma_wait3A_38 = tpu.memref_slice %arg10[%dma_wait3A_37] : memref<20000xf32, #tpu.memory_space<vmem>> -> memref<640xf32, #tpu.memory_space<vmem>>
      tpu.wait_dma2 semaphore(%run_scoped3A : memref<!tpu.dma_semaphore, #tpu.memory_space<semaphore_mem>>) src(%dma_wait3A_38 : memref<640xf32, #tpu.memory_space<vmem>>) dst(%dma_wait3A_36 : memref<640xf32, #tpu.memory_space<vmem_shared>>)
      tpu.yield
    }) : () -> ()
    %barrier3A = arith.constant 0 : index
    tpu.barrier barrier_id(%barrier3A)
    %mul3A_5 = arith.constant 20000 : i32
    %mul3A_6 = arith.muli %add3A, %mul3A_5 : i32
    %scan3A = arith.constant 0 : i32
    %scan3A_7 = arith.constant 0 : i32
    %scan3A_8 = arith.constant 4 : i32
    %scan3A_9 = arith.addi %scan3A_7, %scan3A_8 : i32
    %scan3A_10 = arith.constant 1 : i32
    %scan3A_11 = scf.for %scan3A_29 = %scan3A_7 to %scan3A_9 step %scan3A_10 iter_args(%scan3A_30 = %scan3A) -> (i32)  : i32 {
      %mul3A_31 = arith.constant 5000 : i32
      %mul3A_32 = arith.muli %scan3A_29, %mul3A_31 : i32
      %add3A_33 = arith.addi %mul3A_6, %mul3A_32 : i32
      "tpu.region"() ({
        %run_scoped3A = tpu.sem_alloc : memref<!tpu.dma_semaphore, #tpu.memory_space<semaphore_mem>>
        %dma_start3A = tpu.memref_slice %arg3[%add3A_33] : memref<640000xi32, #tpu.memory_space<hbm>> -> memref<5000xi32, #tpu.memory_space<hbm>>
        %dma_start3A_35 = tpu.memref_slice %arg3[%add3A_33] : memref<640000xi32, #tpu.memory_space<hbm>> -> memref<5000xi32, #tpu.memory_space<hbm>>
        tpu.enqueue_dma source(%dma_start3A_35 : memref<5000xi32, #tpu.memory_space<hbm>>) target(%arg8 : memref<5000xi32, #tpu.memory_space<vmem>>) target_semaphore(%run_scoped3A : memref<!tpu.dma_semaphore, #tpu.memory_space<semaphore_mem>>)
        %dma_wait3A = tpu.memref_slice %arg3[%add3A_33] : memref<640000xi32, #tpu.memory_space<hbm>> -> memref<5000xi32, #tpu.memory_space<hbm>>
        %dma_wait3A_36 = tpu.memref_slice %arg3[%add3A_33] : memref<640000xi32, #tpu.memory_space<hbm>> -> memref<5000xi32, #tpu.memory_space<hbm>>
        tpu.wait_dma2 semaphore(%run_scoped3A : memref<!tpu.dma_semaphore, #tpu.memory_space<semaphore_mem>>) src(%dma_wait3A_36 : memref<5000xi32, #tpu.memory_space<hbm>>) dst(%arg8 : memref<5000xi32, #tpu.memory_space<vmem>>)
        tpu.yield
      }) : () -> ()
      "tpu.region"() ({
        %run_scoped3A = tpu.sem_alloc : memref<!tpu.dma_semaphore, #tpu.memory_space<semaphore_mem>>
        %dma_start3A = arith.constant 0 : i32
        %dma_start3A_35 = tpu.memref_slice %arg11[%dma_start3A] : memref<320000xf32, #tpu.memory_space<vmem_shared>> -> memref<320000xf32, #tpu.memory_space<vmem_shared>>
        tpu.enqueue_indirect_dma source(%arg9 : memref<5000xf32, #tpu.memory_space<vmem>>) target(%dma_start3A_35 : memref<320000xf32, #tpu.memory_space<vmem_shared>>) offsets(%arg8 : memref<5000xi32, #tpu.memory_space<vmem>>) semaphore(%run_scoped3A : memref<!tpu.dma_semaphore, #tpu.memory_space<semaphore_mem>>) {add = true}
        %dma_wait3A = arith.constant 0 : i32
        %dma_wait3A_36 = tpu.memref_slice %arg11[%dma_wait3A] : memref<320000xf32, #tpu.memory_space<vmem_shared>> -> memref<320000xf32, #tpu.memory_space<vmem_shared>>
        tpu.wait_indirect_dma semaphore(%run_scoped3A : memref<!tpu.dma_semaphore, #tpu.memory_space<semaphore_mem>>) src(%arg9 : memref<5000xf32, #tpu.memory_space<vmem>>) dst(%dma_wait3A_36 : memref<320000xf32, #tpu.memory_space<vmem_shared>>)
        tpu.yield
      }) : () -> ()
      "tpu.region"() ({
        %run_scoped3A = tpu.sem_alloc : memref<!tpu.dma_semaphore, #tpu.memory_space<semaphore_mem>>
        %dma_start3A = tpu.memref_slice %arg2[%add3A_33] : memref<640000xi32, #tpu.memory_space<hbm>> -> memref<5000xi32, #tpu.memory_space<hbm>>
        %dma_start3A_35 = tpu.memref_slice %arg2[%add3A_33] : memref<640000xi32, #tpu.memory_space<hbm>> -> memref<5000xi32, #tpu.memory_space<hbm>>
        tpu.enqueue_dma source(%dma_start3A_35 : memref<5000xi32, #tpu.memory_space<hbm>>) target(%arg8 : memref<5000xi32, #tpu.memory_space<vmem>>) target_semaphore(%run_scoped3A : memref<!tpu.dma_semaphore, #tpu.memory_space<semaphore_mem>>)
        %dma_wait3A = tpu.memref_slice %arg2[%add3A_33] : memref<640000xi32, #tpu.memory_space<hbm>> -> memref<5000xi32, #tpu.memory_space<hbm>>
        %dma_wait3A_36 = tpu.memref_slice %arg2[%add3A_33] : memref<640000xi32, #tpu.memory_space<hbm>> -> memref<5000xi32, #tpu.memory_space<hbm>>
        tpu.wait_dma2 semaphore(%run_scoped3A : memref<!tpu.dma_semaphore, #tpu.memory_space<semaphore_mem>>) src(%dma_wait3A_36 : memref<5000xi32, #tpu.memory_space<hbm>>) dst(%arg8 : memref<5000xi32, #tpu.memory_space<vmem>>)
        tpu.yield
      }) : () -> ()
      "tpu.region"() ({
        %run_scoped3A = tpu.sem_alloc : memref<!tpu.dma_semaphore, #tpu.memory_space<semaphore_mem>>
        %dma_start3A = arith.constant 0 : i32
        %dma_start3A_35 = tpu.memref_slice %arg12[%dma_start3A] : memref<10240xf32, #tpu.memory_space<vmem_shared>> -> memref<10240xf32, #tpu.memory_space<vmem_shared>>
        tpu.enqueue_indirect_dma source(%arg9 : memref<5000xf32, #tpu.memory_space<vmem>>) target(%dma_start3A_35 : memref<10240xf32, #tpu.memory_space<vmem_shared>>) offsets(%arg8 : memref<5000xi32, #tpu.memory_space<vmem>>) semaphore(%run_scoped3A : memref<!tpu.dma_semaphore, #tpu.memory_space<semaphore_mem>>) {add = true}
        %dma_wait3A = arith.constant 0 : i32
        %dma_wait3A_36 = tpu.memref_slice %arg12[%dma_wait3A] : memref<10240xf32, #tpu.memory_space<vmem_shared>> -> memref<10240xf32, #tpu.memory_space<vmem_shared>>
        tpu.wait_indirect_dma semaphore(%run_scoped3A : memref<!tpu.dma_semaphore, #tpu.memory_space<semaphore_mem>>) src(%arg9 : memref<5000xf32, #tpu.memory_space<vmem>>) dst(%dma_wait3A_36 : memref<10240xf32, #tpu.memory_space<vmem_shared>>)
        tpu.yield
      }) : () -> ()
      %scan3A_34 = arith.constant 0 : i32
      scf.yield %scan3A_34 : i32
    }
    %scan3A_12 = arith.constant 4 : i32
    %barrier3A_13 = arith.constant 0 : index
    tpu.barrier barrier_id(%barrier3A_13)
    %mul3A_14 = arith.constant 20000 : i32
    %mul3A_15 = arith.muli %arg1, %mul3A_14 : i32
    "tpu.region"() ({
      %run_scoped3A = tpu.sem_alloc : memref<!tpu.dma_semaphore, #tpu.memory_space<semaphore_mem>>
      %dma_start3A = tpu.memref_slice %arg11[%mul3A_15] : memref<320000xf32, #tpu.memory_space<vmem_shared>> -> memref<20000xf32, #tpu.memory_space<vmem_shared>>
      %dma_start3A_29 = tpu.memref_slice %arg11[%mul3A_15] : memref<320000xf32, #tpu.memory_space<vmem_shared>> -> memref<20000xf32, #tpu.memory_space<vmem_shared>>
      tpu.enqueue_dma source(%dma_start3A_29 : memref<20000xf32, #tpu.memory_space<vmem_shared>>) target(%arg10 : memref<20000xf32, #tpu.memory_space<vmem>>) target_semaphore(%run_scoped3A : memref<!tpu.dma_semaphore, #tpu.memory_space<semaphore_mem>>)
      %dma_wait3A = tpu.memref_slice %arg11[%mul3A_15] : memref<320000xf32, #tpu.memory_space<vmem_shared>> -> memref<20000xf32, #tpu.memory_space<vmem_shared>>
      %dma_wait3A_30 = tpu.memref_slice %arg11[%mul3A_15] : memref<320000xf32, #tpu.memory_space<vmem_shared>> -> memref<20000xf32, #tpu.memory_space<vmem_shared>>
      tpu.wait_dma2 semaphore(%run_scoped3A : memref<!tpu.dma_semaphore, #tpu.memory_space<semaphore_mem>>) src(%dma_wait3A_30 : memref<20000xf32, #tpu.memory_space<vmem_shared>>) dst(%arg10 : memref<20000xf32, #tpu.memory_space<vmem>>)
      tpu.yield
    }) : () -> ()
    %mul3A_16 = arith.constant 320000 : i32
    %mul3A_17 = arith.muli %arg0, %mul3A_16 : i32
    %mul3A_18 = arith.constant 20000 : i32
    %mul3A_19 = arith.muli %arg1, %mul3A_18 : i32
    %add3A_20 = arith.addi %mul3A_17, %mul3A_19 : i32
    %multiple_of3A = tpu.assume_multiple %add3A_20, 8 : i32
    "tpu.region"() ({
      %run_scoped3A = tpu.sem_alloc : memref<!tpu.dma_semaphore, #tpu.memory_space<semaphore_mem>>
      %dma_start3A = tpu.memref_slice %arg6[%multiple_of3A] : memref<640000xf32, #tpu.memory_space<hbm>> -> memref<20000xf32, #tpu.memory_space<hbm>>
      %dma_start3A_29 = tpu.memref_slice %arg6[%multiple_of3A] : memref<640000xf32, #tpu.memory_space<hbm>> -> memref<20000xf32, #tpu.memory_space<hbm>>
      tpu.enqueue_dma source(%arg10 : memref<20000xf32, #tpu.memory_space<vmem>>) target(%dma_start3A_29 : memref<20000xf32, #tpu.memory_space<hbm>>) target_semaphore(%run_scoped3A : memref<!tpu.dma_semaphore, #tpu.memory_space<semaphore_mem>>)
      %dma_wait3A = tpu.memref_slice %arg6[%multiple_of3A] : memref<640000xf32, #tpu.memory_space<hbm>> -> memref<20000xf32, #tpu.memory_space<hbm>>
      %dma_wait3A_30 = tpu.memref_slice %arg6[%multiple_of3A] : memref<640000xf32, #tpu.memory_space<hbm>> -> memref<20000xf32, #tpu.memory_space<hbm>>
      tpu.wait_dma2 semaphore(%run_scoped3A : memref<!tpu.dma_semaphore, #tpu.memory_space<semaphore_mem>>) src(%arg10 : memref<20000xf32, #tpu.memory_space<vmem>>) dst(%dma_wait3A_30 : memref<20000xf32, #tpu.memory_space<hbm>>)
      tpu.yield
    }) : () -> ()
    %mul3A_21 = arith.constant 640 : i32
    %mul3A_22 = arith.muli %arg1, %mul3A_21 : i32
    "tpu.region"() ({
      %run_scoped3A = tpu.sem_alloc : memref<!tpu.dma_semaphore, #tpu.memory_space<semaphore_mem>>
      %dma_start3A = arith.constant 0 : i32
      %dma_start3A_29 = tpu.memref_slice %arg10[%dma_start3A] : memref<20000xf32, #tpu.memory_space<vmem>> -> memref<640xf32, #tpu.memory_space<vmem>>
      %dma_start3A_30 = tpu.memref_slice %arg12[%mul3A_22] : memref<10240xf32, #tpu.memory_space<vmem_shared>> -> memref<640xf32, #tpu.memory_space<vmem_shared>>
      %dma_start3A_31 = arith.constant 0 : i32
      %dma_start3A_32 = tpu.memref_slice %arg10[%dma_start3A_31] : memref<20000xf32, #tpu.memory_space<vmem>> -> memref<640xf32, #tpu.memory_space<vmem>>
      %dma_start3A_33 = tpu.memref_slice %arg12[%mul3A_22] : memref<10240xf32, #tpu.memory_space<vmem_shared>> -> memref<640xf32, #tpu.memory_space<vmem_shared>>
      tpu.enqueue_dma source(%dma_start3A_33 : memref<640xf32, #tpu.memory_space<vmem_shared>>) target(%dma_start3A_32 : memref<640xf32, #tpu.memory_space<vmem>>) target_semaphore(%run_scoped3A : memref<!tpu.dma_semaphore, #tpu.memory_space<semaphore_mem>>)
      %dma_wait3A = arith.constant 0 : i32
      %dma_wait3A_34 = tpu.memref_slice %arg10[%dma_wait3A] : memref<20000xf32, #tpu.memory_space<vmem>> -> memref<640xf32, #tpu.memory_space<vmem>>
      %dma_wait3A_35 = tpu.memref_slice %arg12[%mul3A_22] : memref<10240xf32, #tpu.memory_space<vmem_shared>> -> memref<640xf32, #tpu.memory_space<vmem_shared>>
      %dma_wait3A_36 = arith.constant 0 : i32
      %dma_wait3A_37 = tpu.memref_slice %arg10[%dma_wait3A_36] : memref<20000xf32, #tpu.memory_space<vmem>> -> memref<640xf32, #tpu.memory_space<vmem>>
      %dma_wait3A_38 = tpu.memref_slice %arg12[%mul3A_22] : memref<10240xf32, #tpu.memory_space<vmem_shared>> -> memref<640xf32, #tpu.memory_space<vmem_shared>>
      tpu.wait_dma2 semaphore(%run_scoped3A : memref<!tpu.dma_semaphore, #tpu.memory_space<semaphore_mem>>) src(%dma_wait3A_38 : memref<640xf32, #tpu.memory_space<vmem_shared>>) dst(%dma_wait3A_37 : memref<640xf32, #tpu.memory_space<vmem>>)
      tpu.yield
    }) : () -> ()
    %mul3A_23 = arith.constant 10240 : i32
    %mul3A_24 = arith.muli %arg0, %mul3A_23 : i32
    %mul3A_25 = arith.constant 640 : i32
    %mul3A_26 = arith.muli %arg1, %mul3A_25 : i32
    %add3A_27 = arith.addi %mul3A_24, %mul3A_26 : i32
    %multiple_of3A_28 = tpu.assume_multiple %add3A_27, 8 : i32
    "tpu.region"() ({
      %run_scoped3A = tpu.sem_alloc : memref<!tpu.dma_semaphore, #tpu.memory_space<semaphore_mem>>
      %dma_start3A = arith.constant 0 : i32
      %dma_start3A_29 = tpu.memref_slice %arg10[%dma_start3A] : memref<20000xf32, #tpu.memory_space<vmem>> -> memref<640xf32, #tpu.memory_space<vmem>>
      %dma_start3A_30 = tpu.memref_slice %arg7[%multiple_of3A_28] : memref<20480xf32, #tpu.memory_space<hbm>> -> memref<640xf32, #tpu.memory_space<hbm>>
      %dma_start3A_31 = tpu.memref_slice %arg7[%multiple_of3A_28] : memref<20480xf32, #tpu.memory_space<hbm>> -> memref<640xf32, #tpu.memory_space<hbm>>
      %dma_start3A_32 = arith.constant 0 : i32
      %dma_start3A_33 = tpu.memref_slice %arg10[%dma_start3A_32] : memref<20000xf32, #tpu.memory_space<vmem>> -> memref<640xf32, #tpu.memory_space<vmem>>
      tpu.enqueue_dma source(%dma_start3A_33 : memref<640xf32, #tpu.memory_space<vmem>>) target(%dma_start3A_31 : memref<640xf32, #tpu.memory_space<hbm>>) target_semaphore(%run_scoped3A : memref<!tpu.dma_semaphore, #tpu.memory_space<semaphore_mem>>)
      %dma_wait3A = arith.constant 0 : i32
      %dma_wait3A_34 = tpu.memref_slice %arg10[%dma_wait3A] : memref<20000xf32, #tpu.memory_space<vmem>> -> memref<640xf32, #tpu.memory_space<vmem>>
      %dma_wait3A_35 = tpu.memref_slice %arg7[%multiple_of3A_28] : memref<20480xf32, #tpu.memory_space<hbm>> -> memref<640xf32, #tpu.memory_space<hbm>>
      %dma_wait3A_36 = tpu.memref_slice %arg7[%multiple_of3A_28] : memref<20480xf32, #tpu.memory_space<hbm>> -> memref<640xf32, #tpu.memory_space<hbm>>
      %dma_wait3A_37 = arith.constant 0 : i32
      %dma_wait3A_38 = tpu.memref_slice %arg10[%dma_wait3A_37] : memref<20000xf32, #tpu.memory_space<vmem>> -> memref<640xf32, #tpu.memory_space<vmem>>
      tpu.wait_dma2 semaphore(%run_scoped3A : memref<!tpu.dma_semaphore, #tpu.memory_space<semaphore_mem>>) src(%dma_wait3A_38 : memref<640xf32, #tpu.memory_space<vmem>>) dst(%dma_wait3A_36 : memref<640xf32, #tpu.memory_space<hbm>>)
      tpu.yield
    }) : () -> ()
    return
  }
}

#map = affine_map<(d0, d1) -> (0)>
#map1 = affine_map<(d0, d1) -> (0, 0)>
#map2 = affine_map<(d0, d1) -> (0, 0, 0)>
module attributes {stable_mosaic.version = 14 : i64} {
  func.func @_lvl_body(%arg0: i32, %arg1: i32, %arg2: memref<640000xi32, #tpu.memory_space<hbm>>, %arg3: memref<640000xi32, #tpu.memory_space<hbm>>, %arg4: memref<320000x128xf32, #tpu.memory_space<hbm>>, %arg5: memref<640000x128xf32, #tpu.memory_space<hbm>>, %arg6: memref<160x128xf32, #tpu.memory_space<hbm>>, %arg7: memref<2x10240x128xf32, #tpu.memory_space<hbm>>, %arg8: memref<160xi32, #tpu.memory_space<vmem>>, %arg9: memref<160x128xf32, #tpu.memory_space<vmem>>, %arg10: memref<160x128xf32, #tpu.memory_space<vmem>>, %arg11: memref<!tpu.dma_semaphore, #tpu.memory_space<semaphore_mem>>, %arg12: memref<10240x128xf32, #tpu.memory_space<vmem_shared>>) attributes {dimension_semantics = [#tpu.dimension_semantics<core_parallel>, #tpu.dimension_semantics<subcore_parallel>], iteration_bounds = array<i64: 2, 16>, scalar_prefetch = 0 : i64, scratch_operands = 5 : i64, tpu.core_type = #tpu.core_type<sc_vector_subcore>, window_params = [{transform_indices = #map}, {transform_indices = #map}, {transform_indices = #map1}, {transform_indices = #map1}, {transform_indices = #map1}, {transform_indices = #map2}]} {
    %mul3A = arith.constant 16 : i32
    %mul3A_0 = arith.muli %arg0, %mul3A : i32
    %add3A = arith.addi %mul3A_0, %arg1 : i32
    "tpu.region"() ({
      %run_scoped3A = tpu.sem_alloc : memref<!tpu.dma_semaphore, #tpu.memory_space<semaphore_mem>>
      tpu.enqueue_dma source(%arg6 : memref<160x128xf32, #tpu.memory_space<hbm>>) target(%arg9 : memref<160x128xf32, #tpu.memory_space<vmem>>) target_semaphore(%run_scoped3A : memref<!tpu.dma_semaphore, #tpu.memory_space<semaphore_mem>>)
      tpu.wait_dma2 semaphore(%run_scoped3A : memref<!tpu.dma_semaphore, #tpu.memory_space<semaphore_mem>>) src(%arg6 : memref<160x128xf32, #tpu.memory_space<hbm>>) dst(%arg9 : memref<160x128xf32, #tpu.memory_space<vmem>>)
      tpu.yield
    }) : () -> ()
    %scan3A = arith.constant 0 : i32
    %scan3A_1 = arith.constant 0 : i32
    %scan3A_2 = arith.constant 4 : i32
    %scan3A_3 = arith.addi %scan3A_1, %scan3A_2 : i32
    %scan3A_4 = arith.constant 1 : i32
    %scan3A_5 = scf.for %scan3A_24 = %scan3A_1 to %scan3A_3 step %scan3A_4 iter_args(%scan3A_25 = %scan3A) -> (i32)  : i32 {
      %mul3A_26 = arith.constant 640 : i32
      %mul3A_27 = arith.muli %arg1, %mul3A_26 : i32
      %mul3A_28 = arith.constant 160 : i32
      %mul3A_29 = arith.muli %scan3A_24, %mul3A_28 : i32
      %add3A_30 = arith.addi %mul3A_27, %mul3A_29 : i32
      "tpu.region"() ({
        %run_scoped3A = tpu.sem_alloc : memref<!tpu.dma_semaphore, #tpu.memory_space<semaphore_mem>>
        %dma_start3A = arith.constant 0 : i32
        %dma_start3A_32 = tpu.memref_slice %arg12[%add3A_30, %dma_start3A] : memref<10240x128xf32, #tpu.memory_space<vmem_shared>> -> memref<160x128xf32, #tpu.memory_space<vmem_shared>>
        %dma_start3A_33 = arith.constant 0 : i32
        %dma_start3A_34 = tpu.memref_slice %arg12[%add3A_30, %dma_start3A_33] : memref<10240x128xf32, #tpu.memory_space<vmem_shared>> -> memref<160x128xf32, #tpu.memory_space<vmem_shared>>
        tpu.enqueue_dma source(%arg9 : memref<160x128xf32, #tpu.memory_space<vmem>>) target(%dma_start3A_34 : memref<160x128xf32, #tpu.memory_space<vmem_shared>>) target_semaphore(%run_scoped3A : memref<!tpu.dma_semaphore, #tpu.memory_space<semaphore_mem>>)
        %dma_wait3A = arith.constant 0 : i32
        %dma_wait3A_35 = tpu.memref_slice %arg12[%add3A_30, %dma_wait3A] : memref<10240x128xf32, #tpu.memory_space<vmem_shared>> -> memref<160x128xf32, #tpu.memory_space<vmem_shared>>
        %dma_wait3A_36 = arith.constant 0 : i32
        %dma_wait3A_37 = tpu.memref_slice %arg12[%add3A_30, %dma_wait3A_36] : memref<10240x128xf32, #tpu.memory_space<vmem_shared>> -> memref<160x128xf32, #tpu.memory_space<vmem_shared>>
        tpu.wait_dma2 semaphore(%run_scoped3A : memref<!tpu.dma_semaphore, #tpu.memory_space<semaphore_mem>>) src(%arg9 : memref<160x128xf32, #tpu.memory_space<vmem>>) dst(%dma_wait3A_37 : memref<160x128xf32, #tpu.memory_space<vmem_shared>>)
        tpu.yield
      }) : () -> ()
      %scan3A_31 = arith.constant 0 : i32
      scf.yield %scan3A_31 : i32
    }
    %scan3A_6 = arith.constant 4 : i32
    %barrier3A = arith.constant 0 : index
    tpu.barrier barrier_id(%barrier3A)
    %mul3A_7 = arith.constant 20000 : i32
    %mul3A_8 = arith.muli %add3A, %mul3A_7 : i32
    %scan3A_9 = arith.constant 0 : i32
    %scan3A_10 = arith.constant 0 : i32
    %scan3A_11 = arith.constant 125 : i32
    %scan3A_12 = arith.addi %scan3A_10, %scan3A_11 : i32
    %scan3A_13 = arith.constant 1 : i32
    %scan3A_14 = scf.for %scan3A_24 = %scan3A_10 to %scan3A_12 step %scan3A_13 iter_args(%scan3A_25 = %scan3A_9) -> (i32)  : i32 {
      %mul3A_26 = arith.constant 160 : i32
      %mul3A_27 = arith.muli %scan3A_24, %mul3A_26 : i32
      %add3A_28 = arith.addi %mul3A_8, %mul3A_27 : i32
      "tpu.region"() ({
        %run_scoped3A = tpu.sem_alloc : memref<!tpu.dma_semaphore, #tpu.memory_space<semaphore_mem>>
        %dma_start3A_41 = tpu.memref_slice %arg3[%add3A_28] : memref<640000xi32, #tpu.memory_space<hbm>> -> memref<160xi32, #tpu.memory_space<hbm>>
        %dma_start3A_42 = tpu.memref_slice %arg3[%add3A_28] : memref<640000xi32, #tpu.memory_space<hbm>> -> memref<160xi32, #tpu.memory_space<hbm>>
        tpu.enqueue_dma source(%dma_start3A_42 : memref<160xi32, #tpu.memory_space<hbm>>) target(%arg8 : memref<160xi32, #tpu.memory_space<vmem>>) target_semaphore(%run_scoped3A : memref<!tpu.dma_semaphore, #tpu.memory_space<semaphore_mem>>)
        %dma_wait3A_43 = tpu.memref_slice %arg3[%add3A_28] : memref<640000xi32, #tpu.memory_space<hbm>> -> memref<160xi32, #tpu.memory_space<hbm>>
        %dma_wait3A_44 = tpu.memref_slice %arg3[%add3A_28] : memref<640000xi32, #tpu.memory_space<hbm>> -> memref<160xi32, #tpu.memory_space<hbm>>
        tpu.wait_dma2 semaphore(%run_scoped3A : memref<!tpu.dma_semaphore, #tpu.memory_space<semaphore_mem>>) src(%dma_wait3A_44 : memref<160xi32, #tpu.memory_space<hbm>>) dst(%arg8 : memref<160xi32, #tpu.memory_space<vmem>>)
        tpu.yield
      }) : () -> ()
      %dma_start3A = arith.constant 0 : i32
      %dma_start3A_29 = arith.constant 0 : i32
      %dma_start3A_30 = tpu.memref_slice %arg4[%dma_start3A, %dma_start3A_29] : memref<320000x128xf32, #tpu.memory_space<hbm>> -> memref<320000x128xf32, #tpu.memory_space<hbm>>
      tpu.enqueue_indirect_dma source(%dma_start3A_30 : memref<320000x128xf32, #tpu.memory_space<hbm>>) target(%arg9 : memref<160x128xf32, #tpu.memory_space<vmem>>) offsets(%arg8 : memref<160xi32, #tpu.memory_space<vmem>>) semaphore(%arg11 : memref<!tpu.dma_semaphore, #tpu.memory_space<semaphore_mem>>)
      %dma_wait3A = arith.constant 0 : i32
      %dma_wait3A_31 = arith.constant 0 : i32
      %dma_wait3A_32 = tpu.memref_slice %arg4[%dma_wait3A, %dma_wait3A_31] : memref<320000x128xf32, #tpu.memory_space<hbm>> -> memref<320000x128xf32, #tpu.memory_space<hbm>>
      tpu.wait_indirect_dma semaphore(%arg11 : memref<!tpu.dma_semaphore, #tpu.memory_space<semaphore_mem>>) src(%dma_wait3A_32 : memref<320000x128xf32, #tpu.memory_space<hbm>>) dst(%arg9 : memref<160x128xf32, #tpu.memory_space<vmem>>)
      "tpu.region"() ({
        %run_scoped3A = tpu.sem_alloc : memref<!tpu.dma_semaphore, #tpu.memory_space<semaphore_mem>>
        %dma_start3A_41 = arith.constant 0 : i32
        %dma_start3A_42 = tpu.memref_slice %arg5[%add3A_28, %dma_start3A_41] : memref<640000x128xf32, #tpu.memory_space<hbm>> -> memref<160x128xf32, #tpu.memory_space<hbm>>
        %dma_start3A_43 = arith.constant 0 : i32
        %dma_start3A_44 = tpu.memref_slice %arg5[%add3A_28, %dma_start3A_43] : memref<640000x128xf32, #tpu.memory_space<hbm>> -> memref<160x128xf32, #tpu.memory_space<hbm>>
        tpu.enqueue_dma source(%dma_start3A_44 : memref<160x128xf32, #tpu.memory_space<hbm>>) target(%arg10 : memref<160x128xf32, #tpu.memory_space<vmem>>) target_semaphore(%run_scoped3A : memref<!tpu.dma_semaphore, #tpu.memory_space<semaphore_mem>>)
        %dma_wait3A_45 = arith.constant 0 : i32
        %dma_wait3A_46 = tpu.memref_slice %arg5[%add3A_28, %dma_wait3A_45] : memref<640000x128xf32, #tpu.memory_space<hbm>> -> memref<160x128xf32, #tpu.memory_space<hbm>>
        %dma_wait3A_47 = arith.constant 0 : i32
        %dma_wait3A_48 = tpu.memref_slice %arg5[%add3A_28, %dma_wait3A_47] : memref<640000x128xf32, #tpu.memory_space<hbm>> -> memref<160x128xf32, #tpu.memory_space<hbm>>
        tpu.wait_dma2 semaphore(%run_scoped3A : memref<!tpu.dma_semaphore, #tpu.memory_space<semaphore_mem>>) src(%dma_wait3A_48 : memref<160x128xf32, #tpu.memory_space<hbm>>) dst(%arg10 : memref<160x128xf32, #tpu.memory_space<vmem>>)
        tpu.yield
      }) : () -> ()
      %scan3A_33 = arith.constant 0 : i32
      %scan3A_34 = arith.constant 0 : i32
      %scan3A_35 = arith.constant 160 : i32
      %scan3A_36 = arith.addi %scan3A_34, %scan3A_35 : i32
      %scan3A_37 = arith.constant 1 : i32
      %scan3A_38 = scf.for %scan3A_41 = %scan3A_34 to %scan3A_36 step %scan3A_37 iter_args(%scan3A_42 = %scan3A_33) -> (i32)  : i32 {
        %get3A = arith.index_cast %scan3A_41 : i32 to index
        %get3A_43 = arith.constant 0 : index
        %get3A_44 = tpu.vector_load %arg9[%get3A, %get3A_43] {strides = array<i32>} : memref<160x128xf32, #tpu.memory_space<vmem>>, vector<16xf32>,
        %get3A_45 = arith.index_cast %scan3A_41 : i32 to index
        %get3A_46 = arith.constant 0 : index
        %get3A_47 = tpu.vector_load %arg10[%get3A_45, %get3A_46] {strides = array<i32>} : memref<160x128xf32, #tpu.memory_space<vmem>>, vector<16xf32>,
        %sub3A = arith.subf %get3A_44, %get3A_47 : vector<16xf32>
        %swap3A = arith.index_cast %scan3A_41 : i32 to index
        %swap3A_48 = arith.constant 0 : index
        %swap3A_49 = tpu.vector_load %arg9[%swap3A, %swap3A_48] {strides = array<i32>} : memref<160x128xf32, #tpu.memory_space<vmem>>, vector<16xf32>,
        tpu.vector_store %arg9[%swap3A, %swap3A_48], %sub3A {strides = array<i32>} : memref<160x128xf32, #tpu.memory_space<vmem>>, vector<16xf32>,
        %get3A_50 = arith.index_cast %scan3A_41 : i32 to index
        %get3A_51 = arith.constant 16 : index
        %get3A_52 = tpu.vector_load %arg9[%get3A_50, %get3A_51] {strides = array<i32>} : memref<160x128xf32, #tpu.memory_space<vmem>>, vector<16xf32>,
        %get3A_53 = arith.index_cast %scan3A_41 : i32 to index
        %get3A_54 = arith.constant 16 : index
        %get3A_55 = tpu.vector_load %arg10[%get3A_53, %get3A_54] {strides = array<i32>} : memref<160x128xf32, #tpu.memory_space<vmem>>, vector<16xf32>,
        %sub3A_56 = arith.subf %get3A_52, %get3A_55 : vector<16xf32>
        %swap3A_57 = arith.index_cast %scan3A_41 : i32 to index
        %swap3A_58 = arith.constant 16 : index
        %swap3A_59 = tpu.vector_load %arg9[%swap3A_57, %swap3A_58] {strides = array<i32>} : memref<160x128xf32, #tpu.memory_space<vmem>>, vector<16xf32>,
        tpu.vector_store %arg9[%swap3A_57, %swap3A_58], %sub3A_56 {strides = array<i32>} : memref<160x128xf32, #tpu.memory_space<vmem>>, vector<16xf32>,
        %get3A_60 = arith.index_cast %scan3A_41 : i32 to index
        %get3A_61 = arith.constant 32 : index
        %get3A_62 = tpu.vector_load %arg9[%get3A_60, %get3A_61] {strides = array<i32>} : memref<160x128xf32, #tpu.memory_space<vmem>>, vector<16xf32>,
        %get3A_63 = arith.index_cast %scan3A_41 : i32 to index
        %get3A_64 = arith.constant 32 : index
        %get3A_65 = tpu.vector_load %arg10[%get3A_63, %get3A_64] {strides = array<i32>} : memref<160x128xf32, #tpu.memory_space<vmem>>, vector<16xf32>,
        %sub3A_66 = arith.subf %get3A_62, %get3A_65 : vector<16xf32>
        %swap3A_67 = arith.index_cast %scan3A_41 : i32 to index
        %swap3A_68 = arith.constant 32 : index
        %swap3A_69 = tpu.vector_load %arg9[%swap3A_67, %swap3A_68] {strides = array<i32>} : memref<160x128xf32, #tpu.memory_space<vmem>>, vector<16xf32>,
        tpu.vector_store %arg9[%swap3A_67, %swap3A_68], %sub3A_66 {strides = array<i32>} : memref<160x128xf32, #tpu.memory_space<vmem>>, vector<16xf32>,
        %get3A_70 = arith.index_cast %scan3A_41 : i32 to index
        %get3A_71 = arith.constant 48 : index
        %get3A_72 = tpu.vector_load %arg9[%get3A_70, %get3A_71] {strides = array<i32>} : memref<160x128xf32, #tpu.memory_space<vmem>>, vector<16xf32>,
        %get3A_73 = arith.index_cast %scan3A_41 : i32 to index
        %get3A_74 = arith.constant 48 : index
        %get3A_75 = tpu.vector_load %arg10[%get3A_73, %get3A_74] {strides = array<i32>} : memref<160x128xf32, #tpu.memory_space<vmem>>, vector<16xf32>,
        %sub3A_76 = arith.subf %get3A_72, %get3A_75 : vector<16xf32>
        %swap3A_77 = arith.index_cast %scan3A_41 : i32 to index
        %swap3A_78 = arith.constant 48 : index
        %swap3A_79 = tpu.vector_load %arg9[%swap3A_77, %swap3A_78] {strides = array<i32>} : memref<160x128xf32, #tpu.memory_space<vmem>>, vector<16xf32>,
        tpu.vector_store %arg9[%swap3A_77, %swap3A_78], %sub3A_76 {strides = array<i32>} : memref<160x128xf32, #tpu.memory_space<vmem>>, vector<16xf32>,
        %get3A_80 = arith.index_cast %scan3A_41 : i32 to index
        %get3A_81 = arith.constant 64 : index
        %get3A_82 = tpu.vector_load %arg9[%get3A_80, %get3A_81] {strides = array<i32>} : memref<160x128xf32, #tpu.memory_space<vmem>>, vector<16xf32>,
        %get3A_83 = arith.index_cast %scan3A_41 : i32 to index
        %get3A_84 = arith.constant 64 : index
        %get3A_85 = tpu.vector_load %arg10[%get3A_83, %get3A_84] {strides = array<i32>} : memref<160x128xf32, #tpu.memory_space<vmem>>, vector<16xf32>,
        %sub3A_86 = arith.subf %get3A_82, %get3A_85 : vector<16xf32>
        %swap3A_87 = arith.index_cast %scan3A_41 : i32 to index
        %swap3A_88 = arith.constant 64 : index
        %swap3A_89 = tpu.vector_load %arg9[%swap3A_87, %swap3A_88] {strides = array<i32>} : memref<160x128xf32, #tpu.memory_space<vmem>>, vector<16xf32>,
        tpu.vector_store %arg9[%swap3A_87, %swap3A_88], %sub3A_86 {strides = array<i32>} : memref<160x128xf32, #tpu.memory_space<vmem>>, vector<16xf32>,
        %get3A_90 = arith.index_cast %scan3A_41 : i32 to index
        %get3A_91 = arith.constant 80 : index
        %get3A_92 = tpu.vector_load %arg9[%get3A_90, %get3A_91] {strides = array<i32>} : memref<160x128xf32, #tpu.memory_space<vmem>>, vector<16xf32>,
        %get3A_93 = arith.index_cast %scan3A_41 : i32 to index
        %get3A_94 = arith.constant 80 : index
        %get3A_95 = tpu.vector_load %arg10[%get3A_93, %get3A_94] {strides = array<i32>} : memref<160x128xf32, #tpu.memory_space<vmem>>, vector<16xf32>,
        %sub3A_96 = arith.subf %get3A_92, %get3A_95 : vector<16xf32>
        %swap3A_97 = arith.index_cast %scan3A_41 : i32 to index
        %swap3A_98 = arith.constant 80 : index
        %swap3A_99 = tpu.vector_load %arg9[%swap3A_97, %swap3A_98] {strides = array<i32>} : memref<160x128xf32, #tpu.memory_space<vmem>>, vector<16xf32>,
        tpu.vector_store %arg9[%swap3A_97, %swap3A_98], %sub3A_96 {strides = array<i32>} : memref<160x128xf32, #tpu.memory_space<vmem>>, vector<16xf32>,
        %get3A_100 = arith.index_cast %scan3A_41 : i32 to index
        %get3A_101 = arith.constant 96 : index
        %get3A_102 = tpu.vector_load %arg9[%get3A_100, %get3A_101] {strides = array<i32>} : memref<160x128xf32, #tpu.memory_space<vmem>>, vector<16xf32>,
        %get3A_103 = arith.index_cast %scan3A_41 : i32 to index
        %get3A_104 = arith.constant 96 : index
        %get3A_105 = tpu.vector_load %arg10[%get3A_103, %get3A_104] {strides = array<i32>} : memref<160x128xf32, #tpu.memory_space<vmem>>, vector<16xf32>,
        %sub3A_106 = arith.subf %get3A_102, %get3A_105 : vector<16xf32>
        %swap3A_107 = arith.index_cast %scan3A_41 : i32 to index
        %swap3A_108 = arith.constant 96 : index
        %swap3A_109 = tpu.vector_load %arg9[%swap3A_107, %swap3A_108] {strides = array<i32>} : memref<160x128xf32, #tpu.memory_space<vmem>>, vector<16xf32>,
        tpu.vector_store %arg9[%swap3A_107, %swap3A_108], %sub3A_106 {strides = array<i32>} : memref<160x128xf32, #tpu.memory_space<vmem>>, vector<16xf32>,
        %get3A_110 = arith.index_cast %scan3A_41 : i32 to index
        %get3A_111 = arith.constant 112 : index
        %get3A_112 = tpu.vector_load %arg9[%get3A_110, %get3A_111] {strides = array<i32>} : memref<160x128xf32, #tpu.memory_space<vmem>>, vector<16xf32>,
        %get3A_113 = arith.index_cast %scan3A_41 : i32 to index
        %get3A_114 = arith.constant 112 : index
        %get3A_115 = tpu.vector_load %arg10[%get3A_113, %get3A_114] {strides = array<i32>} : memref<160x128xf32, #tpu.memory_space<vmem>>, vector<16xf32>,
        %sub3A_116 = arith.subf %get3A_112, %get3A_115 : vector<16xf32>
        %swap3A_117 = arith.index_cast %scan3A_41 : i32 to index
        %swap3A_118 = arith.constant 112 : index
        %swap3A_119 = tpu.vector_load %arg9[%swap3A_117, %swap3A_118] {strides = array<i32>} : memref<160x128xf32, #tpu.memory_space<vmem>>, vector<16xf32>,
        tpu.vector_store %arg9[%swap3A_117, %swap3A_118], %sub3A_116 {strides = array<i32>} : memref<160x128xf32, #tpu.memory_space<vmem>>, vector<16xf32>,
        %scan3A_120 = arith.constant 0 : i32
        scf.yield %scan3A_120 : i32
      }
      %scan3A_39 = arith.constant 160 : i32
      "tpu.region"() ({
        %run_scoped3A = tpu.sem_alloc : memref<!tpu.dma_semaphore, #tpu.memory_space<semaphore_mem>>
        %dma_start3A_41 = tpu.memref_slice %arg2[%add3A_28] : memref<640000xi32, #tpu.memory_space<hbm>> -> memref<160xi32, #tpu.memory_space<hbm>>
        %dma_start3A_42 = tpu.memref_slice %arg2[%add3A_28] : memref<640000xi32, #tpu.memory_space<hbm>> -> memref<160xi32, #tpu.memory_space<hbm>>
        tpu.enqueue_dma source(%dma_start3A_42 : memref<160xi32, #tpu.memory_space<hbm>>) target(%arg8 : memref<160xi32, #tpu.memory_space<vmem>>) target_semaphore(%run_scoped3A : memref<!tpu.dma_semaphore, #tpu.memory_space<semaphore_mem>>)
        %dma_wait3A_43 = tpu.memref_slice %arg2[%add3A_28] : memref<640000xi32, #tpu.memory_space<hbm>> -> memref<160xi32, #tpu.memory_space<hbm>>
        %dma_wait3A_44 = tpu.memref_slice %arg2[%add3A_28] : memref<640000xi32, #tpu.memory_space<hbm>> -> memref<160xi32, #tpu.memory_space<hbm>>
        tpu.wait_dma2 semaphore(%run_scoped3A : memref<!tpu.dma_semaphore, #tpu.memory_space<semaphore_mem>>) src(%dma_wait3A_44 : memref<160xi32, #tpu.memory_space<hbm>>) dst(%arg8 : memref<160xi32, #tpu.memory_space<vmem>>)
        tpu.yield
      }) : () -> ()
      "tpu.region"() ({
        %run_scoped3A = tpu.sem_alloc : memref<!tpu.dma_semaphore, #tpu.memory_space<semaphore_mem>>
        %dma_start3A_41 = arith.constant 0 : i32
        %dma_start3A_42 = arith.constant 0 : i32
        %dma_start3A_43 = tpu.memref_slice %arg12[%dma_start3A_41, %dma_start3A_42] : memref<10240x128xf32, #tpu.memory_space<vmem_shared>> -> memref<10240x128xf32, #tpu.memory_space<vmem_shared>>
        tpu.enqueue_indirect_dma source(%arg9 : memref<160x128xf32, #tpu.memory_space<vmem>>) target(%dma_start3A_43 : memref<10240x128xf32, #tpu.memory_space<vmem_shared>>) offsets(%arg8 : memref<160xi32, #tpu.memory_space<vmem>>) semaphore(%run_scoped3A : memref<!tpu.dma_semaphore, #tpu.memory_space<semaphore_mem>>) {add = true}
        %dma_wait3A_44 = arith.constant 0 : i32
        %dma_wait3A_45 = arith.constant 0 : i32
        %dma_wait3A_46 = tpu.memref_slice %arg12[%dma_wait3A_44, %dma_wait3A_45] : memref<10240x128xf32, #tpu.memory_space<vmem_shared>> -> memref<10240x128xf32, #tpu.memory_space<vmem_shared>>
        tpu.wait_indirect_dma semaphore(%run_scoped3A : memref<!tpu.dma_semaphore, #tpu.memory_space<semaphore_mem>>) src(%arg9 : memref<160x128xf32, #tpu.memory_space<vmem>>) dst(%dma_wait3A_46 : memref<10240x128xf32, #tpu.memory_space<vmem_shared>>)
        tpu.yield
      }) : () -> ()
      %scan3A_40 = arith.constant 0 : i32
      scf.yield %scan3A_40 : i32
    }
    %scan3A_15 = arith.constant 125 : i32
    %barrier3A_16 = arith.constant 0 : index
    tpu.barrier barrier_id(%barrier3A_16)
    %scan3A_17 = arith.constant 0 : i32
    %scan3A_18 = arith.constant 0 : i32
    %scan3A_19 = arith.constant 4 : i32
    %scan3A_20 = arith.addi %scan3A_18, %scan3A_19 : i32
    %scan3A_21 = arith.constant 1 : i32
    %scan3A_22 = scf.for %scan3A_24 = %scan3A_18 to %scan3A_20 step %scan3A_21 iter_args(%scan3A_25 = %scan3A_17) -> (i32)  : i32 {
      %mul3A_26 = arith.constant 640 : i32
      %mul3A_27 = arith.muli %arg1, %mul3A_26 : i32
      %mul3A_28 = arith.constant 160 : i32
      %mul3A_29 = arith.muli %scan3A_24, %mul3A_28 : i32
      %add3A_30 = arith.addi %mul3A_27, %mul3A_29 : i32
      "tpu.region"() ({
        %run_scoped3A = tpu.sem_alloc : memref<!tpu.dma_semaphore, #tpu.memory_space<semaphore_mem>>
        %dma_start3A = arith.constant 0 : i32
        %dma_start3A_37 = tpu.memref_slice %arg12[%add3A_30, %dma_start3A] : memref<10240x128xf32, #tpu.memory_space<vmem_shared>> -> memref<160x128xf32, #tpu.memory_space<vmem_shared>>
        %dma_start3A_38 = arith.constant 0 : i32
        %dma_start3A_39 = tpu.memref_slice %arg12[%add3A_30, %dma_start3A_38] : memref<10240x128xf32, #tpu.memory_space<vmem_shared>> -> memref<160x128xf32, #tpu.memory_space<vmem_shared>>
        tpu.enqueue_dma source(%dma_start3A_39 : memref<160x128xf32, #tpu.memory_space<vmem_shared>>) target(%arg9 : memref<160x128xf32, #tpu.memory_space<vmem>>) target_semaphore(%run_scoped3A : memref<!tpu.dma_semaphore, #tpu.memory_space<semaphore_mem>>)
        %dma_wait3A = arith.constant 0 : i32
        %dma_wait3A_40 = tpu.memref_slice %arg12[%add3A_30, %dma_wait3A] : memref<10240x128xf32, #tpu.memory_space<vmem_shared>> -> memref<160x128xf32, #tpu.memory_space<vmem_shared>>
        %dma_wait3A_41 = arith.constant 0 : i32
        %dma_wait3A_42 = tpu.memref_slice %arg12[%add3A_30, %dma_wait3A_41] : memref<10240x128xf32, #tpu.memory_space<vmem_shared>> -> memref<160x128xf32, #tpu.memory_space<vmem_shared>>
        tpu.wait_dma2 semaphore(%run_scoped3A : memref<!tpu.dma_semaphore, #tpu.memory_space<semaphore_mem>>) src(%dma_wait3A_42 : memref<160x128xf32, #tpu.memory_space<vmem_shared>>) dst(%arg9 : memref<160x128xf32, #tpu.memory_space<vmem>>)
        tpu.yield
      }) : () -> ()
      %mul3A_31 = arith.constant 640 : i32
      %mul3A_32 = arith.muli %arg1, %mul3A_31 : i32
      %mul3A_33 = arith.constant 160 : i32
      %mul3A_34 = arith.muli %scan3A_24, %mul3A_33 : i32
      %add3A_35 = arith.addi %mul3A_32, %mul3A_34 : i32
      "tpu.region"() ({
        %run_scoped3A = tpu.sem_alloc : memref<!tpu.dma_semaphore, #tpu.memory_space<semaphore_mem>>
        %dma_start3A = arith.constant 0 : i32
        %dma_start3A_37 = tpu.memref_slice %arg7[%arg0, %add3A_35, %dma_start3A] : memref<2x10240x128xf32, #tpu.memory_space<hbm>> -> memref<1x160x128xf32, #tpu.memory_space<hbm>>
        %dma_start3A_38 = tpu.memref_squeeze %dma_start3A_37 : memref<1x160x128xf32, #tpu.memory_space<hbm>> -> memref<160x128xf32, #tpu.memory_space<hbm>>
        %dma_start3A_39 = arith.constant 0 : i32
        %dma_start3A_40 = tpu.memref_slice %arg7[%arg0, %add3A_35, %dma_start3A_39] : memref<2x10240x128xf32, #tpu.memory_space<hbm>> -> memref<1x160x128xf32, #tpu.memory_space<hbm>>
        %dma_start3A_41 = tpu.memref_squeeze %dma_start3A_40 : memref<1x160x128xf32, #tpu.memory_space<hbm>> -> memref<160x128xf32, #tpu.memory_space<hbm>>
        tpu.enqueue_dma source(%arg9 : memref<160x128xf32, #tpu.memory_space<vmem>>) target(%dma_start3A_41 : memref<160x128xf32, #tpu.memory_space<hbm>>) target_semaphore(%run_scoped3A : memref<!tpu.dma_semaphore, #tpu.memory_space<semaphore_mem>>)
        %dma_wait3A = arith.constant 0 : i32
        %dma_wait3A_42 = tpu.memref_slice %arg7[%arg0, %add3A_35, %dma_wait3A] : memref<2x10240x128xf32, #tpu.memory_space<hbm>> -> memref<1x160x128xf32, #tpu.memory_space<hbm>>
        %dma_wait3A_43 = tpu.memref_squeeze %dma_wait3A_42 : memref<1x160x128xf32, #tpu.memory_space<hbm>> -> memref<160x128xf32, #tpu.memory_space<hbm>>
        %dma_wait3A_44 = arith.constant 0 : i32
        %dma_wait3A_45 = tpu.memref_slice %arg7[%arg0, %add3A_35, %dma_wait3A_44] : memref<2x10240x128xf32, #tpu.memory_space<hbm>> -> memref<1x160x128xf32, #tpu.memory_space<hbm>>
        %dma_wait3A_46 = tpu.memref_squeeze %dma_wait3A_45 : memref<1x160x128xf32, #tpu.memory_space<hbm>> -> memref<160x128xf32, #tpu.memory_space<hbm>>
        tpu.wait_dma2 semaphore(%run_scoped3A : memref<!tpu.dma_semaphore, #tpu.memory_space<semaphore_mem>>) src(%arg9 : memref<160x128xf32, #tpu.memory_space<vmem>>) dst(%dma_wait3A_46 : memref<160x128xf32, #tpu.memory_space<hbm>>)
        tpu.yield
      }) : () -> ()
      %scan3A_36 = arith.constant 0 : i32
      scf.yield %scan3A_36 : i32
    }
    %scan3A_23 = arith.constant 4 : i32
    return
  }
}

module attributes {stable_mosaic.version = 14 : i64} {
  func.func @_q_kernel(%arg0: i32, %arg1: memref<3200x128xf32, #tpu.memory_space<vmem>>, %arg2: memref<128x128xf32, #tpu.memory_space<vmem>>, %arg3: memref<3200x128xf32, #tpu.memory_space<vmem>>) attributes {dimension_semantics = [#tpu.dimension_semantics<arbitrary>], iteration_bounds = array<i64: 100>, scalar_prefetch = 0 : i64, scratch_operands = 0 : i64, tpu.core_type = #tpu.core_type<tc>, window_params = [{transform_indices = @transform_0, window_bounds = array<i64: 3200, 128>}, {pipeline_mode = #tpu.pipeline_mode<synchronous>, transform_indices = @transform_1, window_bounds = array<i64: 128, 128>}, {transform_indices = @transform_2, window_bounds = array<i64: 3200, 128>}]} {
    %get3A = arith.constant 0 : index
    %get3A_0 = arith.constant 0 : index
    %get3A_1 = vector.load %arg1[%get3A, %get3A_0] : memref<3200x128xf32, #tpu.memory_space<vmem>>, vector<3200x128xf32>
    %get3A_2 = arith.constant 0 : index
    %get3A_3 = arith.constant 0 : index
    %get3A_4 = vector.load %arg2[%get3A_2, %get3A_3] : memref<128x128xf32, #tpu.memory_space<vmem>>, vector<128x128xf32>
    %dot_general3A = arith.constant dense<0.000000e+00> : vector<3200x128xf32>
    %dot_general3A_5 = tpu.matmul %get3A_1, %get3A_4, %dot_general3A {dimension_numbers = #tpu.dot_dimension_numbers<[1], [1], [0], [0], [0, 0, 1, 0], [], []>, transpose_lhs_hint = false} : vector<3200x128xf32>, vector<128x128xf32>, vector<3200x128xf32> -> vector<3200x128xf32>
    %swap3A = arith.constant 0 : index
    %swap3A_6 = arith.constant 0 : index
    %swap3A_7 = vector.load %arg3[%swap3A, %swap3A_6] : memref<3200x128xf32, #tpu.memory_space<vmem>>, vector<3200x128xf32>
    tpu.vector_store %arg3[%swap3A, %swap3A_6], %dot_general3A_5 {strides = array<i32>} : memref<3200x128xf32, #tpu.memory_space<vmem>>, vector<3200x128xf32>,
    return
  }
  func.func @transform_0(%arg0: i32) -> (i32, i32) {
    %c0_i32 = arith.constant 0 : i32
    %c0_i32_0 = arith.constant 0 : i32
    return %arg0, %c0_i32 : i32, i32
  }
  func.func @transform_1(%arg0: i32) -> (i32, i32) {
    %c0_i32 = arith.constant 0 : i32
    %c0_i32_0 = arith.constant 0 : i32
    %c0_i32_1 = arith.constant 0 : i32
    return %c0_i32, %c0_i32_0 : i32, i32
  }
  func.func @transform_2(%arg0: i32) -> (i32, i32) {
    %c0_i32 = arith.constant 0 : i32
    %c0_i32_0 = arith.constant 0 : i32
    return %arg0, %c0_i32 : i32, i32
  }
}

module attributes {stable_mosaic.version = 14 : i64} {
  func.func @_p_kernel(%arg0: memref<10000x128xf32, #tpu.memory_space<vmem>>, %arg1: memref<128x128xf32, #tpu.memory_space<vmem>>, %arg2: memref<8x10000xf32, #tpu.memory_space<vmem>>, %arg3: memref<10000x128xf32, #tpu.memory_space<vmem>>, %arg4: memref<8x128xf32, #tpu.memory_space<vmem>>) attributes {dimension_semantics = [], scalar_prefetch = 0 : i64, scratch_operands = 0 : i64, tpu.core_type = #tpu.core_type<tc>} {
    %get3A = arith.constant 0 : index
    %get3A_0 = arith.constant 0 : index
    %get3A_1 = vector.load %arg0[%get3A, %get3A_0] : memref<10000x128xf32, #tpu.memory_space<vmem>>, vector<10000x128xf32>
    %get3A_2 = arith.constant 0 : index
    %get3A_3 = arith.constant 0 : index
    %get3A_4 = vector.load %arg1[%get3A_2, %get3A_3] : memref<128x128xf32, #tpu.memory_space<vmem>>, vector<128x128xf32>
    %dot_general3A = arith.constant dense<0.000000e+00> : vector<10000x128xf32>
    %dot_general3A_5 = tpu.matmul %get3A_1, %get3A_4, %dot_general3A {dimension_numbers = #tpu.dot_dimension_numbers<[1], [1], [0], [0], [0, 0, 1, 0], [], []>, transpose_lhs_hint = false} : vector<10000x128xf32>, vector<128x128xf32>, vector<10000x128xf32> -> vector<10000x128xf32>
    %swap3A = arith.constant 0 : index
    %swap3A_6 = arith.constant 0 : index
    %swap3A_7 = vector.load %arg3[%swap3A, %swap3A_6] : memref<10000x128xf32, #tpu.memory_space<vmem>>, vector<10000x128xf32>
    tpu.vector_store %arg3[%swap3A, %swap3A_6], %dot_general3A_5 {strides = array<i32>} : memref<10000x128xf32, #tpu.memory_space<vmem>>, vector<10000x128xf32>,
    %get3A_8 = arith.constant 0 : index
    %get3A_9 = arith.constant 0 : index
    %get3A_10 = vector.load %arg2[%get3A_8, %get3A_9] : memref<8x10000xf32, #tpu.memory_space<vmem>>, vector<8x10000xf32>
    %mul3A = arith.mulf %dot_general3A_5, %dot_general3A_5 : vector<10000x128xf32>
    %dot_general3A_11 = arith.constant dense<0.000000e+00> : vector<8x128xf32>
    %dot_general3A_12 = tpu.matmul %get3A_10, %mul3A, %dot_general3A_11 {dimension_numbers = #tpu.dot_dimension_numbers<[1], [0], [0], [1], [0, 0, 1, 1], [], []>, transpose_lhs_hint = false} : vector<8x10000xf32>, vector<10000x128xf32>, vector<8x128xf32> -> vector<8x128xf32>
    %swap3A_13 = arith.constant 0 : index
    %swap3A_14 = arith.constant 0 : index
    %swap3A_15 = vector.load %arg4[%swap3A_13, %swap3A_14] : memref<8x128xf32, #tpu.memory_space<vmem>>, vector<8x128xf32>
    tpu.vector_store %arg4[%swap3A_13, %swap3A_14], %dot_general3A_12 {strides = array<i32>} : memref<8x128xf32, #tpu.memory_space<vmem>>, vector<8x128xf32>,
    return
  }
}

module attributes {stable_mosaic.version = 14 : i64} {
  func.func @_e1_kernel(%arg0: i32, %arg1: memref<3200x128xf32, #tpu.memory_space<vmem>>, %arg2: memref<3200x128xf32, #tpu.memory_space<vmem>>, %arg3: memref<3200x128xf32, #tpu.memory_space<vmem>>, %arg4: memref<1x8x3200xf32, #tpu.memory_space<vmem>>, %arg5: memref<128x128xf32, #tpu.memory_space<vmem>>, %arg6: memref<1x1xf32, #tpu.memory_space<vmem>>, %arg7: memref<3200x128xf32, #tpu.memory_space<vmem>>, %arg8: memref<8x128xf32, #tpu.memory_space<vmem>>, %arg9: memref<8x128xf32, #tpu.memory_space<vmem>>, %arg10: memref<128x128xf32, #tpu.memory_space<vmem>>, %arg11: memref<8x128xf32, #tpu.memory_space<vmem>>, %arg12: memref<8x128xf32, #tpu.memory_space<vmem>>, %arg13: memref<128x128xf32, #tpu.memory_space<vmem>>) attributes {dimension_semantics = [#tpu.dimension_semantics<arbitrary>], iteration_bounds = array<i64: 100>, scalar_prefetch = 0 : i64, scratch_operands = 3 : i64, tpu.core_type = #tpu.core_type<tc>, window_params = [{transform_indices = @transform_0, window_bounds = array<i64: 3200, 128>}, {transform_indices = @transform_1, window_bounds = array<i64: 3200, 128>}, {transform_indices = @transform_2, window_bounds = array<i64: 3200, 128>}, {transform_indices = @transform_3, window_bounds = array<i64: 1, 8, 3200>}, {pipeline_mode = #tpu.pipeline_mode<synchronous>, transform_indices = @transform_4, window_bounds = array<i64: 128, 128>}, {pipeline_mode = #tpu.pipeline_mode<synchronous>, transform_indices = @transform_5, window_bounds = array<i64: 1, 1>}, {transform_indices = @transform_6, window_bounds = array<i64: 3200, 128>}, {pipeline_mode = #tpu.pipeline_mode<synchronous>, transform_indices = @transform_7, window_bounds = array<i64: 8, 128>}, {pipeline_mode = #tpu.pipeline_mode<synchronous>, transform_indices = @transform_8, window_bounds = array<i64: 8, 128>}, {pipeline_mode = #tpu.pipeline_mode<synchronous>, transform_indices = @transform_9, window_bounds = array<i64: 128, 128>}]} {
    %eq3A = arith.constant 0 : i32
    %eq3A_0 = arith.cmpi eq, %arg0, %eq3A : i32
    %convert_element_type3A = arith.extui %eq3A_0 : i1 to i32
    %cond3A = arith.constant 0 : i32
    %cond3A_1 = arith.cmpi ne, %convert_element_type3A, %cond3A : i32
    scf.if %cond3A_1 {
      %broadcast_in_dim3A_91 = arith.constant 0.000000e+00 : f32
      %broadcast_in_dim3A_92 = vector.broadcast %broadcast_in_dim3A_91 : f32 to vector<8x128xf32>
      %swap3A_93 = arith.constant 0 : index
      %swap3A_94 = arith.constant 0 : index
      %swap3A_95 = vector.load %arg11[%swap3A_93, %swap3A_94] : memref<8x128xf32, #tpu.memory_space<vmem>>, vector<8x128xf32>
      tpu.vector_store %arg11[%swap3A_93, %swap3A_94], %broadcast_in_dim3A_92 {strides = array<i32>} : memref<8x128xf32, #tpu.memory_space<vmem>>, vector<8x128xf32>,
      %broadcast_in_dim3A_96 = arith.constant 0.000000e+00 : f32
      %broadcast_in_dim3A_97 = vector.broadcast %broadcast_in_dim3A_96 : f32 to vector<8x128xf32>
      %swap3A_98 = arith.constant 0 : index
      %swap3A_99 = arith.constant 0 : index
      %swap3A_100 = vector.load %arg12[%swap3A_98, %swap3A_99] : memref<8x128xf32, #tpu.memory_space<vmem>>, vector<8x128xf32>
      tpu.vector_store %arg12[%swap3A_98, %swap3A_99], %broadcast_in_dim3A_97 {strides = array<i32>} : memref<8x128xf32, #tpu.memory_space<vmem>>, vector<8x128xf32>,
      %broadcast_in_dim3A_101 = arith.constant 0.000000e+00 : f32
      %broadcast_in_dim3A_102 = vector.broadcast %broadcast_in_dim3A_101 : f32 to vector<128x128xf32>
      %swap3A_103 = arith.constant 0 : index
      %swap3A_104 = arith.constant 0 : index
      %swap3A_105 = vector.load %arg13[%swap3A_103, %swap3A_104] : memref<128x128xf32, #tpu.memory_space<vmem>>, vector<128x128xf32>
      tpu.vector_store %arg13[%swap3A_103, %swap3A_104], %broadcast_in_dim3A_102 {strides = array<i32>} : memref<128x128xf32, #tpu.memory_space<vmem>>, vector<128x128xf32>,
    } else {
    }
    %get3A = arith.constant 0 : index
    %get3A_2 = arith.constant 0 : index
    %get3A_3 = vector.load %arg1[%get3A, %get3A_2] : memref<3200x128xf32, #tpu.memory_space<vmem>>, vector<3200x128xf32>
    %get3A_4 = arith.constant 0 : index
    %get3A_5 = arith.constant 0 : index
    %get3A_6 = vector.load %arg2[%get3A_4, %get3A_5] : memref<3200x128xf32, #tpu.memory_space<vmem>>, vector<3200x128xf32>
    %get3A_7 = arith.constant 0 : index
    %get3A_8 = arith.constant 0 : index
    %get3A_9 = vector.load %arg3[%get3A_7, %get3A_8] : memref<3200x128xf32, #tpu.memory_space<vmem>>, vector<3200x128xf32>
    %get3A_10 = arith.constant 0 : index
    %get3A_11 = arith.constant 0 : index
    %get3A_12 = arith.constant 0 : index
    %get3A_13 = vector.load %arg4[%get3A_10, %get3A_11, %get3A_12] : memref<1x8x3200xf32, #tpu.memory_space<vmem>>, vector<1x8x3200xf32>
    %get3A_14 = vector.shape_cast %get3A_13 : vector<1x8x3200xf32> to vector<8x3200xf32>
    %get3A_15 = arith.constant 0 : index
    %get3A_16 = arith.constant 0 : index
    %get3A_17 = vector.load %arg6[%get3A_15, %get3A_16] : memref<1x1xf32, #tpu.memory_space<vmem>>, vector<1x1xf32>
    %get3A_18 = vector.extract %get3A_17[0, 0] : f32 from vector<1x1xf32>
    %add3A = arith.constant 1.000000e+00 : f32
    %add3A_19 = arith.addf %add3A, %get3A_18 : f32
    %mul3A = vector.broadcast %add3A_19 : f32 to vector<3200x128xf32>
    %mul3A_20 = arith.mulf %mul3A, %get3A_3 : vector<3200x128xf32>
    %add3A_21 = arith.addf %mul3A_20, %get3A_6 : vector<3200x128xf32>
    %get3A_22 = arith.constant 0 : index
    %get3A_23 = arith.constant 0 : index
    %get3A_24 = vector.load %arg5[%get3A_22, %get3A_23] : memref<128x128xf32, #tpu.memory_space<vmem>>, vector<128x128xf32>
    %dot_general3A = arith.constant dense<0.000000e+00> : vector<3200x128xf32>
    %dot_general3A_25 = tpu.matmul %add3A_21, %get3A_24, %dot_general3A {dimension_numbers = #tpu.dot_dimension_numbers<[1], [1], [0], [0], [0, 0, 1, 0], [], []>, transpose_lhs_hint = false} : vector<3200x128xf32>, vector<128x128xf32>, vector<3200x128xf32> -> vector<3200x128xf32>
    %swap3A = arith.constant 0 : index
    %swap3A_26 = arith.constant 0 : index
    %swap3A_27 = vector.load %arg7[%swap3A, %swap3A_26] : memref<3200x128xf32, #tpu.memory_space<vmem>>, vector<3200x128xf32>
    tpu.vector_store %arg7[%swap3A, %swap3A_26], %dot_general3A_25 {strides = array<i32>} : memref<3200x128xf32, #tpu.memory_space<vmem>>, vector<3200x128xf32>,
    %get3A_28 = arith.constant 0 : index
    %get3A_29 = arith.constant 0 : index
    %get3A_30 = vector.load %arg11[%get3A_28, %get3A_29] : memref<8x128xf32, #tpu.memory_space<vmem>>, vector<1x128xf32>
    %reduce_sum3A = arith.constant dense<0.000000e+00> : vector<128xf32>
    %reduce_sum3A_31 = vector.multi_reduction <add>, %dot_general3A_25, %reduce_sum3A [0] : vector<3200x128xf32> to vector<128xf32>
    %broadcast_in_dim3A = vector.shape_cast %reduce_sum3A_31 : vector<128xf32> to vector<1x128xf32>
    %add3A_32 = arith.addf %get3A_30, %broadcast_in_dim3A : vector<1x128xf32>
    %swap3A_33 = arith.constant 0 : index
    %swap3A_34 = arith.constant 0 : index
    %swap3A_35 = vector.load %arg11[%swap3A_33, %swap3A_34] : memref<8x128xf32, #tpu.memory_space<vmem>>, vector<1x128xf32>
    tpu.vector_store %arg11[%swap3A_33, %swap3A_34], %add3A_32 {strides = array<i32>} : memref<8x128xf32, #tpu.memory_space<vmem>>, vector<1x128xf32>,
    %get3A_36 = arith.constant 1 : index
    %get3A_37 = arith.constant 0 : index
    %get3A_38 = vector.load %arg11[%get3A_36, %get3A_37] : memref<8x128xf32, #tpu.memory_space<vmem>>, vector<1x128xf32>
    %mul3A_39 = arith.mulf %dot_general3A_25, %dot_general3A_25 : vector<3200x128xf32>
    %reduce_sum3A_40 = arith.constant dense<0.000000e+00> : vector<128xf32>
    %reduce_sum3A_41 = vector.multi_reduction <add>, %mul3A_39, %reduce_sum3A_40 [0] : vector<3200x128xf32> to vector<128xf32>
    %broadcast_in_dim3A_42 = vector.shape_cast %reduce_sum3A_41 : vector<128xf32> to vector<1x128xf32>
    %add3A_43 = arith.addf %get3A_38, %broadcast_in_dim3A_42 : vector<1x128xf32>
    %swap3A_44 = arith.constant 1 : index
    %swap3A_45 = arith.constant 0 : index
    %swap3A_46 = vector.load %arg11[%swap3A_44, %swap3A_45] : memref<8x128xf32, #tpu.memory_space<vmem>>, vector<1x128xf32>
    tpu.vector_store %arg11[%swap3A_44, %swap3A_45], %add3A_43 {strides = array<i32>} : memref<8x128xf32, #tpu.memory_space<vmem>>, vector<1x128xf32>,
    %get3A_47 = arith.constant 0 : index
    %get3A_48 = arith.constant 0 : index
    %get3A_49 = vector.load %arg12[%get3A_47, %get3A_48] : memref<8x128xf32, #tpu.memory_space<vmem>>, vector<1x128xf32>
    %reduce_sum3A_50 = arith.constant dense<0.000000e+00> : vector<128xf32>
    %reduce_sum3A_51 = vector.multi_reduction <add>, %get3A_6, %reduce_sum3A_50 [0] : vector<3200x128xf32> to vector<128xf32>
    %broadcast_in_dim3A_52 = vector.shape_cast %reduce_sum3A_51 : vector<128xf32> to vector<1x128xf32>
    %add3A_53 = arith.addf %get3A_49, %broadcast_in_dim3A_52 : vector<1x128xf32>
    %swap3A_54 = arith.constant 0 : index
    %swap3A_55 = arith.constant 0 : index
    %swap3A_56 = vector.load %arg12[%swap3A_54, %swap3A_55] : memref<8x128xf32, #tpu.memory_space<vmem>>, vector<1x128xf32>
    tpu.vector_store %arg12[%swap3A_54, %swap3A_55], %add3A_53 {strides = array<i32>} : memref<8x128xf32, #tpu.memory_space<vmem>>, vector<1x128xf32>,
    %dot_general3A_57 = arith.constant dense<0.000000e+00> : vector<8x128xf32>
    %dot_general3A_58 = tpu.matmul %get3A_14, %get3A_9, %dot_general3A_57 {dimension_numbers = #tpu.dot_dimension_numbers<[1], [0], [0], [1], [0, 0, 1, 1], [], []>, transpose_lhs_hint = false} : vector<8x3200xf32>, vector<3200x128xf32>, vector<8x128xf32> -> vector<8x128xf32>
    %mul3A_59 = arith.mulf %get3A_9, %get3A_9 : vector<3200x128xf32>
    %dot_general3A_60 = arith.constant dense<0.000000e+00> : vector<8x128xf32>
    %dot_general3A_61 = tpu.matmul %get3A_14, %mul3A_59, %dot_general3A_60 {dimension_numbers = #tpu.dot_dimension_numbers<[1], [0], [0], [1], [0, 0, 1, 1], [], []>, transpose_lhs_hint = false} : vector<8x3200xf32>, vector<3200x128xf32>, vector<8x128xf32> -> vector<8x128xf32>
    %get3A_62 = arith.constant 1 : index
    %get3A_63 = arith.constant 0 : index
    %get3A_64 = vector.load %arg12[%get3A_62, %get3A_63] : memref<8x128xf32, #tpu.memory_space<vmem>>, vector<1x128xf32>
    %slice3A = vector.extract_strided_slice %dot_general3A_58 {offsets = [0, 0], sizes = [1, 128], strides = [1, 1]} : vector<8x128xf32> to vector<1x128xf32>
    %add3A_65 = arith.addf %get3A_64, %slice3A : vector<1x128xf32>
    %swap3A_66 = arith.constant 1 : index
    %swap3A_67 = arith.constant 0 : index
    %swap3A_68 = vector.load %arg12[%swap3A_66, %swap3A_67] : memref<8x128xf32, #tpu.memory_space<vmem>>, vector<1x128xf32>
    tpu.vector_store %arg12[%swap3A_66, %swap3A_67], %add3A_65 {strides = array<i32>} : memref<8x128xf32, #tpu.memory_space<vmem>>, vector<1x128xf32>,
    %get3A_69 = arith.constant 2 : index
    %get3A_70 = arith.constant 0 : index
    %get3A_71 = vector.load %arg12[%get3A_69, %get3A_70] : memref<8x128xf32, #tpu.memory_space<vmem>>, vector<1x128xf32>
    %slice3A_72 = vector.extract_strided_slice %dot_general3A_61 {offsets = [0, 0], sizes = [1, 128], strides = [1, 1]} : vector<8x128xf32> to vector<1x128xf32>
    %add3A_73 = arith.addf %get3A_71, %slice3A_72 : vector<1x128xf32>
    %swap3A_74 = arith.constant 2 : index
    %swap3A_75 = arith.constant 0 : index
    %swap3A_76 = vector.load %arg12[%swap3A_74, %swap3A_75] : memref<8x128xf32, #tpu.memory_space<vmem>>, vector<1x128xf32>
    tpu.vector_store %arg12[%swap3A_74, %swap3A_75], %add3A_73 {strides = array<i32>} : memref<8x128xf32, #tpu.memory_space<vmem>>, vector<1x128xf32>,
    %get3A_77 = arith.constant 0 : index
    %get3A_78 = arith.constant 0 : index
    %get3A_79 = vector.load %arg13[%get3A_77, %get3A_78] : memref<128x128xf32, #tpu.memory_space<vmem>>, vector<128x128xf32>
    %dot_general3A_80 = arith.constant dense<0.000000e+00> : vector<128x128xf32>
    %dot_general3A_81 = tpu.matmul %get3A_6, %get3A_9, %dot_general3A_80 {dimension_numbers = #tpu.dot_dimension_numbers<[0], [0], [1], [1], [0, 1, 1, 1], [], []>, transpose_lhs_hint = false} : vector<3200x128xf32>, vector<3200x128xf32>, vector<128x128xf32> -> vector<128x128xf32>
    %add3A_82 = arith.addf %get3A_79, %dot_general3A_81 : vector<128x128xf32>
    %swap3A_83 = arith.constant 0 : index
    %swap3A_84 = arith.constant 0 : index
    %swap3A_85 = vector.load %arg13[%swap3A_83, %swap3A_84] : memref<128x128xf32, #tpu.memory_space<vmem>>, vector<128x128xf32>
    tpu.vector_store %arg13[%swap3A_83, %swap3A_84], %add3A_82 {strides = array<i32>} : memref<128x128xf32, #tpu.memory_space<vmem>>, vector<128x128xf32>,
    %eq3A_86 = arith.constant 99 : i32
    %eq3A_87 = arith.cmpi eq, %arg0, %eq3A_86 : i32
    %convert_element_type3A_88 = arith.extui %eq3A_87 : i1 to i32
    %cond3A_89 = arith.constant 0 : i32
    %cond3A_90 = arith.cmpi ne, %convert_element_type3A_88, %cond3A_89 : i32
    scf.if %cond3A_90 {
      %get3A_91 = arith.constant 0 : index
      %get3A_92 = arith.constant 0 : index
      %get3A_93 = vector.load %arg11[%get3A_91, %get3A_92] : memref<8x128xf32, #tpu.memory_space<vmem>>, vector<8x128xf32>
      %swap3A_94 = arith.constant 0 : index
      %swap3A_95 = arith.constant 0 : index
      %swap3A_96 = vector.load %arg8[%swap3A_94, %swap3A_95] : memref<8x128xf32, #tpu.memory_space<vmem>>, vector<8x128xf32>
      tpu.vector_store %arg8[%swap3A_94, %swap3A_95], %get3A_93 {strides = array<i32>} : memref<8x128xf32, #tpu.memory_space<vmem>>, vector<8x128xf32>,
      %get3A_97 = arith.constant 0 : index
      %get3A_98 = arith.constant 0 : index
      %get3A_99 = vector.load %arg12[%get3A_97, %get3A_98] : memref<8x128xf32, #tpu.memory_space<vmem>>, vector<8x128xf32>
      %swap3A_100 = arith.constant 0 : index
      %swap3A_101 = arith.constant 0 : index
      %swap3A_102 = vector.load %arg9[%swap3A_100, %swap3A_101] : memref<8x128xf32, #tpu.memory_space<vmem>>, vector<8x128xf32>
      tpu.vector_store %arg9[%swap3A_100, %swap3A_101], %get3A_99 {strides = array<i32>} : memref<8x128xf32, #tpu.memory_space<vmem>>, vector<8x128xf32>,
      %get3A_103 = arith.constant 0 : index
      %get3A_104 = arith.constant 0 : index
      %get3A_105 = vector.load %arg13[%get3A_103, %get3A_104] : memref<128x128xf32, #tpu.memory_space<vmem>>, vector<128x128xf32>
      %swap3A_106 = arith.constant 0 : index
      %swap3A_107 = arith.constant 0 : index
      %swap3A_108 = vector.load %arg10[%swap3A_106, %swap3A_107] : memref<128x128xf32, #tpu.memory_space<vmem>>, vector<128x128xf32>
      tpu.vector_store %arg10[%swap3A_106, %swap3A_107], %get3A_105 {strides = array<i32>} : memref<128x128xf32, #tpu.memory_space<vmem>>, vector<128x128xf32>,
    } else {
    }
    return
  }
  func.func @transform_0(%arg0: i32) -> (i32, i32) {
    %c0_i32 = arith.constant 0 : i32
    %c0_i32_0 = arith.constant 0 : i32
    return %arg0, %c0_i32 : i32, i32
  }
  func.func @transform_1(%arg0: i32) -> (i32, i32) {
    %c0_i32 = arith.constant 0 : i32
    %c0_i32_0 = arith.constant 0 : i32
    return %arg0, %c0_i32 : i32, i32
  }
  func.func @transform_2(%arg0: i32) -> (i32, i32) {
    %c0_i32 = arith.constant 0 : i32
    %c0_i32_0 = arith.constant 0 : i32
    return %arg0, %c0_i32 : i32, i32
  }
  func.func @transform_3(%arg0: i32) -> (i32, i32, i32) {
    %c0_i32 = arith.constant 0 : i32
    %c0_i32_0 = arith.constant 0 : i32
    %c0_i32_1 = arith.constant 0 : i32
    return %arg0, %c0_i32, %c0_i32_0 : i32, i32, i32
  }
  func.func @transform_4(%arg0: i32) -> (i32, i32) {
    %c0_i32 = arith.constant 0 : i32
    %c0_i32_0 = arith.constant 0 : i32
    %c0_i32_1 = arith.constant 0 : i32
    return %c0_i32, %c0_i32_0 : i32, i32
  }
  func.func @transform_5(%arg0: i32) -> (i32, i32) {
    %c0_i32 = arith.constant 0 : i32
    %c0_i32_0 = arith.constant 0 : i32
    %c0_i32_1 = arith.constant 0 : i32
    return %c0_i32, %c0_i32_0 : i32, i32
  }
  func.func @transform_6(%arg0: i32) -> (i32, i32) {
    %c0_i32 = arith.constant 0 : i32
    %c0_i32_0 = arith.constant 0 : i32
    return %arg0, %c0_i32 : i32, i32
  }
  func.func @transform_7(%arg0: i32) -> (i32, i32) {
    %c0_i32 = arith.constant 0 : i32
    %c0_i32_0 = arith.constant 0 : i32
    %c0_i32_1 = arith.constant 0 : i32
    return %c0_i32, %c0_i32_0 : i32, i32
  }
  func.func @transform_8(%arg0: i32) -> (i32, i32) {
    %c0_i32 = arith.constant 0 : i32
    %c0_i32_0 = arith.constant 0 : i32
    %c0_i32_1 = arith.constant 0 : i32
    return %c0_i32, %c0_i32_0 : i32, i32
  }
  func.func @transform_9(%arg0: i32) -> (i32, i32) {
    %c0_i32 = arith.constant 0 : i32
    %c0_i32_0 = arith.constant 0 : i32
    %c0_i32_1 = arith.constant 0 : i32
    return %c0_i32, %c0_i32_0 : i32, i32
  }
}

module attributes {stable_mosaic.version = 14 : i64} {
  func.func @_e2_kernel(%arg0: i32, %arg1: memref<3200x128xf32, #tpu.memory_space<vmem>>, %arg2: memref<8x128xf32, #tpu.memory_space<vmem>>, %arg3: memref<128x128xf32, #tpu.memory_space<vmem>>, %arg4: memref<3200x128xf32, #tpu.memory_space<vmem>>, %arg5: memref<8x128xf32, #tpu.memory_space<vmem>>, %arg6: memref<8x128xf32, #tpu.memory_space<vmem>>) attributes {dimension_semantics = [#tpu.dimension_semantics<arbitrary>], iteration_bounds = array<i64: 100>, scalar_prefetch = 0 : i64, scratch_operands = 1 : i64, tpu.core_type = #tpu.core_type<tc>, window_params = [{transform_indices = @transform_0, window_bounds = array<i64: 3200, 128>}, {pipeline_mode = #tpu.pipeline_mode<synchronous>, transform_indices = @transform_1, window_bounds = array<i64: 8, 128>}, {pipeline_mode = #tpu.pipeline_mode<synchronous>, transform_indices = @transform_2, window_bounds = array<i64: 128, 128>}, {transform_indices = @transform_3, window_bounds = array<i64: 3200, 128>}, {pipeline_mode = #tpu.pipeline_mode<synchronous>, transform_indices = @transform_4, window_bounds = array<i64: 8, 128>}]} {
    %eq3A = arith.constant 0 : i32
    %eq3A_0 = arith.cmpi eq, %arg0, %eq3A : i32
    %convert_element_type3A = arith.extui %eq3A_0 : i1 to i32
    %cond3A = arith.constant 0 : i32
    %cond3A_1 = arith.cmpi ne, %convert_element_type3A, %cond3A : i32
    scf.if %cond3A_1 {
      %broadcast_in_dim3A_44 = arith.constant 0.000000e+00 : f32
      %broadcast_in_dim3A_45 = vector.broadcast %broadcast_in_dim3A_44 : f32 to vector<8x128xf32>
      %swap3A_46 = arith.constant 0 : index
      %swap3A_47 = arith.constant 0 : index
      %swap3A_48 = vector.load %arg6[%swap3A_46, %swap3A_47] : memref<8x128xf32, #tpu.memory_space<vmem>>, vector<8x128xf32>
      tpu.vector_store %arg6[%swap3A_46, %swap3A_47], %broadcast_in_dim3A_45 {strides = array<i32>} : memref<8x128xf32, #tpu.memory_space<vmem>>, vector<8x128xf32>,
    } else {
    }
    %get3A = arith.constant 0 : index
    %get3A_2 = arith.constant 0 : index
    %get3A_3 = vector.load %arg1[%get3A, %get3A_2] : memref<3200x128xf32, #tpu.memory_space<vmem>>, vector<3200x128xf32>
    %get3A_4 = arith.constant 0 : index
    %get3A_5 = arith.constant 0 : index
    %get3A_6 = vector.load %arg2[%get3A_4, %get3A_5] : memref<8x128xf32, #tpu.memory_space<vmem>>, vector<1x128xf32>
    %mul3A = vector.broadcast %get3A_6 : vector<1x128xf32> to vector<3200x128xf32>
    %mul3A_7 = arith.mulf %get3A_3, %mul3A : vector<3200x128xf32>
    %get3A_8 = arith.constant 1 : index
    %get3A_9 = arith.constant 0 : index
    %get3A_10 = vector.load %arg2[%get3A_8, %get3A_9] : memref<8x128xf32, #tpu.memory_space<vmem>>, vector<1x128xf32>
    %add3A = vector.broadcast %get3A_10 : vector<1x128xf32> to vector<3200x128xf32>
    %add3A_11 = arith.addf %mul3A_7, %add3A : vector<3200x128xf32>
    %max3A = arith.constant 0.000000e+00 : f32
    %max3A_12 = vector.broadcast %max3A : f32 to vector<3200x128xf32>
    %max3A_13 = arith.maximumf %add3A_11, %max3A_12 : vector<3200x128xf32>
    %get3A_14 = arith.constant 0 : index
    %get3A_15 = arith.constant 0 : index
    %get3A_16 = vector.load %arg3[%get3A_14, %get3A_15] : memref<128x128xf32, #tpu.memory_space<vmem>>, vector<128x128xf32>
    %dot_general3A = arith.constant dense<0.000000e+00> : vector<3200x128xf32>
    %dot_general3A_17 = tpu.matmul %max3A_13, %get3A_16, %dot_general3A {dimension_numbers = #tpu.dot_dimension_numbers<[1], [1], [0], [0], [0, 0, 1, 0], [], []>, transpose_lhs_hint = false} : vector<3200x128xf32>, vector<128x128xf32>, vector<3200x128xf32> -> vector<3200x128xf32>
    %swap3A = arith.constant 0 : index
    %swap3A_18 = arith.constant 0 : index
    %swap3A_19 = vector.load %arg4[%swap3A, %swap3A_18] : memref<3200x128xf32, #tpu.memory_space<vmem>>, vector<3200x128xf32>
    tpu.vector_store %arg4[%swap3A, %swap3A_18], %dot_general3A_17 {strides = array<i32>} : memref<3200x128xf32, #tpu.memory_space<vmem>>, vector<3200x128xf32>,
    %get3A_20 = arith.constant 0 : index
    %get3A_21 = arith.constant 0 : index
    %get3A_22 = vector.load %arg6[%get3A_20, %get3A_21] : memref<8x128xf32, #tpu.memory_space<vmem>>, vector<1x128xf32>
    %reduce_sum3A = arith.constant dense<0.000000e+00> : vector<128xf32>
    %reduce_sum3A_23 = vector.multi_reduction <add>, %dot_general3A_17, %reduce_sum3A [0] : vector<3200x128xf32> to vector<128xf32>
    %broadcast_in_dim3A = vector.shape_cast %reduce_sum3A_23 : vector<128xf32> to vector<1x128xf32>
    %add3A_24 = arith.addf %get3A_22, %broadcast_in_dim3A : vector<1x128xf32>
    %swap3A_25 = arith.constant 0 : index
    %swap3A_26 = arith.constant 0 : index
    %swap3A_27 = vector.load %arg6[%swap3A_25, %swap3A_26] : memref<8x128xf32, #tpu.memory_space<vmem>>, vector<1x128xf32>
    tpu.vector_store %arg6[%swap3A_25, %swap3A_26], %add3A_24 {strides = array<i32>} : memref<8x128xf32, #tpu.memory_space<vmem>>, vector<1x128xf32>,
    %get3A_28 = arith.constant 1 : index
    %get3A_29 = arith.constant 0 : index
    %get3A_30 = vector.load %arg6[%get3A_28, %get3A_29] : memref<8x128xf32, #tpu.memory_space<vmem>>, vector<1x128xf32>
    %mul3A_31 = arith.mulf %dot_general3A_17, %dot_general3A_17 : vector<3200x128xf32>
    %reduce_sum3A_32 = arith.constant dense<0.000000e+00> : vector<128xf32>
    %reduce_sum3A_33 = vector.multi_reduction <add>, %mul3A_31, %reduce_sum3A_32 [0] : vector<3200x128xf32> to vector<128xf32>
    %broadcast_in_dim3A_34 = vector.shape_cast %reduce_sum3A_33 : vector<128xf32> to vector<1x128xf32>
    %add3A_35 = arith.addf %get3A_30, %broadcast_in_dim3A_34 : vector<1x128xf32>
    %swap3A_36 = arith.constant 1 : index
    %swap3A_37 = arith.constant 0 : index
    %swap3A_38 = vector.load %arg6[%swap3A_36, %swap3A_37] : memref<8x128xf32, #tpu.memory_space<vmem>>, vector<1x128xf32>
    tpu.vector_store %arg6[%swap3A_36, %swap3A_37], %add3A_35 {strides = array<i32>} : memref<8x128xf32, #tpu.memory_space<vmem>>, vector<1x128xf32>,
    %eq3A_39 = arith.constant 99 : i32
    %eq3A_40 = arith.cmpi eq, %arg0, %eq3A_39 : i32
    %convert_element_type3A_41 = arith.extui %eq3A_40 : i1 to i32
    %cond3A_42 = arith.constant 0 : i32
    %cond3A_43 = arith.cmpi ne, %convert_element_type3A_41, %cond3A_42 : i32
    scf.if %cond3A_43 {
      %get3A_44 = arith.constant 0 : index
      %get3A_45 = arith.constant 0 : index
      %get3A_46 = vector.load %arg6[%get3A_44, %get3A_45] : memref<8x128xf32, #tpu.memory_space<vmem>>, vector<8x128xf32>
      %swap3A_47 = arith.constant 0 : index
      %swap3A_48 = arith.constant 0 : index
      %swap3A_49 = vector.load %arg5[%swap3A_47, %swap3A_48] : memref<8x128xf32, #tpu.memory_space<vmem>>, vector<8x128xf32>
      tpu.vector_store %arg5[%swap3A_47, %swap3A_48], %get3A_46 {strides = array<i32>} : memref<8x128xf32, #tpu.memory_space<vmem>>, vector<8x128xf32>,
    } else {
    }
    return
  }
  func.func @transform_0(%arg0: i32) -> (i32, i32) {
    %c0_i32 = arith.constant 0 : i32
    %c0_i32_0 = arith.constant 0 : i32
    return %arg0, %c0_i32 : i32, i32
  }
  func.func @transform_1(%arg0: i32) -> (i32, i32) {
    %c0_i32 = arith.constant 0 : i32
    %c0_i32_0 = arith.constant 0 : i32
    %c0_i32_1 = arith.constant 0 : i32
    return %c0_i32, %c0_i32_0 : i32, i32
  }
  func.func @transform_2(%arg0: i32) -> (i32, i32) {
    %c0_i32 = arith.constant 0 : i32
    %c0_i32_0 = arith.constant 0 : i32
    %c0_i32_1 = arith.constant 0 : i32
    return %c0_i32, %c0_i32_0 : i32, i32
  }
  func.func @transform_3(%arg0: i32) -> (i32, i32) {
    %c0_i32 = arith.constant 0 : i32
    %c0_i32_0 = arith.constant 0 : i32
    return %arg0, %c0_i32 : i32, i32
  }
  func.func @transform_4(%arg0: i32) -> (i32, i32) {
    %c0_i32 = arith.constant 0 : i32
    %c0_i32_0 = arith.constant 0 : i32
    %c0_i32_1 = arith.constant 0 : i32
    return %c0_i32, %c0_i32_0 : i32, i32
  }
}

module attributes {stable_mosaic.version = 14 : i64} {
  func.func @_e3_kernel(%arg0: i32, %arg1: memref<3200x128xf32, #tpu.memory_space<vmem>>, %arg2: memref<8x128xf32, #tpu.memory_space<vmem>>, %arg3: memref<3200x128xf32, #tpu.memory_space<vmem>>) attributes {dimension_semantics = [#tpu.dimension_semantics<arbitrary>], iteration_bounds = array<i64: 100>, scalar_prefetch = 0 : i64, scratch_operands = 0 : i64, tpu.core_type = #tpu.core_type<tc>, window_params = [{transform_indices = @transform_0, window_bounds = array<i64: 3200, 128>}, {pipeline_mode = #tpu.pipeline_mode<synchronous>, transform_indices = @transform_1, window_bounds = array<i64: 8, 128>}, {transform_indices = @transform_2, window_bounds = array<i64: 3200, 128>}]} {
    %get3A = arith.constant 0 : index
    %get3A_0 = arith.constant 0 : index
    %get3A_1 = vector.load %arg1[%get3A, %get3A_0] : memref<3200x128xf32, #tpu.memory_space<vmem>>, vector<3200x128xf32>
    %get3A_2 = arith.constant 0 : index
    %get3A_3 = arith.constant 0 : index
    %get3A_4 = vector.load %arg2[%get3A_2, %get3A_3] : memref<8x128xf32, #tpu.memory_space<vmem>>, vector<1x128xf32>
    %mul3A = vector.broadcast %get3A_4 : vector<1x128xf32> to vector<3200x128xf32>
    %mul3A_5 = arith.mulf %get3A_1, %mul3A : vector<3200x128xf32>
    %get3A_6 = arith.constant 1 : index
    %get3A_7 = arith.constant 0 : index
    %get3A_8 = vector.load %arg2[%get3A_6, %get3A_7] : memref<8x128xf32, #tpu.memory_space<vmem>>, vector<1x128xf32>
    %add3A = vector.broadcast %get3A_8 : vector<1x128xf32> to vector<3200x128xf32>
    %add3A_9 = arith.addf %mul3A_5, %add3A : vector<3200x128xf32>
    %max3A = arith.constant 0.000000e+00 : f32
    %max3A_10 = vector.broadcast %max3A : f32 to vector<3200x128xf32>
    %max3A_11 = arith.maximumf %add3A_9, %max3A_10 : vector<3200x128xf32>
    %swap3A = arith.constant 0 : index
    %swap3A_12 = arith.constant 0 : index
    %swap3A_13 = vector.load %arg3[%swap3A, %swap3A_12] : memref<3200x128xf32, #tpu.memory_space<vmem>>, vector<3200x128xf32>
    tpu.vector_store %arg3[%swap3A, %swap3A_12], %max3A_11 {strides = array<i32>} : memref<3200x128xf32, #tpu.memory_space<vmem>>, vector<3200x128xf32>,
    return
  }
  func.func @transform_0(%arg0: i32) -> (i32, i32) {
    %c0_i32 = arith.constant 0 : i32
    %c0_i32_0 = arith.constant 0 : i32
    return %arg0, %c0_i32 : i32, i32
  }
  func.func @transform_1(%arg0: i32) -> (i32, i32) {
    %c0_i32 = arith.constant 0 : i32
    %c0_i32_0 = arith.constant 0 : i32
    %c0_i32_1 = arith.constant 0 : i32
    return %c0_i32, %c0_i32_0 : i32, i32
  }
  func.func @transform_2(%arg0: i32) -> (i32, i32) {
    %c0_i32 = arith.constant 0 : i32
    %c0_i32_0 = arith.constant 0 : i32
    return %arg0, %c0_i32 : i32, i32
  }
}

module attributes {stable_mosaic.version = 14 : i64} {
  func.func @_node_kernel(%arg0: memref<10000x128xf32, #tpu.memory_space<vmem>>, %arg1: memref<10000x128xf32, #tpu.memory_space<vmem>>, %arg2: memref<128x128xf32, #tpu.memory_space<vmem>>, %arg3: memref<8x128xf32, #tpu.memory_space<vmem>>, %arg4: memref<128x128xf32, #tpu.memory_space<vmem>>, %arg5: memref<8x128xf32, #tpu.memory_space<vmem>>, %arg6: memref<1x1xf32, #tpu.memory_space<vmem>>, %arg7: memref<10000x128xf32, #tpu.memory_space<vmem>>) attributes {dimension_semantics = [], scalar_prefetch = 0 : i64, scratch_operands = 0 : i64, tpu.core_type = #tpu.core_type<tc>} {
    %get3A = arith.constant 0 : index
    %get3A_0 = arith.constant 0 : index
    %get3A_1 = vector.load %arg6[%get3A, %get3A_0] : memref<1x1xf32, #tpu.memory_space<vmem>>, vector<1x1xf32>
    %get3A_2 = vector.extract %get3A_1[0, 0] : f32 from vector<1x1xf32>
    %add3A = arith.constant 1.000000e+00 : f32
    %add3A_3 = arith.addf %add3A, %get3A_2 : f32
    %get3A_4 = arith.constant 0 : index
    %get3A_5 = arith.constant 0 : index
    %get3A_6 = vector.load %arg0[%get3A_4, %get3A_5] : memref<10000x128xf32, #tpu.memory_space<vmem>>, vector<10000x128xf32>
    %mul3A = vector.broadcast %add3A_3 : f32 to vector<10000x128xf32>
    %mul3A_7 = arith.mulf %mul3A, %get3A_6 : vector<10000x128xf32>
    %get3A_8 = arith.constant 0 : index
    %get3A_9 = arith.constant 0 : index
    %get3A_10 = vector.load %arg1[%get3A_8, %get3A_9] : memref<10000x128xf32, #tpu.memory_space<vmem>>, vector<10000x128xf32>
    %add3A_11 = arith.addf %mul3A_7, %get3A_10 : vector<10000x128xf32>
    %get3A_12 = arith.constant 0 : index
    %get3A_13 = arith.constant 0 : index
    %get3A_14 = vector.load %arg2[%get3A_12, %get3A_13] : memref<128x128xf32, #tpu.memory_space<vmem>>, vector<128x128xf32>
    %dot_general3A = arith.constant dense<0.000000e+00> : vector<10000x128xf32>
    %dot_general3A_15 = tpu.matmul %add3A_11, %get3A_14, %dot_general3A {dimension_numbers = #tpu.dot_dimension_numbers<[1], [1], [0], [0], [0, 0, 1, 0], [], []>, transpose_lhs_hint = false} : vector<10000x128xf32>, vector<128x128xf32>, vector<10000x128xf32> -> vector<10000x128xf32>
    %reduce_sum3A = arith.constant dense<0.000000e+00> : vector<128xf32>
    %reduce_sum3A_16 = vector.multi_reduction <add>, %dot_general3A_15, %reduce_sum3A [0] : vector<10000x128xf32> to vector<128xf32>
    %broadcast_in_dim3A = vector.shape_cast %reduce_sum3A_16 : vector<128xf32> to vector<1x128xf32>
    %div3A = arith.constant 1.000000e+04 : f32
    %div3A_17 = vector.broadcast %div3A : f32 to vector<1x128xf32>
    %div3A_18 = arith.divf %broadcast_in_dim3A, %div3A_17 : vector<1x128xf32>
    %mul3A_19 = arith.mulf %dot_general3A_15, %dot_general3A_15 : vector<10000x128xf32>
    %reduce_sum3A_20 = arith.constant dense<0.000000e+00> : vector<128xf32>
    %reduce_sum3A_21 = vector.multi_reduction <add>, %mul3A_19, %reduce_sum3A_20 [0] : vector<10000x128xf32> to vector<128xf32>
    %broadcast_in_dim3A_22 = vector.shape_cast %reduce_sum3A_21 : vector<128xf32> to vector<1x128xf32>
    %div3A_23 = arith.constant 1.000000e+04 : f32
    %div3A_24 = vector.broadcast %div3A_23 : f32 to vector<1x128xf32>
    %div3A_25 = arith.divf %broadcast_in_dim3A_22, %div3A_24 : vector<1x128xf32>
    %mul3A_26 = arith.mulf %div3A_18, %div3A_18 : vector<1x128xf32>
    %sub3A = arith.subf %div3A_25, %mul3A_26 : vector<1x128xf32>
    %get3A_27 = arith.constant 0 : index
    %get3A_28 = arith.constant 0 : index
    %get3A_29 = vector.load %arg3[%get3A_27, %get3A_28] : memref<8x128xf32, #tpu.memory_space<vmem>>, vector<1x128xf32>
    %add3A_30 = arith.constant 9.99999974E-6 : f32
    %add3A_31 = vector.broadcast %add3A_30 : f32 to vector<1x128xf32>
    %add3A_32 = arith.addf %sub3A, %add3A_31 : vector<1x128xf32>
    %rsqrt3A = math.rsqrt %add3A_32 : vector<1x128xf32>
    %mul3A_33 = arith.mulf %get3A_29, %rsqrt3A : vector<1x128xf32>
    %sub3A_34 = vector.broadcast %div3A_18 : vector<1x128xf32> to vector<10000x128xf32>
    %sub3A_35 = arith.subf %dot_general3A_15, %sub3A_34 : vector<10000x128xf32>
    %mul3A_36 = vector.broadcast %mul3A_33 : vector<1x128xf32> to vector<10000x128xf32>
    %mul3A_37 = arith.mulf %mul3A_36, %sub3A_35 : vector<10000x128xf32>
    %get3A_38 = arith.constant 1 : index
    %get3A_39 = arith.constant 0 : index
    %get3A_40 = vector.load %arg3[%get3A_38, %get3A_39] : memref<8x128xf32, #tpu.memory_space<vmem>>, vector<1x128xf32>
    %add3A_41 = vector.broadcast %get3A_40 : vector<1x128xf32> to vector<10000x128xf32>
    %add3A_42 = arith.addf %mul3A_37, %add3A_41 : vector<10000x128xf32>
    %max3A = arith.constant 0.000000e+00 : f32
    %max3A_43 = vector.broadcast %max3A : f32 to vector<10000x128xf32>
    %max3A_44 = arith.maximumf %add3A_42, %max3A_43 : vector<10000x128xf32>
    %get3A_45 = arith.constant 0 : index
    %get3A_46 = arith.constant 0 : index
    %get3A_47 = vector.load %arg4[%get3A_45, %get3A_46] : memref<128x128xf32, #tpu.memory_space<vmem>>, vector<128x128xf32>
    %dot_general3A_48 = arith.constant dense<0.000000e+00> : vector<10000x128xf32>
    %dot_general3A_49 = tpu.matmul %max3A_44, %get3A_47, %dot_general3A_48 {dimension_numbers = #tpu.dot_dimension_numbers<[1], [1], [0], [0], [0, 0, 1, 0], [], []>, transpose_lhs_hint = false} : vector<10000x128xf32>, vector<128x128xf32>, vector<10000x128xf32> -> vector<10000x128xf32>
    %reduce_sum3A_50 = arith.constant dense<0.000000e+00> : vector<128xf32>
    %reduce_sum3A_51 = vector.multi_reduction <add>, %dot_general3A_49, %reduce_sum3A_50 [0] : vector<10000x128xf32> to vector<128xf32>
    %broadcast_in_dim3A_52 = vector.shape_cast %reduce_sum3A_51 : vector<128xf32> to vector<1x128xf32>
    %div3A_53 = arith.constant 1.000000e+04 : f32
    %div3A_54 = vector.broadcast %div3A_53 : f32 to vector<1x128xf32>
    %div3A_55 = arith.divf %broadcast_in_dim3A_52, %div3A_54 : vector<1x128xf32>
    %mul3A_56 = arith.mulf %dot_general3A_49, %dot_general3A_49 : vector<10000x128xf32>
    %reduce_sum3A_57 = arith.constant dense<0.000000e+00> : vector<128xf32>
    %reduce_sum3A_58 = vector.multi_reduction <add>, %mul3A_56, %reduce_sum3A_57 [0] : vector<10000x128xf32> to vector<128xf32>
    %broadcast_in_dim3A_59 = vector.shape_cast %reduce_sum3A_58 : vector<128xf32> to vector<1x128xf32>
    %div3A_60 = arith.constant 1.000000e+04 : f32
    %div3A_61 = vector.broadcast %div3A_60 : f32 to vector<1x128xf32>
    %div3A_62 = arith.divf %broadcast_in_dim3A_59, %div3A_61 : vector<1x128xf32>
    %mul3A_63 = arith.mulf %div3A_55, %div3A_55 : vector<1x128xf32>
    %sub3A_64 = arith.subf %div3A_62, %mul3A_63 : vector<1x128xf32>
    %get3A_65 = arith.constant 0 : index
    %get3A_66 = arith.constant 0 : index
    %get3A_67 = vector.load %arg5[%get3A_65, %get3A_66] : memref<8x128xf32, #tpu.memory_space<vmem>>, vector<1x128xf32>
    %add3A_68 = arith.constant 9.99999974E-6 : f32
    %add3A_69 = vector.broadcast %add3A_68 : f32 to vector<1x128xf32>
    %add3A_70 = arith.addf %sub3A_64, %add3A_69 : vector<1x128xf32>
    %rsqrt3A_71 = math.rsqrt %add3A_70 : vector<1x128xf32>
    %mul3A_72 = arith.mulf %get3A_67, %rsqrt3A_71 : vector<1x128xf32>
    %sub3A_73 = vector.broadcast %div3A_55 : vector<1x128xf32> to vector<10000x128xf32>
    %sub3A_74 = arith.subf %dot_general3A_49, %sub3A_73 : vector<10000x128xf32>
    %mul3A_75 = vector.broadcast %mul3A_72 : vector<1x128xf32> to vector<10000x128xf32>
    %mul3A_76 = arith.mulf %mul3A_75, %sub3A_74 : vector<10000x128xf32>
    %get3A_77 = arith.constant 1 : index
    %get3A_78 = arith.constant 0 : index
    %get3A_79 = vector.load %arg5[%get3A_77, %get3A_78] : memref<8x128xf32, #tpu.memory_space<vmem>>, vector<1x128xf32>
    %add3A_80 = vector.broadcast %get3A_79 : vector<1x128xf32> to vector<10000x128xf32>
    %add3A_81 = arith.addf %mul3A_76, %add3A_80 : vector<10000x128xf32>
    %max3A_82 = arith.constant 0.000000e+00 : f32
    %max3A_83 = vector.broadcast %max3A_82 : f32 to vector<10000x128xf32>
    %max3A_84 = arith.maximumf %add3A_81, %max3A_83 : vector<10000x128xf32>
    %swap3A = arith.constant 0 : index
    %swap3A_85 = arith.constant 0 : index
    %swap3A_86 = vector.load %arg7[%swap3A, %swap3A_85] : memref<10000x128xf32, #tpu.memory_space<vmem>>, vector<10000x128xf32>
    tpu.vector_store %arg7[%swap3A, %swap3A_85], %max3A_84 {strides = array<i32>} : memref<10000x128xf32, #tpu.memory_space<vmem>>, vector<10000x128xf32>,
    return
  }
}

</mosaic_0001>

<sc_bundles>
// kernel: gather_offload_async_start
scs
__scs_entry_jumppad:
0x0: {  	(pc) =	sbr.rel $0x88, $3  }
0x1: {  	(tag) =	ssettag $0x0;
	lr =	simm.s32 $0x1  }
0x2: {  	[smem:$0x3F8D] =	sst lr;
	_ =	strace $0xD0000000  }
0x3: {  	_ = 	snop  }
0x4: {  	_ = 	snop  }
0x5: {  	_ = 	snop  }
0x6: {  	_ = 	snop  }
0x7: {  	_ = 	snop  }
__scs_overlays_trampoline_lowered:
0x8: {  	[smem:$0x3F9C] =	sst s0  }
0x9: {  	[smem:$0x3F9D] =	sst s1  }
0xa: {  	[smem:$0x3F9E] =	sst s2  }
0xb: {  	[smem:$0x3F9F] =	sst s3  }
0xc: {  	[smem:$0x3FA0] =	sst s4  }
0xd: {  	[smem:$0x3FA1] =	sst s5  }
0xe: {  	[smem:$0x3FA2] =	sst s6  }
0xf: {  	[smem:$0x3FA3] =	sst s7  }
0x10: {  	[smem:$0x3FA4] =	sst s8  }
0x11: {  	[smem:$0x3FA5] =	sst s9;
	s0 =	simm.s32 @!p0 $0x0  }
0x12: {  	s1 =	sld [smem:$0x3F8B];
	s0 =	simm.s32 @p0 $0x1  }
0x13: {  	[smem:$0x3FA6] =	sst s0;
	s0 =	simm.s32 @!p1 $0x0  }
0x14: {  	s2 =	sld [smem:$0x3F8A];
	s0 =	simm.s32 @p1 $0x1  }
0x15: {  	[smem:$0x3FA7] =	sst s0;
	s0 =	simm.s32 @!p2 $0x0  }
0x16: {  	s3 =	sld [smem:$0x3FDB];
	s0 =	simm.s32 @p2 $0x1  }
0x17: {  	s4 =	simm.s32 $0x1BF5;
	[smem:$0x3FA9] =	sst s0  }
0x18: {  	s0 =	sld [smem:$0x3F8C];
	_ =	swait.ge [sflag:s4], $0x0  }
0x19: {  	s7 =	sld [smem:$0x3F8D]  }
0x1a: {  	s8 =	sadd.s32 $0xFFFFE003, lr  }
0x1b: {  	s9 =	sadd.s32 $0xFFFFFEF7, lr;
	s5 =	simm.s32 $0xFFFFFFFF;
	p2 =	slt.u32 s8, $0xFFFFF086  }
0x1c: {  	p1 =	slt.u32 s9, $0xF7A;
	s5 =	simm.s32 @!p2 $0x0  }
0x1d: {  	s5 =	simm.s32 @p1 $0x1;
	p0 =	seq.s32 s7, s2  }
0x1e: {  	s7 =	smul.u32 @!p0 $0xF7A, s2;
	p2 =	seq.s32 @!p0 s5, $0x0  }
0x1f: {  	s9 =	smul.u32 $0xF7A, s1;
	s8 =	simm.s32 @!p0 $0x1BF5;
	p2 =	por !p2, p0  }
0x20: {  	[sflag:s8] =	ssyncset.s32 @!p0 $0xFFFFF086;
	s6 =	sadd.s32 @!p0 s3, s7;
	s7 =	simm.s32 @!p0 $0x108  }
0x21: {  	s3 =	sadd.s32 s3, s9;
	s6 =	sadd.s32 @!p0 $0x88, s6;
	s7 =	simm.s32 @p2 $0x1082  }
0x22: {  	[simem:s7], [sflag:s8] =	dma.local @!p0 [hbm:s6], $0xF7A  }
0x23: {  	s9 =	sor.u32 $0xD0000000, s2;
	s6 =	simm.s32 $0x108;
	_ =	swait.ge @!p0 [sflag:s8], $0x0  }
0x24: {  	s3 =	sadd.s32 $0x88, s3;
	s6 =	simm.s32 @!p1 $0x1082;
	[sflag:s4] =	ssyncset.s32 $0xFFFFF086  }
0x25: {  	[simem:s6], [sflag:s4] =	dma.local [hbm:s3], $0xF7A  }
0x26: {  	[smem:$0x3F8D] =	sst s1;
	(tag) =	ssettag s2;
	_ =	strace s9  }
0x27: {  	s1 =	sld [smem:$0x3F9D]  }
0x28: {  	s2 =	sld [smem:$0x3F9E]  }
0x29: {  	s4 =	sld [smem:$0x3FA0]  }
0x2a: {  	p0 =	seq.s32 s5, $0x0;
	s5 =	sld [smem:$0x3FA1]  }
0x2b: {  	s6 =	sld [smem:$0x3FA2]  }
0x2c: {  	s7 =	sld [smem:$0x3FA3]  }
0x2d: {  	s3 =	simm.s32 $0x108;
	s8 =	sld [smem:$0x3FA4]  }
0x2e: {  	s3 =	simm.s32 @!p0 $0x1082;
	s9 =	sld [smem:$0x3FA5]  }
0x2f: {  	lr =	sadd.s32 s0, s3;
	s0 =	sld [smem:$0x3F9C]  }
0x30: {  	s3 =	sld [smem:$0x3F9F]  }
0x31: {  	[smem:$0x3FA8] =	sst s10  }
0x32: {  	s10 =	sld [smem:$0x3FA6];
	_ =	sdelay $0x3  }
0x33: {  	p0 =	seq.s32 s10, $0x1;
	s10 =	sld [smem:$0x3FA8];
	_ =	sdelay $0x3  }
0x34: {  	[smem:$0x3FA8] =	sst s10  }
0x35: {  	s10 =	sld [smem:$0x3FA7];
	_ =	sdelay $0x3  }
0x36: {  	p1 =	seq.s32 s10, $0x1;
	s10 =	sld [smem:$0x3FA8];
	_ =	sdelay $0x3  }
0x37: {  	[smem:$0x3FA8] =	sst s10  }
0x38: {  	s10 =	sld [smem:$0x3FA9]  }
0x39: {  	_ = 	snop;
	(pc) =	sbr.ind lr, $3  }
0x3a: {  	_ = 	snop  }
0x3b: {  	_ = 	snop  }
0x3c: {  	p2 =	seq.s32 s10, $0x1;
	s10 =	sld [smem:$0x3FA8]  }
0x3d: {  	_ =	shalt  }
0x3e: {  	_ =	shalt  }
0x3f: {  	_ =	shalt  }
0x40: {  	_ =	shalt  }
0x41: {  	_ =	shalt  }
0x42: {  	_ =	shalt  }
0x43: {  	_ =	shalt  }
0x44: {  	_ =	shalt  }
0x45: {  	_ =	shalt  }
0x46: {  	_ =	shalt  }
0x47: {  	_ =	shalt  }
0x48: {  	_ =	shalt  }
0x49: {  	_ =	shalt  }
0x4a: {  	_ =	shalt  }
0x4b: {  	_ =	shalt  }
0x4c: {  	_ =	shalt  }
0x4d: {  	_ =	shalt  }
0x4e: {  	_ =	shalt  }
0x4f: {  	_ =	shalt  }
0x50: {  	_ =	shalt  }
0x51: {  	_ =	shalt  }
0x52: {  	_ =	shalt  }
0x53: {  	_ =	shalt  }
0x54: {  	_ =	shalt  }
0x55: {  	_ =	shalt  }
0x56: {  	_ =	shalt  }
0x57: {  	_ =	shalt  }
0x58: {  	_ =	shalt  }
0x59: {  	_ =	shalt  }
0x5a: {  	_ =	shalt  }
0x5b: {  	_ =	shalt  }
0x5c: {  	_ =	shalt  }
0x5d: {  	_ =	shalt  }
0x5e: {  	_ =	shalt  }
0x5f: {  	_ =	shalt  }
0x60: {  	_ =	shalt  }
0x61: {  	_ =	shalt  }
0x62: {  	_ =	shalt  }
0x63: {  	_ =	shalt  }
0x64: {  	_ =	shalt  }
0x65: {  	_ =	shalt  }
0x66: {  	_ =	shalt  }
0x67: {  	_ =	shalt  }
0x68: {  	_ =	shalt  }
0x69: {  	_ =	shalt  }
0x6a: {  	_ =	shalt  }
0x6b: {  	_ =	shalt  }
0x6c: {  	_ =	shalt  }
0x6d: {  	_ =	shalt  }
0x6e: {  	_ =	shalt  }
0x6f: {  	_ =	shalt  }
0x70: {  	_ =	shalt  }
0x71: {  	_ =	shalt  }
0x72: {  	_ =	shalt  }
0x73: {  	_ =	shalt  }
0x74: {  	_ =	shalt  }
0x75: {  	_ =	shalt  }
0x76: {  	_ =	shalt  }
0x77: {  	_ =	shalt  }
0x78: {  	_ =	shalt  }
0x79: {  	_ =	shalt  }
0x7a: {  	_ =	shalt  }
0x7b: {  	_ =	shalt  }
0x7c: {  	_ =	shalt  }
0x7d: {  	_ =	shalt  }
0x7e: {  	_ =	shalt  }
0x7f: {  	_ =	shalt  }
0x80: {  	_ =	shalt  }
0x81: {  	_ =	shalt  }
0x82: {  	_ =	shalt  }
0x83: {  	_ =	shalt  }
0x84: {  	_ =	shalt  }
0x85: {  	_ =	shalt  }
0x86: {  	_ =	shalt  }
0x87: {  	_ =	shalt  }
.Lfunc_end0:
.L_simem_size_0:
called_computation.2_lowered:
.L_overlay_start_0:
0x88: {  	s2 =	sld [smem:$0x3FD9]  }
0x89: {  	s3 =	sld [smem:$0x3FFE];
	_ =	sdelay $0x1  }
0x8a: {  	s1 =	srdreg.scid  }
0x8b: {  	s0 =	sand.u32 $0x1, s1  }
0x8c: {  	s15 =	sshll.u32 s0, $0xA;
	s2 =	sadd.s32 s3, s2  }
0x8d: {  	s2 =	sadd.s32 s2, s15  }
0x8e: {  	[smem:$0x3FB4] =	sst s2  }
0x8f: {  	_ = 	snop  }
0x90: {  	s2 =	sld [smem:$0x3FD0];
	_ =	sdelay $0x2  }
0x91: {  	s16 =	simm.s32 $0xD;
	s4 =	simm.s32 $0x10  }
0x92: {  	[smem:s4], [sflag:s16] =	dma.local [hbm:s2], $0x1  }
0x93: {  	_ =	swait.eq [sflag:s16], $0x1  }
0x94: {  	[sflag:s16] =	ssyncset.done $0x0  }
0x95: {  	[sflag:s16] =	ssyncadd.s32 $0xFFFFFFFF  }
0x96: {  	s17 =	sld [smem:$0x11];
	(tm) =	ssettm $0x1  }
0x97: {  	s18 =	sld [smem:$0x3FFB];
	_ =	sdelay $0x3  }
0x98: {  	_ =	strace s18  }
0x99: {  	s2 =	sld [smem:$0x3FFC];
	_ =	sdelay $0x3  }
0x9a: {  	_ =	strace s2  }
0x9b: {  	s2 =	sld [smem:$0x3FFD];
	_ =	sdelay $0x3  }
0x9c: {  	_ =	strace s2  }
0x9d: {  	_ =	strace $0x8FFFFFFF  }
0x9e: {  	s19 =	sld [smem:$0x3FDB];
	_ =	sdelay $0x1  }
0x9f: {  	s20 =	simm.s32 $_scs_section_size  }
0xa0: {  	s5 =	simm.s32 $_size__tile_overlayer_lowered;
	s6 =	simm.s32 $_tile_overlayer_lowered  }
0xa1: {  	s7 =	simm.s32 $0x1BFF;
	s21 =	sshll.u32 s6, $0x1;
	s4 =	sadd.s32 s20, s19  }
0xa2: {  	s22 =	simm.s32 $0x0;
	s5 =	sshll.u32 s5, $0x1;
	s6 =	sadd.s32 s21, s4  }
0xa3: {  	[timem:s22], [sflag:s7] =	dma.local [hbm:s6], s5  }
0xa4: {  	_ =	swait.ge [sflag:s7], s5  }
0xa5: {  	s5 =	ssub.s32 $0x0, s5;
	[sflag:s7] =	ssyncset.done $0x0  }
0xa6: {  	[sflag:s7] =	ssyncadd.s32 s5;
	_ =	sdelay $0x1  }
0xa7: {  	s23 =	simm.s32 $0x1B8B  }
0xa8: {  	_ =	swait.ge [sflag:s23], $0x1  }
0xa9: {  	[sflag:s23] =	ssyncset.done $0x0  }
0xaa: {  	[sflag:s23] =	ssyncadd.s32 $0xFFFFFFFF  }
0xab: {  	s5 =	sld [smem:$0x0]  }
0xac: {  	s6 =	sand.u32 $0xFFFFFFFE, s1  }
0xad: {  	p0 =	sne.s32 s1, s6  }
0xae: {  	s6 =	sshll.u32 @p0 s6, $0xE  }
0xaf: {  	s6 =	sadd.s32 @p0 $0x11B8D, s6;
	s7 =	sshll.u32 @p0 s5, $0x11  }
0xb0: {  	s6 =	sor.u32 @p0 s7, s6  }
0xb1: {  	[sflag:s6] =	ssyncadd.remote.s32 @p0 $0x1;
	_ =	sdelay $0x1  }
0xb2: {  	s6 =	simm.s32 @p0 $0x1B8D  }
0xb3: {  	_ =	swait.eq @p0 [sflag:s6], $0x1  }
0xb4: {  	[sflag:s6] =	ssyncadd.s32 @p0 $0xFFFFFFFF  }
0xb5: {  	s7 =	sshll.u32 @!p0 s1, $0xE  }
0xb6: {  	s7 =	sor.u32 @!p0 $0x4000, s7;
	s6 =	simm.s32 @!p0 $0x1B8D  }
0xb7: {  	s5 =	sshll.u32 @!p0 s5, $0x11;
	s7 =	sadd.s32 @!p0 $0x11B8D, s7;
	_ =	swait.eq @!p0 [sflag:s6], $0x1  }
0xb8: {  	s5 =	sor.u32 @!p0 s5, s7;
	[sflag:s6] =	ssyncadd.s32 @!p0 $0xFFFFFFFF  }
0xb9: {  	s25 =	simm.s32 $0x1B8E;
	s24 =	sld [smem:$0x3FFE];
	[sflag:s5] =	ssyncadd.remote.s32 @!p0 $0x1  }
0xba: {  	s26 =	simm.s32 $execute0_lowered;
	[smem:$0x3FD2] =	sst s25  }
0xbb: {  	s6 =	sshll.u32 s26, $0x1;
	_ =	strace $0x8000004F;
	[dreg:$0x1] =	wrdreg $0xFFFFFFFF  }
0xbc: {  	s28 =	simm.s32 $_size_execute0_lowered;
	s4 =	sadd.s32 s4, s6;
	[dreg:$0x0] =	wrdreg $0x0  }
0xbd: {  	s6 =	sshll.u32 s28, $0x1;
	[dreg:$0x2] =	wrdreg s4  }
0xbe: {  	[dreg:$0x3] =	wrdreg s6  }
0xbf: {  	[dreg:$0x4] =	wrdreg $0xC0  }
0xc0: {  	_ =	task [dreg:s22], $0x5FFFF  }
0xc1: {  	[dreg:$0x1] =	wrdreg $0xFFFFFFFF  }
0xc2: {  	[dreg:$0x0] =	wrdreg $0x60  }
0xc3: {  	[dreg:$0x2] =	wrdreg s17  }
0xc4: {  	[dreg:$0x3] =	wrdreg s24  }
0xc5: {  	[dreg:$0x4] =	wrdreg $0xB  }
0xc6: {  	_ =	task.clear_ibuf [dreg:s22], $0x5FFFF;
	_ =	strace $0x9000004F  }
0xc7: {  	s29 =	simm.s32 $0xB;
	_ =	strace $0x80000051  }
0xc8: {  	_ =	swait.ge [sflag:s29], $0x1  }
0xc9: {  	[sflag:s29] =	ssyncadd.s32 $0xFFFFFFFF  }
0xca: {  	_ =	strace $0x90000051  }
0xcb: {  	_ =	sfence  }
0xcc: {  	s30 =	sld [smem:$0x0];
	_ =	sdelay $0x2  }
0xcd: {  	s31 =	sshll.u32 s1, $0xD;
	s1 =	sshrl.u32 s1, $0x2  }
0xce: {  	s4 =	sand.u32 $0x4000, s31;
	s1 =	sadd.s32 s1, s30  }
0xcf: {  	s0 =	sor.u32 s4, s0;
	s1 =	sshll.u32 s1, $0x11  }
0xd0: {  	s0 =	sor.u32 s1, s0  }
0xd1: {  	s0 =	sadd.s32 $0x8F2B, s0  }
0xd2: {  	[sflag:s0] =	ssyncadd.remote.s32 $0x1  }
0xd3: {  	_ =	sfence.sel $0xFFFF  }
0xd4: {  	[dreg:$0x0] =	wrdreg $0xFFFFFFFF;
	(pc) =	sbr.abs _section_cstart, $3  }
0xd5: {  	[dreg:$0x1] =	wrdreg $0xFFFFFFFF  }
0xd6: {  	_ =	task.clear_ibuf [dreg:s22], $0x2FFFF;
	_ =	strace $0x9FFFFFFF  }
0xd7: {  	(tm) =	ssettm $0x7FFFFFFF  }
tec
execute0_lowered:
.L_overlay_start_1:
0x0: {  	(tag) =	ssettag $0x1  }
0x1: {  	s0 =	srdreg.scid  }
0x2: {  	s1 =	sshll.u32 s0, $0x4  }
0x3: {  	s0 =	stileid.u32;
	s1 =	sand.u32 $0x10, s1  }
0x4: {  	s2 =	sor.u32 s0, s1  }
0x5: {  	s3 =	smul.u32 $0x3E, s2  }
0x6: {  	s1 =	sshrl.u32 s1, $0x4;
	s2 =	smin.u32 s2, $0x10  }
0x7: {  	s1 =	sxor.u32 $0x3F, s1;
	s2 =	sadd.s32 s2, s3  }
0x8: {  	s1 =	sadd.s32 s1, s2  }
0x9: {  	s1 =	smul.u32 $0x140, s1  }
0xa: {  	s2 =	smul.u32 $0x140, s2  }
0xb: {  	s3 =	smin.u32 s1, $0x9C400  }
0xc: {  	s7 =	ssub.s32 s3, s2  }
0xd: {  	p0 =	sgt.s32 s7, $0x0  }
0xe: {  	s7 =	simm.s32 @!p0 $0x0  }
0xf: {  	s4 =	rddreg [dreg:$0x0];
	s31 =	smulhi.u32 $0x66666667, s7  }
0x10: {  	s9 =	rddreg [dreg:$0x1];
	s6 =	simm.s32 $0x1  }
0x11: {  	s11 =	simm.s32 $0x3;
	s13 =	simm.s32 $0x0;
	s8 =	sshrl.u32 s31, $0x7  }
0x12: {  	s12 =	simm.s32 $0x0;
	s5 =	sadd.s32 $0xA07400, s9;
	s10 =	smul.u32 $0x140, s8  }
.Ltmp0:
0x13: {  	s9 =	sadd.s32 $0x1410A00, s9;
	s1 =	rddreg [dreg:$0x2];
	(pc) =	sbr.rel .LBB2_1-.Ltmp0, $4  }
0x14: {  	_ =	strace $0x80000050;
	p0 =	sne.s32 s7, s10;
	s10 =	simm.s32 $0x1  }
0x15: {  	[sflag:s6] =	ssyncpa.u1 $0x0;
	s7 =	simm.s32 $0x2;
	s10 =	simm.s32 @!p0 $0x0  }
0x16: {  	[sflag:s7] =	ssyncpa.u1 $0x0;
	p0 =	por $0x0, $0x0;
	s8 =	sadd.s32 s10, s8  }
0x17: {  	vm0 =	vmmov $0xff;
	vm1 =	vcmask $0x3F20;
	[sflag:s11] =	ssyncpa.u1 $0x0;
	s11 =	smov.u32 s2;
	s10 =	sadd.s32 $0x1, s8  }
.LBB2_6:
0x18: {  	[hbm:s17] =	stream.linear.scatter [tilespmem:s14], [sflag:$0x3], $0x400, $0x38;
	[tilespmem:$0x14280] =	vst v63  }
.LBB2_7:
0x19: {  	s13 =	sadd.s32 $0x140, s11  }
0x1a: {  	s15 =	smov.u32 s2;
	p2 =	slt.s32 s13, s3  }
0x1b: {  	s15 =	smov.u32 @p2 s13;
	p2 =	sne.s32 s12, s10  }
.Ltmp1:
0x1c: {  	p1 =	slt.u32 s12, $0x2;
	(pc) =	sbr.rel @!p2 .LBB2_8-.Ltmp1, $4  }
0x1d: {  	s14 =	simm.s32 @!p1 $0x3  }
0x1e: {  	s16 =	sadd.s32 $0x1, s12;
	_ =	swait.ge @!p1 [sflag:s14], $0xA000  }
0x1f: {  	p0 =	por !p0, !p0;
	s13 =	smov.u32 s11;
	[sflag:s14] =	ssyncset.done @!p1 $0x0  }
0x20: {  	s12 =	smov.u32 s16;
	s11 =	smov.u32 s15;
	[sflag:s14] =	ssyncadd.s32 @!p1 $0xFFFF6000  }
.LBB2_1:
0x21: {  	p1 =	sge.u32 s12, s8  }
0x22: {  	s14 =	sxor.u32 @!p1 $0xFFFFFFFF, s12  }
0x23: {  	s14 =	sand.u32 @!p1 $0x1, s14  }
0x24: {  	s14 =	smul.u32 @!p1 $0x500, s14  }
0x25: {  	s31 =	sadd.s32 $0xFFFFFFFF, s12;
	s15 =	sshrl.u32 @!p1 s11, $0x3  }
0x26: {  	s16 =	sand.u32 @!p1 $0x7, s11;
	s15 =	sadd.s32 @!p1 s5, s15;
	s14 =	sshrl.u32 @!p1 s14, $0x2  }
0x27: {  	[tilespmem:s14], [sflag:$0x2] =	stream.linear.gather @!p1 [hbm4b:s15+s16], $0x140, $0x38;
	[tilespmem:$0x14280] =	vst v63  }
0x28: {  	p1 =	sge.u32 s31, s8  }
.Ltmp2:
0x29: {  	_ = 	snop;
	(pc) =	sbr.rel @p1 .LBB2_7-.Ltmp2, $1  }
0x2a: {  	_ =	sdelay $0x3  }
0x2b: {  	s14 =	simm.s32 $0x1  }
0x2c: {  	s14 =	simm.s32 @!p0 $0x0  }
0x2d: {  	s15 =	smul.u32 $0x500, s14  }
0x2e: {  	_ =	swait.ge [sflag:s7], $0x140  }
0x2f: {  	[sflag:s7] =	ssyncset.done $0x0;
	s16 =	sshrl.u32 s15, $0x2  }
0x30: {  	[sflag:s7] =	ssyncadd.s32 $0xFFFFFEC0;
	s15 =	sadd.s32 $0x0, s16  }
0x31: {  	v0 =	vld.msk [tilespmem:s15+$0x0 ss:$0x1], $0xffff;
	_ =	sdelay $0x4  }
0x32: {  	vm2 =	vgt.s32 v0, $0x0  }
0x33: {  	v0 =	vnsel vm2, $0x0, v0  }
0x34: {  	v0 =	vmin.u32 v0, $0x4E1FF  }
0x35: {  	v0 =	vshll.u32 v0, $0x4  }
0x36: {  	s14 =	smul.u32 $0x28000, s14;
	_ =	sdelay $0x1  }
0x37: {  	s14 =	sshrl.u32 s14, $0x2  }
0x38: {  	s14 =	sor.u32 $0x280, s14  }
0x39: {  	[tilespmem:s14], [sflag:$0x1] =	stream.indirect_vreg.gather [hbm:s4], $0x80, v0, vm0, $0x38;
	[tilespmem:$0x14280] =	vst v63  }
0x3a: {  	s17 =	sadd.s32 $0x10, s16;
	s15 =	sadd.s32 $0x400, s14  }
0x3b: {  	[tilespmem:s15], [sflag:$0x1] =	stream.indirect_vreg.gather [hbm:s4], $0x80, v0, vm1, $0x38;
	[tilespmem:$0x14280] =	vst v63  }
0x3c: {  	s18 =	simm.s32 $0x80;
	v0 =	vld.msk [tilespmem:s17+$0x0 ss:$0x1], $0xffff;
	s17 =	smov.u32 s14  }
.LBB2_3:
0x3d: {  	p1 =	sne.s32 s18, $0x4C0;
	_ =	sdelay $0x4  }
0x3e: {  	vm2 =	vgt.s32 v0, $0x0  }
0x3f: {  	v0 =	vnsel vm2, $0x0, v0  }
0x40: {  	v0 =	vmin.u32 v0, $0x4E1FF  }
0x41: {  	v0 =	vshll.u32 v0, $0x4;
	_ =	sdelay $0x3  }
.Ltmp3:
0x42: {  	s19 =	sshra.s32 s18, $0x2;
	s17 =	sadd.s32 $0x800, s17;
	(pc) =	sbr.rel @p1 .LBB2_3-.Ltmp3, $4  }
0x43: {  	[tilespmem:s17], [sflag:$0x1] =	stream.indirect_vreg.gather [hbm:s4], $0x80, v0, vm0, $0x38;
	[tilespmem:$0x14280] =	vst v63  }
0x44: {  	s19 =	sadd.s32 s19, s16;
	s20 =	sadd.s32 $0x400, s17  }
0x45: {  	[tilespmem:s20], [sflag:$0x1] =	stream.indirect_vreg.gather [hbm:s4], $0x80, v0, vm1, $0x38;
	[tilespmem:$0x14280] =	vst v63  }
0x46: {  	s18 =	sadd.s32 $0x40, s18;
	v0 =	vld.msk [tilespmem:s19+$0x0 ss:$0x1], $0xffff  }
0x47: {  	_ =	sdelay $0x3  }
0x48: {  	vm2 =	vgt.s32 v0, $0x0  }
0x49: {  	v0 =	vnsel vm2, $0x0, v0  }
0x4a: {  	v0 =	vmin.u32 v0, $0x4E1FF  }
0x4b: {  	v0 =	vshll.u32 v0, $0x4;
	_ =	sdelay $0x3  }
0x4c: {  	s16 =	sadd.s32 $0x800, s17  }
0x4d: {  	[tilespmem:s16], [sflag:$0x1] =	stream.indirect_vreg.gather [hbm:s4], $0x80, v0, vm0, $0x38;
	[tilespmem:$0x14280] =	vst v63  }
0x4e: {  	s16 =	sadd.s32 $0x400, s16  }
0x4f: {  	[tilespmem:s16], [sflag:$0x1] =	stream.indirect_vreg.gather [hbm:s4], $0x80, v0, vm1, $0x38;
	[tilespmem:$0x14280] =	vst v63  }
0x50: {  	s13 =	sshll.u32 s13, $0x4;
	_ =	swait.ge [sflag:s6], $0xA000  }
0x51: {  	s13 =	sadd.s32 s13, s9;
	[sflag:s6] =	ssyncset.done $0x0  }
0x52: {  	s17 =	sadd.s32 $0x0, s13;
	s16 =	simm.s32 $0x80;
	[sflag:s6] =	ssyncadd.s32 $0xFFFF6000  }
.LBB2_5:
0x53: {  	[hbm:s17] =	stream.linear.scatter [tilespmem:s14], [sflag:$0x3], $0x400, $0x38;
	[tilespmem:$0x14280] =	vst v63  }
0x54: {  	s17 =	smov.u32 s16;
	s14 =	smov.u32 s15;
	p1 =	sne.s32 s16, $0x1380  }
.Ltmp4:
0x55: {  	s16 =	sadd.s32 $0x80, s16;
	(pc) =	sbr.rel @p1 .LBB2_5-.Ltmp4, $2  }
0x56: {  	_ =	sdelay $0x2  }
0x57: {  	s15 =	sadd.s32 $0x400, s15;
	s17 =	sadd.s32 s17, s13  }
.Ltmp5:
0x58: {  	_ = 	snop;
	(pc) =	sbr.rel .LBB2_6-.Ltmp5, $1  }
0x59: {  	_ =	sdelay $0x3  }
.LBB2_8:
0x5a: {  	_ =	sfence.sel $0x180000  }
0x5b: {  	s2 =	simm.s32 $0x2;
	[bflag:$0x0] =	sbarrier.arrive $0xFFFF  }
0x5c: {  	s30 =	simm.s32 $0x3;
	[sflag:s2] =	ssyncpa.u1 $0x1  }
0x5d: {  	s31 =	simm.s32 $0x1;
	[sflag:s30] =	ssyncpa.u1 $0x1  }
0x5e: {  	[sflag:s31] =	ssyncpa.u1 $0x1  }
0x5f: {  	p0 =	sne.s32 s0, $0x0;
	_ =	strace $0x90000050  }
0x60: {  	s0 =	sadd.s32 @!p0 $0x100000, s1;
	[bflag:$0x2] =	sbarrier.arrive $0xFFFF  }
0x61: {  	[sflag:s0] =	ssyncadd.tile.s32 @!p0 $0x1;
	_ =	shalt  }
.Lfunc_end2:
_tile_overlayer_lowered:
.L_overlay_start_2:
0x62: {  	(tag) =	ssettag $0x2  }
0x63: {  	s0 =	rddreg [dreg:$0x0];
	s2 =	stileid.u32  }
0x64: {  	s1 =	rddreg [dreg:$0x1];
	p0 =	sne.s32 s2, $0x0  }
0x65: {  	s3 =	rddreg [dreg:$0x2];
	[bflag:$0x3] =	sbarrier.arrive $0xFFFF;
	s2 =	simm.s32 @!p0 $0x1C01  }
0x66: {  	[timem:s3], [sflag:s2] =	dma.local @!p0 [hbm:s0], s1  }
0x67: {  	s0 =	simm.s32 @!p0 $0x1  }
0x68: {  	_ =	swait.ge @!p0 [sflag:s0], s1  }
0x69: {  	s1 =	ssub.s32 @!p0 $0x0, s1;
	[sflag:s0] =	ssyncset.done @!p0 $0x0  }
0x6a: {  	[sflag:s0] =	ssyncadd.s32 @!p0 s1  }
0x6b: {  	[bflag:$0x3] =	sbarrier.arrive $0xFFFF  }
0x6c: {  	_ =	shalt  }

// kernel: kernel.10.cloned.1.call-start
scs
__scs_entry_jumppad:
0x0: {  	(pc) =	sbr.rel $0x88, $3  }
0x1: {  	(tag) =	ssettag $0x0;
	lr =	simm.s32 $0x1  }
0x2: {  	[smem:$0x3F8D] =	sst lr;
	_ =	strace $0xD0000000  }
0x3: {  	_ = 	snop  }
0x4: {  	_ = 	snop  }
0x5: {  	_ = 	snop  }
0x6: {  	_ = 	snop  }
0x7: {  	_ = 	snop  }
__scs_overlays_trampoline_lowered:
0x8: {  	[smem:$0x3F9C] =	sst s0  }
0x9: {  	[smem:$0x3F9D] =	sst s1  }
0xa: {  	[smem:$0x3F9E] =	sst s2  }
0xb: {  	[smem:$0x3F9F] =	sst s3  }
0xc: {  	[smem:$0x3FA0] =	sst s4  }
0xd: {  	[smem:$0x3FA1] =	sst s5  }
0xe: {  	[smem:$0x3FA2] =	sst s6  }
0xf: {  	[smem:$0x3FA3] =	sst s7  }
0x10: {  	[smem:$0x3FA4] =	sst s8  }
0x11: {  	[smem:$0x3FA5] =	sst s9;
	s0 =	simm.s32 @!p0 $0x0  }
0x12: {  	s1 =	sld [smem:$0x3F8B];
	s0 =	simm.s32 @p0 $0x1  }
0x13: {  	[smem:$0x3FA6] =	sst s0;
	s0 =	simm.s32 @!p1 $0x0  }
0x14: {  	s2 =	sld [smem:$0x3F8A];
	s0 =	simm.s32 @p1 $0x1  }
0x15: {  	[smem:$0x3FA7] =	sst s0;
	s0 =	simm.s32 @!p2 $0x0  }
0x16: {  	s3 =	sld [smem:$0x3FDB];
	s0 =	simm.s32 @p2 $0x1  }
0x17: {  	s4 =	simm.s32 $0x1BF5;
	[smem:$0x3FA9] =	sst s0  }
0x18: {  	s0 =	sld [smem:$0x3F8C];
	_ =	swait.ge [sflag:s4], $0x0  }
0x19: {  	s7 =	sld [smem:$0x3F8D]  }
0x1a: {  	s8 =	sadd.s32 $0xFFFFE003, lr  }
0x1b: {  	s9 =	sadd.s32 $0xFFFFFEF7, lr;
	s5 =	simm.s32 $0xFFFFFFFF;
	p2 =	slt.u32 s8, $0xFFFFF086  }
0x1c: {  	p1 =	slt.u32 s9, $0xF7A;
	s5 =	simm.s32 @!p2 $0x0  }
0x1d: {  	s5 =	simm.s32 @p1 $0x1;
	p0 =	seq.s32 s7, s2  }
0x1e: {  	s7 =	smul.u32 @!p0 $0xF7A, s2;
	p2 =	seq.s32 @!p0 s5, $0x0  }
0x1f: {  	s9 =	smul.u32 $0xF7A, s1;
	s8 =	simm.s32 @!p0 $0x1BF5;
	p2 =	por !p2, p0  }
0x20: {  	[sflag:s8] =	ssyncset.s32 @!p0 $0xFFFFF086;
	s6 =	sadd.s32 @!p0 s3, s7;
	s7 =	simm.s32 @!p0 $0x108  }
0x21: {  	s3 =	sadd.s32 s3, s9;
	s6 =	sadd.s32 @!p0 $0x88, s6;
	s7 =	simm.s32 @p2 $0x1082  }
0x22: {  	[simem:s7], [sflag:s8] =	dma.local @!p0 [hbm:s6], $0xF7A  }
0x23: {  	s9 =	sor.u32 $0xD0000000, s2;
	s6 =	simm.s32 $0x108;
	_ =	swait.ge @!p0 [sflag:s8], $0x0  }
0x24: {  	s3 =	sadd.s32 $0x88, s3;
	s6 =	simm.s32 @!p1 $0x1082;
	[sflag:s4] =	ssyncset.s32 $0xFFFFF086  }
0x25: {  	[simem:s6], [sflag:s4] =	dma.local [hbm:s3], $0xF7A  }
0x26: {  	[smem:$0x3F8D] =	sst s1;
	(tag) =	ssettag s2;
	_ =	strace s9  }
0x27: {  	s1 =	sld [smem:$0x3F9D]  }
0x28: {  	s2 =	sld [smem:$0x3F9E]  }
0x29: {  	s4 =	sld [smem:$0x3FA0]  }
0x2a: {  	p0 =	seq.s32 s5, $0x0;
	s5 =	sld [smem:$0x3FA1]  }
0x2b: {  	s6 =	sld [smem:$0x3FA2]  }
0x2c: {  	s7 =	sld [smem:$0x3FA3]  }
0x2d: {  	s3 =	simm.s32 $0x108;
	s8 =	sld [smem:$0x3FA4]  }
0x2e: {  	s3 =	simm.s32 @!p0 $0x1082;
	s9 =	sld [smem:$0x3FA5]  }
0x2f: {  	lr =	sadd.s32 s0, s3;
	s0 =	sld [smem:$0x3F9C]  }
0x30: {  	s3 =	sld [smem:$0x3F9F]  }
0x31: {  	[smem:$0x3FA8] =	sst s10  }
0x32: {  	s10 =	sld [smem:$0x3FA6];
	_ =	sdelay $0x3  }
0x33: {  	p0 =	seq.s32 s10, $0x1;
	s10 =	sld [smem:$0x3FA8];
	_ =	sdelay $0x3  }
0x34: {  	[smem:$0x3FA8] =	sst s10  }
0x35: {  	s10 =	sld [smem:$0x3FA7];
	_ =	sdelay $0x3  }
0x36: {  	p1 =	seq.s32 s10, $0x1;
	s10 =	sld [smem:$0x3FA8];
	_ =	sdelay $0x3  }
0x37: {  	[smem:$0x3FA8] =	sst s10  }
0x38: {  	s10 =	sld [smem:$0x3FA9]  }
0x39: {  	_ = 	snop;
	(pc) =	sbr.ind lr, $3  }
0x3a: {  	_ = 	snop  }
0x3b: {  	_ = 	snop  }
0x3c: {  	p2 =	seq.s32 s10, $0x1;
	s10 =	sld [smem:$0x3FA8]  }
0x3d: {  	_ =	shalt  }
0x3e: {  	_ =	shalt  }
0x3f: {  	_ =	shalt  }
0x40: {  	_ =	shalt  }
0x41: {  	_ =	shalt  }
0x42: {  	_ =	shalt  }
0x43: {  	_ =	shalt  }
0x44: {  	_ =	shalt  }
0x45: {  	_ =	shalt  }
0x46: {  	_ =	shalt  }
0x47: {  	_ =	shalt  }
0x48: {  	_ =	shalt  }
0x49: {  	_ =	shalt  }
0x4a: {  	_ =	shalt  }
0x4b: {  	_ =	shalt  }
0x4c: {  	_ =	shalt  }
0x4d: {  	_ =	shalt  }
0x4e: {  	_ =	shalt  }
0x4f: {  	_ =	shalt  }
0x50: {  	_ =	shalt  }
0x51: {  	_ =	shalt  }
0x52: {  	_ =	shalt  }
0x53: {  	_ =	shalt  }
0x54: {  	_ =	shalt  }
0x55: {  	_ =	shalt  }
0x56: {  	_ =	shalt  }
0x57: {  	_ =	shalt  }
0x58: {  	_ =	shalt  }
0x59: {  	_ =	shalt  }
0x5a: {  	_ =	shalt  }
0x5b: {  	_ =	shalt  }
0x5c: {  	_ =	shalt  }
0x5d: {  	_ =	shalt  }
0x5e: {  	_ =	shalt  }
0x5f: {  	_ =	shalt  }
0x60: {  	_ =	shalt  }
0x61: {  	_ =	shalt  }
0x62: {  	_ =	shalt  }
0x63: {  	_ =	shalt  }
0x64: {  	_ =	shalt  }
0x65: {  	_ =	shalt  }
0x66: {  	_ =	shalt  }
0x67: {  	_ =	shalt  }
0x68: {  	_ =	shalt  }
0x69: {  	_ =	shalt  }
0x6a: {  	_ =	shalt  }
0x6b: {  	_ =	shalt  }
0x6c: {  	_ =	shalt  }
0x6d: {  	_ =	shalt  }
0x6e: {  	_ =	shalt  }
0x6f: {  	_ =	shalt  }
0x70: {  	_ =	shalt  }
0x71: {  	_ =	shalt  }
0x72: {  	_ =	shalt  }
0x73: {  	_ =	shalt  }
0x74: {  	_ =	shalt  }
0x75: {  	_ =	shalt  }
0x76: {  	_ =	shalt  }
0x77: {  	_ =	shalt  }
0x78: {  	_ =	shalt  }
0x79: {  	_ =	shalt  }
0x7a: {  	_ =	shalt  }
0x7b: {  	_ =	shalt  }
0x7c: {  	_ =	shalt  }
0x7d: {  	_ =	shalt  }
0x7e: {  	_ =	shalt  }
0x7f: {  	_ =	shalt  }
0x80: {  	_ =	shalt  }
0x81: {  	_ =	shalt  }
0x82: {  	_ =	shalt  }
0x83: {  	_ =	shalt  }
0x84: {  	_ =	shalt  }
0x85: {  	_ =	shalt  }
0x86: {  	_ =	shalt  }
0x87: {  	_ =	shalt  }
.Lfunc_end0:
.L_simem_size_0:
called_computation.3_lowered:
.L_overlay_start_0:
0x88: {  	s2 =	sld [smem:$0x3FD9]  }
0x89: {  	s3 =	sld [smem:$0x3FFE];
	_ =	sdelay $0x1  }
0x8a: {  	s1 =	srdreg.scid  }
0x8b: {  	s0 =	sand.u32 $0x1, s1  }
0x8c: {  	s14 =	sshll.u32 s0, $0xA;
	s2 =	sadd.s32 s3, s2  }
0x8d: {  	s2 =	sadd.s32 s2, s14  }
0x8e: {  	[smem:$0x3FB4] =	sst s2  }
0x8f: {  	_ = 	snop  }
0x90: {  	s2 =	sld [smem:$0x3FD0];
	_ =	sdelay $0x2  }
0x91: {  	s15 =	simm.s32 $0xD;
	s4 =	simm.s32 $0x10  }
0x92: {  	[smem:s4], [sflag:s15] =	dma.local [hbm:s2], $0x1  }
0x93: {  	_ =	swait.eq [sflag:s15], $0x1  }
0x94: {  	[sflag:s15] =	ssyncset.done $0x0  }
0x95: {  	[sflag:s15] =	ssyncadd.s32 $0xFFFFFFFF  }
0x96: {  	s16 =	sld [smem:$0x10];
	(tm) =	ssettm $0x1  }
0x97: {  	s17 =	sld [smem:$0x3FFB];
	_ =	sdelay $0x3  }
0x98: {  	_ =	strace s17  }
0x99: {  	s3 =	sld [smem:$0x3FFC];
	_ =	sdelay $0x3  }
0x9a: {  	_ =	strace s3  }
0x9b: {  	s3 =	sld [smem:$0x3FFD];
	_ =	sdelay $0x3  }
0x9c: {  	_ =	strace s3  }
0x9d: {  	_ =	strace $0x8FFFFFFF  }
0x9e: {  	s18 =	sld [smem:$0x3FDB];
	_ =	sdelay $0x1  }
0x9f: {  	s19 =	simm.s32 $_scs_section_size  }
0xa0: {  	s5 =	simm.s32 $_size__tile_overlayer_lowered;
	s6 =	simm.s32 $_tile_overlayer_lowered  }
0xa1: {  	s22 =	simm.s32 $0x1BFF;
	s21 =	sshll.u32 s6, $0x1;
	s3 =	sadd.s32 s19, s18  }
0xa2: {  	s7 =	simm.s32 $0x0;
	s20 =	sshll.u32 s5, $0x1;
	s5 =	sadd.s32 s21, s3  }
0xa3: {  	[timem:s7], [sflag:s22] =	dma.local [hbm:s5], s20  }
0xa4: {  	_ =	swait.ge [sflag:s22], s20  }
0xa5: {  	s4 =	ssub.s32 $0x0, s20;
	[sflag:s22] =	ssyncset.done $0x0  }
0xa6: {  	[sflag:s22] =	ssyncadd.s32 s4;
	_ =	sdelay $0x1  }
0xa7: {  	s23 =	simm.s32 $0x1B8B  }
0xa8: {  	_ =	swait.ge [sflag:s23], $0x1  }
0xa9: {  	[sflag:s23] =	ssyncset.done $0x0  }
0xaa: {  	s25 =	simm.s32 $0x1B8E;
	s24 =	sld [smem:$0x3FFE];
	[sflag:s23] =	ssyncadd.s32 $0xFFFFFFFF  }
0xab: {  	s26 =	simm.s32 $execute0_lowered;
	[smem:$0x3FD2] =	sst s25  }
0xac: {  	s5 =	sshll.u32 s26, $0x1;
	_ =	strace $0x80000046;
	[dreg:$0x1] =	wrdreg $0xFFFFFFFF  }
0xad: {  	s28 =	simm.s32 $_size_execute0_lowered;
	s3 =	sadd.s32 s3, s5;
	[dreg:$0x0] =	wrdreg $0x0  }
0xae: {  	s5 =	sshll.u32 s28, $0x1;
	[dreg:$0x2] =	wrdreg s3  }
0xaf: {  	[dreg:$0x3] =	wrdreg s5  }
0xb0: {  	[dreg:$0x4] =	wrdreg $0xC0  }
0xb1: {  	_ =	task [dreg:s7], $0x5FFFF  }
0xb2: {  	[dreg:$0x1] =	wrdreg $0xFFFFFFFF  }
0xb3: {  	[dreg:$0x0] =	wrdreg $0x60  }
0xb4: {  	[dreg:$0x2] =	wrdreg s24  }
0xb5: {  	[dreg:$0x3] =	wrdreg s16  }
0xb6: {  	[dreg:$0x4] =	wrdreg $0x76800  }
0xb7: {  	[dreg:$0x5] =	wrdreg $0xC4A00  }
0xb8: {  	[dreg:$0x6] =	wrdreg $0xC  }
0xb9: {  	_ =	task.clear_ibuf [dreg:s7], $0x7FFFF;
	_ =	strace $0x90000046  }
0xba: {  	s29 =	simm.s32 $0xC;
	_ =	strace $0x80000048  }
0xbb: {  	_ =	swait.ge [sflag:s29], $0x1  }
0xbc: {  	[sflag:s29] =	ssyncadd.s32 $0xFFFFFFFF  }
0xbd: {  	_ =	strace $0x90000048  }
0xbe: {  	_ =	sfence  }
0xbf: {  	s30 =	sld [smem:$0x0];
	_ =	sdelay $0x2  }
0xc0: {  	s31 =	sshll.u32 s1, $0xD;
	s1 =	sshrl.u32 s1, $0x2  }
0xc1: {  	s3 =	sand.u32 $0x4000, s31;
	s1 =	sadd.s32 s1, s30  }
0xc2: {  	s0 =	sor.u32 s3, s0;
	s1 =	sshll.u32 s1, $0x11  }
0xc3: {  	s0 =	sor.u32 s1, s0  }
0xc4: {  	s0 =	sadd.s32 $0x8F2B, s0  }
0xc5: {  	[sflag:s0] =	ssyncadd.remote.s32 $0x1  }
0xc6: {  	_ =	sfence.sel $0xFFFF  }
0xc7: {  	[dreg:$0x0] =	wrdreg $0xFFFFFFFF;
	(pc) =	sbr.abs _section_cstart, $3  }
0xc8: {  	[dreg:$0x1] =	wrdreg $0xFFFFFFFF  }
0xc9: {  	_ =	task.clear_ibuf [dreg:s7], $0x2FFFF;
	_ =	strace $0x9FFFFFFF  }
0xca: {  	(tm) =	ssettm $0x7FFFFFFF  }
0xcb: {  	_ =	shalt  }
tec
execute0_lowered:
.L_overlay_start_1:
0x0: {  	(tag) =	ssettag $0x1  }
0x1: {  	s22 =	rddreg [dreg:$0x0]  }
0x2: {  	s19 =	rddreg [dreg:$0x1]  }
0x3: {  	s1 =	rddreg [dreg:$0x2]  }
0x4: {  	s2 =	rddreg [dreg:$0x3]  }
0x5: {  	s0 =	rddreg [dreg:$0x4];
	s3 =	simm.s32 $0x0  }
0x6: {  	s6 =	simm.s32 $0x1400;
	[smem:$0x7FF] =	sst s3  }
0x7: {  	s5 =	simm.s32 $0x1;
	s4 =	sadd.s32 $0x1B200, s22;
	_ =	strace $0x80000047  }
0x8: {  	[tilespmem:s6], [sflag:$0x1] =	stream.linear.gather [hbm4b:s4+s3], $0x1400, $0x38;
	[tilespmem:$0xC720] =	vst v63  }
0x9: {  	_ =	swait.ge [sflag:s5], $0x1400  }
0xa: {  	s7 =	stileid.u32;
	[sflag:s5] =	ssyncset.done $0x0  }
0xb: {  	s9 =	simm.s32 $0x2800;
	s8 =	sadd.s32 $0x1A800, s22;
	[sflag:s5] =	ssyncadd.s32 $0xFFFFEC00  }
0xc: {  	[tilespmem:s9], [sflag:$0x1] =	stream.linear.gather [hbm4b:s8+s3], $0x4E80, $0x38;
	[tilespmem:$0xC720] =	vst v63  }
0xd: {  	s21 =	smul.u32 $0x4E20, s7;
	_ =	swait.ge [sflag:s5], $0x4E80  }
0xe: {  	[sflag:s5] =	ssyncset.done $0x0  }
0xf: {  	s11 =	srdreg.scid;
	s10 =	sadd.s32 s21, s1;
	[sflag:s5] =	ssyncadd.s32 $0xFFFFB180  }
0x10: {  	[spmem:s10] =	stream.linear.scatter [tilespmem:s9], [sflag:$0x1], $0x4E20, $0x38;
	[tilespmem:$0xC720] =	vst v63  }
0x11: {  	s23 =	sand.u32 $0x1, s11;
	s24 =	smul.u32 $0x280, s7;
	_ =	swait.ge [sflag:s5], $0x4E20  }
0x12: {  	s11 =	sshll.u32 s23, $0x4;
	[sflag:s5] =	ssyncset.done $0x0  }
0x13: {  	s12 =	sor.u32 s7, s11;
	s11 =	sadd.s32 s24, s2;
	[sflag:s5] =	ssyncadd.s32 $0xFFFFB1E0  }
0x14: {  	[spmem:s11] =	stream.linear.scatter [tilespmem:s9], [sflag:$0x1], $0x280, $0x38;
	[tilespmem:$0xC720] =	vst v63  }
0x15: {  	s20 =	smul.u32 $0x4E20, s12;
	_ =	swait.ge [sflag:s5], $0x280  }
0x16: {  	[sflag:s5] =	ssyncset.done $0x0  }
0x17: {  	s17 =	sshrl.u32 s20, $0x3;
	[sflag:s5] =	ssyncadd.s32 $0xFFFFFD80  }
0x18: {  	s12 =	sadd.s32 s19, s17;
	[bflag:$0x0] =	sbarrier.arrive $0xFFFF  }
0x19: {  	[tilespmem:s3], [sflag:$0x1] =	stream.linear.gather [hbm4b:s12+s3], $0x1388, $0x38;
	[tilespmem:$0xC720] =	vst v63  }
0x1a: {  	_ =	swait.ge [sflag:s5], $0x1388  }
0x1b: {  	[sflag:s5] =	ssyncset.done $0x0  }
0x1c: {  	s13 =	simm.s32 $0x1388;
	[sflag:s5] =	ssyncadd.s32 $0xFFFFEC78  }
0x1d: {  	[spmem:s1] =	stream.indirect.scatter.add.f32 [tilespmem:s6], [sflag:$0x1], $0x1, s3, s13, $0xb8;
	[tilespmem:$0xC720] =	vst v63  }
0x1e: {  	_ =	swait.ge [sflag:s5], $0x1388  }
0x1f: {  	s25 =	sadd.s32 $0x6E00, s22;
	[sflag:s5] =	ssyncset.done $0x0  }
0x20: {  	s14 =	sadd.s32 s25, s17;
	[sflag:s5] =	ssyncadd.s32 $0xFFFFEC78  }
0x21: {  	[tilespmem:s3], [sflag:$0x1] =	stream.linear.gather [hbm4b:s14+s3], $0x1388, $0x38;
	[tilespmem:$0xC720] =	vst v63  }
0x22: {  	_ =	swait.ge [sflag:s5], $0x1388  }
0x23: {  	[sflag:s5] =	ssyncset.done $0x0  }
0x24: {  	[sflag:s5] =	ssyncadd.s32 $0xFFFFEC78  }
0x25: {  	[spmem:s2] =	stream.indirect.scatter.add.f32 [tilespmem:s6], [sflag:$0x1], $0x1, s3, s13, $0xb8;
	[tilespmem:$0xC720] =	vst v63  }
0x26: {  	s15 =	sadd.s32 $0x1388, s20;
	_ =	swait.ge [sflag:s5], $0x1388  }
0x27: {  	s16 =	sshrl.u32 s15, $0x3;
	[sflag:s5] =	ssyncset.done $0x0  }
0x28: {  	s15 =	sadd.s32 s19, s16;
	[sflag:s5] =	ssyncadd.s32 $0xFFFFEC78  }
0x29: {  	[tilespmem:s3], [sflag:$0x1] =	stream.linear.gather [hbm4b:s15+s3], $0x1388, $0x38;
	[tilespmem:$0xC720] =	vst v63  }
0x2a: {  	_ =	swait.ge [sflag:s5], $0x1388  }
0x2b: {  	[sflag:s5] =	ssyncset.done $0x0  }
0x2c: {  	[sflag:s5] =	ssyncadd.s32 $0xFFFFEC78  }
0x2d: {  	[spmem:s1] =	stream.indirect.scatter.add.f32 [tilespmem:s6], [sflag:$0x1], $0x1, s3, s13, $0xb8;
	[tilespmem:$0xC720] =	vst v63  }
0x2e: {  	_ =	swait.ge [sflag:s5], $0x1388  }
0x2f: {  	[sflag:s5] =	ssyncset.done $0x0  }
0x30: {  	s16 =	sadd.s32 s25, s16;
	[sflag:s5] =	ssyncadd.s32 $0xFFFFEC78  }
0x31: {  	[tilespmem:s3], [sflag:$0x1] =	stream.linear.gather [hbm4b:s16+s3], $0x1388, $0x38;
	[tilespmem:$0xC720] =	vst v63  }
0x32: {  	_ =	swait.ge [sflag:s5], $0x1388  }
0x33: {  	[sflag:s5] =	ssyncset.done $0x0  }
0x34: {  	[sflag:s5] =	ssyncadd.s32 $0xFFFFEC78  }
0x35: {  	[spmem:s2] =	stream.indirect.scatter.add.f32 [tilespmem:s6], [sflag:$0x1], $0x1, s3, s13, $0xb8;
	[tilespmem:$0xC720] =	vst v63  }
0x36: {  	_ =	swait.ge [sflag:s5], $0x1388  }
0x37: {  	s18 =	sadd.s32 $0x4E2, s17;
	[sflag:s5] =	ssyncset.done $0x0  }
0x38: {  	s17 =	sadd.s32 s19, s18;
	[sflag:s5] =	ssyncadd.s32 $0xFFFFEC78  }
0x39: {  	[tilespmem:s3], [sflag:$0x1] =	stream.linear.gather [hbm4b:s17+s3], $0x1388, $0x38;
	[tilespmem:$0xC720] =	vst v63  }
0x3a: {  	_ =	swait.ge [sflag:s5], $0x1388  }
0x3b: {  	[sflag:s5] =	ssyncset.done $0x0  }
0x3c: {  	[sflag:s5] =	ssyncadd.s32 $0xFFFFEC78  }
0x3d: {  	[spmem:s1] =	stream.indirect.scatter.add.f32 [tilespmem:s6], [sflag:$0x1], $0x1, s3, s13, $0xb8;
	[tilespmem:$0xC720] =	vst v63  }
0x3e: {  	_ =	swait.ge [sflag:s5], $0x1388  }
0x3f: {  	[sflag:s5] =	ssyncset.done $0x0  }
0x40: {  	s18 =	sadd.s32 s25, s18;
	[sflag:s5] =	ssyncadd.s32 $0xFFFFEC78  }
0x41: {  	[tilespmem:s3], [sflag:$0x1] =	stream.linear.gather [hbm4b:s18+s3], $0x1388, $0x38;
	[tilespmem:$0xC720] =	vst v63  }
0x42: {  	_ =	swait.ge [sflag:s5], $0x1388  }
0x43: {  	[sflag:s5] =	ssyncset.done $0x0  }
0x44: {  	[sflag:s5] =	ssyncadd.s32 $0xFFFFEC78  }
0x45: {  	[spmem:s2] =	stream.indirect.scatter.add.f32 [tilespmem:s6], [sflag:$0x1], $0x1, s3, s13, $0xb8;
	[tilespmem:$0xC720] =	vst v63  }
0x46: {  	s20 =	sadd.s32 $0x3A98, s20;
	_ =	swait.ge [sflag:s5], $0x1388  }
0x47: {  	s20 =	sshrl.u32 s20, $0x3;
	[sflag:s5] =	ssyncset.done $0x0  }
0x48: {  	s19 =	sadd.s32 s19, s20;
	[sflag:s5] =	ssyncadd.s32 $0xFFFFEC78  }
0x49: {  	[tilespmem:s3], [sflag:$0x1] =	stream.linear.gather [hbm4b:s19+s3], $0x1388, $0x38;
	[tilespmem:$0xC720] =	vst v63  }
0x4a: {  	_ =	swait.ge [sflag:s5], $0x1388  }
0x4b: {  	[sflag:s5] =	ssyncset.done $0x0  }
0x4c: {  	[sflag:s5] =	ssyncadd.s32 $0xFFFFEC78  }
0x4d: {  	[spmem:s1] =	stream.indirect.scatter.add.f32 [tilespmem:s6], [sflag:$0x1], $0x1, s3, s13, $0xb8;
	[tilespmem:$0xC720] =	vst v63  }
0x4e: {  	_ =	swait.ge [sflag:s5], $0x1388  }
0x4f: {  	[sflag:s5] =	ssyncset.done $0x0  }
0x50: {  	s20 =	sadd.s32 s25, s20;
	[sflag:s5] =	ssyncadd.s32 $0xFFFFEC78  }
0x51: {  	[tilespmem:s3], [sflag:$0x1] =	stream.linear.gather [hbm4b:s20+s3], $0x1388, $0x38;
	[tilespmem:$0xC720] =	vst v63  }
0x52: {  	_ =	swait.ge [sflag:s5], $0x1388  }
0x53: {  	[sflag:s5] =	ssyncset.done $0x0  }
0x54: {  	[sflag:s5] =	ssyncadd.s32 $0xFFFFEC78  }
0x55: {  	[spmem:s2] =	stream.indirect.scatter.add.f32 [tilespmem:s6], [sflag:$0x1], $0x1, s3, s13, $0xb8;
	[tilespmem:$0xC720] =	vst v63  }
0x56: {  	_ =	swait.ge [sflag:s5], $0x1388  }
0x57: {  	s29 =	smul.u32 $0x4E200, s23;
	[sflag:s5] =	ssyncset.done $0x0  }
0x58: {  	[sflag:s5] =	ssyncadd.s32 $0xFFFFEC78  }
0x59: {  	s21 =	sadd.s32 s21, s29;
	[bflag:$0x0] =	sbarrier.arrive $0xFFFF  }
0x5a: {  	[tilespmem:s9], [sflag:$0x1] =	stream.linear.gather [spmem:s10], $0x4E20, $0x38;
	[tilespmem:$0xC720] =	vst v63  }
0x5b: {  	s21 =	sshrl.u32 s21, $0x3;
	_ =	swait.ge [sflag:s5], $0x4E20  }
0x5c: {  	s30 =	smul.u32 $0x2800, s23;
	s21 =	sadd.s32 s21, s22;
	[sflag:s5] =	ssyncset.done $0x0  }
0x5d: {  	s23 =	ssub.s32 $0x2, s23;
	s21 =	sadd.s32 $0x1B600, s21;
	[sflag:s5] =	ssyncadd.s32 $0xFFFFB1E0  }
0x5e: {  	[hbm4b:s21+s3] =	stream.linear.scatter [tilespmem:s9], [sflag:$0x1], $0x4E20, $0x38;
	[tilespmem:$0xC720] =	vst v63  }
0x5f: {  	s31 =	sshrl.u32 s23, $0x1;
	_ =	swait.ge [sflag:s5], $0x4E20  }
0x60: {  	s23 =	ssub.s32 s23, s31;
	[sflag:s5] =	ssyncset.done $0x0  }
0x61: {  	s24 =	sadd.s32 s24, s30;
	s23 =	smax.u32 s23, $0x1;
	[sflag:s5] =	ssyncadd.s32 $0xFFFFB1E0  }
0x62: {  	[tilespmem:s9], [sflag:$0x1] =	stream.linear.gather [spmem:s11], $0x280, $0x38;
	[tilespmem:$0xC720] =	vst v63  }
0x63: {  	s24 =	sshrl.u32 s24, $0x3;
	p0 =	sne.s32 s23, $0x1;
	_ =	swait.ge [sflag:s5], $0x280  }
.Ltmp0:
0x64: {  	s22 =	sadd.s32 s24, s22;
	[sflag:s5] =	ssyncset.done $0x0;
	(pc) =	sbr.rel @!p0 .LBB2_2-.Ltmp0, $4  }
0x65: {  	s22 =	sadd.s32 $0x2F000, s22;
	[sflag:s5] =	ssyncadd.s32 $0xFFFFFD80  }
0x66: {  	[hbm4b:s22+s3] =	stream.linear.scatter [tilespmem:s9], [sflag:$0x1], $0x280, $0x38;
	[tilespmem:$0xC720] =	vst v63  }
0x67: {  	_ =	swait.ge [sflag:s5], $0x280  }
0x68: {  	s23 =	sadd.s32 $0xFFFFFFFF, s23;
	[sflag:s5] =	ssyncset.done $0x0  }
.LBB2_1:
0x69: {  	p0 =	sne.s32 s23, $0x1;
	s23 =	sadd.s32 $0xFFFFFFFF, s23;
	[sflag:s5] =	ssyncadd.s32 $0xFFFFFD80  }
0x6a: {  	[tilespmem:s6], [sflag:$0x1] =	stream.linear.gather [hbm4b:s4+s3], $0x1400, $0x38;
	[tilespmem:$0xC720] =	vst v63  }
0x6b: {  	_ =	swait.ge [sflag:s5], $0x1400  }
0x6c: {  	[sflag:s5] =	ssyncset.done $0x0  }
0x6d: {  	[sflag:s5] =	ssyncadd.s32 $0xFFFFEC00  }
0x6e: {  	[tilespmem:s9], [sflag:$0x1] =	stream.linear.gather [hbm4b:s8+s3], $0x4E80, $0x38;
	[tilespmem:$0xC720] =	vst v63  }
0x6f: {  	_ =	swait.ge [sflag:s5], $0x4E80  }
0x70: {  	[sflag:s5] =	ssyncset.done $0x0  }
0x71: {  	[sflag:s5] =	ssyncadd.s32 $0xFFFFB180  }
0x72: {  	[spmem:s10] =	stream.linear.scatter [tilespmem:s9], [sflag:$0x1], $0x4E20, $0x38;
	[tilespmem:$0xC720] =	vst v63  }
0x73: {  	_ =	swait.ge [sflag:s5], $0x4E20  }
0x74: {  	[sflag:s5] =	ssyncset.done $0x0  }
0x75: {  	[sflag:s5] =	ssyncadd.s32 $0xFFFFB1E0  }
0x76: {  	[spmem:s11] =	stream.linear.scatter [tilespmem:s9], [sflag:$0x1], $0x280, $0x38;
	[tilespmem:$0xC720] =	vst v63  }
0x77: {  	_ =	swait.ge [sflag:s5], $0x280  }
0x78: {  	[sflag:s5] =	ssyncset.done $0x0  }
0x79: {  	[sflag:s5] =	ssyncadd.s32 $0xFFFFFD80  }
0x7a: {  	[bflag:$0x0] =	sbarrier.arrive $0xFFFF  }
0x7b: {  	[tilespmem:s3], [sflag:$0x1] =	stream.linear.gather [hbm4b:s12+s3], $0x1388, $0x38;
	[tilespmem:$0xC720] =	vst v63  }
0x7c: {  	_ =	swait.ge [sflag:s5], $0x1388  }
0x7d: {  	[sflag:s5] =	ssyncset.done $0x0  }
0x7e: {  	[sflag:s5] =	ssyncadd.s32 $0xFFFFEC78  }
0x7f: {  	[spmem:s1] =	stream.indirect.scatter.add.f32 [tilespmem:s6], [sflag:$0x1], $0x1, s3, s13, $0xb8;
	[tilespmem:$0xC720] =	vst v63  }
0x80: {  	_ =	swait.ge [sflag:s5], $0x1388  }
0x81: {  	[sflag:s5] =	ssyncset.done $0x0  }
0x82: {  	[sflag:s5] =	ssyncadd.s32 $0xFFFFEC78  }
0x83: {  	[tilespmem:s3], [sflag:$0x1] =	stream.linear.gather [hbm4b:s14+s3], $0x1388, $0x38;
	[tilespmem:$0xC720] =	vst v63  }
0x84: {  	_ =	swait.ge [sflag:s5], $0x1388  }
0x85: {  	[sflag:s5] =	ssyncset.done $0x0  }
0x86: {  	[sflag:s5] =	ssyncadd.s32 $0xFFFFEC78  }
0x87: {  	[spmem:s2] =	stream.indirect.scatter.add.f32 [tilespmem:s6], [sflag:$0x1], $0x1, s3, s13, $0xb8;
	[tilespmem:$0xC720] =	vst v63  }
0x88: {  	_ =	swait.ge [sflag:s5], $0x1388  }
0x89: {  	[sflag:s5] =	ssyncset.done $0x0  }
0x8a: {  	[sflag:s5] =	ssyncadd.s32 $0xFFFFEC78  }
0x8b: {  	[tilespmem:s3], [sflag:$0x1] =	stream.linear.gather [hbm4b:s15+s3], $0x1388, $0x38;
	[tilespmem:$0xC720] =	vst v63  }
0x8c: {  	_ =	swait.ge [sflag:s5], $0x1388  }
0x8d: {  	[sflag:s5] =	ssyncset.done $0x0  }
0x8e: {  	[sflag:s5] =	ssyncadd.s32 $0xFFFFEC78  }
0x8f: {  	[spmem:s1] =	stream.indirect.scatter.add.f32 [tilespmem:s6], [sflag:$0x1], $0x1, s3, s13, $0xb8;
	[tilespmem:$0xC720] =	vst v63  }
0x90: {  	_ =	swait.ge [sflag:s5], $0x1388  }
0x91: {  	[sflag:s5] =	ssyncset.done $0x0  }
0x92: {  	[sflag:s5] =	ssyncadd.s32 $0xFFFFEC78  }
0x93: {  	[tilespmem:s3], [sflag:$0x1] =	stream.linear.gather [hbm4b:s16+s3], $0x1388, $0x38;
	[tilespmem:$0xC720] =	vst v63  }
0x94: {  	_ =	swait.ge [sflag:s5], $0x1388  }
0x95: {  	[sflag:s5] =	ssyncset.done $0x0  }
0x96: {  	[sflag:s5] =	ssyncadd.s32 $0xFFFFEC78  }
0x97: {  	[spmem:s2] =	stream.indirect.scatter.add.f32 [tilespmem:s6], [sflag:$0x1], $0x1, s3, s13, $0xb8;
	[tilespmem:$0xC720] =	vst v63  }
0x98: {  	_ =	swait.ge [sflag:s5], $0x1388  }
0x99: {  	[sflag:s5] =	ssyncset.done $0x0  }
0x9a: {  	[sflag:s5] =	ssyncadd.s32 $0xFFFFEC78  }
0x9b: {  	[tilespmem:s3], [sflag:$0x1] =	stream.linear.gather [hbm4b:s17+s3], $0x1388, $0x38;
	[tilespmem:$0xC720] =	vst v63  }
0x9c: {  	_ =	swait.ge [sflag:s5], $0x1388  }
0x9d: {  	[sflag:s5] =	ssyncset.done $0x0  }
0x9e: {  	[sflag:s5] =	ssyncadd.s32 $0xFFFFEC78  }
0x9f: {  	[spmem:s1] =	stream.indirect.scatter.add.f32 [tilespmem:s6], [sflag:$0x1], $0x1, s3, s13, $0xb8;
	[tilespmem:$0xC720] =	vst v63  }
0xa0: {  	_ =	swait.ge [sflag:s5], $0x1388  }
0xa1: {  	[sflag:s5] =	ssyncset.done $0x0  }
0xa2: {  	[sflag:s5] =	ssyncadd.s32 $0xFFFFEC78  }
0xa3: {  	[tilespmem:s3], [sflag:$0x1] =	stream.linear.gather [hbm4b:s18+s3], $0x1388, $0x38;
	[tilespmem:$0xC720] =	vst v63  }
0xa4: {  	_ =	swait.ge [sflag:s5], $0x1388  }
0xa5: {  	[sflag:s5] =	ssyncset.done $0x0  }
0xa6: {  	[sflag:s5] =	ssyncadd.s32 $0xFFFFEC78  }
0xa7: {  	[spmem:s2] =	stream.indirect.scatter.add.f32 [tilespmem:s6], [sflag:$0x1], $0x1, s3, s13, $0xb8;
	[tilespmem:$0xC720] =	vst v63  }
0xa8: {  	_ =	swait.ge [sflag:s5], $0x1388  }
0xa9: {  	[sflag:s5] =	ssyncset.done $0x0  }
0xaa: {  	[sflag:s5] =	ssyncadd.s32 $0xFFFFEC78  }
0xab: {  	[tilespmem:s3], [sflag:$0x1] =	stream.linear.gather [hbm4b:s19+s3], $0x1388, $0x38;
	[tilespmem:$0xC720] =	vst v63  }
0xac: {  	_ =	swait.ge [sflag:s5], $0x1388  }
0xad: {  	[sflag:s5] =	ssyncset.done $0x0  }
0xae: {  	[sflag:s5] =	ssyncadd.s32 $0xFFFFEC78  }
0xaf: {  	[spmem:s1] =	stream.indirect.scatter.add.f32 [tilespmem:s6], [sflag:$0x1], $0x1, s3, s13, $0xb8;
	[tilespmem:$0xC720] =	vst v63  }
0xb0: {  	_ =	swait.ge [sflag:s5], $0x1388  }
0xb1: {  	[sflag:s5] =	ssyncset.done $0x0  }
0xb2: {  	[sflag:s5] =	ssyncadd.s32 $0xFFFFEC78  }
0xb3: {  	[tilespmem:s3], [sflag:$0x1] =	stream.linear.gather [hbm4b:s20+s3], $0x1388, $0x38;
	[tilespmem:$0xC720] =	vst v63  }
0xb4: {  	_ =	swait.ge [sflag:s5], $0x1388  }
0xb5: {  	[sflag:s5] =	ssyncset.done $0x0  }
0xb6: {  	[sflag:s5] =	ssyncadd.s32 $0xFFFFEC78  }
0xb7: {  	[spmem:s2] =	stream.indirect.scatter.add.f32 [tilespmem:s6], [sflag:$0x1], $0x1, s3, s13, $0xb8;
	[tilespmem:$0xC720] =	vst v63  }
0xb8: {  	_ =	swait.ge [sflag:s5], $0x1388  }
0xb9: {  	[sflag:s5] =	ssyncset.done $0x0  }
0xba: {  	[sflag:s5] =	ssyncadd.s32 $0xFFFFEC78  }
0xbb: {  	[bflag:$0x0] =	sbarrier.arrive $0xFFFF  }
0xbc: {  	[tilespmem:s9], [sflag:$0x1] =	stream.linear.gather [spmem:s10], $0x4E20, $0x38;
	[tilespmem:$0xC720] =	vst v63  }
0xbd: {  	_ =	swait.ge [sflag:s5], $0x4E20  }
0xbe: {  	[sflag:s5] =	ssyncset.done $0x0  }
0xbf: {  	[sflag:s5] =	ssyncadd.s32 $0xFFFFB1E0  }
0xc0: {  	[hbm4b:s21+s3] =	stream.linear.scatter [tilespmem:s9], [sflag:$0x1], $0x4E20, $0x38;
	[tilespmem:$0xC720] =	vst v63  }
0xc1: {  	_ =	swait.ge [sflag:s5], $0x4E20  }
0xc2: {  	[sflag:s5] =	ssyncset.done $0x0  }
0xc3: {  	[sflag:s5] =	ssyncadd.s32 $0xFFFFB1E0  }
0xc4: {  	[tilespmem:s9], [sflag:$0x1] =	stream.linear.gather [spmem:s11], $0x280, $0x38;
	[tilespmem:$0xC720] =	vst v63  }
0xc5: {  	_ =	swait.ge [sflag:s5], $0x280  }
.Ltmp1:
0xc6: {  	[sflag:s5] =	ssyncset.done $0x0;
	(pc) =	sbr.rel @p0 .LBB2_1-.Ltmp1, $4  }
0xc7: {  	[sflag:s5] =	ssyncadd.s32 $0xFFFFFD80  }
0xc8: {  	[hbm4b:s22+s3] =	stream.linear.scatter [tilespmem:s9], [sflag:$0x1], $0x280, $0x38;
	[tilespmem:$0xC720] =	vst v63  }
0xc9: {  	_ =	swait.ge [sflag:s5], $0x280  }
0xca: {  	[sflag:s5] =	ssyncset.done $0x0  }
.LBB2_2:
0xcb: {  	[sflag:s5] =	ssyncadd.s32 $0xFFFFFD80  }
0xcc: {  	_ =	sfence.sel $0x180000  }
0xcd: {  	[bflag:$0x0] =	sbarrier.arrive $0xFFFF  }
0xce: {  	p0 =	sne.s32 s7, $0x0;
	_ =	strace $0x90000047  }
0xcf: {  	s0 =	sadd.s32 @!p0 $0x100000, s0;
	[bflag:$0x2] =	sbarrier.arrive $0xFFFF  }
0xd0: {  	[sflag:s0] =	ssyncadd.tile.s32 @!p0 $0x1;
	_ =	shalt  }
.Lfunc_end2:
_tile_overlayer_lowered:
.L_overlay_start_2:
0xd1: {  	(tag) =	ssettag $0x2  }
0xd2: {  	s0 =	rddreg [dreg:$0x0];
	s2 =	stileid.u32  }
0xd3: {  	s1 =	rddreg [dreg:$0x1];
	p0 =	sne.s32 s2, $0x0  }
0xd4: {  	s3 =	rddreg [dreg:$0x2];
	[bflag:$0x3] =	sbarrier.arrive $0xFFFF;
	s2 =	simm.s32 @!p0 $0x1C01  }
0xd5: {  	[timem:s3], [sflag:s2] =	dma.local @!p0 [hbm:s0], s1  }
0xd6: {  	s0 =	simm.s32 @!p0 $0x1  }
0xd7: {  	_ =	swait.ge @!p0 [sflag:s0], s1  }
0xd8: {  	s1 =	ssub.s32 @!p0 $0x0, s1;
	[sflag:s0] =	ssyncset.done @!p0 $0x0  }
0xd9: {  	[sflag:s0] =	ssyncadd.s32 @!p0 s1  }
0xda: {  	[bflag:$0x3] =	sbarrier.arrive $0xFFFF  }
0xdb: {  	_ =	shalt  }

// kernel: kernel.13.cloned.1.call-start
scs
__scs_entry_jumppad:
0x0: {  	(pc) =	sbr.rel $0x88, $3  }
0x1: {  	(tag) =	ssettag $0x0;
	lr =	simm.s32 $0x1  }
0x2: {  	[smem:$0x3F8D] =	sst lr;
	_ =	strace $0xD0000000  }
0x3: {  	_ = 	snop  }
0x4: {  	_ = 	snop  }
0x5: {  	_ = 	snop  }
0x6: {  	_ = 	snop  }
0x7: {  	_ = 	snop  }
__scs_overlays_trampoline_lowered:
0x8: {  	[smem:$0x3F9C] =	sst s0  }
0x9: {  	[smem:$0x3F9D] =	sst s1  }
0xa: {  	[smem:$0x3F9E] =	sst s2  }
0xb: {  	[smem:$0x3F9F] =	sst s3  }
0xc: {  	[smem:$0x3FA0] =	sst s4  }
0xd: {  	[smem:$0x3FA1] =	sst s5  }
0xe: {  	[smem:$0x3FA2] =	sst s6  }
0xf: {  	[smem:$0x3FA3] =	sst s7  }
0x10: {  	[smem:$0x3FA4] =	sst s8  }
0x11: {  	[smem:$0x3FA5] =	sst s9;
	s0 =	simm.s32 @!p0 $0x0  }
0x12: {  	s1 =	sld [smem:$0x3F8B];
	s0 =	simm.s32 @p0 $0x1  }
0x13: {  	[smem:$0x3FA6] =	sst s0;
	s0 =	simm.s32 @!p1 $0x0  }
0x14: {  	s2 =	sld [smem:$0x3F8A];
	s0 =	simm.s32 @p1 $0x1  }
0x15: {  	[smem:$0x3FA7] =	sst s0;
	s0 =	simm.s32 @!p2 $0x0  }
0x16: {  	s3 =	sld [smem:$0x3FDB];
	s0 =	simm.s32 @p2 $0x1  }
0x17: {  	s4 =	simm.s32 $0x1BF5;
	[smem:$0x3FA9] =	sst s0  }
0x18: {  	s0 =	sld [smem:$0x3F8C];
	_ =	swait.ge [sflag:s4], $0x0  }
0x19: {  	s7 =	sld [smem:$0x3F8D]  }
0x1a: {  	s8 =	sadd.s32 $0xFFFFE003, lr  }
0x1b: {  	s9 =	sadd.s32 $0xFFFFFEF7, lr;
	s5 =	simm.s32 $0xFFFFFFFF;
	p2 =	slt.u32 s8, $0xFFFFF086  }
0x1c: {  	p1 =	slt.u32 s9, $0xF7A;
	s5 =	simm.s32 @!p2 $0x0  }
0x1d: {  	s5 =	simm.s32 @p1 $0x1;
	p0 =	seq.s32 s7, s2  }
0x1e: {  	s7 =	smul.u32 @!p0 $0xF7A, s2;
	p2 =	seq.s32 @!p0 s5, $0x0  }
0x1f: {  	s9 =	smul.u32 $0xF7A, s1;
	s8 =	simm.s32 @!p0 $0x1BF5;
	p2 =	por !p2, p0  }
0x20: {  	[sflag:s8] =	ssyncset.s32 @!p0 $0xFFFFF086;
	s6 =	sadd.s32 @!p0 s3, s7;
	s7 =	simm.s32 @!p0 $0x108  }
0x21: {  	s3 =	sadd.s32 s3, s9;
	s6 =	sadd.s32 @!p0 $0x88, s6;
	s7 =	simm.s32 @p2 $0x1082  }
0x22: {  	[simem:s7], [sflag:s8] =	dma.local @!p0 [hbm:s6], $0xF7A  }
0x23: {  	s9 =	sor.u32 $0xD0000000, s2;
	s6 =	simm.s32 $0x108;
	_ =	swait.ge @!p0 [sflag:s8], $0x0  }
0x24: {  	s3 =	sadd.s32 $0x88, s3;
	s6 =	simm.s32 @!p1 $0x1082;
	[sflag:s4] =	ssyncset.s32 $0xFFFFF086  }
0x25: {  	[simem:s6], [sflag:s4] =	dma.local [hbm:s3], $0xF7A  }
0x26: {  	[smem:$0x3F8D] =	sst s1;
	(tag) =	ssettag s2;
	_ =	strace s9  }
0x27: {  	s1 =	sld [smem:$0x3F9D]  }
0x28: {  	s2 =	sld [smem:$0x3F9E]  }
0x29: {  	s4 =	sld [smem:$0x3FA0]  }
0x2a: {  	p0 =	seq.s32 s5, $0x0;
	s5 =	sld [smem:$0x3FA1]  }
0x2b: {  	s6 =	sld [smem:$0x3FA2]  }
0x2c: {  	s7 =	sld [smem:$0x3FA3]  }
0x2d: {  	s3 =	simm.s32 $0x108;
	s8 =	sld [smem:$0x3FA4]  }
0x2e: {  	s3 =	simm.s32 @!p0 $0x1082;
	s9 =	sld [smem:$0x3FA5]  }
0x2f: {  	lr =	sadd.s32 s0, s3;
	s0 =	sld [smem:$0x3F9C]  }
0x30: {  	s3 =	sld [smem:$0x3F9F]  }
0x31: {  	[smem:$0x3FA8] =	sst s10  }
0x32: {  	s10 =	sld [smem:$0x3FA6];
	_ =	sdelay $0x3  }
0x33: {  	p0 =	seq.s32 s10, $0x1;
	s10 =	sld [smem:$0x3FA8];
	_ =	sdelay $0x3  }
0x34: {  	[smem:$0x3FA8] =	sst s10  }
0x35: {  	s10 =	sld [smem:$0x3FA7];
	_ =	sdelay $0x3  }
0x36: {  	p1 =	seq.s32 s10, $0x1;
	s10 =	sld [smem:$0x3FA8];
	_ =	sdelay $0x3  }
0x37: {  	[smem:$0x3FA8] =	sst s10  }
0x38: {  	s10 =	sld [smem:$0x3FA9]  }
0x39: {  	_ = 	snop;
	(pc) =	sbr.ind lr, $3  }
0x3a: {  	_ = 	snop  }
0x3b: {  	_ = 	snop  }
0x3c: {  	p2 =	seq.s32 s10, $0x1;
	s10 =	sld [smem:$0x3FA8]  }
0x3d: {  	_ =	shalt  }
0x3e: {  	_ =	shalt  }
0x3f: {  	_ =	shalt  }
0x40: {  	_ =	shalt  }
0x41: {  	_ =	shalt  }
0x42: {  	_ =	shalt  }
0x43: {  	_ =	shalt  }
0x44: {  	_ =	shalt  }
0x45: {  	_ =	shalt  }
0x46: {  	_ =	shalt  }
0x47: {  	_ =	shalt  }
0x48: {  	_ =	shalt  }
0x49: {  	_ =	shalt  }
0x4a: {  	_ =	shalt  }
0x4b: {  	_ =	shalt  }
0x4c: {  	_ =	shalt  }
0x4d: {  	_ =	shalt  }
0x4e: {  	_ =	shalt  }
0x4f: {  	_ =	shalt  }
0x50: {  	_ =	shalt  }
0x51: {  	_ =	shalt  }
0x52: {  	_ =	shalt  }
0x53: {  	_ =	shalt  }
0x54: {  	_ =	shalt  }
0x55: {  	_ =	shalt  }
0x56: {  	_ =	shalt  }
0x57: {  	_ =	shalt  }
0x58: {  	_ =	shalt  }
0x59: {  	_ =	shalt  }
0x5a: {  	_ =	shalt  }
0x5b: {  	_ =	shalt  }
0x5c: {  	_ =	shalt  }
0x5d: {  	_ =	shalt  }
0x5e: {  	_ =	shalt  }
0x5f: {  	_ =	shalt  }
0x60: {  	_ =	shalt  }
0x61: {  	_ =	shalt  }
0x62: {  	_ =	shalt  }
0x63: {  	_ =	shalt  }
0x64: {  	_ =	shalt  }
0x65: {  	_ =	shalt  }
0x66: {  	_ =	shalt  }
0x67: {  	_ =	shalt  }
0x68: {  	_ =	shalt  }
0x69: {  	_ =	shalt  }
0x6a: {  	_ =	shalt  }
0x6b: {  	_ =	shalt  }
0x6c: {  	_ =	shalt  }
0x6d: {  	_ =	shalt  }
0x6e: {  	_ =	shalt  }
0x6f: {  	_ =	shalt  }
0x70: {  	_ =	shalt  }
0x71: {  	_ =	shalt  }
0x72: {  	_ =	shalt  }
0x73: {  	_ =	shalt  }
0x74: {  	_ =	shalt  }
0x75: {  	_ =	shalt  }
0x76: {  	_ =	shalt  }
0x77: {  	_ =	shalt  }
0x78: {  	_ =	shalt  }
0x79: {  	_ =	shalt  }
0x7a: {  	_ =	shalt  }
0x7b: {  	_ =	shalt  }
0x7c: {  	_ =	shalt  }
0x7d: {  	_ =	shalt  }
0x7e: {  	_ =	shalt  }
0x7f: {  	_ =	shalt  }
0x80: {  	_ =	shalt  }
0x81: {  	_ =	shalt  }
0x82: {  	_ =	shalt  }
0x83: {  	_ =	shalt  }
0x84: {  	_ =	shalt  }
0x85: {  	_ =	shalt  }
0x86: {  	_ =	shalt  }
0x87: {  	_ =	shalt  }
.Lfunc_end0:
.L_simem_size_0:
called_computation.4_lowered:
.L_overlay_start_0:
0x88: {  	s2 =	sld [smem:$0x3FD9]  }
0x89: {  	s3 =	sld [smem:$0x3FFE];
	_ =	sdelay $0x1  }
0x8a: {  	s1 =	srdreg.scid  }
0x8b: {  	s0 =	sand.u32 $0x1, s1  }
0x8c: {  	s14 =	sshll.u32 s0, $0xA;
	s2 =	sadd.s32 s3, s2  }
0x8d: {  	s2 =	sadd.s32 s2, s14  }
0x8e: {  	[smem:$0x3FB4] =	sst s2  }
0x8f: {  	_ = 	snop  }
0x90: {  	s2 =	sld [smem:$0x3FD0];
	_ =	sdelay $0x2  }
0x91: {  	s15 =	simm.s32 $0xD;
	s4 =	simm.s32 $0x10  }
0x92: {  	[smem:s4], [sflag:s15] =	dma.local [hbm:s2], $0x1  }
0x93: {  	_ =	swait.eq [sflag:s15], $0x1  }
0x94: {  	[sflag:s15] =	ssyncset.done $0x0  }
0x95: {  	[sflag:s15] =	ssyncadd.s32 $0xFFFFFFFF  }
0x96: {  	s16 =	sld [smem:$0x10];
	(tm) =	ssettm $0x1  }
0x97: {  	s17 =	sld [smem:$0x3FFB];
	_ =	sdelay $0x3  }
0x98: {  	_ =	strace s17  }
0x99: {  	s3 =	sld [smem:$0x3FFC];
	_ =	sdelay $0x3  }
0x9a: {  	_ =	strace s3  }
0x9b: {  	s3 =	sld [smem:$0x3FFD];
	_ =	sdelay $0x3  }
0x9c: {  	_ =	strace s3  }
0x9d: {  	_ =	strace $0x8FFFFFFF  }
0x9e: {  	s18 =	sld [smem:$0x3FDB];
	_ =	sdelay $0x1  }
0x9f: {  	s19 =	simm.s32 $_scs_section_size  }
0xa0: {  	s5 =	simm.s32 $_size__tile_overlayer_lowered;
	s6 =	simm.s32 $_tile_overlayer_lowered  }
0xa1: {  	s22 =	simm.s32 $0x1BFF;
	s21 =	sshll.u32 s6, $0x1;
	s3 =	sadd.s32 s19, s18  }
0xa2: {  	s7 =	simm.s32 $0x0;
	s20 =	sshll.u32 s5, $0x1;
	s5 =	sadd.s32 s21, s3  }
0xa3: {  	[timem:s7], [sflag:s22] =	dma.local [hbm:s5], s20  }
0xa4: {  	_ =	swait.ge [sflag:s22], s20  }
0xa5: {  	s4 =	ssub.s32 $0x0, s20;
	[sflag:s22] =	ssyncset.done $0x0  }
0xa6: {  	[sflag:s22] =	ssyncadd.s32 s4;
	_ =	sdelay $0x1  }
0xa7: {  	s23 =	simm.s32 $0x1B8B  }
0xa8: {  	_ =	swait.ge [sflag:s23], $0x1  }
0xa9: {  	[sflag:s23] =	ssyncset.done $0x0  }
0xaa: {  	s25 =	simm.s32 $0x1B8E;
	s24 =	sld [smem:$0x3FFE];
	[sflag:s23] =	ssyncadd.s32 $0xFFFFFFFF  }
0xab: {  	s26 =	simm.s32 $execute0_lowered;
	[smem:$0x3FD2] =	sst s25  }
0xac: {  	s5 =	sshll.u32 s26, $0x1;
	_ =	strace $0x80000055;
	[dreg:$0x1] =	wrdreg $0xFFFFFFFF  }
0xad: {  	s28 =	simm.s32 $_size_execute0_lowered;
	s3 =	sadd.s32 s3, s5;
	[dreg:$0x0] =	wrdreg $0x0  }
0xae: {  	s5 =	sshll.u32 s28, $0x1;
	[dreg:$0x2] =	wrdreg s3  }
0xaf: {  	[dreg:$0x3] =	wrdreg s5  }
0xb0: {  	[dreg:$0x4] =	wrdreg $0xC0  }
0xb1: {  	_ =	task [dreg:s7], $0x5FFFF  }
0xb2: {  	[dreg:$0x1] =	wrdreg $0xFFFFFFFF  }
0xb3: {  	[dreg:$0x0] =	wrdreg $0x60  }
0xb4: {  	[dreg:$0x2] =	wrdreg s24  }
0xb5: {  	[dreg:$0x3] =	wrdreg s16  }
0xb6: {  	[dreg:$0x4] =	wrdreg $0xA1000  }
0xb7: {  	[dreg:$0x5] =	wrdreg $0x9  }
0xb8: {  	_ =	task.clear_ibuf [dreg:s7], $0x6FFFF;
	_ =	strace $0x90000055  }
0xb9: {  	s29 =	simm.s32 $0x9;
	_ =	strace $0x80000057  }
0xba: {  	_ =	swait.ge [sflag:s29], $0x1  }
0xbb: {  	[sflag:s29] =	ssyncadd.s32 $0xFFFFFFFF  }
0xbc: {  	_ =	strace $0x90000057  }
0xbd: {  	_ =	sfence  }
0xbe: {  	s30 =	sld [smem:$0x0];
	_ =	sdelay $0x2  }
0xbf: {  	s31 =	sshll.u32 s1, $0xD;
	s1 =	sshrl.u32 s1, $0x2  }
0xc0: {  	s3 =	sand.u32 $0x4000, s31;
	s1 =	sadd.s32 s1, s30  }
0xc1: {  	s0 =	sor.u32 s3, s0;
	s1 =	sshll.u32 s1, $0x11  }
0xc2: {  	s0 =	sor.u32 s1, s0  }
0xc3: {  	s0 =	sadd.s32 $0x8F2B, s0  }
0xc4: {  	[sflag:s0] =	ssyncadd.remote.s32 $0x1  }
0xc5: {  	_ =	sfence.sel $0xFFFF  }
0xc6: {  	[dreg:$0x0] =	wrdreg $0xFFFFFFFF;
	(pc) =	sbr.abs _section_cstart, $3  }
0xc7: {  	[dreg:$0x1] =	wrdreg $0xFFFFFFFF  }
0xc8: {  	_ =	task.clear_ibuf [dreg:s7], $0x2FFFF;
	_ =	strace $0x9FFFFFFF  }
0xc9: {  	(tm) =	ssettm $0x7FFFFFFF  }
tec
execute0_lowered:
.L_overlay_start_1:
0x0: {  	(tag) =	ssettag $0x1  }
0x1: {  	s9 =	rddreg [dreg:$0x0]  }
0x2: {  	s1 =	rddreg [dreg:$0x1]  }
0x3: {  	s2 =	rddreg [dreg:$0x2]  }
0x4: {  	s0 =	rddreg [dreg:$0x3];
	s3 =	simm.s32 $0x0;
	s5 =	srdreg.scid  }
0x5: {  	s21 =	simm.s32 $0xA0;
	s22 =	simm.s32 $0x1;
	s23 =	simm.s32 $0x5100  }
0x6: {  	s24 =	simm.s32 $0x0;
	[smem:$0x7FF] =	sst s3;
	s4 =	sadd.s32 $0x6E00, s9  }
0x7: {  	s6 =	sadd.s32 $0xA4C200, s9;
	s7 =	sadd.s32 $0x1E22E00, s9;
	s10 =	sand.u32 $0x1, s5  }
0x8: {  	s8 =	sadd.s32 $0x1DD4C00, s9;
	s5 =	stileid.u32;
	s18 =	sadd.s32 $0x4FCA00, s9  }
0x9: {  	_ =	strace $0x80000056;
	s11 =	ssub.s32 $0x2, s10;
	s12 =	smul.u32 $0x50000, s5  }
0xa: {  	s30 =	sshll.u32 s10, $0x4;
	s13 =	smul.u32 $0x14000, s5;
	s29 =	sshrl.u32 s11, $0x1  }
0xb: {  	s16 =	smul.u32 $0x140000, s10;
	s9 =	sor.u32 s5, s30;
	s11 =	ssub.s32 s11, s29  }
0xc: {  	s31 =	sshrl.u32 s12, $0x2;
	s9 =	smul.u32 $0x4E20, s9;
	s17 =	sadd.s32 $0x5000, s13  }
0xd: {  	s14 =	sadd.s32 s16, s13;
	s19 =	sadd.s32 $0xA000, s13;
	s20 =	sadd.s32 $0xF000, s13  }
0xe: {  	s10 =	sadd.s32 s31, s2;
	s11 =	smax.u32 s11, $0x1;
	s12 =	sadd.s32 s17, s2  }
0xf: {  	s15 =	sshrl.u32 s14, $0x3;
	s13 =	sadd.s32 s19, s2;
	s14 =	sadd.s32 s20, s2  }
0x10: {  	s17 =	sadd.s32 s16, s17;
	s19 =	sadd.s32 s16, s19;
	s16 =	sadd.s32 s16, s20  }
0x11: {  	s15 =	sadd.s32 s18, s15;
	s17 =	sshrl.u32 s17, $0x3;
	s19 =	sshrl.u32 s19, $0x3  }
0x12: {  	s20 =	sshrl.u32 s16, $0x3;
	s16 =	sadd.s32 s18, s17;
	s17 =	sadd.s32 s18, s19  }
0x13: {  	s18 =	sadd.s32 s18, s20;
	s19 =	simm.s32 $0x100;
	s20 =	simm.s32 $0x2  }
.LBB2_1:
0x14: {  	[tilespmem:s19], [sflag:$0x2] =	stream.linear.gather [hbm4b:s8+s3], $0x5000, $0x38;
	[tilespmem:$0x1E100] =	vst v63  }
0x15: {  	_ =	swait.ge [sflag:s20], $0x5000  }
0x16: {  	[sflag:s20] =	ssyncset.done $0x0  }
0x17: {  	[sflag:s20] =	ssyncadd.s32 $0xFFFFB000  }
0x18: {  	[spmem:s10] =	stream.linear.scatter [tilespmem:s19], [sflag:$0x2], $0x5000, $0x38;
	[tilespmem:$0x1E100] =	vst v63  }
0x19: {  	_ =	swait.ge [sflag:s20], $0x5000  }
0x1a: {  	[sflag:s20] =	ssyncset.done $0x0  }
0x1b: {  	[sflag:s20] =	ssyncadd.s32 $0xFFFFB000  }
0x1c: {  	[spmem:s12] =	stream.linear.scatter [tilespmem:s19], [sflag:$0x2], $0x5000, $0x38;
	[tilespmem:$0x1E100] =	vst v63  }
0x1d: {  	_ =	swait.ge [sflag:s20], $0x5000  }
0x1e: {  	[sflag:s20] =	ssyncset.done $0x0  }
0x1f: {  	[sflag:s20] =	ssyncadd.s32 $0xFFFFB000  }
0x20: {  	[spmem:s13] =	stream.linear.scatter [tilespmem:s19], [sflag:$0x2], $0x5000, $0x38;
	[tilespmem:$0x1E100] =	vst v63  }
0x21: {  	_ =	swait.ge [sflag:s20], $0x5000  }
0x22: {  	[sflag:s20] =	ssyncset.done $0x0  }
0x23: {  	[sflag:s20] =	ssyncadd.s32 $0xFFFFB000  }
0x24: {  	[spmem:s14] =	stream.linear.scatter [tilespmem:s19], [sflag:$0x2], $0x5000, $0x38;
	[tilespmem:$0x1E100] =	vst v63  }
0x25: {  	_ =	swait.ge [sflag:s20], $0x5000  }
0x26: {  	[sflag:s20] =	ssyncset.done $0x0  }
0x27: {  	[sflag:s20] =	ssyncadd.s32 $0xFFFFB000  }
0x28: {  	s25 =	simm.s32 $0x0;
	[bflag:$0x0] =	sbarrier.arrive $0xFFFF  }
.LBB2_2:
0x29: {  	s26 =	smul.u32 $0xA0, s25;
	_ =	sdelay $0x1  }
0x2a: {  	s28 =	sadd.s32 s9, s26  }
0x2b: {  	s26 =	sshrl.u32 s28, $0x3  }
0x2c: {  	s30 =	simm.s32 $0x0;
	s29 =	sadd.s32 s1, s26  }
0x2d: {  	[tilespmem:s30], [sflag:$0x2] =	stream.linear.gather [hbm4b:s29+s30], $0xA0, $0x38;
	[tilespmem:$0x1E100] =	vst v63  }
0x2e: {  	_ =	swait.ge [sflag:s20], $0xA0  }
0x2f: {  	[sflag:s20] =	ssyncset.done $0x0  }
0x30: {  	[sflag:s20] =	ssyncadd.s32 $0xFFFFFF60  }
0x31: {  	[tilespmem:s19], [sflag:$0x1] =	stream.indirect.gather [hbm4b:s6+s21], $0x80, s30, s21, $0xb8;
	[tilespmem:$0x1E100] =	vst v63  }
0x32: {  	_ =	swait.ge [sflag:s22], $0x5000  }
0x33: {  	s28 =	sshll.u32 s28, $0x4;
	[sflag:s22] =	ssyncset.done $0x0  }
0x34: {  	s28 =	sadd.s32 s7, s28;
	[sflag:s22] =	ssyncadd.s32 $0xFFFFB000  }
0x35: {  	[tilespmem:s23], [sflag:$0x2] =	stream.linear.gather [hbm4b:s28+s30], $0x5000, $0x38;
	[tilespmem:$0x1E100] =	vst v63  }
0x36: {  	_ =	swait.ge [sflag:s20], $0x5000  }
0x37: {  	[sflag:s20] =	ssyncset.done $0x0  }
0x38: {  	s28 =	simm.s32 $0x0;
	[sflag:s20] =	ssyncadd.s32 $0xFFFFB000  }
0x39: {  	v7 =	vld [tilespmem:s28+$0x5100]  }
0x3a: {  	v11 =	vld [tilespmem:s28+$0x5110]  }
0x3b: {  	v5 =	vld [tilespmem:s28+$0x5120]  }
0x3c: {  	v4 =	vld [tilespmem:s28+$0x5130]  }
0x3d: {  	v3 =	vld [tilespmem:s28+$0x5140]  }
0x3e: {  	v2 =	vld [tilespmem:s28+$0x5150]  }
0x3f: {  	v1 =	vld [tilespmem:s28+$0x5160]  }
0x40: {  	v0 =	vld [tilespmem:s28+$0x5170]  }
0x41: {  	v12 =	vld [tilespmem:s28+$0x100]  }
0x42: {  	v13 =	vld [tilespmem:s28+$0x110]  }
0x43: {  	v10 =	vld [tilespmem:s28+$0x120]  }
0x44: {  	v9 =	vld [tilespmem:s28+$0x130]  }
0x45: {  	v8 =	vld [tilespmem:s28+$0x140]  }
0x46: {  	v6 =	vld [tilespmem:s28+$0x150];
	v12 =	vsub.f32 v12, v7  }
0x47: {  	s29 =	simm.s32 $0x200;
	v11 =	vsub.f32 v13, v11;
	v7 =	vld [tilespmem:s28+$0x160]  }
.LBB2_3:
0x48: {  	s30 =	sshra.s32 s29, $0x2;
	p0 =	sne.s32 s29, $0x13E00;
	[tilespmem:s28+$0x100] =	vst v12;
	v5 =	vsub.f32 v10, v5;
	v10 =	vld [tilespmem:s28+$0x170]  }
0x49: {  	v12 =	vld [tilespmem:s30+$0x5100];
	[tilespmem:s28+$0x110] =	vst v11;
	v4 =	vsub.f32 v9, v4  }
0x4a: {  	v11 =	vld [tilespmem:s30+$0x5110];
	[tilespmem:s28+$0x120] =	vst v5;
	v3 =	vsub.f32 v8, v3  }
0x4b: {  	v5 =	vld [tilespmem:s30+$0x5120];
	[tilespmem:s28+$0x130] =	vst v4;
	v2 =	vsub.f32 v6, v2  }
0x4c: {  	v4 =	vld [tilespmem:s30+$0x5130];
	[tilespmem:s28+$0x140] =	vst v3;
	v1 =	vsub.f32 v7, v1  }
0x4d: {  	v3 =	vld [tilespmem:s30+$0x5140];
	[tilespmem:s28+$0x150] =	vst v2;
	v0 =	vsub.f32 v10, v0  }
0x4e: {  	v2 =	vld [tilespmem:s30+$0x5150];
	[tilespmem:s28+$0x160] =	vst v1  }
0x4f: {  	v1 =	vld [tilespmem:s30+$0x5160];
	[tilespmem:s28+$0x170] =	vst v0;
	s28 =	smov.u32 s30  }
0x50: {  	v0 =	vld [tilespmem:s28+$0x5170]  }
0x51: {  	v6 =	vld [tilespmem:s28+$0x100]  }
0x52: {  	v7 =	vld [tilespmem:s28+$0x110]  }
.Ltmp0:
0x53: {  	v10 =	vld [tilespmem:s28+$0x120];
	(pc) =	sbr.rel @p0 .LBB2_3-.Ltmp0, $4  }
0x54: {  	v9 =	vld [tilespmem:s28+$0x130]  }
0x55: {  	v8 =	vld [tilespmem:s28+$0x140]  }
0x56: {  	v12 =	vsub.f32 v6, v12;
	v6 =	vld [tilespmem:s28+$0x150]  }
0x57: {  	s29 =	sadd.s32 $0x200, s29;
	v11 =	vsub.f32 v7, v11;
	v7 =	vld [tilespmem:s28+$0x160]  }
0x58: {  	[tilespmem:s28+$0x100] =	vst v12;
	v5 =	vsub.f32 v10, v5;
	v63 =	vld [tilespmem:s28+$0x170]  }
0x59: {  	[tilespmem:s28+$0x110] =	vst v11;
	v4 =	vsub.f32 v9, v4  }
0x5a: {  	[tilespmem:s28+$0x120] =	vst v5;
	v3 =	vsub.f32 v8, v3  }
0x5b: {  	[tilespmem:s28+$0x130] =	vst v4;
	v2 =	vsub.f32 v6, v2  }
0x5c: {  	[tilespmem:s28+$0x140] =	vst v3;
	v1 =	vsub.f32 v7, v1  }
0x5d: {  	[tilespmem:s28+$0x150] =	vst v2;
	v0 =	vsub.f32 v63, v0  }
0x5e: {  	[tilespmem:s28+$0x160] =	vst v1  }
0x5f: {  	s26 =	sadd.s32 s4, s26;
	[tilespmem:s28+$0x170] =	vst v0  }
0x60: {  	[tilespmem:s3], [sflag:$0x2] =	stream.linear.gather [hbm4b:s26+s3], $0xA0, $0x38;
	[tilespmem:$0x1E100] =	vst v63  }
0x61: {  	s25 =	sadd.s32 $0x1, s25;
	_ =	swait.ge [sflag:s20], $0xA0  }
0x62: {  	p0 =	sne.s32 s25, $0x7D;
	[sflag:s20] =	ssyncset.done $0x0  }
.Ltmp1:
0x63: {  	[sflag:s20] =	ssyncadd.s32 $0xFFFFFF60;
	(pc) =	sbr.rel @p0 .LBB2_2-.Ltmp1, $4  }
0x64: {  	[spmem:s2] =	stream.indirect.scatter.add.f32 [tilespmem:s19], [sflag:$0x2], $0x80, s3, s21, $0xb8;
	[tilespmem:$0x1E100] =	vst v63  }
0x65: {  	_ =	swait.ge [sflag:s20], $0x5000  }
0x66: {  	[sflag:s20] =	ssyncset.done $0x0  }
0x67: {  	[sflag:s20] =	ssyncadd.s32 $0xFFFFB000  }
0x68: {  	[bflag:$0x0] =	sbarrier.arrive $0xFFFF  }
0x69: {  	[tilespmem:s19], [sflag:$0x2] =	stream.linear.gather [spmem:s10], $0x5000, $0x38;
	[tilespmem:$0x1E100] =	vst v63  }
0x6a: {  	_ =	swait.ge [sflag:s20], $0x5000  }
0x6b: {  	[sflag:s20] =	ssyncset.done $0x0  }
0x6c: {  	[sflag:s20] =	ssyncadd.s32 $0xFFFFB000  }
0x6d: {  	[hbm4b:s15+s3] =	stream.linear.scatter [tilespmem:s19], [sflag:$0x2], $0x5000, $0x38;
	[tilespmem:$0x1E100] =	vst v63  }
0x6e: {  	_ =	swait.ge [sflag:s20], $0x5000  }
0x6f: {  	[sflag:s20] =	ssyncset.done $0x0  }
0x70: {  	[sflag:s20] =	ssyncadd.s32 $0xFFFFB000  }
0x71: {  	[tilespmem:s19], [sflag:$0x2] =	stream.linear.gather [spmem:s12], $0x5000, $0x38;
	[tilespmem:$0x1E100] =	vst v63  }
0x72: {  	_ =	swait.ge [sflag:s20], $0x5000  }
0x73: {  	[sflag:s20] =	ssyncset.done $0x0  }
0x74: {  	[sflag:s20] =	ssyncadd.s32 $0xFFFFB000  }
0x75: {  	[hbm4b:s16+s3] =	stream.linear.scatter [tilespmem:s19], [sflag:$0x2], $0x5000, $0x38;
	[tilespmem:$0x1E100] =	vst v63  }
0x76: {  	_ =	swait.ge [sflag:s20], $0x5000  }
0x77: {  	[sflag:s20] =	ssyncset.done $0x0  }
0x78: {  	[sflag:s20] =	ssyncadd.s32 $0xFFFFB000  }
0x79: {  	[tilespmem:s19], [sflag:$0x2] =	stream.linear.gather [spmem:s13], $0x5000, $0x38;
	[tilespmem:$0x1E100] =	vst v63  }
0x7a: {  	_ =	swait.ge [sflag:s20], $0x5000  }
0x7b: {  	[sflag:s20] =	ssyncset.done $0x0  }
0x7c: {  	[sflag:s20] =	ssyncadd.s32 $0xFFFFB000  }
0x7d: {  	[hbm4b:s17+s3] =	stream.linear.scatter [tilespmem:s19], [sflag:$0x2], $0x5000, $0x38;
	[tilespmem:$0x1E100] =	vst v63  }
0x7e: {  	_ =	swait.ge [sflag:s20], $0x5000  }
0x7f: {  	[sflag:s20] =	ssyncset.done $0x0  }
0x80: {  	[sflag:s20] =	ssyncadd.s32 $0xFFFFB000  }
0x81: {  	[tilespmem:s19], [sflag:$0x2] =	stream.linear.gather [spmem:s14], $0x5000, $0x38;
	[tilespmem:$0x1E100] =	vst v63  }
0x82: {  	s24 =	sadd.s32 $0x1, s24;
	_ =	swait.ge [sflag:s20], $0x5000  }
0x83: {  	p0 =	sne.s32 s24, s11;
	[sflag:s20] =	ssyncset.done $0x0  }
.Ltmp2:
0x84: {  	[sflag:s20] =	ssyncadd.s32 $0xFFFFB000;
	(pc) =	sbr.rel @p0 .LBB2_1-.Ltmp2, $4  }
0x85: {  	[hbm4b:s18+s3] =	stream.linear.scatter [tilespmem:s19], [sflag:$0x2], $0x5000, $0x38;
	[tilespmem:$0x1E100] =	vst v63  }
0x86: {  	_ =	swait.ge [sflag:s20], $0x5000  }
0x87: {  	[sflag:s20] =	ssyncset.done $0x0  }
0x88: {  	[sflag:s20] =	ssyncadd.s32 $0xFFFFB000  }
0x89: {  	_ =	sfence.sel $0x180000  }
0x8a: {  	[bflag:$0x0] =	sbarrier.arrive $0xFFFF  }
0x8b: {  	p0 =	sne.s32 s5, $0x0;
	_ =	strace $0x90000056  }
0x8c: {  	s0 =	sadd.s32 @!p0 $0x100000, s0;
	[bflag:$0x2] =	sbarrier.arrive $0xFFFF  }
0x8d: {  	[sflag:s0] =	ssyncadd.tile.s32 @!p0 $0x1;
	_ =	shalt  }
.Lfunc_end2:
_tile_overlayer_lowered:
.L_overlay_start_2:
0x8e: {  	(tag) =	ssettag $0x2  }
0x8f: {  	s0 =	rddreg [dreg:$0x0];
	s2 =	stileid.u32  }
0x90: {  	s1 =	rddreg [dreg:$0x1];
	p0 =	sne.s32 s2, $0x0  }
0x91: {  	s3 =	rddreg [dreg:$0x2];
	[bflag:$0x3] =	sbarrier.arrive $0xFFFF;
	s2 =	simm.s32 @!p0 $0x1C02  }
0x92: {  	[timem:s3], [sflag:s2] =	dma.local @!p0 [hbm:s0], s1  }
0x93: {  	s0 =	simm.s32 @!p0 $0x2  }
0x94: {  	_ =	swait.ge @!p0 [sflag:s0], s1  }
0x95: {  	s1 =	ssub.s32 @!p0 $0x0, s1;
	[sflag:s0] =	ssyncset.done @!p0 $0x0  }
0x96: {  	[sflag:s0] =	ssyncadd.s32 @!p0 s1  }
0x97: {  	[bflag:$0x3] =	sbarrier.arrive $0xFFFF  }
0x98: {  	_ =	shalt  }

// kernel: scatter_offload_async_start.1
scs
__scs_entry_jumppad:
0x0: {  	(pc) =	sbr.rel $0x88, $3  }
0x1: {  	(tag) =	ssettag $0x0;
	lr =	simm.s32 $0x1  }
0x2: {  	[smem:$0x3F8D] =	sst lr;
	_ =	strace $0xD0000000  }
0x3: {  	_ = 	snop  }
0x4: {  	_ = 	snop  }
0x5: {  	_ = 	snop  }
0x6: {  	_ = 	snop  }
0x7: {  	_ = 	snop  }
__scs_overlays_trampoline_lowered:
0x8: {  	[smem:$0x3F9C] =	sst s0  }
0x9: {  	[smem:$0x3F9D] =	sst s1  }
0xa: {  	[smem:$0x3F9E] =	sst s2  }
0xb: {  	[smem:$0x3F9F] =	sst s3  }
0xc: {  	[smem:$0x3FA0] =	sst s4  }
0xd: {  	[smem:$0x3FA1] =	sst s5  }
0xe: {  	[smem:$0x3FA2] =	sst s6  }
0xf: {  	[smem:$0x3FA3] =	sst s7  }
0x10: {  	[smem:$0x3FA4] =	sst s8  }
0x11: {  	[smem:$0x3FA5] =	sst s9;
	s0 =	simm.s32 @!p0 $0x0  }
0x12: {  	s1 =	sld [smem:$0x3F8B];
	s0 =	simm.s32 @p0 $0x1  }
0x13: {  	[smem:$0x3FA6] =	sst s0;
	s0 =	simm.s32 @!p1 $0x0  }
0x14: {  	s2 =	sld [smem:$0x3F8A];
	s0 =	simm.s32 @p1 $0x1  }
0x15: {  	[smem:$0x3FA7] =	sst s0;
	s0 =	simm.s32 @!p2 $0x0  }
0x16: {  	s3 =	sld [smem:$0x3FDB];
	s0 =	simm.s32 @p2 $0x1  }
0x17: {  	s4 =	simm.s32 $0x1BF5;
	[smem:$0x3FA9] =	sst s0  }
0x18: {  	s0 =	sld [smem:$0x3F8C];
	_ =	swait.ge [sflag:s4], $0x0  }
0x19: {  	s7 =	sld [smem:$0x3F8D]  }
0x1a: {  	s8 =	sadd.s32 $0xFFFFE003, lr  }
0x1b: {  	s9 =	sadd.s32 $0xFFFFFEF7, lr;
	s5 =	simm.s32 $0xFFFFFFFF;
	p2 =	slt.u32 s8, $0xFFFFF086  }
0x1c: {  	p1 =	slt.u32 s9, $0xF7A;
	s5 =	simm.s32 @!p2 $0x0  }
0x1d: {  	s5 =	simm.s32 @p1 $0x1;
	p0 =	seq.s32 s7, s2  }
0x1e: {  	s7 =	smul.u32 @!p0 $0xF7A, s2;
	p2 =	seq.s32 @!p0 s5, $0x0  }
0x1f: {  	s9 =	smul.u32 $0xF7A, s1;
	s8 =	simm.s32 @!p0 $0x1BF5;
	p2 =	por !p2, p0  }
0x20: {  	[sflag:s8] =	ssyncset.s32 @!p0 $0xFFFFF086;
	s6 =	sadd.s32 @!p0 s3, s7;
	s7 =	simm.s32 @!p0 $0x108  }
0x21: {  	s3 =	sadd.s32 s3, s9;
	s6 =	sadd.s32 @!p0 $0x88, s6;
	s7 =	simm.s32 @p2 $0x1082  }
0x22: {  	[simem:s7], [sflag:s8] =	dma.local @!p0 [hbm:s6], $0xF7A  }
0x23: {  	s9 =	sor.u32 $0xD0000000, s2;
	s6 =	simm.s32 $0x108;
	_ =	swait.ge @!p0 [sflag:s8], $0x0  }
0x24: {  	s3 =	sadd.s32 $0x88, s3;
	s6 =	simm.s32 @!p1 $0x1082;
	[sflag:s4] =	ssyncset.s32 $0xFFFFF086  }
0x25: {  	[simem:s6], [sflag:s4] =	dma.local [hbm:s3], $0xF7A  }
0x26: {  	[smem:$0x3F8D] =	sst s1;
	(tag) =	ssettag s2;
	_ =	strace s9  }
0x27: {  	s1 =	sld [smem:$0x3F9D]  }
0x28: {  	s2 =	sld [smem:$0x3F9E]  }
0x29: {  	s4 =	sld [smem:$0x3FA0]  }
0x2a: {  	p0 =	seq.s32 s5, $0x0;
	s5 =	sld [smem:$0x3FA1]  }
0x2b: {  	s6 =	sld [smem:$0x3FA2]  }
0x2c: {  	s7 =	sld [smem:$0x3FA3]  }
0x2d: {  	s3 =	simm.s32 $0x108;
	s8 =	sld [smem:$0x3FA4]  }
0x2e: {  	s3 =	simm.s32 @!p0 $0x1082;
	s9 =	sld [smem:$0x3FA5]  }
0x2f: {  	lr =	sadd.s32 s0, s3;
	s0 =	sld [smem:$0x3F9C]  }
0x30: {  	s3 =	sld [smem:$0x3F9F]  }
0x31: {  	[smem:$0x3FA8] =	sst s10  }
0x32: {  	s10 =	sld [smem:$0x3FA6];
	_ =	sdelay $0x3  }
0x33: {  	p0 =	seq.s32 s10, $0x1;
	s10 =	sld [smem:$0x3FA8];
	_ =	sdelay $0x3  }
0x34: {  	[smem:$0x3FA8] =	sst s10  }
0x35: {  	s10 =	sld [smem:$0x3FA7];
	_ =	sdelay $0x3  }
0x36: {  	p1 =	seq.s32 s10, $0x1;
	s10 =	sld [smem:$0x3FA8];
	_ =	sdelay $0x3  }
0x37: {  	[smem:$0x3FA8] =	sst s10  }
0x38: {  	s10 =	sld [smem:$0x3FA9]  }
0x39: {  	_ = 	snop;
	(pc) =	sbr.ind lr, $3  }
0x3a: {  	_ = 	snop  }
0x3b: {  	_ = 	snop  }
0x3c: {  	p2 =	seq.s32 s10, $0x1;
	s10 =	sld [smem:$0x3FA8]  }
0x3d: {  	_ =	shalt  }
0x3e: {  	_ =	shalt  }
0x3f: {  	_ =	shalt  }
0x40: {  	_ =	shalt  }
0x41: {  	_ =	shalt  }
0x42: {  	_ =	shalt  }
0x43: {  	_ =	shalt  }
0x44: {  	_ =	shalt  }
0x45: {  	_ =	shalt  }
0x46: {  	_ =	shalt  }
0x47: {  	_ =	shalt  }
0x48: {  	_ =	shalt  }
0x49: {  	_ =	shalt  }
0x4a: {  	_ =	shalt  }
0x4b: {  	_ =	shalt  }
0x4c: {  	_ =	shalt  }
0x4d: {  	_ =	shalt  }
0x4e: {  	_ =	shalt  }
0x4f: {  	_ =	shalt  }
0x50: {  	_ =	shalt  }
0x51: {  	_ =	shalt  }
0x52: {  	_ =	shalt  }
0x53: {  	_ =	shalt  }
0x54: {  	_ =	shalt  }
0x55: {  	_ =	shalt  }
0x56: {  	_ =	shalt  }
0x57: {  	_ =	shalt  }
0x58: {  	_ =	shalt  }
0x59: {  	_ =	shalt  }
0x5a: {  	_ =	shalt  }
0x5b: {  	_ =	shalt  }
0x5c: {  	_ =	shalt  }
0x5d: {  	_ =	shalt  }
0x5e: {  	_ =	shalt  }
0x5f: {  	_ =	shalt  }
0x60: {  	_ =	shalt  }
0x61: {  	_ =	shalt  }
0x62: {  	_ =	shalt  }
0x63: {  	_ =	shalt  }
0x64: {  	_ =	shalt  }
0x65: {  	_ =	shalt  }
0x66: {  	_ =	shalt  }
0x67: {  	_ =	shalt  }
0x68: {  	_ =	shalt  }
0x69: {  	_ =	shalt  }
0x6a: {  	_ =	shalt  }
0x6b: {  	_ =	shalt  }
0x6c: {  	_ =	shalt  }
0x6d: {  	_ =	shalt  }
0x6e: {  	_ =	shalt  }
0x6f: {  	_ =	shalt  }
0x70: {  	_ =	shalt  }
0x71: {  	_ =	shalt  }
0x72: {  	_ =	shalt  }
0x73: {  	_ =	shalt  }
0x74: {  	_ =	shalt  }
0x75: {  	_ =	shalt  }
0x76: {  	_ =	shalt  }
0x77: {  	_ =	shalt  }
0x78: {  	_ =	shalt  }
0x79: {  	_ =	shalt  }
0x7a: {  	_ =	shalt  }
0x7b: {  	_ =	shalt  }
0x7c: {  	_ =	shalt  }
0x7d: {  	_ =	shalt  }
0x7e: {  	_ =	shalt  }
0x7f: {  	_ =	shalt  }
0x80: {  	_ =	shalt  }
0x81: {  	_ =	shalt  }
0x82: {  	_ =	shalt  }
0x83: {  	_ =	shalt  }
0x84: {  	_ =	shalt  }
0x85: {  	_ =	shalt  }
0x86: {  	_ =	shalt  }
0x87: {  	_ =	shalt  }
.Lfunc_end0:
.L_simem_size_0:
called_computation.1_lowered:
.L_overlay_start_0:
0x88: {  	s2 =	sld [smem:$0x3FD9]  }
0x89: {  	s3 =	sld [smem:$0x3FFE];
	_ =	sdelay $0x1  }
0x8a: {  	s1 =	srdreg.scid  }
0x8b: {  	s0 =	sand.u32 $0x1, s1  }
0x8c: {  	s15 =	sshll.u32 s0, $0xA;
	s2 =	sadd.s32 s3, s2  }
0x8d: {  	s2 =	sadd.s32 s2, s15  }
0x8e: {  	[smem:$0x3FB4] =	sst s2  }
0x8f: {  	_ = 	snop  }
0x90: {  	(tm) =	ssettm $0x1  }
0x91: {  	s16 =	sld [smem:$0x3FFB];
	_ =	sdelay $0x3  }
0x92: {  	_ =	strace s16  }
0x93: {  	s2 =	sld [smem:$0x3FFC];
	_ =	sdelay $0x3  }
0x94: {  	_ =	strace s2  }
0x95: {  	s2 =	sld [smem:$0x3FFD];
	_ =	sdelay $0x3  }
0x96: {  	_ =	strace s2  }
0x97: {  	_ =	strace $0x8FFFFFFF  }
0x98: {  	s17 =	sld [smem:$0x3FDB];
	_ =	sdelay $0x1  }
0x99: {  	s18 =	simm.s32 $_scs_section_size  }
0x9a: {  	s4 =	simm.s32 $_size__tile_overlayer_lowered;
	s5 =	simm.s32 $_tile_overlayer_lowered  }
0x9b: {  	s21 =	simm.s32 $0x1BFF;
	s20 =	sshll.u32 s5, $0x1;
	s2 =	sadd.s32 s18, s17  }
0x9c: {  	s6 =	simm.s32 $0x0;
	s19 =	sshll.u32 s4, $0x1;
	s4 =	sadd.s32 s20, s2  }
0x9d: {  	[timem:s6], [sflag:s21] =	dma.local [hbm:s4], s19  }
0x9e: {  	_ =	swait.ge [sflag:s21], s19  }
0x9f: {  	s3 =	ssub.s32 $0x0, s19;
	[sflag:s21] =	ssyncset.done $0x0  }
0xa0: {  	[sflag:s21] =	ssyncadd.s32 s3;
	_ =	sdelay $0x1  }
0xa1: {  	s22 =	simm.s32 $0x1B8B  }
0xa2: {  	_ =	swait.ge [sflag:s22], $0x1  }
0xa3: {  	[sflag:s22] =	ssyncset.done $0x0  }
0xa4: {  	s23 =	sld [smem:$0x3FFE];
	[sflag:s22] =	ssyncadd.s32 $0xFFFFFFFF  }
0xa5: {  	s25 =	simm.s32 $0x1B8E;
	s24 =	sld [smem:$0x0]  }
0xa6: {  	s26 =	simm.s32 $execute0_lowered;
	[smem:$0x3FD2] =	sst s25  }
0xa7: {  	s5 =	sshll.u32 s26, $0x1;
	_ =	strace $0x80000052;
	[dreg:$0x1] =	wrdreg $0xFFFFFFFF  }
0xa8: {  	s28 =	simm.s32 $_size_execute0_lowered;
	s2 =	sadd.s32 s2, s5;
	[dreg:$0x0] =	wrdreg $0x0  }
0xa9: {  	s5 =	sshll.u32 s28, $0x1;
	[dreg:$0x2] =	wrdreg s2  }
0xaa: {  	[dreg:$0x3] =	wrdreg s5  }
0xab: {  	[dreg:$0x4] =	wrdreg $0xC0  }
0xac: {  	_ =	task [dreg:s6], $0x5FFFF  }
0xad: {  	[dreg:$0x1] =	wrdreg $0xFFFFFFFF  }
0xae: {  	[dreg:$0x0] =	wrdreg $0x60  }
0xaf: {  	[dreg:$0x2] =	wrdreg s23  }
0xb0: {  	[dreg:$0x3] =	wrdreg s1  }
0xb1: {  	[dreg:$0x4] =	wrdreg s24  }
0xb2: {  	[dreg:$0x5] =	wrdreg $0x9  }
0xb3: {  	_ =	task.clear_ibuf [dreg:s6], $0x6FFFF;
	_ =	strace $0x90000052  }
0xb4: {  	s29 =	simm.s32 $0x9;
	_ =	strace $0x80000054  }
0xb5: {  	_ =	swait.ge [sflag:s29], $0x1  }
0xb6: {  	[sflag:s29] =	ssyncadd.s32 $0xFFFFFFFF  }
0xb7: {  	_ =	strace $0x90000054  }
0xb8: {  	_ =	sfence  }
0xb9: {  	s30 =	sld [smem:$0x0];
	_ =	sdelay $0x2  }
0xba: {  	s31 =	sshll.u32 s1, $0xD;
	s1 =	sshrl.u32 s1, $0x2  }
0xbb: {  	s3 =	sand.u32 $0x4000, s31;
	s1 =	sadd.s32 s1, s30  }
0xbc: {  	s0 =	sor.u32 s3, s0;
	s1 =	sshll.u32 s1, $0x11  }
0xbd: {  	s0 =	sor.u32 s1, s0  }
0xbe: {  	s0 =	sadd.s32 $0x8F2B, s0  }
0xbf: {  	[sflag:s0] =	ssyncadd.remote.s32 $0x1  }
0xc0: {  	_ =	sfence.sel $0xFFFF  }
0xc1: {  	[dreg:$0x0] =	wrdreg $0xFFFFFFFF;
	(pc) =	sbr.abs _section_cstart, $3  }
0xc2: {  	[dreg:$0x1] =	wrdreg $0xFFFFFFFF  }
0xc3: {  	_ =	task.clear_ibuf [dreg:s6], $0x2FFFF;
	_ =	strace $0x9FFFFFFF  }
0xc4: {  	(tm) =	ssettm $0x7FFFFFFF  }
0xc5: {  	_ =	shalt  }
tec
execute0_lowered:
.L_overlay_start_1:
0x0: {  	(tag) =	ssettag $0x1  }
0x1: {  	s2 =	rddreg [dreg:$0x0]  }
0x2: {  	s3 =	rddreg [dreg:$0x1];
	_ =	strace $0x80000053;
	s0 =	simm.s32 $0x1  }
0x3: {  	v0 =	vimm.s32 $0x0;
	[sflag:s0] =	ssyncpa.u1 $0x0;
	s0 =	simm.s32 $0x108  }
0x4: {  	[tilespmem:s0+$0x70] =	vst v0  }
0x5: {  	[tilespmem:s0+$0x60] =	vst v0  }
0x6: {  	[tilespmem:s0+$0x50] =	vst v0  }
0x7: {  	[tilespmem:s0+$0x40] =	vst v0  }
0x8: {  	s1 =	sadd.s32 $0xA4C200, s2;
	[tilespmem:s0+$0x30] =	vst v0  }
0x9: {  	s15 =	sadd.s32 $0xA1AE00, s2;
	s6 =	sadd.s32 $0x1E22E00, s2;
	[tilespmem:s0+$0x20] =	vst v0  }
0xa: {  	s14 =	sadd.s32 $0xA2E800, s2;
	s5 =	sand.u32 $0x1, s3;
	s3 =	simm.s32 $0x40;
	[tilespmem:s0+$0x10] =	vst v0  }
.LBB2_1:
0xb: {  	s3 =	sadd.s32 $0x40, s3;
	[tilespmem:s0+$0x0] =	vst v0;
	s0 =	sadd.s32 $0x80, s0  }
0xc: {  	p0 =	slt.u32 s3, $0x3C40;
	[tilespmem:s0+$0x70] =	vst v0  }
0xd: {  	[tilespmem:s0+$0x60] =	vst v0  }
.Ltmp0:
0xe: {  	[tilespmem:s0+$0x50] =	vst v0;
	(pc) =	sbr.rel @p0 .LBB2_1-.Ltmp0, $4  }
0xf: {  	[tilespmem:s0+$0x40] =	vst v0  }
0x10: {  	[tilespmem:s0+$0x30] =	vst v0  }
0x11: {  	[tilespmem:s0+$0x20] =	vst v0  }
0x12: {  	[tilespmem:s0+$0x10] =	vst v0  }
0x13: {  	s9 =	stileid.u32  }
0x14: {  	s2 =	smul.u32 $0x53, s9  }
0x15: {  	s3 =	smin.u32 s9, $0x6  }
0x16: {  	s2 =	sadd.s32 s3, s2  }
0x17: {  	p0 =	slt.u32 s9, $0x6;
	s7 =	smul.u32 $0xF0, s2;
	s2 =	simm.s32 $0x4EC0  }
0x18: {  	s2 =	simm.s32 @!p0 $0x4DD0  }
0x19: {  	s2 =	sadd.s32 s2, s7  }
0x1a: {  	s8 =	smin.u32 s2, $0x4E200  }
0x1b: {  	s2 =	ssub.s32 s8, s7  }
0x1c: {  	p0 =	sgt.s32 s2, $0x0  }
0x1d: {  	s29 =	simm.s32 $0x2;
	s10 =	simm.s32 $0x9;
	s2 =	simm.s32 @!p0 $0x0  }
0x1e: {  	s4 =	simm.s32 $0xA;
	s11 =	simm.s32 $0xB;
	s28 =	smulhi.u32 $0x88888889, s2  }
0x1f: {  	[dreg:$0x4] =	wrdreg s5;
	s31 =	smul.u32 $0x9C40, s5;
	s12 =	simm.s32 $0x1  }
0x20: {  	s22 =	simm.s32 $0x0;
	s18 =	simm.s32 $0xC;
	s30 =	sshrl.u32 s28, $0x7  }
0x21: {  	s20 =	simm.s32 $0x0;
	s21 =	simm.s32 $0x0;
	s3 =	smul.u32 $0xF0, s30  }
.Ltmp1:
0x22: {  	[tilespmem:s0+$0x0] =	vst v0;
	v0 =	vimm.s32 $0xFFFFFFFF;
	[sflag:s29] =	ssyncpa.u1 $0x0;
	s16 =	sshll.u32 s9, $0x8;
	(pc) =	sbr.rel .LBB2_3-.Ltmp1, $4  }
0x23: {  	[tilespmem:$0xF208] =	vst v0;
	[sflag:s10] =	ssyncpa.u1 $0x0;
	p0 =	sne.s32 s2, s3;
	s2 =	simm.s32 $0x1  }
0x24: {  	s14 =	sadd.s32 s31, s14;
	[sflag:s4] =	ssyncpa.u1 $0x0;
	s2 =	simm.s32 @!p0 $0x0  }
0x25: {  	s15 =	sadd.s32 s31, s15;
	[sflag:s11] =	ssyncpa.u1 $0x0;
	s13 =	sadd.s32 s2, s30  }
0x26: {  	v0 =	vlaneseq.u32;
	s19 =	smov.u32 s7;
	p0 =	por $0x0, $0x0;
	s17 =	sadd.s32 $0x1, s13  }
.LBB2_18:
0x27: {  	s0 =	sshrl.u32 s31, $0x2  }
.LBB2_20:
0x28: {  	_ =	swait.ge [sflag:s18], s0  }
0x29: {  	s31 =	ssub.s32 $0x0, s0;
	v1 =	vmov s24;
	vm0 =	veq.s32 v0, $0x0;
	[sflag:s18] =	ssyncset.done $0x0  }
0x2a: {  	vm15 =	veq.s32 v0, $0x2;
	v1 =	vsel vm0, s30, v1;
	[sflag:s18] =	ssyncadd.s32 s31  }
0x2b: {  	v1 =	vsel vm15, s22, v1;
	[sflag:s18] =	ssyncpa.u1 $0x1  }
0x2c: {  	[tilespmem:$0xF208] =	vst v1  }
.LBB2_21:
0x2d: {  	s0 =	sadd.s32 $0xF0, s19  }
0x2e: {  	s2 =	smov.u32 s7;
	p1 =	slt.s32 s0, s8  }
0x2f: {  	s2 =	smov.u32 @p1 s0;
	p1 =	sne.s32 s21, s17  }
.Ltmp2:
0x30: {  	_ = 	snop;
	(pc) =	sbr.rel @!p1 .LBB2_22-.Ltmp2, $3  }
0x31: {  	_ =	sdelay $0x1  }
0x32: {  	s22 =	smov.u32 s20;
	s31 =	sadd.s32 $0x1, s21;
	s20 =	smov.u32 s19  }
0x33: {  	p0 =	por !p0, !p0;
	s21 =	smov.u32 s31;
	s19 =	smov.u32 s2  }
.LBB2_3:
0x34: {  	p1 =	sge.u32 s21, s13  }
0x35: {  	s0 =	smulhi.u32 @!p1 $0xAAAAAAAB, s21  }
0x36: {  	s2 =	smov.u32 s19;
	p2 =	sgt.s32 @!p1 s19, $0x4E110  }
0x37: {  	s3 =	sshra.s32 @!p1 s19, $0x1F;
	p2 =	por !p2, p1;
	s0 =	sshrl.u32 @!p1 s0, $0x1  }
0x38: {  	s3 =	sand.u32 @!p1 s3, s19;
	s2 =	simm.s32 @p2 $0x4E110;
	s0 =	smul.u32 @!p1 $0x3, s0  }
0x39: {  	s2 =	ssub.s32 @!p1 s2, s3  }
0x3a: {  	s2 =	sadd.s32 @!p1 $0xFFFB1EF0, s2;
	s0 =	ssub.s32 @!p1 s21, s0  }
0x3b: {  	s3 =	sshll.u32 @!p1 s2, $0x2;
	p2 =	sgt.s32 @!p1 s2, $0xEF;
	s0 =	smul.u32 @!p1 $0x3C0, s0  }
0x3c: {  	s4 =	sand.u32 @!p1 $0x7, s19;
	s2 =	ssub.s32 @!p1 $0x3C0, s3;
	p2 =	por !p2, p1  }
0x3d: {  	s3 =	sshrl.u32 @!p1 s19, $0x3;
	s2 =	sshrl.u32 @!p1 s2, $0x2;
	s0 =	sshrl.u32 @!p1 s0, $0x2  }
0x3e: {  	s3 =	sadd.s32 @!p1 s3, s14;
	s2 =	simm.s32 @!p2 $0x0;
	s0 =	sadd.s32 @!p1 $0x10248, s0  }
0x3f: {  	[tilespmem:s0], [sflag:$0xA] =	stream.linear.gather @!p1 [hbm4b:s3+s4], s2, $0x38;
	[tilespmem:$0x1F6F8] =	vst v63  }
0x40: {  	s0 =	sadd.s32 $0xFFFFFFFF, s21  }
0x41: {  	p1 =	sge.u32 s0, s13  }
0x42: {  	p2 =	sgt.s32 @!p1 s20, $0x4E110  }
0x43: {  	s2 =	smov.u32 s20;
	s3 =	sshra.s32 @!p1 s20, $0x1F;
	p2 =	por !p2, p1  }
0x44: {  	s3 =	sand.u32 @!p1 s3, s20;
	s2 =	simm.s32 @p2 $0x4E110  }
0x45: {  	s2 =	ssub.s32 @!p1 s2, s3  }
0x46: {  	s2 =	sadd.s32 @!p1 $0xFFFB1EF0, s2  }
0x47: {  	s4 =	sand.u32 @!p1 $0x1, s0;
	s3 =	sshll.u32 @!p1 s2, $0x2  }
0x48: {  	p2 =	sgt.s32 @!p1 s2, $0xEF;
	s2 =	ssub.s32 @!p1 $0x3C0, s3;
	s3 =	smulhi.u32 @!p1 $0xAAAAAAAB, s0  }
0x49: {  	s23 =	smul.u32 @!p1 $0x3C0, s4;
	p2 =	por !p2, p1;
	s2 =	sshrl.u32 @!p1 s2, $0x2  }
0x4a: {  	s5 =	simm.s32 @!p1 $0xA;
	s2 =	simm.s32 @!p2 $0x0;
	s3 =	sshrl.u32 @!p1 s3, $0x1  }
0x4b: {  	s23 =	sshrl.u32 @!p1 s23, $0x2;
	_ =	swait.ge @!p1 [sflag:s5], s2;
	s3 =	smul.u32 @!p1 $0x3, s3  }
0x4c: {  	s23 =	sadd.s32 @!p1 $0x10518, s23;
	s24 =	ssub.s32 @!p1 $0x0, s2;
	[sflag:s5] =	ssyncset.done @!p1 $0x0  }
0x4d: {  	[sflag:s5] =	ssyncadd.s32 @!p1 s24;
	s5 =	sshrl.u32 @!p1 s20, $0x3;
	s0 =	ssub.s32 @!p1 s0, s3  }
0x4e: {  	s24 =	sand.u32 @!p1 $0x7, s20;
	s5 =	sadd.s32 @!p1 s5, s15;
	s0 =	smul.u32 @!p1 $0x3C0, s0  }
0x4f: {  	[tilespmem:s23], [sflag:$0xB] =	stream.linear.gather @!p1 [hbm4b:s5+s24], s2, $0x38;
	[tilespmem:$0x1F6F8] =	vst v63  }
0x50: {  	s3 =	ssub.s32 @!p1 $0x4E200, s20;
	s2 =	smul.u32 @!p1 $0x1E000, s4  }
0x51: {  	p2 =	slt.s32 @!p1 s3, $0xF0  }
0x52: {  	p2 =	por !p2, p1;
	s0 =	sshrl.u32 @!p1 s0, $0x2;
	s2 =	sshrl.u32 @!p1 s2, $0x2  }
0x53: {  	s3 =	simm.s32 @p2 $0xF0;
	s0 =	sadd.s32 @!p1 $0x10248, s0;
	s2 =	sor.u32 @!p1 $0x106F8, s2  }
0x54: {  	[tilespmem:s2], [sflag:$0x9] =	stream.indirect.gather @!p1 [hbm4b:s6+s3], $0x80, s0, s3, $0xb8;
	[tilespmem:$0x1F6F8] =	vst v63  }
0x55: {  	p1 =	slt.u32 s21, $0x2  }
.Ltmp3:
0x56: {  	_ = 	snop;
	(pc) =	sbr.rel @p1 .LBB2_21-.Ltmp3, $1  }
0x57: {  	_ =	sdelay $0x3  }
0x58: {  	p1 =	sgt.s32 s22, $0x4E110  }
0x59: {  	s0 =	smov.u32 s22;
	s2 =	sshra.s32 s22, $0x1F;
	s3 =	ssub.s32 $0x4E200, s22  }
0x5a: {  	s0 =	simm.s32 @!p1 $0x4E110;
	s2 =	sand.u32 s2, s22;
	p1 =	slt.s32 s3, $0xF0  }
0x5b: {  	s0 =	ssub.s32 s0, s2;
	s3 =	simm.s32 @!p1 $0xF0  }
0x5c: {  	s0 =	sadd.s32 $0xFFFB1EF0, s0;
	s25 =	sshll.u32 s3, $0x7  }
0x5d: {  	s26 =	sshll.u32 s0, $0x2;
	s2 =	sand.u32 $0x3FFFFF80, s25  }
0x5e: {  	p1 =	sgt.s32 s0, $0xEF;
	s29 =	ssub.s32 $0x3C0, s26;
	_ =	swait.ge [sflag:s10], s2  }
0x5f: {  	s2 =	ssub.s32 $0x0, s2;
	[sflag:s10] =	ssyncset.done $0x0;
	s0 =	sshrl.u32 s29, $0x2  }
0x60: {  	[sflag:s10] =	ssyncadd.s32 s2;
	s0 =	simm.s32 @p1 $0x0  }
0x61: {  	_ =	swait.ge [sflag:s11], s0  }
0x62: {  	s0 =	ssub.s32 $0x0, s0;
	[sflag:s11] =	ssyncset.done $0x0  }
0x63: {  	[sflag:s11] =	ssyncadd.s32 s0  }
0x64: {  	v1 =	vld [tilespmem:$0xF208];
	_ =	sdelay $0x4  }
0x65: {  	(v2sf) =	vpush v1, $0x0  }
0x66: {  	(v2sf) =	vpush v1, $0x1  }
0x67: {  	(v2sf) =	vpush v1, $0x2;
	_ =	sdelay $0x3  }
0x68: {  	s0 =	sadd.s32 $0xF0, s22  }
0x69: {  	s2 =	ssub.s32 $0x9C400, s22;
	p1 =	slt.s32 s8, s0  }
0x6a: {  	s0 =	smov.u32 @p1 s8;
	p1 =	sgt.s32 s2, $0x0  }
0x6b: {  	s26 =	ssub.s32 s0, s22;
	s2 =	simm.s32 @!p1 $0x0  }
0x6c: {  	p1 =	slt.s32 s2, s26  }
0x6d: {  	s26 =	smov.u32 @p1 s2  }
0x6e: {  	s25 =	simm.s32 $0x1;
	p1 =	slt.s32 s26, $0x1  }
.Ltmp4:
0x6f: {  	s25 =	simm.s32 @!p0 $0x0;
	(pc) =	sbr.rel @p1 .LBB2_8-.Ltmp4, $4  }
0x70: {  	s31 =	smul.u32 $0x3C0, s25  }
0x71: {  	s28 =	spop (v2sf)  }
0x72: {  	s0 =	sshrl.u32 s31, $0x2;
	s30 =	spop (v2sf)  }
0x73: {  	s23 =	sadd.s32 $0x10518, s0;
	s22 =	spop (v2sf)  }
0x74: {  	s0 =	smin.u32 s26, $0x10  }
0x75: {  	v1 =	vmov s0  }
0x76: {  	p2 =	sgt.s32 s26, $0x10;
	vm1 =	vgt.u32 v1, v0  }
.Ltmp5:
0x77: {  	_ = 	snop;
	(pc) =	sbr.rel @!p2 .LBB2_7-.Ltmp5, $2  }
0x78: {  	_ =	sdelay $0x2  }
0x79: {  	s4 =	simm.s32 $0x10;
	s24 =	sadd.s32 $0xFFFFFFF0, s26;
	s0 =	smov.u32 s23;
	vm0 =	vmmov vm1  }
.LBB2_6:
0x7a: {  	s2 =	smin.u32 s24, $0x10;
	s4 =	sadd.s32 $0x10, s4;
	v1 =	vld.msk [tilespmem:s0+$0x0 ss:$0x1], vm1  }
0x7b: {  	v2 =	vmov s2;
	p2 =	slt.s32 s4, s26  }
0x7c: {  	vm1 =	vgt.u32 v2, v0  }
.Ltmp6:
0x7d: {  	(pc) =	sbr.rel @p2 .LBB2_6-.Ltmp6, $3  }
0x7e: {  	_ =	sdelay $0x1  }
0x7f: {  	v1 =	vshll.u32 v1, $0x4  }
0x80: {  	s24 =	sadd.s32 $0xFFFFFFF0, s24;
	[tilespmem:s0+$0x0] =	vst.msk vm0, v1;
	s0 =	sadd.s32 $0x10, s0;
	vm0 =	vmmov vm1  }
.LBB2_7:
0x81: {  	_ =	sdelay $0x4  }
0x82: {  	v1 =	vld.msk [tilespmem:s0+$0x0 ss:$0x1], vm1;
	_ =	sdelay $0x4  }
0x83: {  	v1 =	vshll.u32 v1, $0x4  }
0x84: {  	[tilespmem:s0+$0x0] =	vst.msk vm0, v1  }
.LBB2_8:
0x85: {  	s0 =	sand.u32 $0x1, s21  }
0x86: {  	s0 =	smul.u32 $0xF0, s0  }
0x87: {  	p2 =	sne.s32 s30, $0xFFFFFFFF  }
0x88: {  	v1 =	vld.msk @!p2 [tilespmem:s0+$0x10518], $0x1;
	_ =	sdelay $0x4  }
0x89: {  	(v2sf) =	vpush @!p2 v1, $0x0;
	_ =	sdelay $0xc  }
.Ltmp7:
0x8a: {  	_ = 	snop;
	(pc) =	sbr.rel @p1 .LBB2_19-.Ltmp7, $4  }
0x8b: {  	_ = 	snop  }
0x8c: {  	s29 =	spop @!p2 (v2sf)  }
0x8d: {  	s22 =	simm.s32 @!p2 $0x0;
	s24 =	smov.u32 s29  }
0x8e: {  	[sflag:s18] =	ssyncpa.u1 $0x0;
	s29 =	smov.u32 @p2 s28;
	s24 =	smov.u32 @p2 s30  }
0x8f: {  	v1 =	vld.msk [tilespmem:s23+$0x0], $0x1;
	_ =	sdelay $0x4  }
0x90: {  	(v2sf) =	vpush v1, $0x0;
	_ =	sdelay $0xe  }
0x91: {  	s2 =	smul.u32 $0x1E000, s25;
	s0 =	spop (v2sf)  }
0x92: {  	s26 =	ssub.s32 $0x0, s26;
	p1 =	seq.s32 s29, s0  }
0x93: {  	s30 =	sadd.s32 $0x1, s26;
	s2 =	sshrl.u32 s2, $0x2;
	p2 =	sgt.s32 @!p1 s29, $0x0  }
0x94: {  	s25 =	sor.u32 $0x10738, s2;
	s2 =	smov.u32 s29;
	p2 =	por !p2, p1  }
0x95: {  	s2 =	simm.s32 @p2 $0x0;
	p2 =	seq.s32 s30, $0x0  }
.Ltmp8:
0x96: {  	_ = 	snop;
	(pc) =	sbr.rel @p2 .LBB2_11-.Ltmp8, $4  }
0x97: {  	_ = 	snop  }
0x98: {  	s28 =	simm.s32 $0x0;
	s31 =	sadd.s32 $0x1, s23;
	s2 =	smin.u32 @!p1 s2, $0x4E1FF0  }
0x99: {  	s4 =	simm.s32 @!p1 $0x1;
	s5 =	simm.s32 @!p1 $0x7988;
	s3 =	sand.u32 @!p1 $0x7FFFF8, s2  }
0x9a: {  	s4 =	smov.u32 @p1 s28;
	s2 =	sand.u32 @!p1 $0x7, s2;
	s3 =	sadd.s32 @!p1 s1, s3  }
.LBB2_10:
0x9b: {  	s9 =	smov.u32 s4  }
0x9c: {  	[tilespmem:s5], [sflag:$0x2] =	stream.linear.gather @!p1 [hbm4b:s3+s2], $0x80, $0x38;
	[tilespmem:$0x1F6F8] =	vst v63  }
0x9d: {  	s30 =	sadd.s32 $0x1, s30;
	s2 =	smov.u32 s0;
	v1 =	vld.msk [tilespmem:s31+$0x0], $0x1  }
0x9e: {  	p2 =	seq.s32 s30, $0x0;
	_ =	sdelay $0x3  }
0x9f: {  	(v2sf) =	vpush v1, $0x0;
	_ =	sdelay $0xe  }
0xa0: {  	s0 =	spop (v2sf)  }
0xa1: {  	p1 =	seq.s32 s2, s0  }
0xa2: {  	p3 =	sgt.s32 @!p1 s2, $0x0;
	s3 =	sshll.u32 @!p1 s4, $0x9;
	s4 =	sadd.s32 @!p1 $0x1, s4  }
.Ltmp9:
0xa3: {  	p3 =	por !p3, p1;
	s3 =	sshra.s32 @!p1 s3, $0x2;
	(pc) =	sbr.rel @!p2 .LBB2_10-.Ltmp9, $4  }
0xa4: {  	s4 =	smov.u32 @p1 s9;
	s2 =	simm.s32 @p3 $0x0;
	s5 =	sadd.s32 @!p1 $0x7988, s3  }
0xa5: {  	s2 =	smin.u32 @!p1 s2, $0x4E1FF0  }
0xa6: {  	s3 =	sand.u32 @!p1 $0x7FFFF8, s2;
	s2 =	sand.u32 @!p1 $0x7, s2  }
0xa7: {  	s31 =	sadd.s32 $0x1, s31;
	s3 =	sadd.s32 @!p1 s1, s3  }
.LBB2_11:
0xa8: {  	[tilespmem:s5], [sflag:$0x2] =	stream.linear.gather @!p1 [hbm4b:s3+s2], $0x80, $0x38;
	[tilespmem:$0x1F6F8] =	vst v63  }
.Ltmp10:
0xa9: {  	s0 =	sshll.u32 s4, $0x7;
	(pc) =	sbr.rel .LBB2_12-.Ltmp10, $4  }
0xaa: {  	s30 =	simm.s32 $0x2;
	s0 =	sand.u32 $0x3FFFFF80, s0  }
0xab: {  	_ =	swait.ge [sflag:s30], s0  }
0xac: {  	s0 =	ssub.s32 $0x0, s0;
	[sflag:s30] =	ssyncset.done $0x0  }
0xad: {  	s31 =	simm.s32 $0x0;
	[sflag:s30] =	ssyncadd.s32 s0  }
.LBB2_13:
0xae: {  	v1 =	vld [tilespmem:s25+$0xFFFFFFC0];
	_ =	sdelay $0x3  }
0xaf: {  	s0 =	sshra.s32 s0, $0x2  }
0xb0: {  	[tilespmem:s0+$0x108] =	vst.add.f32.msk $0xffff, v1  }
0xb1: {  	v1 =	vld [tilespmem:s25+$0xFFFFFFD0];
	_ =	sdelay $0x4  }
0xb2: {  	[tilespmem:s0+$0x118] =	vst.add.f32.msk $0xffff, v1  }
0xb3: {  	v1 =	vld [tilespmem:s25+$0xFFFFFFE0];
	_ =	sdelay $0x4  }
0xb4: {  	[tilespmem:s0+$0x128] =	vst.add.f32.msk $0xffff, v1  }
0xb5: {  	v1 =	vld [tilespmem:s25+$0xFFFFFFF0];
	_ =	sdelay $0x4  }
0xb6: {  	[tilespmem:s0+$0x138] =	vst.add.f32.msk $0xffff, v1  }
0xb7: {  	v1 =	vld [tilespmem:s25+$0x0];
	_ =	sdelay $0x4  }
0xb8: {  	[tilespmem:s0+$0x148] =	vst.add.f32.msk $0xffff, v1  }
0xb9: {  	v1 =	vld [tilespmem:s25+$0x10];
	_ =	sdelay $0x4  }
0xba: {  	[tilespmem:s0+$0x158] =	vst.add.f32.msk $0xffff, v1  }
0xbb: {  	v1 =	vld [tilespmem:s25+$0x20];
	_ =	sdelay $0x4  }
0xbc: {  	[tilespmem:s0+$0x168] =	vst.add.f32.msk $0xffff, v1  }
0xbd: {  	v1 =	vld [tilespmem:s25+$0x30];
	_ =	sdelay $0x4  }
0xbe: {  	[tilespmem:s0+$0x178] =	vst.add.f32.msk $0xffff, v1  }
.LBB2_17:
0xbf: {  	s26 =	sadd.s32 $0x1, s26  }
0xc0: {  	p1 =	seq.s32 s26, $0x0  }
.Ltmp11:
0xc1: {  	_ = 	snop;
	(pc) =	sbr.rel @p1 .LBB2_18-.Ltmp11, $2  }
0xc2: {  	_ =	sdelay $0x2  }
0xc3: {  	s23 =	sadd.s32 $0x1, s23;
	s25 =	sadd.s32 $0x80, s25;
	s29 =	smov.u32 s30  }
.LBB2_12:
0xc4: {  	v1 =	vld.msk [tilespmem:s23+$0x0], $0x1;
	_ =	sdelay $0x4  }
0xc5: {  	(v2sf) =	vpush v1, $0x0;
	_ =	sdelay $0xe  }
0xc6: {  	s30 =	spop (v2sf)  }
0xc7: {  	p1 =	sne.s32 s29, s30  }
.Ltmp12:
0xc8: {  	_ = 	snop;
	(pc) =	sbr.rel @!p1 .LBB2_13-.Ltmp12, $2  }
0xc9: {  	_ =	sdelay $0x2  }
0xca: {  	s0 =	sshll.u32 s22, $0x9  }
0xcb: {  	p1 =	seq.s32 s29, s24  }
.Ltmp13:
0xcc: {  	_ = 	snop;
	(pc) =	sbr.rel @!p1 .LBB2_15-.Ltmp13, $1  }
0xcd: {  	_ =	sdelay $0x3  }
0xce: {  	s0 =	sshra.s32 s0, $0x2  }
.Ltmp14:
0xcf: {  	s0 =	sadd.s32 $0x108, s0;
	(pc) =	sbr.rel .LBB2_16-.Ltmp14, $4  }
0xd0: {  	[spmem:s16] =	stream.linear.scatter [tilespmem:s0], [sflag:$0x1], $0x80, $0x38;
	[tilespmem:$0x1F6F8] =	vst v63  }
0xd1: {  	_ =	swait.ge [sflag:s12], $0x80  }
0xd2: {  	[sflag:s12] =	ssyncset.done $0x0  }
0xd3: {  	[sflag:s12] =	ssyncadd.s32 $0xFFFFFF80  }
.LBB2_15:
0xd4: {  	s2 =	sshll.u32 s28, $0x9  }
0xd5: {  	s2 =	sshra.s32 s2, $0x2  }
0xd6: {  	v1 =	vld [tilespmem:s2+$0x7988];
	_ =	sdelay $0x3  }
0xd7: {  	s0 =	sshra.s32 s0, $0x2  }
0xd8: {  	[tilespmem:s0+$0x108] =	vst.add.f32.msk $0xffff, v1  }
0xd9: {  	v1 =	vld [tilespmem:s2+$0x7998];
	_ =	sdelay $0x4  }
0xda: {  	[tilespmem:s0+$0x118] =	vst.add.f32.msk $0xffff, v1  }
0xdb: {  	v1 =	vld [tilespmem:s2+$0x79A8];
	_ =	sdelay $0x4  }
0xdc: {  	[tilespmem:s0+$0x128] =	vst.add.f32.msk $0xffff, v1  }
0xdd: {  	v1 =	vld [tilespmem:s2+$0x79B8];
	_ =	sdelay $0x4  }
0xde: {  	[tilespmem:s0+$0x138] =	vst.add.f32.msk $0xffff, v1  }
0xdf: {  	v1 =	vld [tilespmem:s2+$0x79C8];
	_ =	sdelay $0x4  }
0xe0: {  	[tilespmem:s0+$0x148] =	vst.add.f32.msk $0xffff, v1  }
0xe1: {  	v1 =	vld [tilespmem:s2+$0x79D8];
	_ =	sdelay $0x4  }
0xe2: {  	[tilespmem:s0+$0x158] =	vst.add.f32.msk $0xffff, v1  }
0xe3: {  	v1 =	vld [tilespmem:s2+$0x79E8];
	_ =	sdelay $0x4  }
0xe4: {  	[tilespmem:s0+$0x168] =	vst.add.f32.msk $0xffff, v1  }
0xe5: {  	v1 =	vld [tilespmem:s2+$0x79F8];
	_ =	sdelay $0x2  }
0xe6: {  	p1 =	sgt.u32 s29, $0x4E1FF0  }
0xe7: {  	s2 =	sand.u32 @!p1 $0x7FFFF8, s29  }
0xe8: {  	s3 =	sadd.s32 $0x108, s0;
	[tilespmem:s0+$0x178] =	vst.add.f32.msk $0xffff, v1;
	s0 =	sadd.s32 @!p1 s1, s2;
	s2 =	sand.u32 @!p1 $0x7, s29  }
0xe9: {  	[hbm4b:s0+s2] =	stream.linear.scatter @!p1 [tilespmem:s3], [sflag:$0xC], $0x80, $0x38;
	[tilespmem:$0x1F6F8] =	vst v63  }
0xea: {  	s0 =	simm.s32 $0x0  }
0xeb: {  	s0 =	simm.s32 @!p1 $0x200  }
0xec: {  	s31 =	sadd.s32 s0, s31  }
.LBB2_16:
0xed: {  	s0 =	sadd.s32 $0x1, s22  }
0xee: {  	s2 =	smulhi.u32 $0x88888889, s0;
	_ =	sdelay $0x1  }
0xef: {  	v1 =	vld [tilespmem:s25+$0xFFFFFFC0];
	s2 =	sshrl.u32 s2, $0x7  }
0xf0: {  	s2 =	smul.u32 $0xF0, s2;
	_ =	sdelay $0x1  }
0xf1: {  	s22 =	ssub.s32 s0, s2  }
0xf2: {  	s0 =	sshll.u32 s22, $0x7  }
0xf3: {  	[tilespmem:s0+$0x108] =	vst v1  }
0xf4: {  	v1 =	vld [tilespmem:s25+$0xFFFFFFD0];
	_ =	sdelay $0x4  }
0xf5: {  	[tilespmem:s0+$0x118] =	vst v1  }
0xf6: {  	v1 =	vld [tilespmem:s25+$0xFFFFFFE0];
	_ =	sdelay $0x4  }
0xf7: {  	[tilespmem:s0+$0x128] =	vst v1  }
0xf8: {  	v1 =	vld [tilespmem:s25+$0xFFFFFFF0];
	_ =	sdelay $0x4  }
0xf9: {  	[tilespmem:s0+$0x138] =	vst v1  }
0xfa: {  	v1 =	vld [tilespmem:s25+$0x0];
	_ =	sdelay $0x4  }
0xfb: {  	[tilespmem:s0+$0x148] =	vst v1  }
0xfc: {  	v1 =	vld [tilespmem:s25+$0x10];
	_ =	sdelay $0x4  }
0xfd: {  	[tilespmem:s0+$0x158] =	vst v1  }
0xfe: {  	v1 =	vld [tilespmem:s25+$0x20];
	_ =	sdelay $0x4  }
0xff: {  	[tilespmem:s0+$0x168] =	vst v1  }
0x100: {  	v1 =	vld [tilespmem:s25+$0x30]  }
.Ltmp15:
0x101: {  	_ = 	snop;
	(pc) =	sbr.rel .LBB2_17-.Ltmp15, $2  }
0x102: {  	_ =	sdelay $0x2  }
0x103: {  	s28 =	sadd.s32 $0x1, s28;
	[tilespmem:s0+$0x178] =	vst v1  }
.LBB2_19:
.Ltmp16:
0x104: {  	(pc) =	sbr.rel .LBB2_20-.Ltmp16, $4  }
0x105: {  	_ = 	snop  }
0x106: {  	s0 =	simm.s32 $0x2  }
0x107: {  	_ =	swait.ge [sflag:s0], $0x0  }
0x108: {  	s30 =	smov.u32 s29;
	[sflag:s0] =	ssyncset.done $0x0;
	s0 =	simm.s32 $0x0  }
.LBB2_22:
0x109: {  	_ =	sfence.sel $0x180000  }
0x10a: {  	s0 =	simm.s32 $0x9;
	[bflag:$0x0] =	sbarrier.arrive $0xFFFF  }
0x10b: {  	s24 =	simm.s32 $0xA;
	[sflag:s0] =	ssyncpa.u1 $0x1  }
0x10c: {  	s25 =	simm.s32 $0xB;
	[sflag:s24] =	ssyncpa.u1 $0x1  }
0x10d: {  	s26 =	simm.s32 $0x2;
	[sflag:s25] =	ssyncpa.u1 $0x1  }
0x10e: {  	[sflag:s26] =	ssyncpa.u1 $0x1  }
0x10f: {  	v0 =	vld [tilespmem:$0xF208];
	_ =	sdelay $0x4  }
0x110: {  	(v2sf) =	vpush v0, $0x0  }
0x111: {  	(v2sf) =	vpush v0, $0x1;
	_ =	sdelay $0x1  }
0x112: {  	(v2sf) =	vpush v0, $0x2;
	_ =	sdelay $0xb  }
0x113: {  	s0 =	spop (v2sf)  }
0x114: {  	s2 =	spop (v2sf)  }
0x115: {  	s3 =	smov.u32 s0;
	p0 =	sne.s32 s0, s2  }
0x116: {  	s4 =	spop (v2sf);
	s3 =	simm.s32 @!p0 $0xFFFFFFFF  }
0x117: {  	v2 =	vimm.s32 $0x1;
	v3 =	vlaneseq.u32;
	p0 =	seq.s32 s4, $0xFFFFFFFF;
	v1 =	vmov s3  }
0x118: {  	s16 =	stileid.u32;
	v0 =	vperm.xlane v0, v2;
	p1 =	sne.s32 @!p0 s0, s2;
	v1 =	vperm.xlane v1, v3  }
0x119: {  	vm0 =	vcmask $0x3F04;
	s6 =	simm.s32 $0xF208;
	s0 =	simm.s32 @!p0 $0x1;
	p1 =	por !p1, p0  }
0x11a: {  	s3 =	sshll.u32 s16, $0x1;
	s2 =	sshll.u32 @!p0 s4, $0x9;
	s0 =	simm.s32 @p1 $0x0;
	v0 =	vsel vm0, v1, v0  }
0x11b: {  	s5 =	sor.u32 $0x1000, s3;
	s2 =	sshra.s32 @!p0 s2, $0x2;
	s0 =	sor.u32 @!p0 s0, s3;
	[tilespmem:$0xF208] =	vst v0  }
0x11c: {  	[spmem:s5] =	stream.linear.scatter [tilespmem:s6], [sflag:$0x1], $0x2, $0x38;
	[tilespmem:$0x1F6F8] =	vst v63  }
0x11d: {  	s2 =	sadd.s32 @!p0 $0x108, s2;
	s0 =	sshll.u32 @!p0 s0, $0x7  }
0x11e: {  	[spmem:s0] =	stream.linear.scatter @!p0 [tilespmem:s2], [sflag:$0x1], $0x80, $0x38;
	[tilespmem:$0x1F6F8] =	vst v63  }
0x11f: {  	s0 =	simm.s32 @!p0 $0x82  }
0x120: {  	s28 =	simm.s32 $0x1;
	s0 =	simm.s32 @p0 $0x2  }
0x121: {  	_ =	swait.ge [sflag:s28], s0  }
0x122: {  	s0 =	ssub.s32 $0x0, s0;
	[sflag:s28] =	ssyncset.done $0x0  }
0x123: {  	p0 =	sne.s32 s16, $0x0;
	[sflag:s28] =	ssyncadd.s32 s0  }
.Ltmp17:
0x124: {  	_ =	sfence.stream.spmem;
	(pc) =	sbr.rel @p0 .LBB2_39-.Ltmp17, $4  }
0x125: {  	s29 =	simm.s32 $0x3;
	[bflag:$0x0] =	sbarrier.arrive $0xFFFF  }
0x126: {  	s30 =	simm.s32 $0x4;
	[sflag:s29] =	ssyncpa.u1 $0x1  }
0x127: {  	s31 =	simm.s32 $0x3C;
	[sflag:s30] =	ssyncpa.u1 $0x1  }
0x128: {  	s15 =	rddreg [dreg:$0x4];
	[sflag:s31] =	ssyncpa.u1 $0x1  }
0x129: {  	_ =	sfence.stream.spmem;
	s0 =	simm.s32 $0x5  }
0x12a: {  	s2 =	simm.s32 $0x1000;
	s3 =	simm.s32 $0xF218;
	[sflag:s0] =	ssyncpa.u1 $0x0  }
0x12b: {  	[tilespmem:s3], [sflag:$0x5] =	stream.linear.gather [spmem:s2], $0x20, $0x38;
	[tilespmem:$0x1F6F8] =	vst v63  }
0x12c: {  	s26 =	simm.s32 $0x0;
	s28 =	simm.s32 $0xF238  }
0x12d: {  	[tilespmem:s28], [sflag:$0x5] =	stream.linear.gather [spmem:s26], $0x1000, $0x38;
	[tilespmem:$0x1F6F8] =	vst v63  }
0x12e: {  	_ =	swait.ge [sflag:s0], $0x1020  }
0x12f: {  	[sflag:s0] =	ssyncset.done $0x0  }
0x130: {  	s29 =	simm.s32 $0x0;
	[sflag:s0] =	ssyncadd.s32 $0xFFFFEFE0  }
0x131: {  	v0 =	vld.msk [tilespmem:s29+$0xF218], $0x1;
	_ =	sdelay $0x1  }
0x132: {  	s30 =	simm.s32 $0x1  }
0x133: {  	v1 =	vld.msk [tilespmem:s30+$0xF218], $0x1;
	_ =	sdelay $0x1  }
0x134: {  	(v2sf) =	vpush v0, $0x0;
	_ =	sdelay $0x2  }
0x135: {  	(v2sf) =	vpush v1, $0x0;
	_ =	sdelay $0x2  }
0x136: {  	s31 =	simm.s32 $0x2  }
0x137: {  	v0 =	vld.msk [tilespmem:s31+$0xF218], $0x1;
	_ =	sdelay $0x2  }
0x138: {  	s4 =	simm.s32 $0xFFFFFFFF;
	s5 =	simm.s32 $0xFFFFFFFF;
	s0 =	simm.s32 $0xC  }
.LBB2_24:
0x139: {  	s2 =	smov.u32 s5;
	s3 =	smov.u32 s4  }
0x13a: {  	s4 =	sshra.s32 s0, $0x2;
	p1 =	sne.s32 s0, $0x7C;
	s0 =	sadd.s32 $0x4, s0;
	(v2sf) =	vpush v0, $0x0  }
0x13b: {  	v0 =	vld.msk [tilespmem:s4+$0xF218], $0x1  }
.Ltmp18:
0x13c: {  	(pc) =	sbr.rel @p1 .LBB2_24-.Ltmp18, $4  }
0x13d: {  	s5 =	spop (v2sf)  }
0x13e: {  	p2 =	sne.s32 s3, $0xFFFFFFFF;
	s4 =	smov.u32 s5  }
0x13f: {  	p3 =	seq.s32 s5, $0xFFFFFFFF;
	s4 =	smov.u32 @p2 s3  }
0x140: {  	s5 =	smov.u32 @p3 s2;
	s4 =	smov.u32 @p3 s3  }
0x141: {  	(v2sf) =	vpush v0, $0x0;
	_ =	sdelay $0x8  }
0x142: {  	s0 =	spop (v2sf)  }
0x143: {  	p1 =	sne.s32 s4, $0xFFFFFFFF;
	s2 =	smov.u32 s0  }
0x144: {  	s9 =	simm.s32 $0x6;
	p2 =	seq.s32 s0, $0xFFFFFFFF;
	s2 =	smov.u32 @p1 s4  }
0x145: {  	s6 =	simm.s32 $0x0;
	s2 =	smov.u32 @p2 s4;
	s3 =	spop (v2sf)  }
0x146: {  	s0 =	smov.u32 @p2 s5;
	p1 =	sne.s32 s2, $0xFFFFFFFF;
	s4 =	smov.u32 s3  }
.Ltmp19:
0x147: {  	p2 =	seq.s32 s3, $0xFFFFFFFF;
	s4 =	smov.u32 @p1 s2;
	(pc) =	sbr.rel .LBB2_26-.Ltmp19, $4  }
0x148: {  	s10 =	simm.s32 $0xF188;
	s4 =	smov.u32 @p2 s2;
	s7 =	spop (v2sf)  }
0x149: {  	s11 =	simm.s32 $0x0;
	p1 =	sne.s32 s4, $0xFFFFFFFF;
	s8 =	smov.u32 s7  }
0x14a: {  	s3 =	smov.u32 @p2 s0;
	p2 =	seq.s32 s7, $0xFFFFFFFF;
	s8 =	smov.u32 @p1 s4  }
0x14b: {  	[sflag:s9] =	ssyncpa.u1 $0x0;
	s7 =	smov.u32 @p2 s3;
	s8 =	smov.u32 @p2 s4  }
.LBB2_32:
0x14c: {  	p1 =	sgt.u32 s12, $0x4E1FF0  }
0x14d: {  	p2 =	seq.s32 @!p1 s12, s8  }
0x14e: {  	p1 =	por p1, p2  }
0x14f: {  	p2 =	sne.s32 @!p1 s12, s7  }
0x150: {  	p1 =	por p1, !p2  }
0x151: {  	s0 =	sshll.u32 @p1 s11, $0x9  }
0x152: {  	s0 =	sand.u32 @!p1 $0x7FFFF8, s12  }
0x153: {  	s2 =	sand.u32 @!p1 $0x7, s12;
	s0 =	sadd.s32 @!p1 s1, s0  }
0x154: {  	[tilespmem:s10], [sflag:$0x6] =	stream.linear.gather @!p1 [hbm4b:s0+s2], $0x80, $0x38;
	[tilespmem:$0x1F6F8] =	vst v63  }
0x155: {  	_ =	swait.ge @!p1 [sflag:s9], $0x80  }
0x156: {  	[sflag:s9] =	ssyncset.done @!p1 $0x0  }
0x157: {  	[sflag:s9] =	ssyncadd.s32 @!p1 $0xFFFFFF80  }
0x158: {  	v1 =	vld @!p1 [tilespmem:$0xF188];
	_ =	sdelay $0x2  }
0x159: {  	s0 =	sshll.u32 @!p1 s11, $0x9  }
0x15a: {  	s2 =	sshrl.u32 @!p1 s0, $0x2  }
0x15b: {  	[tilespmem:s2+$0xF238] =	vst.add.f32.msk @!p1 $0xffff, v1  }
0x15c: {  	v1 =	vld @!p1 [tilespmem:$0xF198];
	_ =	sdelay $0x4  }
0x15d: {  	[tilespmem:s2+$0xF248] =	vst.add.f32.msk @!p1 $0xffff, v1  }
0x15e: {  	v1 =	vld @!p1 [tilespmem:$0xF1A8];
	_ =	sdelay $0x4  }
0x15f: {  	[tilespmem:s2+$0xF258] =	vst.add.f32.msk @!p1 $0xffff, v1  }
0x160: {  	v1 =	vld @!p1 [tilespmem:$0xF1B8];
	_ =	sdelay $0x4  }
0x161: {  	[tilespmem:s2+$0xF268] =	vst.add.f32.msk @!p1 $0xffff, v1  }
0x162: {  	v1 =	vld @!p1 [tilespmem:$0xF1C8];
	_ =	sdelay $0x4  }
0x163: {  	[tilespmem:s2+$0xF278] =	vst.add.f32.msk @!p1 $0xffff, v1  }
0x164: {  	v1 =	vld @!p1 [tilespmem:$0xF1D8];
	_ =	sdelay $0x4  }
0x165: {  	[tilespmem:s2+$0xF288] =	vst.add.f32.msk @!p1 $0xffff, v1  }
0x166: {  	v1 =	vld @!p1 [tilespmem:$0xF1E8];
	_ =	sdelay $0x4  }
0x167: {  	[tilespmem:s2+$0xF298] =	vst.add.f32.msk @!p1 $0xffff, v1  }
0x168: {  	v1 =	vld @!p1 [tilespmem:$0xF1F8];
	_ =	sdelay $0x4  }
0x169: {  	[tilespmem:s2+$0xF2A8] =	vst.add.f32.msk @!p1 $0xffff, v1  }
0x16a: {  	s0 =	sshrl.u32 s0, $0x2;
	[tilespmem:s6+$0xF218] =	vst.msk $0x1, v0  }
0x16b: {  	v0 =	vld [tilespmem:s0+$0xF238];
	_ =	sdelay $0x2  }
0x16c: {  	s31 =	sshll.u32 s6, $0x9  }
0x16d: {  	s2 =	sshra.s32 s31, $0x2  }
0x16e: {  	[tilespmem:s2+$0xF238] =	vst v0  }
0x16f: {  	v0 =	vld [tilespmem:s0+$0xF248];
	_ =	sdelay $0x4  }
0x170: {  	[tilespmem:s2+$0xF248] =	vst v0  }
0x171: {  	v0 =	vld [tilespmem:s0+$0xF258];
	_ =	sdelay $0x4  }
0x172: {  	[tilespmem:s2+$0xF258] =	vst v0  }
0x173: {  	v0 =	vld [tilespmem:s0+$0xF268];
	_ =	sdelay $0x4  }
0x174: {  	[tilespmem:s2+$0xF268] =	vst v0  }
0x175: {  	v0 =	vld [tilespmem:s0+$0xF278];
	_ =	sdelay $0x4  }
0x176: {  	[tilespmem:s2+$0xF278] =	vst v0  }
0x177: {  	v0 =	vld [tilespmem:s0+$0xF288];
	_ =	sdelay $0x4  }
0x178: {  	[tilespmem:s2+$0xF288] =	vst v0  }
0x179: {  	v0 =	vld [tilespmem:s0+$0xF298];
	_ =	sdelay $0x4  }
0x17a: {  	[tilespmem:s2+$0xF298] =	vst v0  }
0x17b: {  	v0 =	vld [tilespmem:s0+$0xF2A8];
	_ =	sdelay $0x4  }
0x17c: {  	s6 =	sadd.s32 $0x1, s6;
	[tilespmem:s2+$0xF2A8] =	vst v0  }
.LBB2_33:
0x17d: {  	s11 =	sadd.s32 $0x1, s11  }
0x17e: {  	p1 =	sne.s32 s11, $0x20  }
.Ltmp20:
0x17f: {  	_ = 	snop;
	(pc) =	sbr.rel @!p1 .LBB2_34-.Ltmp20, $1  }
0x180: {  	_ =	sdelay $0x3  }
.LBB2_26:
0x181: {  	v0 =	vld.msk [tilespmem:s11+$0xF218], $0x1;
	_ =	sdelay $0x4  }
0x182: {  	(v2sf) =	vpush v0, $0x0;
	_ =	sdelay $0xe  }
0x183: {  	s12 =	spop (v2sf)  }
0x184: {  	p1 =	seq.s32 s12, $0xFFFFFFFF  }
.Ltmp21:
0x185: {  	_ = 	snop;
	(pc) =	sbr.rel @p1 .LBB2_33-.Ltmp21, $1  }
0x186: {  	_ =	sdelay $0x3  }
0x187: {  	p1 =	slt.s32 s6, $0x1  }
.Ltmp22:
0x188: {  	_ = 	snop;
	(pc) =	sbr.rel @p1 .LBB2_32-.Ltmp22, $1  }
0x189: {  	_ =	sdelay $0x3  }
0x18a: {  	s13 =	simm.s32 $0xF218;
	p1 =	por $0x0, $0x0  }
0x18b: {  	v1 =	vld.msk @!p1 [tilespmem:s13+$0x0], $0x1;
	_ =	sdelay $0x4  }
0x18c: {  	(v2sf) =	vpush @!p1 v1, $0x0;
	_ =	sdelay $0xd  }
0x18d: {  	p3 =	sne.s32 s6, $0x1  }
.Ltmp23:
0x18e: {  	s0 =	spop @!p1 (v2sf);
	(pc) =	sbr.rel @!p3 .LBB2_30-.Ltmp23, $4  }
0x18f: {  	p2 =	seq.s32 @!p1 s12, s0  }
0x190: {  	s14 =	simm.s32 $0x0;
	p2 =	por !p2, p1  }
0x191: {  	s2 =	simm.s32 $0xFFFFFFFF;
	s14 =	simm.s32 @p2 $0xFFFFFFFF  }
0x192: {  	s0 =	simm.s32 $0x1;
	s14 =	smov.u32 @p1 s2  }
.LBB2_29:
0x193: {  	s2 =	smov.u32 s14;
	p1 =	sne.s32 s14, $0xFFFFFFFF  }
0x194: {  	s13 =	sadd.s32 $0x1, s13;
	s14 =	smov.u32 s0;
	s0 =	sadd.s32 $0x1, s0  }
0x195: {  	p2 =	sne.s32 s6, s0;
	v1 =	vld.msk @!p1 [tilespmem:s13+$0x0], $0x1;
	_ =	sdelay $0x4  }
0x196: {  	(v2sf) =	vpush @!p1 v1, $0x0;
	_ =	sdelay $0xe  }
.Ltmp24:
0x197: {  	s3 =	spop @!p1 (v2sf);
	(pc) =	sbr.rel @p2 .LBB2_29-.Ltmp24, $4  }
0x198: {  	p3 =	seq.s32 @!p1 s12, s3  }
0x199: {  	p3 =	por !p3, p1  }
0x19a: {  	s14 =	simm.s32 @p3 $0xFFFFFFFF  }
0x19b: {  	s14 =	smov.u32 @p1 s2  }
.LBB2_30:
0x19c: {  	p1 =	seq.s32 s14, $0xFFFFFFFF  }
.Ltmp25:
0x19d: {  	_ = 	snop;
	(pc) =	sbr.rel @p1 .LBB2_32-.Ltmp25, $1  }
0x19e: {  	_ =	sdelay $0x3  }
0x19f: {  	s0 =	sshll.u32 s11, $0x7  }
0x1a0: {  	s0 =	sand.u32 $0x3FFFFF80, s0  }
0x1a1: {  	v0 =	vld [tilespmem:s0+$0xF238];
	_ =	sdelay $0x2  }
0x1a2: {  	s2 =	sshll.u32 s14, $0x9  }
0x1a3: {  	s2 =	sshra.s32 s2, $0x2  }
0x1a4: {  	[tilespmem:s2+$0xF238] =	vst.add.f32.msk $0xffff, v0  }
0x1a5: {  	v0 =	vld [tilespmem:s0+$0xF248];
	_ =	sdelay $0x4  }
0x1a6: {  	[tilespmem:s2+$0xF248] =	vst.add.f32.msk $0xffff, v0  }
0x1a7: {  	v0 =	vld [tilespmem:s0+$0xF258];
	_ =	sdelay $0x4  }
0x1a8: {  	[tilespmem:s2+$0xF258] =	vst.add.f32.msk $0xffff, v0  }
0x1a9: {  	v0 =	vld [tilespmem:s0+$0xF268];
	_ =	sdelay $0x4  }
0x1aa: {  	[tilespmem:s2+$0xF268] =	vst.add.f32.msk $0xffff, v0  }
0x1ab: {  	v0 =	vld [tilespmem:s0+$0xF278];
	_ =	sdelay $0x4  }
0x1ac: {  	[tilespmem:s2+$0xF278] =	vst.add.f32.msk $0xffff, v0  }
0x1ad: {  	v0 =	vld [tilespmem:s0+$0xF288];
	_ =	sdelay $0x4  }
0x1ae: {  	[tilespmem:s2+$0xF288] =	vst.add.f32.msk $0xffff, v0  }
0x1af: {  	v0 =	vld [tilespmem:s0+$0xF298];
	_ =	sdelay $0x4  }
0x1b0: {  	[tilespmem:s2+$0xF298] =	vst.add.f32.msk $0xffff, v0  }
0x1b1: {  	v0 =	vld [tilespmem:s0+$0xF2A8]  }
.Ltmp26:
0x1b2: {  	_ = 	snop;
	(pc) =	sbr.rel .LBB2_33-.Ltmp26, $2  }
0x1b3: {  	_ =	sdelay $0x2  }
0x1b4: {  	[tilespmem:s2+$0xF2A8] =	vst.add.f32.msk $0xffff, v0  }
.LBB2_34:
0x1b5: {  	s0 =	simm.s32 $0x6;
	p1 =	seq.s32 s6, $0x0  }
0x1b6: {  	[sflag:s0] =	ssyncpa.u1 $0x1;
	v0 =	vimm.s32 @p1 $0xFFFFFFFF  }
0x1b7: {  	s9 =	sadd.s32 $0xFFFFFFFF, s6;
	[tilespmem:$0x10238] =	vst @p1 v0  }
0x1b8: {  	v0 =	vld.msk @!p1 [tilespmem:s9+$0xF218], $0x1;
	_ =	sdelay $0x1  }
0x1b9: {  	v1 =	vld.msk @!p1 [tilespmem:$0xF218], $0x1;
	_ =	sdelay $0x2  }
0x1ba: {  	p2 =	seq.s32 @!p1 s9, $0x0;
	v0 =	vbroadcast @!p1 v0, $0x0  }
0x1bb: {  	vm0 =	vmmov @!p1 $0x1;
	p2 =	por !p2, p1  }
0x1bc: {  	v1 =	vnsel @!p1 vm0, $0xFFFFFFFF, v1;
	vm0 =	vcmask @!p1 $0x308;
	v0 =	vpsel !p2, $0xFFFFFFFF, v0  }
0x1bd: {  	p2 =	sne.s32 @!p1 s8, s7;
	v0 =	vsel @!p1 vm0, v1, v0  }
0x1be: {  	s0 =	simm.s32 @!p1 $0xF238;
	s2 =	simm.s32 @!p1 $0x0;
	p3 =	por !p2, p1;
	[tilespmem:$0x10238] =	vst @!p1 v0  }
0x1bf: {  	[spmem:s2] =	stream.linear.scatter @!p1 [tilespmem:s0], [sflag:$0x1], $0x80, $0x38;
	[tilespmem:$0x1F6F8] =	vst v63  }
0x1c0: {  	s0 =	sshll.u32 @!p3 s9, $0x9  }
0x1c1: {  	s0 =	sshra.s32 @!p3 s0, $0x2  }
0x1c2: {  	s2 =	simm.s32 @!p3 $0x80;
	s0 =	sadd.s32 @!p3 $0xF238, s0  }
0x1c3: {  	[spmem:s2] =	stream.linear.scatter @!p3 [tilespmem:s0], [sflag:$0x1], $0x80, $0x38;
	[tilespmem:$0x1F6F8] =	vst v63  }
0x1c4: {  	s0 =	simm.s32 @!p3 $0x1  }
0x1c5: {  	_ =	swait.ge @!p3 [sflag:s0], $0x100  }
0x1c6: {  	p1 =	por p2, p1;
	[sflag:s0] =	ssyncset.done @!p3 $0x0  }
0x1c7: {  	[sflag:s0] =	ssyncadd.s32 @!p3 $0xFFFFFF00;
	s0 =	simm.s32 @!p1 $0x1  }
0x1c8: {  	_ =	swait.ge @!p1 [sflag:s0], $0x80  }
0x1c9: {  	s29 =	simm.s32 $0x10238;
	[sflag:s0] =	ssyncset.done @!p1 $0x0  }
0x1ca: {  	s30 =	simm.s32 $0x1000;
	s31 =	simm.s32 $0x1;
	[sflag:s0] =	ssyncadd.s32 @!p1 $0xFFFFFF80  }
0x1cb: {  	[spmem:s30] =	stream.linear.scatter [tilespmem:s29], [sflag:$0x1], $0x10, $0x38;
	[tilespmem:$0x1F6F8] =	vst v63  }
0x1cc: {  	_ =	swait.ge [sflag:s31], $0x10  }
0x1cd: {  	[sflag:s31] =	ssyncset.done $0x0  }
0x1ce: {  	p1 =	seq.s32 s15, $0x0;
	s8 =	rddreg [dreg:$0x1];
	[sflag:s31] =	ssyncadd.s32 $0xFFFFFFF0  }
0x1cf: {  	s2 =	sshll.u32 @p1 s8, $0xE;
	s7 =	rddreg [dreg:$0x2]  }
0x1d0: {  	s0 =	sadd.s32 @p1 $0x15C3C, s2;
	s2 =	sshll.u32 @p1 s7, $0x11  }
0x1d1: {  	_ =	sfence.stream.spmem;
	s0 =	sor.u32 @p1 s2, s0  }
0x1d2: {  	[sflag:s0] =	ssyncadd.remote.s32 @p1 $0x1;
	s0 =	simm.s32 @p1 $0x4  }
0x1d3: {  	s3 =	simm.s32 @!p1 $0x3C;
	s2 =	sand.u32 $0xFFFFFFFE, s8;
	_ =	swait.ge @p1 [sflag:s0], $0x22  }
0x1d4: {  	s4 =	simm.s32 @!p1 $0x0;
	s2 =	sadd.s32 @!p1 $0x4, s2;
	[sflag:s0] =	ssyncset.done @p1 $0x0  }
0x1d5: {  	s5 =	simm.s32 @!p1 $0x100;
	[sflag:s0] =	ssyncadd.s32 @p1 $0xFFFFFFDE;
	s0 =	sshll.u32 @!p1 s2, $0x1A  }
0x1d6: {  	s2 =	sshll.u32 @!p1 s2, $0xD;
	s0 =	sor.u32 @!p1 s0, s7;
	_ =	swait.eq @!p1 [sflag:s3], $0x1  }
0x1d7: {  	s2 =	sor.u32 @!p1 $0x1C04, s2;
	s3 =	simm.s32 @!p1 $0x1C03;
	s0 =	sor.u32 @!p1 $0x80004000, s0  }
0x1d8: {  	[spmem:s5], [sflag:s2] =	dma.general @!p1 [spmem:s4], [sflag:s3], length:$0x20, [dreg:$0x0], stride_count:$0x0, ici_dest:s0, dma_misc:DstOpCode:WRITE  }
0x1d9: {  	p2 =	slt.s32 s9, $0x2;
	s4 =	simm.s32 @!p1 $0x200;
	s5 =	simm.s32 @!p1 $0x202  }
0x1da: {  	[spmem:s5], [sflag:s2] =	dma.general @!p1 [spmem:s4], [sflag:s3], length:$0x2, [dreg:$0x0], stride_count:$0x0, ici_dest:s0, dma_misc:DstOpCode:WRITE  }
.Ltmp27:
0x1db: {  	s0 =	simm.s32 @!p1 $0x3;
	(pc) =	sbr.rel @p2 .LBB2_38-.Ltmp27, $4  }
0x1dc: {  	s2 =	sshll.u32 @!p1 s8, $0xE;
	_ =	swait.ge @!p1 [sflag:s0], $0x22  }
0x1dd: {  	s3 =	sshll.u32 @!p1 s7, $0x11;
	s2 =	sadd.s32 @!p1 $0x11C3C, s2;
	[sflag:s0] =	ssyncset.done @!p1 $0x0  }
0x1de: {  	[sflag:s0] =	ssyncadd.s32 @!p1 $0xFFFFFFDE;
	s0 =	sor.u32 @!p1 s3, s2  }
0x1df: {  	[sflag:s0] =	ssyncadd.remote.s32 @!p1 $0xFFFFFFFF;
	s0 =	simm.s32 $0x0  }
0x1e0: {  	s0 =	simm.s32 $0xF219  }
0x1e1: {  	v0 =	vld.msk [tilespmem:s0+$0x0], $0x1;
	_ =	sdelay $0x4  }
0x1e2: {  	(v2sf) =	vpush v0, $0x0;
	_ =	sdelay $0xb  }
0x1e3: {  	s31 =	sadd.s32 $0xFFFFFFFE, s6  }
0x1e4: {  	s0 =	sadd.s32 $0xFFFFFFFF, s31  }
0x1e5: {  	p2 =	sne.s32 s0, $0x0  }
.Ltmp28:
0x1e6: {  	s2 =	spop (v2sf);
	(pc) =	sbr.rel @!p2 .LBB2_37-.Ltmp28, $4  }
0x1e7: {  	s4 =	simm.s32 $0xF2B8;
	s7 =	simm.s32 $0x0;
	p1 =	sgt.u32 s2, $0x4E1FF0  }
0x1e8: {  	s5 =	simm.s32 $0x0;
	s6 =	simm.s32 $0xF21A;
	s3 =	sand.u32 @!p1 $0x7FFFF8, s2  }
0x1e9: {  	s2 =	sand.u32 @!p1 $0x7, s2;
	s7 =	simm.s32 @!p1 $0x200;
	s3 =	sadd.s32 @!p1 s1, s3  }
0x1ea: {  	[hbm4b:s3+s2] =	stream.linear.scatter @!p1 [tilespmem:s4], [sflag:$0x5], $0x80, $0x38;
	[tilespmem:$0x1F6F8] =	vst v63  }
.LBB2_36:
0x1eb: {  	v0 =	vld.msk [tilespmem:s6+$0x0], $0x1;
	s0 =	sadd.s32 $0xFFFFFFFF, s0;
	s5 =	sadd.s32 s5, s7  }
0x1ec: {  	p1 =	sne.s32 s0, $0x0;
	_ =	sdelay $0x3  }
0x1ed: {  	(v2sf) =	vpush v0, $0x0;
	_ =	sdelay $0xe  }
.Ltmp29:
0x1ee: {  	s2 =	spop (v2sf);
	(pc) =	sbr.rel @p1 .LBB2_36-.Ltmp29, $4  }
0x1ef: {  	s7 =	simm.s32 $0x0;
	p2 =	sgt.u32 s2, $0x4E1FF0  }
0x1f0: {  	s4 =	sadd.s32 $0x80, s4;
	s7 =	simm.s32 @!p2 $0x200;
	s3 =	sand.u32 @!p2 $0x7FFFF8, s2  }
0x1f1: {  	s6 =	sadd.s32 $0x1, s6;
	s2 =	sand.u32 @!p2 $0x7, s2;
	s3 =	sadd.s32 @!p2 s1, s3  }
0x1f2: {  	[hbm4b:s3+s2] =	stream.linear.scatter @!p2 [tilespmem:s4], [sflag:$0x5], $0x80, $0x38;
	[tilespmem:$0x1F6F8] =	vst v63  }
.LBB2_37:
0x1f3: {  	s0 =	sadd.s32 s5, s7  }
0x1f4: {  	s0 =	sshrl.u32 s0, $0x2  }
.LBB2_38:
0x1f5: {  	s2 =	simm.s32 $0x5  }
0x1f6: {  	_ =	swait.ge [sflag:s2], s0  }
0x1f7: {  	s31 =	ssub.s32 $0x0, s0;
	[sflag:s2] =	ssyncset.done $0x0  }
0x1f8: {  	[sflag:s2] =	ssyncadd.s32 s31  }
0x1f9: {  	[sflag:s2] =	ssyncpa.u1 $0x1  }
.LBB2_39:
0x1fa: {  	s0 =	sor.u32 s15, s16  }
0x1fb: {  	p1 =	sne.s32 s0, $0x0  }
.Ltmp30:
0x1fc: {  	_ = 	snop;
	(pc) =	sbr.rel @p1 .LBB2_54-.Ltmp30, $3  }
0x1fd: {  	_ =	sdelay $0x1  }
0x1fe: {  	[bflag:$0x0] =	sbarrier.arrive $0xFFFF  }
0x1ff: {  	_ =	sfence  }
0x200: {  	s0 =	simm.s32 $0x7  }
0x201: {  	s2 =	simm.s32 $0x1000;
	s3 =	simm.s32 $0xF218;
	[sflag:s0] =	ssyncpa.u1 $0x0  }
0x202: {  	[tilespmem:s3], [sflag:$0x7] =	stream.linear.gather [spmem:s2], $0x20, $0x38;
	[tilespmem:$0x1F6F8] =	vst v63  }
0x203: {  	s30 =	simm.s32 $0xF238;
	s2 =	simm.s32 $0x0  }
0x204: {  	[tilespmem:s30], [sflag:$0x7] =	stream.linear.gather [spmem:s2], $0x1000, $0x38;
	[tilespmem:$0x1F6F8] =	vst v63  }
.Ltmp31:
0x205: {  	_ = 	snop;
	(pc) =	sbr.rel .LBB2_41-.Ltmp31, $4  }
0x206: {  	_ =	swait.ge [sflag:s0], $0x1020  }
0x207: {  	[sflag:s0] =	ssyncset.done $0x0  }
0x208: {  	s31 =	simm.s32 $0x8;
	[sflag:s0] =	ssyncadd.s32 $0xFFFFEFE0  }
0x209: {  	s3 =	simm.s32 $0x0;
	[sflag:s31] =	ssyncpa.u1 $0x0  }
.LBB2_47:
0x20a: {  	p1 =	slt.u32 s4, $0x4E1FF1  }
0x20b: {  	s0 =	sand.u32 @p1 $0x7FFFF8, s4  }
0x20c: {  	s4 =	sand.u32 @p1 $0x7, s4;
	s5 =	simm.s32 @p1 $0xF188;
	s0 =	sadd.s32 @p1 s1, s0  }
0x20d: {  	[tilespmem:s5], [sflag:$0x8] =	stream.linear.gather @p1 [hbm4b:s0+s4], $0x80, $0x38;
	[tilespmem:$0x1F6F8] =	vst v63  }
0x20e: {  	s0 =	simm.s32 @p1 $0x8  }
0x20f: {  	_ =	swait.ge @p1 [sflag:s0], $0x80  }
0x210: {  	[sflag:s0] =	ssyncset.done @p1 $0x0  }
0x211: {  	[sflag:s0] =	ssyncadd.s32 @p1 $0xFFFFFF80  }
0x212: {  	v1 =	vld @p1 [tilespmem:$0xF188];
	_ =	sdelay $0x2  }
0x213: {  	s0 =	sshll.u32 @p1 s3, $0x9  }
0x214: {  	s4 =	sshrl.u32 @p1 s0, $0x2  }
0x215: {  	[tilespmem:s4+$0xF238] =	vst.add.f32.msk @p1 $0xffff, v1  }
0x216: {  	v1 =	vld @p1 [tilespmem:$0xF198];
	_ =	sdelay $0x4  }
0x217: {  	[tilespmem:s4+$0xF248] =	vst.add.f32.msk @p1 $0xffff, v1  }
0x218: {  	v1 =	vld @p1 [tilespmem:$0xF1A8];
	_ =	sdelay $0x4  }
0x219: {  	[tilespmem:s4+$0xF258] =	vst.add.f32.msk @p1 $0xffff, v1  }
0x21a: {  	v1 =	vld @p1 [tilespmem:$0xF1B8];
	_ =	sdelay $0x4  }
0x21b: {  	[tilespmem:s4+$0xF268] =	vst.add.f32.msk @p1 $0xffff, v1  }
0x21c: {  	v1 =	vld @p1 [tilespmem:$0xF1C8];
	_ =	sdelay $0x4  }
0x21d: {  	[tilespmem:s4+$0xF278] =	vst.add.f32.msk @p1 $0xffff, v1  }
0x21e: {  	v1 =	vld @p1 [tilespmem:$0xF1D8];
	_ =	sdelay $0x4  }
0x21f: {  	[tilespmem:s4+$0xF288] =	vst.add.f32.msk @p1 $0xffff, v1  }
0x220: {  	v1 =	vld @p1 [tilespmem:$0xF1E8];
	_ =	sdelay $0x4  }
0x221: {  	[tilespmem:s4+$0xF298] =	vst.add.f32.msk @p1 $0xffff, v1  }
0x222: {  	v1 =	vld @p1 [tilespmem:$0xF1F8];
	_ =	sdelay $0x3  }
0x223: {  	s5 =	sshll.u32 @!p1 s3, $0x9  }
0x224: {  	s5 =	smov.u32 @p1 s0;
	[tilespmem:s4+$0xF2A8] =	vst.add.f32.msk @p1 $0xffff, v1  }
0x225: {  	s0 =	sshrl.u32 s5, $0x2;
	[tilespmem:s2+$0xF218] =	vst.msk $0x1, v0  }
0x226: {  	v0 =	vld [tilespmem:s0+$0xF238];
	_ =	sdelay $0x2  }
0x227: {  	s31 =	sshll.u32 s2, $0x9  }
0x228: {  	s4 =	sshra.s32 s31, $0x2  }
0x229: {  	[tilespmem:s4+$0xF238] =	vst v0  }
0x22a: {  	v0 =	vld [tilespmem:s0+$0xF248];
	_ =	sdelay $0x4  }
0x22b: {  	[tilespmem:s4+$0xF248] =	vst v0  }
0x22c: {  	v0 =	vld [tilespmem:s0+$0xF258];
	_ =	sdelay $0x4  }
0x22d: {  	[tilespmem:s4+$0xF258] =	vst v0  }
0x22e: {  	v0 =	vld [tilespmem:s0+$0xF268];
	_ =	sdelay $0x4  }
0x22f: {  	[tilespmem:s4+$0xF268] =	vst v0  }
0x230: {  	v0 =	vld [tilespmem:s0+$0xF278];
	_ =	sdelay $0x4  }
0x231: {  	[tilespmem:s4+$0xF278] =	vst v0  }
0x232: {  	v0 =	vld [tilespmem:s0+$0xF288];
	_ =	sdelay $0x4  }
0x233: {  	[tilespmem:s4+$0xF288] =	vst v0  }
0x234: {  	v0 =	vld [tilespmem:s0+$0xF298];
	_ =	sdelay $0x4  }
0x235: {  	[tilespmem:s4+$0xF298] =	vst v0  }
0x236: {  	v0 =	vld [tilespmem:s0+$0xF2A8];
	_ =	sdelay $0x4  }
0x237: {  	s2 =	sadd.s32 $0x1, s2;
	[tilespmem:s4+$0xF2A8] =	vst v0  }
.LBB2_48:
0x238: {  	s3 =	sadd.s32 $0x1, s3  }
0x239: {  	p1 =	sne.s32 s3, $0x20  }
.Ltmp32:
0x23a: {  	_ = 	snop;
	(pc) =	sbr.rel @!p1 .LBB2_49-.Ltmp32, $1  }
0x23b: {  	_ =	sdelay $0x3  }
.LBB2_41:
0x23c: {  	v0 =	vld.msk [tilespmem:s3+$0xF218], $0x1;
	_ =	sdelay $0x4  }
0x23d: {  	(v2sf) =	vpush v0, $0x0;
	_ =	sdelay $0xe  }
0x23e: {  	s4 =	spop (v2sf)  }
0x23f: {  	p1 =	seq.s32 s4, $0xFFFFFFFF  }
.Ltmp33:
0x240: {  	_ = 	snop;
	(pc) =	sbr.rel @p1 .LBB2_48-.Ltmp33, $1  }
0x241: {  	_ =	sdelay $0x3  }
0x242: {  	p1 =	slt.s32 s2, $0x1  }
.Ltmp34:
0x243: {  	_ = 	snop;
	(pc) =	sbr.rel @p1 .LBB2_47-.Ltmp34, $1  }
0x244: {  	_ =	sdelay $0x3  }
0x245: {  	s5 =	simm.s32 $0xF218;
	p1 =	por $0x0, $0x0  }
0x246: {  	v1 =	vld.msk @!p1 [tilespmem:s5+$0x0], $0x1;
	_ =	sdelay $0x4  }
0x247: {  	(v2sf) =	vpush @!p1 v1, $0x0;
	_ =	sdelay $0xd  }
0x248: {  	p3 =	sne.s32 s2, $0x1  }
.Ltmp35:
0x249: {  	s0 =	spop @!p1 (v2sf);
	(pc) =	sbr.rel @!p3 .LBB2_45-.Ltmp35, $4  }
0x24a: {  	p2 =	seq.s32 @!p1 s4, s0  }
0x24b: {  	s6 =	simm.s32 $0x0;
	p2 =	por !p2, p1  }
0x24c: {  	s7 =	simm.s32 $0xFFFFFFFF;
	s6 =	simm.s32 @p2 $0xFFFFFFFF  }
0x24d: {  	s0 =	simm.s32 $0x1;
	s6 =	smov.u32 @p1 s7  }
.LBB2_44:
0x24e: {  	s7 =	smov.u32 s6;
	p1 =	sne.s32 s6, $0xFFFFFFFF  }
0x24f: {  	s5 =	sadd.s32 $0x1, s5;
	s6 =	smov.u32 s0;
	s0 =	sadd.s32 $0x1, s0  }
0x250: {  	p2 =	sne.s32 s2, s0;
	v1 =	vld.msk @!p1 [tilespmem:s5+$0x0], $0x1;
	_ =	sdelay $0x4  }
0x251: {  	(v2sf) =	vpush @!p1 v1, $0x0;
	_ =	sdelay $0xe  }
.Ltmp36:
0x252: {  	s8 =	spop @!p1 (v2sf);
	(pc) =	sbr.rel @p2 .LBB2_44-.Ltmp36, $4  }
0x253: {  	p3 =	seq.s32 @!p1 s4, s8  }
0x254: {  	p3 =	por !p3, p1  }
0x255: {  	s6 =	simm.s32 @p3 $0xFFFFFFFF  }
0x256: {  	s6 =	smov.u32 @p1 s7  }
.LBB2_45:
0x257: {  	p1 =	seq.s32 s6, $0xFFFFFFFF  }
.Ltmp37:
0x258: {  	_ = 	snop;
	(pc) =	sbr.rel @p1 .LBB2_47-.Ltmp37, $1  }
0x259: {  	_ =	sdelay $0x3  }
0x25a: {  	s0 =	sshll.u32 s3, $0x7  }
0x25b: {  	s0 =	sand.u32 $0x3FFFFF80, s0  }
0x25c: {  	v0 =	vld [tilespmem:s0+$0xF238];
	_ =	sdelay $0x2  }
0x25d: {  	s4 =	sshll.u32 s6, $0x9  }
0x25e: {  	s4 =	sshra.s32 s4, $0x2  }
0x25f: {  	[tilespmem:s4+$0xF238] =	vst.add.f32.msk $0xffff, v0  }
0x260: {  	v0 =	vld [tilespmem:s0+$0xF248];
	_ =	sdelay $0x4  }
0x261: {  	[tilespmem:s4+$0xF248] =	vst.add.f32.msk $0xffff, v0  }
0x262: {  	v0 =	vld [tilespmem:s0+$0xF258];
	_ =	sdelay $0x4  }
0x263: {  	[tilespmem:s4+$0xF258] =	vst.add.f32.msk $0xffff, v0  }
0x264: {  	v0 =	vld [tilespmem:s0+$0xF268];
	_ =	sdelay $0x4  }
0x265: {  	[tilespmem:s4+$0xF268] =	vst.add.f32.msk $0xffff, v0  }
0x266: {  	v0 =	vld [tilespmem:s0+$0xF278];
	_ =	sdelay $0x4  }
0x267: {  	[tilespmem:s4+$0xF278] =	vst.add.f32.msk $0xffff, v0  }
0x268: {  	v0 =	vld [tilespmem:s0+$0xF288];
	_ =	sdelay $0x4  }
0x269: {  	[tilespmem:s4+$0xF288] =	vst.add.f32.msk $0xffff, v0  }
0x26a: {  	v0 =	vld [tilespmem:s0+$0xF298];
	_ =	sdelay $0x4  }
0x26b: {  	[tilespmem:s4+$0xF298] =	vst.add.f32.msk $0xffff, v0  }
0x26c: {  	v0 =	vld [tilespmem:s0+$0xF2A8]  }
.Ltmp38:
0x26d: {  	_ = 	snop;
	(pc) =	sbr.rel .LBB2_48-.Ltmp38, $2  }
0x26e: {  	_ =	sdelay $0x2  }
0x26f: {  	[tilespmem:s4+$0xF2A8] =	vst.add.f32.msk $0xffff, v0  }
.LBB2_49:
0x270: {  	p1 =	slt.s32 s2, $0x1  }
.Ltmp39:
0x271: {  	_ = 	snop;
	(pc) =	sbr.rel @p1 .LBB2_53-.Ltmp39, $3  }
0x272: {  	_ =	sdelay $0x1  }
0x273: {  	s0 =	simm.s32 $0x8  }
0x274: {  	s3 =	simm.s32 $0x0;
	[sflag:s0] =	ssyncpa.u1 $0x1  }
0x275: {  	s0 =	simm.s32 $0xF218  }
0x276: {  	v0 =	vld.msk [tilespmem:s0+$0x0], $0x1;
	_ =	sdelay $0x4  }
0x277: {  	(v2sf) =	vpush v0, $0x0;
	_ =	sdelay $0xe  }
0x278: {  	s0 =	sadd.s32 $0xFFFFFFFF, s2;
	s5 =	spop (v2sf)  }
0x279: {  	p2 =	sne.s32 s0, $0x0;
	p1 =	sgt.u32 s5, $0x4E1FF0  }
.Ltmp40:
0x27a: {  	s6 =	sand.u32 @!p1 $0x7FFFF8, s5;
	(pc) =	sbr.rel @!p2 .LBB2_52-.Ltmp40, $4  }
0x27b: {  	s4 =	simm.s32 $0xF238;
	s5 =	sand.u32 @!p1 $0x7, s5;
	s2 =	sadd.s32 @!p1 s1, s6  }
0x27c: {  	[hbm4b:s2+s5] =	stream.linear.scatter @!p1 [tilespmem:s4], [sflag:$0x7], $0x80, $0x38;
	[tilespmem:$0x1F6F8] =	vst v63  }
0x27d: {  	s5 =	simm.s32 $0x0  }
0x27e: {  	s2 =	simm.s32 $0xF219;
	s5 =	simm.s32 @!p1 $0x200  }
.LBB2_51:
0x27f: {  	v0 =	vld.msk [tilespmem:s2+$0x0], $0x1;
	s0 =	sadd.s32 $0xFFFFFFFF, s0;
	s3 =	sadd.s32 s3, s5  }
0x280: {  	p1 =	sne.s32 s0, $0x0;
	_ =	sdelay $0x3  }
0x281: {  	(v2sf) =	vpush v0, $0x0;
	_ =	sdelay $0xe  }
.Ltmp41:
0x282: {  	s6 =	spop (v2sf);
	(pc) =	sbr.rel @p1 .LBB2_51-.Ltmp41, $4  }
0x283: {  	s5 =	simm.s32 $0x0;
	p2 =	sgt.u32 s6, $0x4E1FF0  }
0x284: {  	s4 =	sadd.s32 $0x80, s4;
	s5 =	simm.s32 @!p2 $0x200;
	s7 =	sand.u32 @!p2 $0x7FFFF8, s6  }
0x285: {  	s2 =	sadd.s32 $0x1, s2;
	s6 =	sand.u32 @!p2 $0x7, s6;
	s7 =	sadd.s32 @!p2 s1, s7  }
0x286: {  	[hbm4b:s7+s6] =	stream.linear.scatter @!p2 [tilespmem:s4], [sflag:$0x7], $0x80, $0x38;
	[tilespmem:$0x1F6F8] =	vst v63  }
.LBB2_52:
0x287: {  	s0 =	sadd.s32 s3, s5  }
0x288: {  	s3 =	sshrl.u32 s0, $0x2  }
.LBB2_53:
0x289: {  	s0 =	simm.s32 $0x7  }
0x28a: {  	_ =	swait.ge [sflag:s0], s3  }
0x28b: {  	s1 =	ssub.s32 $0x0, s3;
	[sflag:s0] =	ssyncset.done $0x0  }
0x28c: {  	[sflag:s0] =	ssyncadd.s32 s1  }
0x28d: {  	[sflag:s0] =	ssyncpa.u1 $0x1  }
.LBB2_54:
0x28e: {  	_ =	sfence;
	s0 =	simm.s32 $0x1  }
0x28f: {  	[sflag:s0] =	ssyncpa.u1 $0x1  }
0x290: {  	_ =	strace $0x90000053  }
0x291: {  	[bflag:$0x2] =	sbarrier.arrive $0xFFFF  }
0x292: {  	s0 =	rddreg [dreg:$0x3]  }
0x293: {  	s0 =	sadd.s32 @!p0 $0x100000, s0  }
0x294: {  	[sflag:s0] =	ssyncadd.tile.s32 @!p0 $0x1;
	_ =	shalt  }
.Lfunc_end2:
_tile_overlayer_lowered:
.L_overlay_start_2:
0x295: {  	(tag) =	ssettag $0x2  }
0x296: {  	s0 =	rddreg [dreg:$0x0];
	s2 =	stileid.u32  }
0x297: {  	s1 =	rddreg [dreg:$0x1];
	p0 =	sne.s32 s2, $0x0  }
0x298: {  	s3 =	rddreg [dreg:$0x2];
	[bflag:$0x3] =	sbarrier.arrive $0xFFFF;
	s2 =	simm.s32 @!p0 $0x1C01  }
0x299: {  	[timem:s3], [sflag:s2] =	dma.local @!p0 [hbm:s0], s1  }
0x29a: {  	s0 =	simm.s32 @!p0 $0x1  }
0x29b: {  	_ =	swait.ge @!p0 [sflag:s0], s1  }
0x29c: {  	s1 =	ssub.s32 @!p0 $0x0, s1;
	[sflag:s0] =	ssyncset.done @!p0 $0x0  }
0x29d: {  	[sflag:s0] =	ssyncadd.s32 @!p0 s1  }
0x29e: {  	[bflag:$0x3] =	sbarrier.arrive $0xFFFF  }
0x29f: {  	_ =	shalt  }

// kernel: scatter_offload_async_start
scs
__scs_entry_jumppad:
0x0: {  	(pc) =	sbr.rel $0x88, $3  }
0x1: {  	(tag) =	ssettag $0x0;
	lr =	simm.s32 $0x1  }
0x2: {  	[smem:$0x3F8D] =	sst lr;
	_ =	strace $0xD0000000  }
0x3: {  	_ = 	snop  }
0x4: {  	_ = 	snop  }
0x5: {  	_ = 	snop  }
0x6: {  	_ = 	snop  }
0x7: {  	_ = 	snop  }
__scs_overlays_trampoline_lowered:
0x8: {  	[smem:$0x3F9C] =	sst s0  }
0x9: {  	[smem:$0x3F9D] =	sst s1  }
0xa: {  	[smem:$0x3F9E] =	sst s2  }
0xb: {  	[smem:$0x3F9F] =	sst s3  }
0xc: {  	[smem:$0x3FA0] =	sst s4  }
0xd: {  	[smem:$0x3FA1] =	sst s5  }
0xe: {  	[smem:$0x3FA2] =	sst s6  }
0xf: {  	[smem:$0x3FA3] =	sst s7  }
0x10: {  	[smem:$0x3FA4] =	sst s8  }
0x11: {  	[smem:$0x3FA5] =	sst s9;
	s0 =	simm.s32 @!p0 $0x0  }
0x12: {  	s1 =	sld [smem:$0x3F8B];
	s0 =	simm.s32 @p0 $0x1  }
0x13: {  	[smem:$0x3FA6] =	sst s0;
	s0 =	simm.s32 @!p1 $0x0  }
0x14: {  	s2 =	sld [smem:$0x3F8A];
	s0 =	simm.s32 @p1 $0x1  }
0x15: {  	[smem:$0x3FA7] =	sst s0;
	s0 =	simm.s32 @!p2 $0x0  }
0x16: {  	s3 =	sld [smem:$0x3FDB];
	s0 =	simm.s32 @p2 $0x1  }
0x17: {  	s4 =	simm.s32 $0x1BF5;
	[smem:$0x3FA9] =	sst s0  }
0x18: {  	s0 =	sld [smem:$0x3F8C];
	_ =	swait.ge [sflag:s4], $0x0  }
0x19: {  	s7 =	sld [smem:$0x3F8D]  }
0x1a: {  	s8 =	sadd.s32 $0xFFFFE003, lr  }
0x1b: {  	s9 =	sadd.s32 $0xFFFFFEF7, lr;
	s5 =	simm.s32 $0xFFFFFFFF;
	p2 =	slt.u32 s8, $0xFFFFF086  }
0x1c: {  	p1 =	slt.u32 s9, $0xF7A;
	s5 =	simm.s32 @!p2 $0x0  }
0x1d: {  	s5 =	simm.s32 @p1 $0x1;
	p0 =	seq.s32 s7, s2  }
0x1e: {  	s7 =	smul.u32 @!p0 $0xF7A, s2;
	p2 =	seq.s32 @!p0 s5, $0x0  }
0x1f: {  	s9 =	smul.u32 $0xF7A, s1;
	s8 =	simm.s32 @!p0 $0x1BF5;
	p2 =	por !p2, p0  }
0x20: {  	[sflag:s8] =	ssyncset.s32 @!p0 $0xFFFFF086;
	s6 =	sadd.s32 @!p0 s3, s7;
	s7 =	simm.s32 @!p0 $0x108  }
0x21: {  	s3 =	sadd.s32 s3, s9;
	s6 =	sadd.s32 @!p0 $0x88, s6;
	s7 =	simm.s32 @p2 $0x1082  }
0x22: {  	[simem:s7], [sflag:s8] =	dma.local @!p0 [hbm:s6], $0xF7A  }
0x23: {  	s9 =	sor.u32 $0xD0000000, s2;
	s6 =	simm.s32 $0x108;
	_ =	swait.ge @!p0 [sflag:s8], $0x0  }
0x24: {  	s3 =	sadd.s32 $0x88, s3;
	s6 =	simm.s32 @!p1 $0x1082;
	[sflag:s4] =	ssyncset.s32 $0xFFFFF086  }
0x25: {  	[simem:s6], [sflag:s4] =	dma.local [hbm:s3], $0xF7A  }
0x26: {  	[smem:$0x3F8D] =	sst s1;
	(tag) =	ssettag s2;
	_ =	strace s9  }
0x27: {  	s1 =	sld [smem:$0x3F9D]  }
0x28: {  	s2 =	sld [smem:$0x3F9E]  }
0x29: {  	s4 =	sld [smem:$0x3FA0]  }
0x2a: {  	p0 =	seq.s32 s5, $0x0;
	s5 =	sld [smem:$0x3FA1]  }
0x2b: {  	s6 =	sld [smem:$0x3FA2]  }
0x2c: {  	s7 =	sld [smem:$0x3FA3]  }
0x2d: {  	s3 =	simm.s32 $0x108;
	s8 =	sld [smem:$0x3FA4]  }
0x2e: {  	s3 =	simm.s32 @!p0 $0x1082;
	s9 =	sld [smem:$0x3FA5]  }
0x2f: {  	lr =	sadd.s32 s0, s3;
	s0 =	sld [smem:$0x3F9C]  }
0x30: {  	s3 =	sld [smem:$0x3F9F]  }
0x31: {  	[smem:$0x3FA8] =	sst s10  }
0x32: {  	s10 =	sld [smem:$0x3FA6];
	_ =	sdelay $0x3  }
0x33: {  	p0 =	seq.s32 s10, $0x1;
	s10 =	sld [smem:$0x3FA8];
	_ =	sdelay $0x3  }
0x34: {  	[smem:$0x3FA8] =	sst s10  }
0x35: {  	s10 =	sld [smem:$0x3FA7];
	_ =	sdelay $0x3  }
0x36: {  	p1 =	seq.s32 s10, $0x1;
	s10 =	sld [smem:$0x3FA8];
	_ =	sdelay $0x3  }
0x37: {  	[smem:$0x3FA8] =	sst s10  }
0x38: {  	s10 =	sld [smem:$0x3FA9]  }
0x39: {  	_ = 	snop;
	(pc) =	sbr.ind lr, $3  }
0x3a: {  	_ = 	snop  }
0x3b: {  	_ = 	snop  }
0x3c: {  	p2 =	seq.s32 s10, $0x1;
	s10 =	sld [smem:$0x3FA8]  }
0x3d: {  	_ =	shalt  }
0x3e: {  	_ =	shalt  }
0x3f: {  	_ =	shalt  }
0x40: {  	_ =	shalt  }
0x41: {  	_ =	shalt  }
0x42: {  	_ =	shalt  }
0x43: {  	_ =	shalt  }
0x44: {  	_ =	shalt  }
0x45: {  	_ =	shalt  }
0x46: {  	_ =	shalt  }
0x47: {  	_ =	shalt  }
0x48: {  	_ =	shalt  }
0x49: {  	_ =	shalt  }
0x4a: {  	_ =	shalt  }
0x4b: {  	_ =	shalt  }
0x4c: {  	_ =	shalt  }
0x4d: {  	_ =	shalt  }
0x4e: {  	_ =	shalt  }
0x4f: {  	_ =	shalt  }
0x50: {  	_ =	shalt  }
0x51: {  	_ =	shalt  }
0x52: {  	_ =	shalt  }
0x53: {  	_ =	shalt  }
0x54: {  	_ =	shalt  }
0x55: {  	_ =	shalt  }
0x56: {  	_ =	shalt  }
0x57: {  	_ =	shalt  }
0x58: {  	_ =	shalt  }
0x59: {  	_ =	shalt  }
0x5a: {  	_ =	shalt  }
0x5b: {  	_ =	shalt  }
0x5c: {  	_ =	shalt  }
0x5d: {  	_ =	shalt  }
0x5e: {  	_ =	shalt  }
0x5f: {  	_ =	shalt  }
0x60: {  	_ =	shalt  }
0x61: {  	_ =	shalt  }
0x62: {  	_ =	shalt  }
0x63: {  	_ =	shalt  }
0x64: {  	_ =	shalt  }
0x65: {  	_ =	shalt  }
0x66: {  	_ =	shalt  }
0x67: {  	_ =	shalt  }
0x68: {  	_ =	shalt  }
0x69: {  	_ =	shalt  }
0x6a: {  	_ =	shalt  }
0x6b: {  	_ =	shalt  }
0x6c: {  	_ =	shalt  }
0x6d: {  	_ =	shalt  }
0x6e: {  	_ =	shalt  }
0x6f: {  	_ =	shalt  }
0x70: {  	_ =	shalt  }
0x71: {  	_ =	shalt  }
0x72: {  	_ =	shalt  }
0x73: {  	_ =	shalt  }
0x74: {  	_ =	shalt  }
0x75: {  	_ =	shalt  }
0x76: {  	_ =	shalt  }
0x77: {  	_ =	shalt  }
0x78: {  	_ =	shalt  }
0x79: {  	_ =	shalt  }
0x7a: {  	_ =	shalt  }
0x7b: {  	_ =	shalt  }
0x7c: {  	_ =	shalt  }
0x7d: {  	_ =	shalt  }
0x7e: {  	_ =	shalt  }
0x7f: {  	_ =	shalt  }
0x80: {  	_ =	shalt  }
0x81: {  	_ =	shalt  }
0x82: {  	_ =	shalt  }
0x83: {  	_ =	shalt  }
0x84: {  	_ =	shalt  }
0x85: {  	_ =	shalt  }
0x86: {  	_ =	shalt  }
0x87: {  	_ =	shalt  }
.Lfunc_end0:
.L_simem_size_0:
called_computation_lowered:
.L_overlay_start_0:
0x88: {  	s2 =	sld [smem:$0x3FD9]  }
0x89: {  	s3 =	sld [smem:$0x3FFE];
	_ =	sdelay $0x1  }
0x8a: {  	s1 =	srdreg.scid  }
0x8b: {  	s0 =	sand.u32 $0x1, s1  }
0x8c: {  	s12 =	sshll.u32 s0, $0xA;
	s2 =	sadd.s32 s3, s2  }
0x8d: {  	s2 =	sadd.s32 s2, s12  }
0x8e: {  	[smem:$0x3FB4] =	sst s2  }
0x8f: {  	_ = 	snop  }
0x90: {  	(tm) =	ssettm $0x1  }
0x91: {  	s13 =	sld [smem:$0x3FFB];
	_ =	sdelay $0x3  }
0x92: {  	_ =	strace s13  }
0x93: {  	s2 =	sld [smem:$0x3FFC];
	_ =	sdelay $0x3  }
0x94: {  	_ =	strace s2  }
0x95: {  	s2 =	sld [smem:$0x3FFD];
	_ =	sdelay $0x3  }
0x96: {  	_ =	strace s2  }
0x97: {  	_ =	strace $0x8FFFFFFF  }
0x98: {  	s14 =	sld [smem:$0x3FDB];
	_ =	sdelay $0x1  }
0x99: {  	s15 =	simm.s32 $_scs_section_size  }
0x9a: {  	s4 =	simm.s32 $_size__tile_overlayer_lowered;
	s5 =	simm.s32 $_tile_overlayer_lowered  }
0x9b: {  	s19 =	simm.s32 $0x1BFF;
	s17 =	sshll.u32 s5, $0x1;
	s6 =	sadd.s32 s15, s14  }
0x9c: {  	s20 =	simm.s32 $0x0;
	s16 =	sshll.u32 s4, $0x1;
	s18 =	sadd.s32 s17, s6  }
0x9d: {  	[timem:s20], [sflag:s19] =	dma.local [hbm:s18], s16  }
0x9e: {  	_ =	swait.ge [sflag:s19], s16  }
0x9f: {  	s3 =	ssub.s32 $0x0, s16;
	[sflag:s19] =	ssyncset.done $0x0  }
0xa0: {  	[sflag:s19] =	ssyncadd.s32 s3;
	_ =	sdelay $0x1  }
0xa1: {  	s21 =	simm.s32 $0x1B8B  }
0xa2: {  	_ =	swait.ge [sflag:s21], $0x1  }
0xa3: {  	[sflag:s21] =	ssyncset.done $0x0  }
0xa4: {  	[sflag:s21] =	ssyncadd.s32 $0xFFFFFFFF  }
0xa5: {  	s3 =	sld [smem:$0x0]  }
0xa6: {  	s4 =	sand.u32 $0xFFFFFFFE, s1  }
0xa7: {  	p0 =	sne.s32 s1, s4  }
0xa8: {  	s4 =	sshll.u32 @p0 s4, $0xE  }
0xa9: {  	s5 =	sadd.s32 @p0 $0x11B8D, s4;
	s7 =	sshll.u32 @p0 s3, $0x11  }
0xaa: {  	s5 =	sor.u32 @p0 s7, s5  }
0xab: {  	[sflag:s5] =	ssyncadd.remote.s32 @p0 $0x1;
	_ =	sdelay $0x1  }
0xac: {  	s5 =	simm.s32 @p0 $0x1B8D  }
0xad: {  	_ =	swait.eq @p0 [sflag:s5], $0x1  }
0xae: {  	[sflag:s5] =	ssyncadd.s32 @p0 $0xFFFFFFFF  }
0xaf: {  	s7 =	sshll.u32 @!p0 s1, $0xE  }
0xb0: {  	s7 =	sor.u32 @!p0 $0x4000, s7;
	s5 =	simm.s32 @!p0 $0x1B8D  }
0xb1: {  	s9 =	sshll.u32 @!p0 s3, $0x11;
	s8 =	sadd.s32 @!p0 $0x11B8D, s7;
	_ =	swait.eq @!p0 [sflag:s5], $0x1  }
0xb2: {  	[sflag:s5] =	ssyncadd.s32 @!p0 $0xFFFFFFFF;
	s5 =	sor.u32 @!p0 s9, s8  }
0xb3: {  	s23 =	simm.s32 $0x1B8E;
	s22 =	sld [smem:$0x3FFE];
	[sflag:s5] =	ssyncadd.remote.s32 @!p0 $0x1  }
0xb4: {  	s24 =	simm.s32 $execute0_lowered;
	[smem:$0x3FD2] =	sst s23  }
0xb5: {  	s8 =	sshll.u32 s24, $0x1;
	_ =	strace $0x80000049;
	[dreg:$0x1] =	wrdreg $0xFFFFFFFF  }
0xb6: {  	s25 =	simm.s32 $_size_execute0_lowered;
	s8 =	sadd.s32 s6, s8;
	[dreg:$0x0] =	wrdreg $0x0  }
0xb7: {  	s9 =	sshll.u32 s25, $0x1;
	[dreg:$0x2] =	wrdreg s8  }
0xb8: {  	[dreg:$0x3] =	wrdreg s9  }
0xb9: {  	[dreg:$0x4] =	wrdreg $0xC0  }
0xba: {  	s26 =	simm.s32 $execute1_lowered;
	_ =	task [dreg:s20], $0x5FFFF  }
0xbb: {  	s8 =	sshll.u32 s26, $0x1;
	[dreg:$0x1] =	wrdreg $0xFFFFFFFF  }
0xbc: {  	s6 =	sadd.s32 s6, s8;
	[dreg:$0x0] =	wrdreg $0x60  }
0xbd: {  	[dreg:$0x2] =	wrdreg s6  }
0xbe: {  	[dreg:$0x3] =	wrdreg s22  }
0xbf: {  	[dreg:$0x4] =	wrdreg $0x9  }
0xc0: {  	_ =	task.clear_ibuf [dreg:s20], $0x5FFFF;
	_ =	strace $0x90000049  }
0xc1: {  	s28 =	simm.s32 $0x9;
	_ =	strace $0x8000004B  }
0xc2: {  	_ =	swait.ge [sflag:s28], $0x1  }
0xc3: {  	[sflag:s28] =	ssyncadd.s32 $0xFFFFFFFF  }
0xc4: {  	_ =	strace $0x9000004B  }
0xc5: {  	s6 =	sld [smem:$0x0];
	_ =	sdelay $0x3  }
0xc6: {  	s4 =	sadd.s32 @p0 $0x11BF3, s4;
	s8 =	sshll.u32 @p0 s6, $0x11  }
0xc7: {  	s4 =	sor.u32 @p0 s8, s4  }
0xc8: {  	[sflag:s4] =	ssyncadd.remote.s32 @p0 $0x1;
	_ =	sdelay $0x1  }
0xc9: {  	s4 =	simm.s32 @p0 $0x1BF3  }
0xca: {  	_ =	swait.eq @p0 [sflag:s4], $0x1  }
0xcb: {  	[sflag:s4] =	ssyncadd.s32 @p0 $0xFFFFFFFF;
	_ =	sdelay $0x1  }
0xcc: {  	s4 =	simm.s32 @!p0 $0x1BF3  }
0xcd: {  	s7 =	sadd.s32 @!p0 $0x11BF3, s7;
	s6 =	sshll.u32 @!p0 s6, $0x11;
	_ =	swait.eq @!p0 [sflag:s4], $0x1  }
0xce: {  	[sflag:s4] =	ssyncadd.s32 @!p0 $0xFFFFFFFF;
	s4 =	sor.u32 @!p0 s6, s7  }
0xcf: {  	[sflag:s4] =	ssyncadd.remote.s32 @!p0 $0x1  }
0xd0: {  	_ =	strace $0x8000004C;
	[dreg:$0x1] =	wrdreg $0xFFFFFFFF  }
0xd1: {  	[dreg:$0x0] =	wrdreg $0x2030  }
0xd2: {  	[dreg:$0x2] =	wrdreg s22  }
0xd3: {  	[dreg:$0x3] =	wrdreg s1  }
0xd4: {  	[dreg:$0x4] =	wrdreg s3  }
0xd5: {  	[dreg:$0x5] =	wrdreg $0xA  }
0xd6: {  	_ =	task.clear_ibuf [dreg:s20], $0x6FFFF;
	_ =	strace $0x9000004C  }
0xd7: {  	s29 =	simm.s32 $0xA;
	_ =	strace $0x8000004E  }
0xd8: {  	_ =	swait.ge [sflag:s29], $0x1  }
0xd9: {  	[sflag:s29] =	ssyncadd.s32 $0xFFFFFFFF  }
0xda: {  	_ =	strace $0x9000004E  }
0xdb: {  	_ =	sfence  }
0xdc: {  	s30 =	sld [smem:$0x0];
	_ =	sdelay $0x2  }
0xdd: {  	s31 =	sshll.u32 s1, $0xD;
	s1 =	sshrl.u32 s1, $0x2  }
0xde: {  	s4 =	sand.u32 $0x4000, s31;
	s1 =	sadd.s32 s1, s30  }
0xdf: {  	s0 =	sor.u32 s4, s0;
	s1 =	sshll.u32 s1, $0x11  }
0xe0: {  	s0 =	sor.u32 s1, s0  }
0xe1: {  	s0 =	sadd.s32 $0x8F2B, s0  }
0xe2: {  	[sflag:s0] =	ssyncadd.remote.s32 $0x1  }
0xe3: {  	_ =	sfence.sel $0xFFFF  }
0xe4: {  	[dreg:$0x0] =	wrdreg $0xFFFFFFFF;
	(pc) =	sbr.abs _section_cstart, $3  }
0xe5: {  	[dreg:$0x1] =	wrdreg $0xFFFFFFFF  }
0xe6: {  	_ =	task.clear_ibuf [dreg:s20], $0x2FFFF;
	_ =	strace $0x9FFFFFFF  }
0xe7: {  	(tm) =	ssettm $0x7FFFFFFF  }
tec
execute0_lowered:
.L_overlay_start_1:
0x0: {  	(tag) =	ssettag $0x1  }
0x1: {  	s2 =	rddreg [dreg:$0x0]  }
0x2: {  	s4 =	rddreg [dreg:$0x1]  }
0x3: {  	s0 =	rddreg [dreg:$0x2];
	s3 =	stileid.u32;
	[bflag:$0x3] =	sbarrier.arrive $0xFFFF  }
0x4: {  	s1 =	simm.s32 $_size_execute1_lowered;
	s29 =	srdreg.scid;
	p0 =	sne.s32 s3, $0x0  }
0x5: {  	s1 =	sshll.u32 s1, $0x1;
	s5 =	simm.s32 @!p0 $0x1C3F;
	s6 =	simm.s32 @!p0 $0x4060  }
0x6: {  	[timem:s6], [sflag:s5] =	dma.local @!p0 [hbm:s2], s1  }
0x7: {  	s2 =	sshll.u32 s29, $0x7  }
0x8: {  	s7 =	simm.s32 $0x1;
	s3 =	sshll.u32 s3, $0x8;
	s2 =	sand.u32 $0x80, s2  }
0x9: {  	s8 =	simm.s32 $0x2;
	s9 =	simm.s32 $0x0;
	s2 =	sor.u32 s3, s2  }
0xa: {  	s12 =	simm.s32 $0x0;
	s11 =	simm.s32 $0x0;
	s30 =	ssub.s32 $0x4E200, s2  }
.Ltmp0:
0xb: {  	s5 =	simm.s32 $0x1;
	s31 =	sand.u32 $0xF80, s30;
	(pc) =	sbr.rel .LBB2_1-.Ltmp0, $4  }
0xc: {  	_ =	strace $0x8000004A;
	s3 =	sadd.s32 $0xA4C200, s4;
	p1 =	sne.s32 s31, $0x0  }
0xd: {  	[sflag:s5] =	ssyncpa.u1 $0x0;
	s6 =	sshrl.u32 s30, $0xC;
	s7 =	simm.s32 @!p1 $0x0  }
0xe: {  	s4 =	sadd.s32 $0xF2E200, s4;
	[sflag:s8] =	ssyncpa.u1 $0x0;
	s6 =	sadd.s32 s7, s6  }
0xf: {  	s8 =	simm.s32 $0x0;
	s10 =	smov.u32 s2;
	s7 =	sadd.s32 $0x1, s6  }
.LBB2_4:
0x10: {  	_ =	sdelay $0x3  }
0x11: {  	[tilespmem:v0+s14+$0xFFFFFFA0 ss:$0x1] =	vst.idx.msk $0xffff, v6  }
0x12: {  	v56 =	vld.idx.msk [tilespmem:v1+s15+$0x30 ss:$0x1], $0xffff;
	[tilespmem:v0+s14+$0xFFFFFFB0 ss:$0x1] =	vst.idx.msk $0xffff, v4  }
0x13: {  	v57 =	vld.idx.msk [tilespmem:v1+s15+$0xFFFFFFC0 ss:$0x1], $0xffff;
	[tilespmem:v0+s14+$0xFFFFFFC0 ss:$0x1] =	vst.idx.msk $0xffff, v2  }
0x14: {  	v58 =	vld.idx.msk [tilespmem:v1+s15+$0xFFFFFFD0 ss:$0x1], $0xffff;
	[tilespmem:v0+s14+$0xFFFFFFD0 ss:$0x1] =	vst.idx.msk $0xffff, v3  }
0x15: {  	v59 =	vld.idx.msk [tilespmem:v1+s15+$0xFFFFFFE0 ss:$0x1], $0xffff;
	[tilespmem:v0+s14+$0xFFFFFFE0 ss:$0x1] =	vst.idx.msk $0xffff, v5  }
0x16: {  	v60 =	vld.idx.msk [tilespmem:v1+s15+$0xFFFFFFF0 ss:$0x1], $0xffff;
	[tilespmem:v0+s14+$0xFFFFFFF0 ss:$0x1] =	vst.idx.msk $0xffff, v7;
	s12 =	sand.u32 $0x1FFFFFF, s12  }
0x17: {  	v61 =	vld.idx.msk [tilespmem:v1+s15+$0x0 ss:$0x1], $0xffff;
	s31 =	smulhi.u32 $0x1A36E2F, s12;
	[tilespmem:v0+s15+$0x0 ss:$0x1] =	vst.idx.msk $0xffff, v56  }
0x18: {  	v62 =	vld.idx.msk [tilespmem:v1+s15+$0x10 ss:$0x1], $0xffff;
	[tilespmem:v0+s15+$0xFFFFFF90 ss:$0x1] =	vst.idx.msk $0xffff, v57  }
0x19: {  	v63 =	vld.idx.msk [tilespmem:v1+s15+$0x20 ss:$0x1], $0xffff;
	s14 =	sshrl.u32 s31, $0xB;
	[tilespmem:v0+s15+$0xFFFFFFA0 ss:$0x1] =	vst.idx.msk $0xffff, v58  }
0x1a: {  	s14 =	smul.u32 $0x4E200, s14;
	[tilespmem:v0+s15+$0xFFFFFFB0 ss:$0x1] =	vst.idx.msk $0xffff, v59  }
0x1b: {  	[tilespmem:v0+s15+$0xFFFFFFC0 ss:$0x1] =	vst.idx.msk $0xffff, v60  }
0x1c: {  	[tilespmem:v0+s15+$0xFFFFFFD0 ss:$0x1] =	vst.idx.msk $0xffff, v61;
	s12 =	ssub.s32 s12, s14  }
0x1d: {  	[tilespmem:v0+s15+$0xFFFFFFE0 ss:$0x1] =	vst.idx.msk $0xffff, v62;
	s12 =	sshll.u32 s12, $0x4  }
0x1e: {  	[tilespmem:v0+s15+$0xFFFFFFF0 ss:$0x1] =	vst.idx.msk $0xffff, v63;
	s12 =	sadd.s32 s4, s12  }
0x1f: {  	[hbm4b:s12+s8] =	stream.linear.scatter [tilespmem:s13], [sflag:$0x2], $0x4000, $0x38;
	[tilespmem:$0x10000] =	vst v63  }
.LBB2_5:
0x20: {  	s14 =	sadd.s32 $0x1000, s10  }
0x21: {  	p2 =	sgt.s32 s14, $0x4E1FF  }
0x22: {  	s14 =	smov.u32 @p2 s2;
	p2 =	sne.s32 s11, s7  }
.Ltmp1:
0x23: {  	p1 =	slt.u32 s11, $0x2;
	(pc) =	sbr.rel @!p2 .LBB2_6-.Ltmp1, $4  }
0x24: {  	s13 =	simm.s32 @!p1 $0x2  }
0x25: {  	s15 =	sadd.s32 $0x1, s11;
	_ =	swait.ge @!p1 [sflag:s13], $0x4000  }
0x26: {  	s12 =	smov.u32 s10;
	s9 =	sadd.s32 $0x4000, s9;
	[sflag:s13] =	ssyncset.done @!p1 $0x0  }
0x27: {  	s11 =	smov.u32 s15;
	s10 =	smov.u32 s14;
	[sflag:s13] =	ssyncadd.s32 @!p1 $0xFFFFC000  }
.LBB2_1:
0x28: {  	p1 =	sge.u32 s11, s6  }
0x29: {  	s13 =	sand.u32 @!p1 $0x1FFFFFF, s10  }
0x2a: {  	s14 =	smulhi.u32 @!p1 $0x1A36E2F, s13;
	_ =	sdelay $0x1  }
0x2b: {  	s14 =	sshrl.u32 @!p1 s14, $0xB  }
0x2c: {  	s14 =	smul.u32 @!p1 $0x4E200, s14;
	_ =	sdelay $0x1  }
0x2d: {  	s15 =	sxor.u32 @!p1 $0xFFFFFFFF, s11;
	s13 =	ssub.s32 @!p1 s13, s14  }
0x2e: {  	s31 =	sadd.s32 $0xFFFFFFFF, s11;
	s14 =	sshll.u32 @!p1 s15, $0xE;
	s13 =	sshll.u32 @!p1 s13, $0x4  }
0x2f: {  	s15 =	simm.s32 @!p1 $0x0;
	s14 =	sand.u32 @!p1 $0x4000, s14;
	s13 =	sadd.s32 @!p1 s3, s13  }
0x30: {  	[tilespmem:s14], [sflag:$0x1] =	stream.linear.gather @!p1 [hbm4b:s13+s15], $0x4000, $0x38;
	[tilespmem:$0x10000] =	vst v63  }
0x31: {  	p1 =	sge.u32 s31, s6  }
.Ltmp2:
0x32: {  	_ = 	snop;
	(pc) =	sbr.rel @p1 .LBB2_5-.Ltmp2, $1  }
0x33: {  	_ =	sdelay $0x3  }
0x34: {  	s13 =	sand.u32 $0x4000, s9  }
0x35: {  	s14 =	sor.u32 $0x40, s13  }
0x36: {  	v1 =	vmov s14;
	_ =	sdelay $0x1  }
0x37: {  	_ =	swait.ge [sflag:s5], $0x4000  }
0x38: {  	[sflag:s5] =	ssyncset.done $0x0  }
0x39: {  	[sflag:s5] =	ssyncadd.s32 $0xFFFFC000;
	s14 =	simm.s32 $0x0  }
0x3a: {  	s13 =	sor.u32 $0x8070, s13;
	v7 =	vld.idx.msk [tilespmem:v1+s14+$0x30 ss:$0x1], $0xffff  }
0x3b: {  	v0 =	vmov s13;
	v8 =	vld.idx.msk [tilespmem:v1+s14+$0xFFFFFFC0 ss:$0x1], $0xffff  }
0x3c: {  	v6 =	vld.idx.msk [tilespmem:v1+s14+$0xFFFFFFD0 ss:$0x1], $0xffff  }
0x3d: {  	v4 =	vld.idx.msk [tilespmem:v1+s14+$0xFFFFFFE0 ss:$0x1], $0xffff  }
0x3e: {  	v2 =	vld.idx.msk [tilespmem:v1+s14+$0xFFFFFFF0 ss:$0x1], $0xffff  }
0x3f: {  	s31 =	sshll.u32 s11, $0xE;
	v3 =	vld.idx.msk [tilespmem:v1+s14+$0x0 ss:$0x1], $0xffff  }
0x40: {  	s13 =	sand.u32 $0x4000, s31;
	v5 =	vld.idx.msk [tilespmem:v1+s14+$0x10 ss:$0x1], $0xffff;
	[tilespmem:v0+s14+$0x0 ss:$0x1] =	vst.idx.msk $0xffff, v7  }
0x41: {  	s15 =	simm.s32 $0x80;
	s16 =	simm.s32 $0x400;
	s13 =	sor.u32 $0x8000, s13;
	[tilespmem:v0+s14+$0xFFFFFF90 ss:$0x1] =	vst.idx.msk $0xffff, v8;
	v7 =	vld.idx.msk [tilespmem:v1+s14+$0x20 ss:$0x1], $0xffff  }
.LBB2_3:
0x42: {  	p1 =	sne.s32 s16, $0xFE00;
	v8 =	vld.idx.msk [tilespmem:v1+s15+$0x30 ss:$0x1], $0xffff;
	[tilespmem:v0+s14+$0xFFFFFFA0 ss:$0x1] =	vst.idx.msk $0xffff, v6  }
0x43: {  	v9 =	vld.idx.msk [tilespmem:v1+s15+$0xFFFFFFC0 ss:$0x1], $0xffff;
	[tilespmem:v0+s14+$0xFFFFFFB0 ss:$0x1] =	vst.idx.msk $0xffff, v4  }
0x44: {  	v6 =	vld.idx.msk [tilespmem:v1+s15+$0xFFFFFFD0 ss:$0x1], $0xffff;
	[tilespmem:v0+s14+$0xFFFFFFC0 ss:$0x1] =	vst.idx.msk $0xffff, v2  }
.Ltmp3:
0x45: {  	v4 =	vld.idx.msk [tilespmem:v1+s15+$0xFFFFFFE0 ss:$0x1], $0xffff;
	[tilespmem:v0+s14+$0xFFFFFFD0 ss:$0x1] =	vst.idx.msk $0xffff, v3;
	(pc) =	sbr.rel @p1 .LBB2_3-.Ltmp3, $4  }
0x46: {  	v2 =	vld.idx.msk [tilespmem:v1+s15+$0xFFFFFFF0 ss:$0x1], $0xffff;
	[tilespmem:v0+s14+$0xFFFFFFE0 ss:$0x1] =	vst.idx.msk $0xffff, v5  }
0x47: {  	v3 =	vld.idx.msk [tilespmem:v1+s15+$0x0 ss:$0x1], $0xffff;
	[tilespmem:v0+s14+$0xFFFFFFF0 ss:$0x1] =	vst.idx.msk $0xffff, v7;
	s14 =	smov.u32 s15  }
0x48: {  	v5 =	vld.idx.msk [tilespmem:v1+s14+$0x10 ss:$0x1], $0xffff;
	[tilespmem:v0+s14+$0x0 ss:$0x1] =	vst.idx.msk $0xffff, v8  }
0x49: {  	s15 =	sshra.s32 s16, $0x2;
	s16 =	sadd.s32 $0x200, s16;
	[tilespmem:v0+s14+$0xFFFFFF90 ss:$0x1] =	vst.idx.msk $0xffff, v9;
	v7 =	vld.idx.msk [tilespmem:v1+s14+$0x20 ss:$0x1], $0xffff  }
.Ltmp4:
0x4a: {  	_ = 	snop;
	(pc) =	sbr.rel .LBB2_4-.Ltmp4, $1  }
0x4b: {  	_ =	sdelay $0x3  }
.LBB2_6:
0x4c: {  	_ =	sfence.sel $0x180000  }
0x4d: {  	s2 =	simm.s32 $0x1;
	[bflag:$0x0] =	sbarrier.arrive $0xFFFF  }
0x4e: {  	s31 =	simm.s32 $0x2;
	[sflag:s2] =	ssyncpa.u1 $0x1  }
0x4f: {  	[sflag:s31] =	ssyncpa.u1 $0x1  }
0x50: {  	_ =	strace $0x9000004A  }
0x51: {  	s0 =	sadd.s32 @!p0 $0x100000, s0;
	[bflag:$0x2] =	sbarrier.arrive $0xFFFF  }
0x52: {  	[sflag:s0] =	ssyncadd.tile.s32 @!p0 $0x1;
	s0 =	simm.s32 @!p0 $0x3F  }
0x53: {  	_ =	swait.ge @!p0 [sflag:s0], s1  }
0x54: {  	s1 =	ssub.s32 @!p0 $0x0, s1;
	[sflag:s0] =	ssyncset.done @!p0 $0x0  }
0x55: {  	[sflag:s0] =	ssyncadd.s32 @!p0 s1  }
0x56: {  	[bflag:$0x3] =	sbarrier.arrive $0xFFFF  }
0x57: {  	_ =	shalt  }
.Lfunc_end2:
execute1_lowered:
.L_overlay_start_2:
0x58: {  	(tag) =	ssettag $0x2  }
0x59: {  	s2 =	rddreg [dreg:$0x0]  }
0x5a: {  	s3 =	rddreg [dreg:$0x1];
	_ =	strace $0x8000004D;
	s0 =	simm.s32 $0x1  }
0x5b: {  	v0 =	vimm.s32 $0x0;
	[sflag:s0] =	ssyncpa.u1 $0x0;
	s0 =	simm.s32 $0x108  }
0x5c: {  	[tilespmem:s0+$0x70] =	vst v0  }
0x5d: {  	[tilespmem:s0+$0x60] =	vst v0  }
0x5e: {  	[tilespmem:s0+$0x50] =	vst v0  }
0x5f: {  	[tilespmem:s0+$0x40] =	vst v0  }
0x60: {  	s1 =	sadd.s32 $0xF2E200, s2;
	[tilespmem:s0+$0x30] =	vst v0  }
0x61: {  	s15 =	sadd.s32 $0xA1AE00, s2;
	s6 =	sadd.s32 $0x43400, s2;
	[tilespmem:s0+$0x20] =	vst v0  }
0x62: {  	s14 =	sadd.s32 $0xA2E800, s2;
	s5 =	sand.u32 $0x1, s3;
	s3 =	simm.s32 $0x40;
	[tilespmem:s0+$0x10] =	vst v0  }
.LBB3_1:
0x63: {  	s3 =	sadd.s32 $0x40, s3;
	[tilespmem:s0+$0x0] =	vst v0;
	s0 =	sadd.s32 $0x80, s0  }
0x64: {  	p0 =	slt.u32 s3, $0x3C40;
	[tilespmem:s0+$0x70] =	vst v0  }
0x65: {  	[tilespmem:s0+$0x60] =	vst v0  }
.Ltmp5:
0x66: {  	[tilespmem:s0+$0x50] =	vst v0;
	(pc) =	sbr.rel @p0 .LBB3_1-.Ltmp5, $4  }
0x67: {  	[tilespmem:s0+$0x40] =	vst v0  }
0x68: {  	[tilespmem:s0+$0x30] =	vst v0  }
0x69: {  	[tilespmem:s0+$0x20] =	vst v0  }
0x6a: {  	[tilespmem:s0+$0x10] =	vst v0  }
0x6b: {  	s9 =	stileid.u32  }
0x6c: {  	s2 =	smul.u32 $0x53, s9  }
0x6d: {  	s3 =	smin.u32 s9, $0x6  }
0x6e: {  	s2 =	sadd.s32 s3, s2  }
0x6f: {  	p0 =	slt.u32 s9, $0x6;
	s7 =	smul.u32 $0xF0, s2;
	s2 =	simm.s32 $0x4EC0  }
0x70: {  	s2 =	simm.s32 @!p0 $0x4DD0  }
0x71: {  	s2 =	sadd.s32 s2, s7  }
0x72: {  	s8 =	smin.u32 s2, $0x4E200  }
0x73: {  	s2 =	ssub.s32 s8, s7  }
0x74: {  	p0 =	sgt.s32 s2, $0x0  }
0x75: {  	s29 =	simm.s32 $0x2;
	s10 =	simm.s32 $0x9;
	s2 =	simm.s32 @!p0 $0x0  }
0x76: {  	s4 =	simm.s32 $0xA;
	s11 =	simm.s32 $0xB;
	s28 =	smulhi.u32 $0x88888889, s2  }
0x77: {  	[dreg:$0x4] =	wrdreg s5;
	s31 =	smul.u32 $0x9C40, s5;
	s12 =	simm.s32 $0x1  }
0x78: {  	s22 =	simm.s32 $0x0;
	s18 =	simm.s32 $0xC;
	s30 =	sshrl.u32 s28, $0x7  }
0x79: {  	s20 =	simm.s32 $0x0;
	s21 =	simm.s32 $0x0;
	s3 =	smul.u32 $0xF0, s30  }
.Ltmp6:
0x7a: {  	[tilespmem:s0+$0x0] =	vst v0;
	v0 =	vimm.s32 $0xFFFFFFFF;
	[sflag:s29] =	ssyncpa.u1 $0x0;
	s16 =	sshll.u32 s9, $0x8;
	(pc) =	sbr.rel .LBB3_3-.Ltmp6, $4  }
0x7b: {  	[tilespmem:$0xF208] =	vst v0;
	[sflag:s10] =	ssyncpa.u1 $0x0;
	p0 =	sne.s32 s2, s3;
	s2 =	simm.s32 $0x1  }
0x7c: {  	s14 =	sadd.s32 s31, s14;
	[sflag:s4] =	ssyncpa.u1 $0x0;
	s2 =	simm.s32 @!p0 $0x0  }
0x7d: {  	s15 =	sadd.s32 s31, s15;
	[sflag:s11] =	ssyncpa.u1 $0x0;
	s13 =	sadd.s32 s2, s30  }
0x7e: {  	v0 =	vlaneseq.u32;
	s19 =	smov.u32 s7;
	p0 =	por $0x0, $0x0;
	s17 =	sadd.s32 $0x1, s13  }
.LBB3_18:
0x7f: {  	s0 =	sshrl.u32 s31, $0x2  }
.LBB3_20:
0x80: {  	_ =	swait.ge [sflag:s18], s0  }
0x81: {  	s31 =	ssub.s32 $0x0, s0;
	v1 =	vmov s24;
	vm0 =	veq.s32 v0, $0x0;
	[sflag:s18] =	ssyncset.done $0x0  }
0x82: {  	vm15 =	veq.s32 v0, $0x2;
	v1 =	vsel vm0, s30, v1;
	[sflag:s18] =	ssyncadd.s32 s31  }
0x83: {  	v1 =	vsel vm15, s22, v1;
	[sflag:s18] =	ssyncpa.u1 $0x1  }
0x84: {  	[tilespmem:$0xF208] =	vst v1  }
.LBB3_21:
0x85: {  	s0 =	sadd.s32 $0xF0, s19  }
0x86: {  	s2 =	smov.u32 s7;
	p1 =	slt.s32 s0, s8  }
0x87: {  	s2 =	smov.u32 @p1 s0;
	p1 =	sne.s32 s21, s17  }
.Ltmp7:
0x88: {  	_ = 	snop;
	(pc) =	sbr.rel @!p1 .LBB3_22-.Ltmp7, $3  }
0x89: {  	_ =	sdelay $0x1  }
0x8a: {  	s22 =	smov.u32 s20;
	s31 =	sadd.s32 $0x1, s21;
	s20 =	smov.u32 s19  }
0x8b: {  	p0 =	por !p0, !p0;
	s21 =	smov.u32 s31;
	s19 =	smov.u32 s2  }
.LBB3_3:
0x8c: {  	p1 =	sge.u32 s21, s13  }
0x8d: {  	s0 =	smulhi.u32 @!p1 $0xAAAAAAAB, s21  }
0x8e: {  	s2 =	smov.u32 s19;
	p2 =	sgt.s32 @!p1 s19, $0x4E110  }
0x8f: {  	s3 =	sshra.s32 @!p1 s19, $0x1F;
	p2 =	por !p2, p1;
	s0 =	sshrl.u32 @!p1 s0, $0x1  }
0x90: {  	s3 =	sand.u32 @!p1 s3, s19;
	s2 =	simm.s32 @p2 $0x4E110;
	s0 =	smul.u32 @!p1 $0x3, s0  }
0x91: {  	s2 =	ssub.s32 @!p1 s2, s3  }
0x92: {  	s2 =	sadd.s32 @!p1 $0xFFFB1EF0, s2;
	s0 =	ssub.s32 @!p1 s21, s0  }
0x93: {  	s3 =	sshll.u32 @!p1 s2, $0x2;
	p2 =	sgt.s32 @!p1 s2, $0xEF;
	s0 =	smul.u32 @!p1 $0x3C0, s0  }
0x94: {  	s4 =	sand.u32 @!p1 $0x7, s19;
	s2 =	ssub.s32 @!p1 $0x3C0, s3;
	p2 =	por !p2, p1  }
0x95: {  	s3 =	sshrl.u32 @!p1 s19, $0x3;
	s2 =	sshrl.u32 @!p1 s2, $0x2;
	s0 =	sshrl.u32 @!p1 s0, $0x2  }
0x96: {  	s3 =	sadd.s32 @!p1 s3, s14;
	s2 =	simm.s32 @!p2 $0x0;
	s0 =	sadd.s32 @!p1 $0x10248, s0  }
0x97: {  	[tilespmem:s0], [sflag:$0xA] =	stream.linear.gather @!p1 [hbm4b:s3+s4], s2, $0x38;
	[tilespmem:$0x1F6F8] =	vst v63  }
0x98: {  	s0 =	sadd.s32 $0xFFFFFFFF, s21  }
0x99: {  	p1 =	sge.u32 s0, s13  }
0x9a: {  	p2 =	sgt.s32 @!p1 s20, $0x4E110  }
0x9b: {  	s2 =	smov.u32 s20;
	s3 =	sshra.s32 @!p1 s20, $0x1F;
	p2 =	por !p2, p1  }
0x9c: {  	s3 =	sand.u32 @!p1 s3, s20;
	s2 =	simm.s32 @p2 $0x4E110  }
0x9d: {  	s2 =	ssub.s32 @!p1 s2, s3  }
0x9e: {  	s2 =	sadd.s32 @!p1 $0xFFFB1EF0, s2  }
0x9f: {  	s4 =	sand.u32 @!p1 $0x1, s0;
	s3 =	sshll.u32 @!p1 s2, $0x2  }
0xa0: {  	p2 =	sgt.s32 @!p1 s2, $0xEF;
	s2 =	ssub.s32 @!p1 $0x3C0, s3;
	s3 =	smulhi.u32 @!p1 $0xAAAAAAAB, s0  }
0xa1: {  	s23 =	smul.u32 @!p1 $0x3C0, s4;
	p2 =	por !p2, p1;
	s2 =	sshrl.u32 @!p1 s2, $0x2  }
0xa2: {  	s5 =	simm.s32 @!p1 $0xA;
	s2 =	simm.s32 @!p2 $0x0;
	s3 =	sshrl.u32 @!p1 s3, $0x1  }
0xa3: {  	s23 =	sshrl.u32 @!p1 s23, $0x2;
	_ =	swait.ge @!p1 [sflag:s5], s2;
	s3 =	smul.u32 @!p1 $0x3, s3  }
0xa4: {  	s23 =	sadd.s32 @!p1 $0x10518, s23;
	s24 =	ssub.s32 @!p1 $0x0, s2;
	[sflag:s5] =	ssyncset.done @!p1 $0x0  }
0xa5: {  	[sflag:s5] =	ssyncadd.s32 @!p1 s24;
	s5 =	sshrl.u32 @!p1 s20, $0x3;
	s0 =	ssub.s32 @!p1 s0, s3  }
0xa6: {  	s24 =	sand.u32 @!p1 $0x7, s20;
	s5 =	sadd.s32 @!p1 s5, s15;
	s0 =	smul.u32 @!p1 $0x3C0, s0  }
0xa7: {  	[tilespmem:s23], [sflag:$0xB] =	stream.linear.gather @!p1 [hbm4b:s5+s24], s2, $0x38;
	[tilespmem:$0x1F6F8] =	vst v63  }
0xa8: {  	s3 =	ssub.s32 @!p1 $0x4E200, s20;
	s2 =	smul.u32 @!p1 $0x1E000, s4  }
0xa9: {  	p2 =	slt.s32 @!p1 s3, $0xF0  }
0xaa: {  	p2 =	por !p2, p1;
	s0 =	sshrl.u32 @!p1 s0, $0x2;
	s2 =	sshrl.u32 @!p1 s2, $0x2  }
0xab: {  	s3 =	simm.s32 @p2 $0xF0;
	s0 =	sadd.s32 @!p1 $0x10248, s0;
	s2 =	sor.u32 @!p1 $0x106F8, s2  }
0xac: {  	[tilespmem:s2], [sflag:$0x9] =	stream.indirect.gather @!p1 [hbm4b:s6+s3], $0x80, s0, s3, $0xb8;
	[tilespmem:$0x1F6F8] =	vst v63  }
0xad: {  	p1 =	slt.u32 s21, $0x2  }
.Ltmp8:
0xae: {  	_ = 	snop;
	(pc) =	sbr.rel @p1 .LBB3_21-.Ltmp8, $1  }
0xaf: {  	_ =	sdelay $0x3  }
0xb0: {  	p1 =	sgt.s32 s22, $0x4E110  }
0xb1: {  	s0 =	smov.u32 s22;
	s2 =	sshra.s32 s22, $0x1F;
	s3 =	ssub.s32 $0x4E200, s22  }
0xb2: {  	s0 =	simm.s32 @!p1 $0x4E110;
	s2 =	sand.u32 s2, s22;
	p1 =	slt.s32 s3, $0xF0  }
0xb3: {  	s0 =	ssub.s32 s0, s2;
	s3 =	simm.s32 @!p1 $0xF0  }
0xb4: {  	s0 =	sadd.s32 $0xFFFB1EF0, s0;
	s25 =	sshll.u32 s3, $0x7  }
0xb5: {  	s26 =	sshll.u32 s0, $0x2;
	s2 =	sand.u32 $0x3FFFFF80, s25  }
0xb6: {  	p1 =	sgt.s32 s0, $0xEF;
	s29 =	ssub.s32 $0x3C0, s26;
	_ =	swait.ge [sflag:s10], s2  }
0xb7: {  	s2 =	ssub.s32 $0x0, s2;
	[sflag:s10] =	ssyncset.done $0x0;
	s0 =	sshrl.u32 s29, $0x2  }
0xb8: {  	[sflag:s10] =	ssyncadd.s32 s2;
	s0 =	simm.s32 @p1 $0x0  }
0xb9: {  	_ =	swait.ge [sflag:s11], s0  }
0xba: {  	s0 =	ssub.s32 $0x0, s0;
	[sflag:s11] =	ssyncset.done $0x0  }
0xbb: {  	[sflag:s11] =	ssyncadd.s32 s0  }
0xbc: {  	v1 =	vld [tilespmem:$0xF208];
	_ =	sdelay $0x4  }
0xbd: {  	(v2sf) =	vpush v1, $0x0  }
0xbe: {  	(v2sf) =	vpush v1, $0x1  }
0xbf: {  	(v2sf) =	vpush v1, $0x2;
	_ =	sdelay $0x3  }
0xc0: {  	s0 =	sadd.s32 $0xF0, s22  }
0xc1: {  	s2 =	ssub.s32 $0x9C400, s22;
	p1 =	slt.s32 s8, s0  }
0xc2: {  	s0 =	smov.u32 @p1 s8;
	p1 =	sgt.s32 s2, $0x0  }
0xc3: {  	s26 =	ssub.s32 s0, s22;
	s2 =	simm.s32 @!p1 $0x0  }
0xc4: {  	p1 =	slt.s32 s2, s26  }
0xc5: {  	s26 =	smov.u32 @p1 s2  }
0xc6: {  	s25 =	simm.s32 $0x1;
	p1 =	slt.s32 s26, $0x1  }
.Ltmp9:
0xc7: {  	s25 =	simm.s32 @!p0 $0x0;
	(pc) =	sbr.rel @p1 .LBB3_8-.Ltmp9, $4  }
0xc8: {  	s31 =	smul.u32 $0x3C0, s25  }
0xc9: {  	s28 =	spop (v2sf)  }
0xca: {  	s0 =	sshrl.u32 s31, $0x2;
	s30 =	spop (v2sf)  }
0xcb: {  	s23 =	sadd.s32 $0x10518, s0;
	s22 =	spop (v2sf)  }
0xcc: {  	s0 =	smin.u32 s26, $0x10  }
0xcd: {  	v1 =	vmov s0  }
0xce: {  	p2 =	sgt.s32 s26, $0x10;
	vm1 =	vgt.u32 v1, v0  }
.Ltmp10:
0xcf: {  	_ = 	snop;
	(pc) =	sbr.rel @!p2 .LBB3_7-.Ltmp10, $2  }
0xd0: {  	_ =	sdelay $0x2  }
0xd1: {  	s4 =	simm.s32 $0x10;
	s24 =	sadd.s32 $0xFFFFFFF0, s26;
	s0 =	smov.u32 s23;
	vm0 =	vmmov vm1  }
.LBB3_6:
0xd2: {  	s2 =	smin.u32 s24, $0x10;
	s4 =	sadd.s32 $0x10, s4;
	v1 =	vld.msk [tilespmem:s0+$0x0 ss:$0x1], vm1  }
0xd3: {  	v2 =	vmov s2;
	p2 =	slt.s32 s4, s26  }
0xd4: {  	vm1 =	vgt.u32 v2, v0  }
.Ltmp11:
0xd5: {  	(pc) =	sbr.rel @p2 .LBB3_6-.Ltmp11, $3  }
0xd6: {  	_ =	sdelay $0x1  }
0xd7: {  	v1 =	vshll.u32 v1, $0x4  }
0xd8: {  	s24 =	sadd.s32 $0xFFFFFFF0, s24;
	[tilespmem:s0+$0x0] =	vst.msk vm0, v1;
	s0 =	sadd.s32 $0x10, s0;
	vm0 =	vmmov vm1  }
.LBB3_7:
0xd9: {  	_ =	sdelay $0x4  }
0xda: {  	v1 =	vld.msk [tilespmem:s0+$0x0 ss:$0x1], vm1;
	_ =	sdelay $0x4  }
0xdb: {  	v1 =	vshll.u32 v1, $0x4  }
0xdc: {  	[tilespmem:s0+$0x0] =	vst.msk vm0, v1  }
.LBB3_8:
0xdd: {  	s0 =	sand.u32 $0x1, s21  }
0xde: {  	s0 =	smul.u32 $0xF0, s0  }
0xdf: {  	p2 =	sne.s32 s30, $0xFFFFFFFF  }
0xe0: {  	v1 =	vld.msk @!p2 [tilespmem:s0+$0x10518], $0x1;
	_ =	sdelay $0x4  }
0xe1: {  	(v2sf) =	vpush @!p2 v1, $0x0;
	_ =	sdelay $0xc  }
.Ltmp12:
0xe2: {  	_ = 	snop;
	(pc) =	sbr.rel @p1 .LBB3_19-.Ltmp12, $4  }
0xe3: {  	_ = 	snop  }
0xe4: {  	s29 =	spop @!p2 (v2sf)  }
0xe5: {  	s22 =	simm.s32 @!p2 $0x0;
	s24 =	smov.u32 s29  }
0xe6: {  	[sflag:s18] =	ssyncpa.u1 $0x0;
	s29 =	smov.u32 @p2 s28;
	s24 =	smov.u32 @p2 s30  }
0xe7: {  	v1 =	vld.msk [tilespmem:s23+$0x0], $0x1;
	_ =	sdelay $0x4  }
0xe8: {  	(v2sf) =	vpush v1, $0x0;
	_ =	sdelay $0xe  }
0xe9: {  	s2 =	smul.u32 $0x1E000, s25;
	s0 =	spop (v2sf)  }
0xea: {  	s26 =	ssub.s32 $0x0, s26;
	p1 =	seq.s32 s29, s0  }
0xeb: {  	s30 =	sadd.s32 $0x1, s26;
	s2 =	sshrl.u32 s2, $0x2;
	p2 =	sgt.s32 @!p1 s29, $0x0  }
0xec: {  	s25 =	sor.u32 $0x10738, s2;
	s2 =	smov.u32 s29;
	p2 =	por !p2, p1  }
0xed: {  	s2 =	simm.s32 @p2 $0x0;
	p2 =	seq.s32 s30, $0x0  }
.Ltmp13:
0xee: {  	_ = 	snop;
	(pc) =	sbr.rel @p2 .LBB3_11-.Ltmp13, $4  }
0xef: {  	_ = 	snop  }
0xf0: {  	s28 =	simm.s32 $0x0;
	s31 =	sadd.s32 $0x1, s23;
	s2 =	smin.u32 @!p1 s2, $0x4E1FF0  }
0xf1: {  	s4 =	simm.s32 @!p1 $0x1;
	s5 =	simm.s32 @!p1 $0x7988;
	s3 =	sand.u32 @!p1 $0x7FFFF8, s2  }
0xf2: {  	s4 =	smov.u32 @p1 s28;
	s2 =	sand.u32 @!p1 $0x7, s2;
	s3 =	sadd.s32 @!p1 s1, s3  }
.LBB3_10:
0xf3: {  	s9 =	smov.u32 s4  }
0xf4: {  	[tilespmem:s5], [sflag:$0x2] =	stream.linear.gather @!p1 [hbm4b:s3+s2], $0x80, $0x38;
	[tilespmem:$0x1F6F8] =	vst v63  }
0xf5: {  	s30 =	sadd.s32 $0x1, s30;
	s2 =	smov.u32 s0;
	v1 =	vld.msk [tilespmem:s31+$0x0], $0x1  }
0xf6: {  	p2 =	seq.s32 s30, $0x0;
	_ =	sdelay $0x3  }
0xf7: {  	(v2sf) =	vpush v1, $0x0;
	_ =	sdelay $0xe  }
0xf8: {  	s0 =	spop (v2sf)  }
0xf9: {  	p1 =	seq.s32 s2, s0  }
0xfa: {  	p3 =	sgt.s32 @!p1 s2, $0x0;
	s3 =	sshll.u32 @!p1 s4, $0x9;
	s4 =	sadd.s32 @!p1 $0x1, s4  }
.Ltmp14:
0xfb: {  	p3 =	por !p3, p1;
	s3 =	sshra.s32 @!p1 s3, $0x2;
	(pc) =	sbr.rel @!p2 .LBB3_10-.Ltmp14, $4  }
0xfc: {  	s4 =	smov.u32 @p1 s9;
	s2 =	simm.s32 @p3 $0x0;
	s5 =	sadd.s32 @!p1 $0x7988, s3  }
0xfd: {  	s2 =	smin.u32 @!p1 s2, $0x4E1FF0  }
0xfe: {  	s3 =	sand.u32 @!p1 $0x7FFFF8, s2;
	s2 =	sand.u32 @!p1 $0x7, s2  }
0xff: {  	s31 =	sadd.s32 $0x1, s31;
	s3 =	sadd.s32 @!p1 s1, s3  }
.LBB3_11:
0x100: {  	[tilespmem:s5], [sflag:$0x2] =	stream.linear.gather @!p1 [hbm4b:s3+s2], $0x80, $0x38;
	[tilespmem:$0x1F6F8] =	vst v63  }
.Ltmp15:
0x101: {  	s0 =	sshll.u32 s4, $0x7;
	(pc) =	sbr.rel .LBB3_12-.Ltmp15, $4  }
0x102: {  	s30 =	simm.s32 $0x2;
	s0 =	sand.u32 $0x3FFFFF80, s0  }
0x103: {  	_ =	swait.ge [sflag:s30], s0  }
0x104: {  	s0 =	ssub.s32 $0x0, s0;
	[sflag:s30] =	ssyncset.done $0x0  }
0x105: {  	s31 =	simm.s32 $0x0;
	[sflag:s30] =	ssyncadd.s32 s0  }
.LBB3_13:
0x106: {  	v1 =	vld [tilespmem:s25+$0xFFFFFFC0];
	_ =	sdelay $0x3  }
0x107: {  	s0 =	sshra.s32 s0, $0x2  }
0x108: {  	[tilespmem:s0+$0x108] =	vst.add.f32.msk $0xffff, v1  }
0x109: {  	v1 =	vld [tilespmem:s25+$0xFFFFFFD0];
	_ =	sdelay $0x4  }
0x10a: {  	[tilespmem:s0+$0x118] =	vst.add.f32.msk $0xffff, v1  }
0x10b: {  	v1 =	vld [tilespmem:s25+$0xFFFFFFE0];
	_ =	sdelay $0x4  }
0x10c: {  	[tilespmem:s0+$0x128] =	vst.add.f32.msk $0xffff, v1  }
0x10d: {  	v1 =	vld [tilespmem:s25+$0xFFFFFFF0];
	_ =	sdelay $0x4  }
0x10e: {  	[tilespmem:s0+$0x138] =	vst.add.f32.msk $0xffff, v1  }
0x10f: {  	v1 =	vld [tilespmem:s25+$0x0];
	_ =	sdelay $0x4  }
0x110: {  	[tilespmem:s0+$0x148] =	vst.add.f32.msk $0xffff, v1  }
0x111: {  	v1 =	vld [tilespmem:s25+$0x10];
	_ =	sdelay $0x4  }
0x112: {  	[tilespmem:s0+$0x158] =	vst.add.f32.msk $0xffff, v1  }
0x113: {  	v1 =	vld [tilespmem:s25+$0x20];
	_ =	sdelay $0x4  }
0x114: {  	[tilespmem:s0+$0x168] =	vst.add.f32.msk $0xffff, v1  }
0x115: {  	v1 =	vld [tilespmem:s25+$0x30];
	_ =	sdelay $0x4  }
0x116: {  	[tilespmem:s0+$0x178] =	vst.add.f32.msk $0xffff, v1  }
.LBB3_17:
0x117: {  	s26 =	sadd.s32 $0x1, s26  }
0x118: {  	p1 =	seq.s32 s26, $0x0  }
.Ltmp16:
0x119: {  	_ = 	snop;
	(pc) =	sbr.rel @p1 .LBB3_18-.Ltmp16, $2  }
0x11a: {  	_ =	sdelay $0x2  }
0x11b: {  	s23 =	sadd.s32 $0x1, s23;
	s25 =	sadd.s32 $0x80, s25;
	s29 =	smov.u32 s30  }
.LBB3_12:
0x11c: {  	v1 =	vld.msk [tilespmem:s23+$0x0], $0x1;
	_ =	sdelay $0x4  }
0x11d: {  	(v2sf) =	vpush v1, $0x0;
	_ =	sdelay $0xe  }
0x11e: {  	s30 =	spop (v2sf)  }
0x11f: {  	p1 =	sne.s32 s29, s30  }
.Ltmp17:
0x120: {  	_ = 	snop;
	(pc) =	sbr.rel @!p1 .LBB3_13-.Ltmp17, $2  }
0x121: {  	_ =	sdelay $0x2  }
0x122: {  	s0 =	sshll.u32 s22, $0x9  }
0x123: {  	p1 =	seq.s32 s29, s24  }
.Ltmp18:
0x124: {  	_ = 	snop;
	(pc) =	sbr.rel @!p1 .LBB3_15-.Ltmp18, $1  }
0x125: {  	_ =	sdelay $0x3  }
0x126: {  	s0 =	sshra.s32 s0, $0x2  }
.Ltmp19:
0x127: {  	s0 =	sadd.s32 $0x108, s0;
	(pc) =	sbr.rel .LBB3_16-.Ltmp19, $4  }
0x128: {  	[spmem:s16] =	stream.linear.scatter [tilespmem:s0], [sflag:$0x1], $0x80, $0x38;
	[tilespmem:$0x1F6F8] =	vst v63  }
0x129: {  	_ =	swait.ge [sflag:s12], $0x80  }
0x12a: {  	[sflag:s12] =	ssyncset.done $0x0  }
0x12b: {  	[sflag:s12] =	ssyncadd.s32 $0xFFFFFF80  }
.LBB3_15:
0x12c: {  	s2 =	sshll.u32 s28, $0x9  }
0x12d: {  	s2 =	sshra.s32 s2, $0x2  }
0x12e: {  	v1 =	vld [tilespmem:s2+$0x7988];
	_ =	sdelay $0x3  }
0x12f: {  	s0 =	sshra.s32 s0, $0x2  }
0x130: {  	[tilespmem:s0+$0x108] =	vst.add.f32.msk $0xffff, v1  }
0x131: {  	v1 =	vld [tilespmem:s2+$0x7998];
	_ =	sdelay $0x4  }
0x132: {  	[tilespmem:s0+$0x118] =	vst.add.f32.msk $0xffff, v1  }
0x133: {  	v1 =	vld [tilespmem:s2+$0x79A8];
	_ =	sdelay $0x4  }
0x134: {  	[tilespmem:s0+$0x128] =	vst.add.f32.msk $0xffff, v1  }
0x135: {  	v1 =	vld [tilespmem:s2+$0x79B8];
	_ =	sdelay $0x4  }
0x136: {  	[tilespmem:s0+$0x138] =	vst.add.f32.msk $0xffff, v1  }
0x137: {  	v1 =	vld [tilespmem:s2+$0x79C8];
	_ =	sdelay $0x4  }
0x138: {  	[tilespmem:s0+$0x148] =	vst.add.f32.msk $0xffff, v1  }
0x139: {  	v1 =	vld [tilespmem:s2+$0x79D8];
	_ =	sdelay $0x4  }
0x13a: {  	[tilespmem:s0+$0x158] =	vst.add.f32.msk $0xffff, v1  }
0x13b: {  	v1 =	vld [tilespmem:s2+$0x79E8];
	_ =	sdelay $0x4  }
0x13c: {  	[tilespmem:s0+$0x168] =	vst.add.f32.msk $0xffff, v1  }
0x13d: {  	v1 =	vld [tilespmem:s2+$0x79F8];
	_ =	sdelay $0x2  }
0x13e: {  	p1 =	sgt.u32 s29, $0x4E1FF0  }
0x13f: {  	s2 =	sand.u32 @!p1 $0x7FFFF8, s29  }
0x140: {  	s3 =	sadd.s32 $0x108, s0;
	[tilespmem:s0+$0x178] =	vst.add.f32.msk $0xffff, v1;
	s0 =	sadd.s32 @!p1 s1, s2;
	s2 =	sand.u32 @!p1 $0x7, s29  }
0x141: {  	[hbm4b:s0+s2] =	stream.linear.scatter @!p1 [tilespmem:s3], [sflag:$0xC], $0x80, $0x38;
	[tilespmem:$0x1F6F8] =	vst v63  }
0x142: {  	s0 =	simm.s32 $0x0  }
0x143: {  	s0 =	simm.s32 @!p1 $0x200  }
0x144: {  	s31 =	sadd.s32 s0, s31  }
.LBB3_16:
0x145: {  	s0 =	sadd.s32 $0x1, s22  }
0x146: {  	s2 =	smulhi.u32 $0x88888889, s0;
	_ =	sdelay $0x1  }
0x147: {  	v1 =	vld [tilespmem:s25+$0xFFFFFFC0];
	s2 =	sshrl.u32 s2, $0x7  }
0x148: {  	s2 =	smul.u32 $0xF0, s2;
	_ =	sdelay $0x1  }
0x149: {  	s22 =	ssub.s32 s0, s2  }
0x14a: {  	s0 =	sshll.u32 s22, $0x7  }
0x14b: {  	[tilespmem:s0+$0x108] =	vst v1  }
0x14c: {  	v1 =	vld [tilespmem:s25+$0xFFFFFFD0];
	_ =	sdelay $0x4  }
0x14d: {  	[tilespmem:s0+$0x118] =	vst v1  }
0x14e: {  	v1 =	vld [tilespmem:s25+$0xFFFFFFE0];
	_ =	sdelay $0x4  }
0x14f: {  	[tilespmem:s0+$0x128] =	vst v1  }
0x150: {  	v1 =	vld [tilespmem:s25+$0xFFFFFFF0];
	_ =	sdelay $0x4  }
0x151: {  	[tilespmem:s0+$0x138] =	vst v1  }
0x152: {  	v1 =	vld [tilespmem:s25+$0x0];
	_ =	sdelay $0x4  }
0x153: {  	[tilespmem:s0+$0x148] =	vst v1  }
0x154: {  	v1 =	vld [tilespmem:s25+$0x10];
	_ =	sdelay $0x4  }
0x155: {  	[tilespmem:s0+$0x158] =	vst v1  }
0x156: {  	v1 =	vld [tilespmem:s25+$0x20];
	_ =	sdelay $0x4  }
0x157: {  	[tilespmem:s0+$0x168] =	vst v1  }
0x158: {  	v1 =	vld [tilespmem:s25+$0x30]  }
.Ltmp20:
0x159: {  	_ = 	snop;
	(pc) =	sbr.rel .LBB3_17-.Ltmp20, $2  }
0x15a: {  	_ =	sdelay $0x2  }
0x15b: {  	s28 =	sadd.s32 $0x1, s28;
	[tilespmem:s0+$0x178] =	vst v1  }
.LBB3_19:
.Ltmp21:
0x15c: {  	(pc) =	sbr.rel .LBB3_20-.Ltmp21, $4  }
0x15d: {  	_ = 	snop  }
0x15e: {  	s0 =	simm.s32 $0x2  }
0x15f: {  	_ =	swait.ge [sflag:s0], $0x0  }
0x160: {  	s30 =	smov.u32 s29;
	[sflag:s0] =	ssyncset.done $0x0;
	s0 =	simm.s32 $0x0  }
.LBB3_22:
0x161: {  	_ =	sfence.sel $0x180000  }
0x162: {  	s0 =	simm.s32 $0x9;
	[bflag:$0x0] =	sbarrier.arrive $0xFFFF  }
0x163: {  	s24 =	simm.s32 $0xA;
	[sflag:s0] =	ssyncpa.u1 $0x1  }
0x164: {  	s25 =	simm.s32 $0xB;
	[sflag:s24] =	ssyncpa.u1 $0x1  }
0x165: {  	s26 =	simm.s32 $0x2;
	[sflag:s25] =	ssyncpa.u1 $0x1  }
0x166: {  	[sflag:s26] =	ssyncpa.u1 $0x1  }
0x167: {  	v0 =	vld [tilespmem:$0xF208];
	_ =	sdelay $0x4  }
0x168: {  	(v2sf) =	vpush v0, $0x0  }
0x169: {  	(v2sf) =	vpush v0, $0x1;
	_ =	sdelay $0x1  }
0x16a: {  	(v2sf) =	vpush v0, $0x2;
	_ =	sdelay $0xb  }
0x16b: {  	s0 =	spop (v2sf)  }
0x16c: {  	s2 =	spop (v2sf)  }
0x16d: {  	s3 =	smov.u32 s0;
	p0 =	sne.s32 s0, s2  }
0x16e: {  	s4 =	spop (v2sf);
	s3 =	simm.s32 @!p0 $0xFFFFFFFF  }
0x16f: {  	v2 =	vimm.s32 $0x1;
	v3 =	vlaneseq.u32;
	p0 =	seq.s32 s4, $0xFFFFFFFF;
	v1 =	vmov s3  }
0x170: {  	s16 =	stileid.u32;
	v0 =	vperm.xlane v0, v2;
	p1 =	sne.s32 @!p0 s0, s2;
	v1 =	vperm.xlane v1, v3  }
0x171: {  	vm0 =	vcmask $0x3F04;
	s6 =	simm.s32 $0xF208;
	s0 =	simm.s32 @!p0 $0x1;
	p1 =	por !p1, p0  }
0x172: {  	s3 =	sshll.u32 s16, $0x1;
	s2 =	sshll.u32 @!p0 s4, $0x9;
	s0 =	simm.s32 @p1 $0x0;
	v0 =	vsel vm0, v1, v0  }
0x173: {  	s5 =	sor.u32 $0x1000, s3;
	s2 =	sshra.s32 @!p0 s2, $0x2;
	s0 =	sor.u32 @!p0 s0, s3;
	[tilespmem:$0xF208] =	vst v0  }
0x174: {  	[spmem:s5] =	stream.linear.scatter [tilespmem:s6], [sflag:$0x1], $0x2, $0x38;
	[tilespmem:$0x1F6F8] =	vst v63  }
0x175: {  	s2 =	sadd.s32 @!p0 $0x108, s2;
	s0 =	sshll.u32 @!p0 s0, $0x7  }
0x176: {  	[spmem:s0] =	stream.linear.scatter @!p0 [tilespmem:s2], [sflag:$0x1], $0x80, $0x38;
	[tilespmem:$0x1F6F8] =	vst v63  }
0x177: {  	s0 =	simm.s32 @!p0 $0x82  }
0x178: {  	s28 =	simm.s32 $0x1;
	s0 =	simm.s32 @p0 $0x2  }
0x179: {  	_ =	swait.ge [sflag:s28], s0  }
0x17a: {  	s0 =	ssub.s32 $0x0, s0;
	[sflag:s28] =	ssyncset.done $0x0  }
0x17b: {  	p0 =	sne.s32 s16, $0x0;
	[sflag:s28] =	ssyncadd.s32 s0  }
.Ltmp22:
0x17c: {  	_ =	sfence.stream.spmem;
	(pc) =	sbr.rel @p0 .LBB3_39-.Ltmp22, $4  }
0x17d: {  	s29 =	simm.s32 $0x3;
	[bflag:$0x0] =	sbarrier.arrive $0xFFFF  }
0x17e: {  	s30 =	simm.s32 $0x4;
	[sflag:s29] =	ssyncpa.u1 $0x1  }
0x17f: {  	s31 =	simm.s32 $0x3C;
	[sflag:s30] =	ssyncpa.u1 $0x1  }
0x180: {  	s15 =	rddreg [dreg:$0x4];
	[sflag:s31] =	ssyncpa.u1 $0x1  }
0x181: {  	_ =	sfence.stream.spmem;
	s0 =	simm.s32 $0x5  }
0x182: {  	s2 =	simm.s32 $0x1000;
	s3 =	simm.s32 $0xF218;
	[sflag:s0] =	ssyncpa.u1 $0x0  }
0x183: {  	[tilespmem:s3], [sflag:$0x5] =	stream.linear.gather [spmem:s2], $0x20, $0x38;
	[tilespmem:$0x1F6F8] =	vst v63  }
0x184: {  	s26 =	simm.s32 $0x0;
	s28 =	simm.s32 $0xF238  }
0x185: {  	[tilespmem:s28], [sflag:$0x5] =	stream.linear.gather [spmem:s26], $0x1000, $0x38;
	[tilespmem:$0x1F6F8] =	vst v63  }
0x186: {  	_ =	swait.ge [sflag:s0], $0x1020  }
0x187: {  	[sflag:s0] =	ssyncset.done $0x0  }
0x188: {  	s29 =	simm.s32 $0x0;
	[sflag:s0] =	ssyncadd.s32 $0xFFFFEFE0  }
0x189: {  	v0 =	vld.msk [tilespmem:s29+$0xF218], $0x1;
	_ =	sdelay $0x1  }
0x18a: {  	s30 =	simm.s32 $0x1  }
0x18b: {  	v1 =	vld.msk [tilespmem:s30+$0xF218], $0x1;
	_ =	sdelay $0x1  }
0x18c: {  	(v2sf) =	vpush v0, $0x0;
	_ =	sdelay $0x2  }
0x18d: {  	(v2sf) =	vpush v1, $0x0;
	_ =	sdelay $0x2  }
0x18e: {  	s31 =	simm.s32 $0x2  }
0x18f: {  	v0 =	vld.msk [tilespmem:s31+$0xF218], $0x1;
	_ =	sdelay $0x2  }
0x190: {  	s4 =	simm.s32 $0xFFFFFFFF;
	s5 =	simm.s32 $0xFFFFFFFF;
	s0 =	simm.s32 $0xC  }
.LBB3_24:
0x191: {  	s2 =	smov.u32 s5;
	s3 =	smov.u32 s4  }
0x192: {  	s4 =	sshra.s32 s0, $0x2;
	p1 =	sne.s32 s0, $0x7C;
	s0 =	sadd.s32 $0x4, s0;
	(v2sf) =	vpush v0, $0x0  }
0x193: {  	v0 =	vld.msk [tilespmem:s4+$0xF218], $0x1  }
.Ltmp23:
0x194: {  	(pc) =	sbr.rel @p1 .LBB3_24-.Ltmp23, $4  }
0x195: {  	s5 =	spop (v2sf)  }
0x196: {  	p2 =	sne.s32 s3, $0xFFFFFFFF;
	s4 =	smov.u32 s5  }
0x197: {  	p3 =	seq.s32 s5, $0xFFFFFFFF;
	s4 =	smov.u32 @p2 s3  }
0x198: {  	s5 =	smov.u32 @p3 s2;
	s4 =	smov.u32 @p3 s3  }
0x199: {  	(v2sf) =	vpush v0, $0x0;
	_ =	sdelay $0x8  }
0x19a: {  	s0 =	spop (v2sf)  }
0x19b: {  	p1 =	sne.s32 s4, $0xFFFFFFFF;
	s2 =	smov.u32 s0  }
0x19c: {  	s9 =	simm.s32 $0x6;
	p2 =	seq.s32 s0, $0xFFFFFFFF;
	s2 =	smov.u32 @p1 s4  }
0x19d: {  	s6 =	simm.s32 $0x0;
	s2 =	smov.u32 @p2 s4;
	s3 =	spop (v2sf)  }
0x19e: {  	s0 =	smov.u32 @p2 s5;
	p1 =	sne.s32 s2, $0xFFFFFFFF;
	s4 =	smov.u32 s3  }
.Ltmp24:
0x19f: {  	p2 =	seq.s32 s3, $0xFFFFFFFF;
	s4 =	smov.u32 @p1 s2;
	(pc) =	sbr.rel .LBB3_26-.Ltmp24, $4  }
0x1a0: {  	s10 =	simm.s32 $0xF188;
	s4 =	smov.u32 @p2 s2;
	s7 =	spop (v2sf)  }
0x1a1: {  	s11 =	simm.s32 $0x0;
	p1 =	sne.s32 s4, $0xFFFFFFFF;
	s8 =	smov.u32 s7  }
0x1a2: {  	s3 =	smov.u32 @p2 s0;
	p2 =	seq.s32 s7, $0xFFFFFFFF;
	s8 =	smov.u32 @p1 s4  }
0x1a3: {  	[sflag:s9] =	ssyncpa.u1 $0x0;
	s7 =	smov.u32 @p2 s3;
	s8 =	smov.u32 @p2 s4  }
.LBB3_32:
0x1a4: {  	p1 =	sgt.u32 s12, $0x4E1FF0  }
0x1a5: {  	p2 =	seq.s32 @!p1 s12, s8  }
0x1a6: {  	p1 =	por p1, p2  }
0x1a7: {  	p2 =	sne.s32 @!p1 s12, s7  }
0x1a8: {  	p1 =	por p1, !p2  }
0x1a9: {  	s0 =	sshll.u32 @p1 s11, $0x9  }
0x1aa: {  	s0 =	sand.u32 @!p1 $0x7FFFF8, s12  }
0x1ab: {  	s2 =	sand.u32 @!p1 $0x7, s12;
	s0 =	sadd.s32 @!p1 s1, s0  }
0x1ac: {  	[tilespmem:s10], [sflag:$0x6] =	stream.linear.gather @!p1 [hbm4b:s0+s2], $0x80, $0x38;
	[tilespmem:$0x1F6F8] =	vst v63  }
0x1ad: {  	_ =	swait.ge @!p1 [sflag:s9], $0x80  }
0x1ae: {  	[sflag:s9] =	ssyncset.done @!p1 $0x0  }
0x1af: {  	[sflag:s9] =	ssyncadd.s32 @!p1 $0xFFFFFF80  }
0x1b0: {  	v1 =	vld @!p1 [tilespmem:$0xF188];
	_ =	sdelay $0x2  }
0x1b1: {  	s0 =	sshll.u32 @!p1 s11, $0x9  }
0x1b2: {  	s2 =	sshrl.u32 @!p1 s0, $0x2  }
0x1b3: {  	[tilespmem:s2+$0xF238] =	vst.add.f32.msk @!p1 $0xffff, v1  }
0x1b4: {  	v1 =	vld @!p1 [tilespmem:$0xF198];
	_ =	sdelay $0x4  }
0x1b5: {  	[tilespmem:s2+$0xF248] =	vst.add.f32.msk @!p1 $0xffff, v1  }
0x1b6: {  	v1 =	vld @!p1 [tilespmem:$0xF1A8];
	_ =	sdelay $0x4  }
0x1b7: {  	[tilespmem:s2+$0xF258] =	vst.add.f32.msk @!p1 $0xffff, v1  }
0x1b8: {  	v1 =	vld @!p1 [tilespmem:$0xF1B8];
	_ =	sdelay $0x4  }
0x1b9: {  	[tilespmem:s2+$0xF268] =	vst.add.f32.msk @!p1 $0xffff, v1  }
0x1ba: {  	v1 =	vld @!p1 [tilespmem:$0xF1C8];
	_ =	sdelay $0x4  }
0x1bb: {  	[tilespmem:s2+$0xF278] =	vst.add.f32.msk @!p1 $0xffff, v1  }
0x1bc: {  	v1 =	vld @!p1 [tilespmem:$0xF1D8];
	_ =	sdelay $0x4  }
0x1bd: {  	[tilespmem:s2+$0xF288] =	vst.add.f32.msk @!p1 $0xffff, v1  }
0x1be: {  	v1 =	vld @!p1 [tilespmem:$0xF1E8];
	_ =	sdelay $0x4  }
0x1bf: {  	[tilespmem:s2+$0xF298] =	vst.add.f32.msk @!p1 $0xffff, v1  }
0x1c0: {  	v1 =	vld @!p1 [tilespmem:$0xF1F8];
	_ =	sdelay $0x4  }
0x1c1: {  	[tilespmem:s2+$0xF2A8] =	vst.add.f32.msk @!p1 $0xffff, v1  }
0x1c2: {  	s0 =	sshrl.u32 s0, $0x2;
	[tilespmem:s6+$0xF218] =	vst.msk $0x1, v0  }
0x1c3: {  	v0 =	vld [tilespmem:s0+$0xF238];
	_ =	sdelay $0x2  }
0x1c4: {  	s31 =	sshll.u32 s6, $0x9  }
0x1c5: {  	s2 =	sshra.s32 s31, $0x2  }
0x1c6: {  	[tilespmem:s2+$0xF238] =	vst v0  }
0x1c7: {  	v0 =	vld [tilespmem:s0+$0xF248];
	_ =	sdelay $0x4  }
0x1c8: {  	[tilespmem:s2+$0xF248] =	vst v0  }
0x1c9: {  	v0 =	vld [tilespmem:s0+$0xF258];
	_ =	sdelay $0x4  }
0x1ca: {  	[tilespmem:s2+$0xF258] =	vst v0  }
0x1cb: {  	v0 =	vld [tilespmem:s0+$0xF268];
	_ =	sdelay $0x4  }
0x1cc: {  	[tilespmem:s2+$0xF268] =	vst v0  }
0x1cd: {  	v0 =	vld [tilespmem:s0+$0xF278];
	_ =	sdelay $0x4  }
0x1ce: {  	[tilespmem:s2+$0xF278] =	vst v0  }
0x1cf: {  	v0 =	vld [tilespmem:s0+$0xF288];
	_ =	sdelay $0x4  }
0x1d0: {  	[tilespmem:s2+$0xF288] =	vst v0  }
0x1d1: {  	v0 =	vld [tilespmem:s0+$0xF298];
	_ =	sdelay $0x4  }
0x1d2: {  	[tilespmem:s2+$0xF298] =	vst v0  }
0x1d3: {  	v0 =	vld [tilespmem:s0+$0xF2A8];
	_ =	sdelay $0x4  }
0x1d4: {  	s6 =	sadd.s32 $0x1, s6;
	[tilespmem:s2+$0xF2A8] =	vst v0  }
.LBB3_33:
0x1d5: {  	s11 =	sadd.s32 $0x1, s11  }
0x1d6: {  	p1 =	sne.s32 s11, $0x20  }
.Ltmp25:
0x1d7: {  	_ = 	snop;
	(pc) =	sbr.rel @!p1 .LBB3_34-.Ltmp25, $1  }
0x1d8: {  	_ =	sdelay $0x3  }
.LBB3_26:
0x1d9: {  	v0 =	vld.msk [tilespmem:s11+$0xF218], $0x1;
	_ =	sdelay $0x4  }
0x1da: {  	(v2sf) =	vpush v0, $0x0;
	_ =	sdelay $0xe  }
0x1db: {  	s12 =	spop (v2sf)  }
0x1dc: {  	p1 =	seq.s32 s12, $0xFFFFFFFF  }
.Ltmp26:
0x1dd: {  	_ = 	snop;
	(pc) =	sbr.rel @p1 .LBB3_33-.Ltmp26, $1  }
0x1de: {  	_ =	sdelay $0x3  }
0x1df: {  	p1 =	slt.s32 s6, $0x1  }
.Ltmp27:
0x1e0: {  	_ = 	snop;
	(pc) =	sbr.rel @p1 .LBB3_32-.Ltmp27, $1  }
0x1e1: {  	_ =	sdelay $0x3  }
0x1e2: {  	s13 =	simm.s32 $0xF218;
	p1 =	por $0x0, $0x0  }
0x1e3: {  	v1 =	vld.msk @!p1 [tilespmem:s13+$0x0], $0x1;
	_ =	sdelay $0x4  }
0x1e4: {  	(v2sf) =	vpush @!p1 v1, $0x0;
	_ =	sdelay $0xd  }
0x1e5: {  	p3 =	sne.s32 s6, $0x1  }
.Ltmp28:
0x1e6: {  	s0 =	spop @!p1 (v2sf);
	(pc) =	sbr.rel @!p3 .LBB3_30-.Ltmp28, $4  }
0x1e7: {  	p2 =	seq.s32 @!p1 s12, s0  }
0x1e8: {  	s14 =	simm.s32 $0x0;
	p2 =	por !p2, p1  }
0x1e9: {  	s2 =	simm.s32 $0xFFFFFFFF;
	s14 =	simm.s32 @p2 $0xFFFFFFFF  }
0x1ea: {  	s0 =	simm.s32 $0x1;
	s14 =	smov.u32 @p1 s2  }
.LBB3_29:
0x1eb: {  	s2 =	smov.u32 s14;
	p1 =	sne.s32 s14, $0xFFFFFFFF  }
0x1ec: {  	s13 =	sadd.s32 $0x1, s13;
	s14 =	smov.u32 s0;
	s0 =	sadd.s32 $0x1, s0  }
0x1ed: {  	p2 =	sne.s32 s6, s0;
	v1 =	vld.msk @!p1 [tilespmem:s13+$0x0], $0x1;
	_ =	sdelay $0x4  }
0x1ee: {  	(v2sf) =	vpush @!p1 v1, $0x0;
	_ =	sdelay $0xe  }
.Ltmp29:
0x1ef: {  	s3 =	spop @!p1 (v2sf);
	(pc) =	sbr.rel @p2 .LBB3_29-.Ltmp29, $4  }
0x1f0: {  	p3 =	seq.s32 @!p1 s12, s3  }
0x1f1: {  	p3 =	por !p3, p1  }
0x1f2: {  	s14 =	simm.s32 @p3 $0xFFFFFFFF  }
0x1f3: {  	s14 =	smov.u32 @p1 s2  }
.LBB3_30:
0x1f4: {  	p1 =	seq.s32 s14, $0xFFFFFFFF  }
.Ltmp30:
0x1f5: {  	_ = 	snop;
	(pc) =	sbr.rel @p1 .LBB3_32-.Ltmp30, $1  }
0x1f6: {  	_ =	sdelay $0x3  }
0x1f7: {  	s0 =	sshll.u32 s11, $0x7  }
0x1f8: {  	s0 =	sand.u32 $0x3FFFFF80, s0  }
0x1f9: {  	v0 =	vld [tilespmem:s0+$0xF238];
	_ =	sdelay $0x2  }
0x1fa: {  	s2 =	sshll.u32 s14, $0x9  }
0x1fb: {  	s2 =	sshra.s32 s2, $0x2  }
0x1fc: {  	[tilespmem:s2+$0xF238] =	vst.add.f32.msk $0xffff, v0  }
0x1fd: {  	v0 =	vld [tilespmem:s0+$0xF248];
	_ =	sdelay $0x4  }
0x1fe: {  	[tilespmem:s2+$0xF248] =	vst.add.f32.msk $0xffff, v0  }
0x1ff: {  	v0 =	vld [tilespmem:s0+$0xF258];
	_ =	sdelay $0x4  }
0x200: {  	[tilespmem:s2+$0xF258] =	vst.add.f32.msk $0xffff, v0  }
0x201: {  	v0 =	vld [tilespmem:s0+$0xF268];
	_ =	sdelay $0x4  }
0x202: {  	[tilespmem:s2+$0xF268] =	vst.add.f32.msk $0xffff, v0  }
0x203: {  	v0 =	vld [tilespmem:s0+$0xF278];
	_ =	sdelay $0x4  }
0x204: {  	[tilespmem:s2+$0xF278] =	vst.add.f32.msk $0xffff, v0  }
0x205: {  	v0 =	vld [tilespmem:s0+$0xF288];
	_ =	sdelay $0x4  }
0x206: {  	[tilespmem:s2+$0xF288] =	vst.add.f32.msk $0xffff, v0  }
0x207: {  	v0 =	vld [tilespmem:s0+$0xF298];
	_ =	sdelay $0x4  }
0x208: {  	[tilespmem:s2+$0xF298] =	vst.add.f32.msk $0xffff, v0  }
0x209: {  	v0 =	vld [tilespmem:s0+$0xF2A8]  }
.Ltmp31:
0x20a: {  	_ = 	snop;
	(pc) =	sbr.rel .LBB3_33-.Ltmp31, $2  }
0x20b: {  	_ =	sdelay $0x2  }
0x20c: {  	[tilespmem:s2+$0xF2A8] =	vst.add.f32.msk $0xffff, v0  }
.LBB3_34:
0x20d: {  	s0 =	simm.s32 $0x6;
	p1 =	seq.s32 s6, $0x0  }
0x20e: {  	[sflag:s0] =	ssyncpa.u1 $0x1;
	v0 =	vimm.s32 @p1 $0xFFFFFFFF  }
0x20f: {  	s9 =	sadd.s32 $0xFFFFFFFF, s6;
	[tilespmem:$0x10238] =	vst @p1 v0  }
0x210: {  	v0 =	vld.msk @!p1 [tilespmem:s9+$0xF218], $0x1;
	_ =	sdelay $0x1  }
0x211: {  	v1 =	vld.msk @!p1 [tilespmem:$0xF218], $0x1;
	_ =	sdelay $0x2  }
0x212: {  	p2 =	seq.s32 @!p1 s9, $0x0;
	v0 =	vbroadcast @!p1 v0, $0x0  }
0x213: {  	vm0 =	vmmov @!p1 $0x1;
	p2 =	por !p2, p1  }
0x214: {  	v1 =	vnsel @!p1 vm0, $0xFFFFFFFF, v1;
	vm0 =	vcmask @!p1 $0x308;
	v0 =	vpsel !p2, $0xFFFFFFFF, v0  }
0x215: {  	p2 =	sne.s32 @!p1 s8, s7;
	v0 =	vsel @!p1 vm0, v1, v0  }
0x216: {  	s0 =	simm.s32 @!p1 $0xF238;
	s2 =	simm.s32 @!p1 $0x0;
	p3 =	por !p2, p1;
	[tilespmem:$0x10238] =	vst @!p1 v0  }
0x217: {  	[spmem:s2] =	stream.linear.scatter @!p1 [tilespmem:s0], [sflag:$0x1], $0x80, $0x38;
	[tilespmem:$0x1F6F8] =	vst v63  }
0x218: {  	s0 =	sshll.u32 @!p3 s9, $0x9  }
0x219: {  	s0 =	sshra.s32 @!p3 s0, $0x2  }
0x21a: {  	s2 =	simm.s32 @!p3 $0x80;
	s0 =	sadd.s32 @!p3 $0xF238, s0  }
0x21b: {  	[spmem:s2] =	stream.linear.scatter @!p3 [tilespmem:s0], [sflag:$0x1], $0x80, $0x38;
	[tilespmem:$0x1F6F8] =	vst v63  }
0x21c: {  	s0 =	simm.s32 @!p3 $0x1  }
0x21d: {  	_ =	swait.ge @!p3 [sflag:s0], $0x100  }
0x21e: {  	p1 =	por p2, p1;
	[sflag:s0] =	ssyncset.done @!p3 $0x0  }
0x21f: {  	[sflag:s0] =	ssyncadd.s32 @!p3 $0xFFFFFF00;
	s0 =	simm.s32 @!p1 $0x1  }
0x220: {  	_ =	swait.ge @!p1 [sflag:s0], $0x80  }
0x221: {  	s29 =	simm.s32 $0x10238;
	[sflag:s0] =	ssyncset.done @!p1 $0x0  }
0x222: {  	s30 =	simm.s32 $0x1000;
	s31 =	simm.s32 $0x1;
	[sflag:s0] =	ssyncadd.s32 @!p1 $0xFFFFFF80  }
0x223: {  	[spmem:s30] =	stream.linear.scatter [tilespmem:s29], [sflag:$0x1], $0x10, $0x38;
	[tilespmem:$0x1F6F8] =	vst v63  }
0x224: {  	_ =	swait.ge [sflag:s31], $0x10  }
0x225: {  	[sflag:s31] =	ssyncset.done $0x0  }
0x226: {  	p1 =	seq.s32 s15, $0x0;
	s8 =	rddreg [dreg:$0x1];
	[sflag:s31] =	ssyncadd.s32 $0xFFFFFFF0  }
0x227: {  	s2 =	sshll.u32 @p1 s8, $0xE;
	s7 =	rddreg [dreg:$0x2]  }
0x228: {  	s0 =	sadd.s32 @p1 $0x15C3C, s2;
	s2 =	sshll.u32 @p1 s7, $0x11  }
0x229: {  	_ =	sfence.stream.spmem;
	s0 =	sor.u32 @p1 s2, s0  }
0x22a: {  	[sflag:s0] =	ssyncadd.remote.s32 @p1 $0x1;
	s0 =	simm.s32 @p1 $0x4  }
0x22b: {  	s3 =	simm.s32 @!p1 $0x3C;
	s2 =	sand.u32 $0xFFFFFFFE, s8;
	_ =	swait.ge @p1 [sflag:s0], $0x22  }
0x22c: {  	s4 =	simm.s32 @!p1 $0x0;
	s2 =	sadd.s32 @!p1 $0x4, s2;
	[sflag:s0] =	ssyncset.done @p1 $0x0  }
0x22d: {  	s5 =	simm.s32 @!p1 $0x100;
	[sflag:s0] =	ssyncadd.s32 @p1 $0xFFFFFFDE;
	s0 =	sshll.u32 @!p1 s2, $0x1A  }
0x22e: {  	s2 =	sshll.u32 @!p1 s2, $0xD;
	s0 =	sor.u32 @!p1 s0, s7;
	_ =	swait.eq @!p1 [sflag:s3], $0x1  }
0x22f: {  	s2 =	sor.u32 @!p1 $0x1C04, s2;
	s3 =	simm.s32 @!p1 $0x1C03;
	s0 =	sor.u32 @!p1 $0x80004000, s0  }
0x230: {  	[spmem:s5], [sflag:s2] =	dma.general @!p1 [spmem:s4], [sflag:s3], length:$0x20, [dreg:$0x0], stride_count:$0x0, ici_dest:s0, dma_misc:DstOpCode:WRITE  }
0x231: {  	p2 =	slt.s32 s9, $0x2;
	s4 =	simm.s32 @!p1 $0x200;
	s5 =	simm.s32 @!p1 $0x202  }
0x232: {  	[spmem:s5], [sflag:s2] =	dma.general @!p1 [spmem:s4], [sflag:s3], length:$0x2, [dreg:$0x0], stride_count:$0x0, ici_dest:s0, dma_misc:DstOpCode:WRITE  }
.Ltmp32:
0x233: {  	s0 =	simm.s32 @!p1 $0x3;
	(pc) =	sbr.rel @p2 .LBB3_38-.Ltmp32, $4  }
0x234: {  	s2 =	sshll.u32 @!p1 s8, $0xE;
	_ =	swait.ge @!p1 [sflag:s0], $0x22  }
0x235: {  	s3 =	sshll.u32 @!p1 s7, $0x11;
	s2 =	sadd.s32 @!p1 $0x11C3C, s2;
	[sflag:s0] =	ssyncset.done @!p1 $0x0  }
0x236: {  	[sflag:s0] =	ssyncadd.s32 @!p1 $0xFFFFFFDE;
	s0 =	sor.u32 @!p1 s3, s2  }
0x237: {  	[sflag:s0] =	ssyncadd.remote.s32 @!p1 $0xFFFFFFFF;
	s0 =	simm.s32 $0x0  }
0x238: {  	s0 =	simm.s32 $0xF219  }
0x239: {  	v0 =	vld.msk [tilespmem:s0+$0x0], $0x1;
	_ =	sdelay $0x4  }
0x23a: {  	(v2sf) =	vpush v0, $0x0;
	_ =	sdelay $0xb  }
0x23b: {  	s31 =	sadd.s32 $0xFFFFFFFE, s6  }
0x23c: {  	s0 =	sadd.s32 $0xFFFFFFFF, s31  }
0x23d: {  	p2 =	sne.s32 s0, $0x0  }
.Ltmp33:
0x23e: {  	s2 =	spop (v2sf);
	(pc) =	sbr.rel @!p2 .LBB3_37-.Ltmp33, $4  }
0x23f: {  	s4 =	simm.s32 $0xF2B8;
	s7 =	simm.s32 $0x0;
	p1 =	sgt.u32 s2, $0x4E1FF0  }
0x240: {  	s5 =	simm.s32 $0x0;
	s6 =	simm.s32 $0xF21A;
	s3 =	sand.u32 @!p1 $0x7FFFF8, s2  }
0x241: {  	s2 =	sand.u32 @!p1 $0x7, s2;
	s7 =	simm.s32 @!p1 $0x200;
	s3 =	sadd.s32 @!p1 s1, s3  }
0x242: {  	[hbm4b:s3+s2] =	stream.linear.scatter @!p1 [tilespmem:s4], [sflag:$0x5], $0x80, $0x38;
	[tilespmem:$0x1F6F8] =	vst v63  }
.LBB3_36:
0x243: {  	v0 =	vld.msk [tilespmem:s6+$0x0], $0x1;
	s0 =	sadd.s32 $0xFFFFFFFF, s0;
	s5 =	sadd.s32 s5, s7  }
0x244: {  	p1 =	sne.s32 s0, $0x0;
	_ =	sdelay $0x3  }
0x245: {  	(v2sf) =	vpush v0, $0x0;
	_ =	sdelay $0xe  }
.Ltmp34:
0x246: {  	s2 =	spop (v2sf);
	(pc) =	sbr.rel @p1 .LBB3_36-.Ltmp34, $4  }
0x247: {  	s7 =	simm.s32 $0x0;
	p2 =	sgt.u32 s2, $0x4E1FF0  }
0x248: {  	s4 =	sadd.s32 $0x80, s4;
	s7 =	simm.s32 @!p2 $0x200;
	s3 =	sand.u32 @!p2 $0x7FFFF8, s2  }
0x249: {  	s6 =	sadd.s32 $0x1, s6;
	s2 =	sand.u32 @!p2 $0x7, s2;
	s3 =	sadd.s32 @!p2 s1, s3  }
0x24a: {  	[hbm4b:s3+s2] =	stream.linear.scatter @!p2 [tilespmem:s4], [sflag:$0x5], $0x80, $0x38;
	[tilespmem:$0x1F6F8] =	vst v63  }
.LBB3_37:
0x24b: {  	s0 =	sadd.s32 s5, s7  }
0x24c: {  	s0 =	sshrl.u32 s0, $0x2  }
.LBB3_38:
0x24d: {  	s2 =	simm.s32 $0x5  }
0x24e: {  	_ =	swait.ge [sflag:s2], s0  }
0x24f: {  	s31 =	ssub.s32 $0x0, s0;
	[sflag:s2] =	ssyncset.done $0x0  }
0x250: {  	[sflag:s2] =	ssyncadd.s32 s31  }
0x251: {  	[sflag:s2] =	ssyncpa.u1 $0x1  }
.LBB3_39:
0x252: {  	s0 =	sor.u32 s15, s16  }
0x253: {  	p1 =	sne.s32 s0, $0x0  }
.Ltmp35:
0x254: {  	_ = 	snop;
	(pc) =	sbr.rel @p1 .LBB3_54-.Ltmp35, $3  }
0x255: {  	_ =	sdelay $0x1  }
0x256: {  	[bflag:$0x0] =	sbarrier.arrive $0xFFFF  }
0x257: {  	_ =	sfence  }
0x258: {  	s0 =	simm.s32 $0x7  }
0x259: {  	s2 =	simm.s32 $0x1000;
	s3 =	simm.s32 $0xF218;
	[sflag:s0] =	ssyncpa.u1 $0x0  }
0x25a: {  	[tilespmem:s3], [sflag:$0x7] =	stream.linear.gather [spmem:s2], $0x20, $0x38;
	[tilespmem:$0x1F6F8] =	vst v63  }
0x25b: {  	s30 =	simm.s32 $0xF238;
	s2 =	simm.s32 $0x0  }
0x25c: {  	[tilespmem:s30], [sflag:$0x7] =	stream.linear.gather [spmem:s2], $0x1000, $0x38;
	[tilespmem:$0x1F6F8] =	vst v63  }
.Ltmp36:
0x25d: {  	_ = 	snop;
	(pc) =	sbr.rel .LBB3_41-.Ltmp36, $4  }
0x25e: {  	_ =	swait.ge [sflag:s0], $0x1020  }
0x25f: {  	[sflag:s0] =	ssyncset.done $0x0  }
0x260: {  	s31 =	simm.s32 $0x8;
	[sflag:s0] =	ssyncadd.s32 $0xFFFFEFE0  }
0x261: {  	s3 =	simm.s32 $0x0;
	[sflag:s31] =	ssyncpa.u1 $0x0  }
.LBB3_47:
0x262: {  	p1 =	slt.u32 s4, $0x4E1FF1  }
0x263: {  	s0 =	sand.u32 @p1 $0x7FFFF8, s4  }
0x264: {  	s4 =	sand.u32 @p1 $0x7, s4;
	s5 =	simm.s32 @p1 $0xF188;
	s0 =	sadd.s32 @p1 s1, s0  }
0x265: {  	[tilespmem:s5], [sflag:$0x8] =	stream.linear.gather @p1 [hbm4b:s0+s4], $0x80, $0x38;
	[tilespmem:$0x1F6F8] =	vst v63  }
0x266: {  	s0 =	simm.s32 @p1 $0x8  }
0x267: {  	_ =	swait.ge @p1 [sflag:s0], $0x80  }
0x268: {  	[sflag:s0] =	ssyncset.done @p1 $0x0  }
0x269: {  	[sflag:s0] =	ssyncadd.s32 @p1 $0xFFFFFF80  }
0x26a: {  	v1 =	vld @p1 [tilespmem:$0xF188];
	_ =	sdelay $0x2  }
0x26b: {  	s0 =	sshll.u32 @p1 s3, $0x9  }
0x26c: {  	s4 =	sshrl.u32 @p1 s0, $0x2  }
0x26d: {  	[tilespmem:s4+$0xF238] =	vst.add.f32.msk @p1 $0xffff, v1  }
0x26e: {  	v1 =	vld @p1 [tilespmem:$0xF198];
	_ =	sdelay $0x4  }
0x26f: {  	[tilespmem:s4+$0xF248] =	vst.add.f32.msk @p1 $0xffff, v1  }
0x270: {  	v1 =	vld @p1 [tilespmem:$0xF1A8];
	_ =	sdelay $0x4  }
0x271: {  	[tilespmem:s4+$0xF258] =	vst.add.f32.msk @p1 $0xffff, v1  }
0x272: {  	v1 =	vld @p1 [tilespmem:$0xF1B8];
	_ =	sdelay $0x4  }
0x273: {  	[tilespmem:s4+$0xF268] =	vst.add.f32.msk @p1 $0xffff, v1  }
0x274: {  	v1 =	vld @p1 [tilespmem:$0xF1C8];
	_ =	sdelay $0x4  }
0x275: {  	[tilespmem:s4+$0xF278] =	vst.add.f32.msk @p1 $0xffff, v1  }
0x276: {  	v1 =	vld @p1 [tilespmem:$0xF1D8];
	_ =	sdelay $0x4  }
0x277: {  	[tilespmem:s4+$0xF288] =	vst.add.f32.msk @p1 $0xffff, v1  }
0x278: {  	v1 =	vld @p1 [tilespmem:$0xF1E8];
	_ =	sdelay $0x4  }
0x279: {  	[tilespmem:s4+$0xF298] =	vst.add.f32.msk @p1 $0xffff, v1  }
0x27a: {  	v1 =	vld @p1 [tilespmem:$0xF1F8];
	_ =	sdelay $0x3  }
0x27b: {  	s5 =	sshll.u32 @!p1 s3, $0x9  }
0x27c: {  	s5 =	smov.u32 @p1 s0;
	[tilespmem:s4+$0xF2A8] =	vst.add.f32.msk @p1 $0xffff, v1  }
0x27d: {  	s0 =	sshrl.u32 s5, $0x2;
	[tilespmem:s2+$0xF218] =	vst.msk $0x1, v0  }
0x27e: {  	v0 =	vld [tilespmem:s0+$0xF238];
	_ =	sdelay $0x2  }
0x27f: {  	s31 =	sshll.u32 s2, $0x9  }
0x280: {  	s4 =	sshra.s32 s31, $0x2  }
0x281: {  	[tilespmem:s4+$0xF238] =	vst v0  }
0x282: {  	v0 =	vld [tilespmem:s0+$0xF248];
	_ =	sdelay $0x4  }
0x283: {  	[tilespmem:s4+$0xF248] =	vst v0  }
0x284: {  	v0 =	vld [tilespmem:s0+$0xF258];
	_ =	sdelay $0x4  }
0x285: {  	[tilespmem:s4+$0xF258] =	vst v0  }
0x286: {  	v0 =	vld [tilespmem:s0+$0xF268];
	_ =	sdelay $0x4  }
0x287: {  	[tilespmem:s4+$0xF268] =	vst v0  }
0x288: {  	v0 =	vld [tilespmem:s0+$0xF278];
	_ =	sdelay $0x4  }
0x289: {  	[tilespmem:s4+$0xF278] =	vst v0  }
0x28a: {  	v0 =	vld [tilespmem:s0+$0xF288];
	_ =	sdelay $0x4  }
0x28b: {  	[tilespmem:s4+$0xF288] =	vst v0  }
0x28c: {  	v0 =	vld [tilespmem:s0+$0xF298];
	_ =	sdelay $0x4  }
0x28d: {  	[tilespmem:s4+$0xF298] =	vst v0  }
0x28e: {  	v0 =	vld [tilespmem:s0+$0xF2A8];
	_ =	sdelay $0x4  }
0x28f: {  	s2 =	sadd.s32 $0x1, s2;
	[tilespmem:s4+$0xF2A8] =	vst v0  }
.LBB3_48:
0x290: {  	s3 =	sadd.s32 $0x1, s3  }
0x291: {  	p1 =	sne.s32 s3, $0x20  }
.Ltmp37:
0x292: {  	_ = 	snop;
	(pc) =	sbr.rel @!p1 .LBB3_49-.Ltmp37, $1  }
0x293: {  	_ =	sdelay $0x3  }
.LBB3_41:
0x294: {  	v0 =	vld.msk [tilespmem:s3+$0xF218], $0x1;
	_ =	sdelay $0x4  }
0x295: {  	(v2sf) =	vpush v0, $0x0;
	_ =	sdelay $0xe  }
0x296: {  	s4 =	spop (v2sf)  }
0x297: {  	p1 =	seq.s32 s4, $0xFFFFFFFF  }
.Ltmp38:
0x298: {  	_ = 	snop;
	(pc) =	sbr.rel @p1 .LBB3_48-.Ltmp38, $1  }
0x299: {  	_ =	sdelay $0x3  }
0x29a: {  	p1 =	slt.s32 s2, $0x1  }
.Ltmp39:
0x29b: {  	_ = 	snop;
	(pc) =	sbr.rel @p1 .LBB3_47-.Ltmp39, $1  }
0x29c: {  	_ =	sdelay $0x3  }
0x29d: {  	s5 =	simm.s32 $0xF218;
	p1 =	por $0x0, $0x0  }
0x29e: {  	v1 =	vld.msk @!p1 [tilespmem:s5+$0x0], $0x1;
	_ =	sdelay $0x4  }
0x29f: {  	(v2sf) =	vpush @!p1 v1, $0x0;
	_ =	sdelay $0xd  }
0x2a0: {  	p3 =	sne.s32 s2, $0x1  }
.Ltmp40:
0x2a1: {  	s0 =	spop @!p1 (v2sf);
	(pc) =	sbr.rel @!p3 .LBB3_45-.Ltmp40, $4  }
0x2a2: {  	p2 =	seq.s32 @!p1 s4, s0  }
0x2a3: {  	s6 =	simm.s32 $0x0;
	p2 =	por !p2, p1  }
0x2a4: {  	s7 =	simm.s32 $0xFFFFFFFF;
	s6 =	simm.s32 @p2 $0xFFFFFFFF  }
0x2a5: {  	s0 =	simm.s32 $0x1;
	s6 =	smov.u32 @p1 s7  }
.LBB3_44:
0x2a6: {  	s7 =	smov.u32 s6;
	p1 =	sne.s32 s6, $0xFFFFFFFF  }
0x2a7: {  	s5 =	sadd.s32 $0x1, s5;
	s6 =	smov.u32 s0;
	s0 =	sadd.s32 $0x1, s0  }
0x2a8: {  	p2 =	sne.s32 s2, s0;
	v1 =	vld.msk @!p1 [tilespmem:s5+$0x0], $0x1;
	_ =	sdelay $0x4  }
0x2a9: {  	(v2sf) =	vpush @!p1 v1, $0x0;
	_ =	sdelay $0xe  }
.Ltmp41:
0x2aa: {  	s8 =	spop @!p1 (v2sf);
	(pc) =	sbr.rel @p2 .LBB3_44-.Ltmp41, $4  }
0x2ab: {  	p3 =	seq.s32 @!p1 s4, s8  }
0x2ac: {  	p3 =	por !p3, p1  }
0x2ad: {  	s6 =	simm.s32 @p3 $0xFFFFFFFF  }
0x2ae: {  	s6 =	smov.u32 @p1 s7  }
.LBB3_45:
0x2af: {  	p1 =	seq.s32 s6, $0xFFFFFFFF  }
.Ltmp42:
0x2b0: {  	_ = 	snop;
	(pc) =	sbr.rel @p1 .LBB3_47-.Ltmp42, $1  }
0x2b1: {  	_ =	sdelay $0x3  }
0x2b2: {  	s0 =	sshll.u32 s3, $0x7  }
0x2b3: {  	s0 =	sand.u32 $0x3FFFFF80, s0  }
0x2b4: {  	v0 =	vld [tilespmem:s0+$0xF238];
	_ =	sdelay $0x2  }
0x2b5: {  	s4 =	sshll.u32 s6, $0x9  }
0x2b6: {  	s4 =	sshra.s32 s4, $0x2  }
0x2b7: {  	[tilespmem:s4+$0xF238] =	vst.add.f32.msk $0xffff, v0  }
0x2b8: {  	v0 =	vld [tilespmem:s0+$0xF248];
	_ =	sdelay $0x4  }
0x2b9: {  	[tilespmem:s4+$0xF248] =	vst.add.f32.msk $0xffff, v0  }
0x2ba: {  	v0 =	vld [tilespmem:s0+$0xF258];
	_ =	sdelay $0x4  }
0x2bb: {  	[tilespmem:s4+$0xF258] =	vst.add.f32.msk $0xffff, v0  }
0x2bc: {  	v0 =	vld [tilespmem:s0+$0xF268];
	_ =	sdelay $0x4  }
0x2bd: {  	[tilespmem:s4+$0xF268] =	vst.add.f32.msk $0xffff, v0  }
0x2be: {  	v0 =	vld [tilespmem:s0+$0xF278];
	_ =	sdelay $0x4  }
0x2bf: {  	[tilespmem:s4+$0xF278] =	vst.add.f32.msk $0xffff, v0  }
0x2c0: {  	v0 =	vld [tilespmem:s0+$0xF288];
	_ =	sdelay $0x4  }
0x2c1: {  	[tilespmem:s4+$0xF288] =	vst.add.f32.msk $0xffff, v0  }
0x2c2: {  	v0 =	vld [tilespmem:s0+$0xF298];
	_ =	sdelay $0x4  }
0x2c3: {  	[tilespmem:s4+$0xF298] =	vst.add.f32.msk $0xffff, v0  }
0x2c4: {  	v0 =	vld [tilespmem:s0+$0xF2A8]  }
.Ltmp43:
0x2c5: {  	_ = 	snop;
	(pc) =	sbr.rel .LBB3_48-.Ltmp43, $2  }
0x2c6: {  	_ =	sdelay $0x2  }
0x2c7: {  	[tilespmem:s4+$0xF2A8] =	vst.add.f32.msk $0xffff, v0  }
.LBB3_49:
0x2c8: {  	p1 =	slt.s32 s2, $0x1  }
.Ltmp44:
0x2c9: {  	_ = 	snop;
	(pc) =	sbr.rel @p1 .LBB3_53-.Ltmp44, $3  }
0x2ca: {  	_ =	sdelay $0x1  }
0x2cb: {  	s0 =	simm.s32 $0x8  }
0x2cc: {  	s3 =	simm.s32 $0x0;
	[sflag:s0] =	ssyncpa.u1 $0x1  }
0x2cd: {  	s0 =	simm.s32 $0xF218  }
0x2ce: {  	v0 =	vld.msk [tilespmem:s0+$0x0], $0x1;
	_ =	sdelay $0x4  }
0x2cf: {  	(v2sf) =	vpush v0, $0x0;
	_ =	sdelay $0xe  }
0x2d0: {  	s0 =	sadd.s32 $0xFFFFFFFF, s2;
	s5 =	spop (v2sf)  }
0x2d1: {  	p2 =	sne.s32 s0, $0x0;
	p1 =	sgt.u32 s5, $0x4E1FF0  }
.Ltmp45:
0x2d2: {  	s6 =	sand.u32 @!p1 $0x7FFFF8, s5;
	(pc) =	sbr.rel @!p2 .LBB3_52-.Ltmp45, $4  }
0x2d3: {  	s4 =	simm.s32 $0xF238;
	s5 =	sand.u32 @!p1 $0x7, s5;
	s2 =	sadd.s32 @!p1 s1, s6  }
0x2d4: {  	[hbm4b:s2+s5] =	stream.linear.scatter @!p1 [tilespmem:s4], [sflag:$0x7], $0x80, $0x38;
	[tilespmem:$0x1F6F8] =	vst v63  }
0x2d5: {  	s5 =	simm.s32 $0x0  }
0x2d6: {  	s2 =	simm.s32 $0xF219;
	s5 =	simm.s32 @!p1 $0x200  }
.LBB3_51:
0x2d7: {  	v0 =	vld.msk [tilespmem:s2+$0x0], $0x1;
	s0 =	sadd.s32 $0xFFFFFFFF, s0;
	s3 =	sadd.s32 s3, s5  }
0x2d8: {  	p1 =	sne.s32 s0, $0x0;
	_ =	sdelay $0x3  }
0x2d9: {  	(v2sf) =	vpush v0, $0x0;
	_ =	sdelay $0xe  }
.Ltmp46:
0x2da: {  	s6 =	spop (v2sf);
	(pc) =	sbr.rel @p1 .LBB3_51-.Ltmp46, $4  }
0x2db: {  	s5 =	simm.s32 $0x0;
	p2 =	sgt.u32 s6, $0x4E1FF0  }
0x2dc: {  	s4 =	sadd.s32 $0x80, s4;
	s5 =	simm.s32 @!p2 $0x200;
	s7 =	sand.u32 @!p2 $0x7FFFF8, s6  }
0x2dd: {  	s2 =	sadd.s32 $0x1, s2;
	s6 =	sand.u32 @!p2 $0x7, s6;
	s7 =	sadd.s32 @!p2 s1, s7  }
0x2de: {  	[hbm4b:s7+s6] =	stream.linear.scatter @!p2 [tilespmem:s4], [sflag:$0x7], $0x80, $0x38;
	[tilespmem:$0x1F6F8] =	vst v63  }
.LBB3_52:
0x2df: {  	s0 =	sadd.s32 s3, s5  }
0x2e0: {  	s3 =	sshrl.u32 s0, $0x2  }
.LBB3_53:
0x2e1: {  	s0 =	simm.s32 $0x7  }
0x2e2: {  	_ =	swait.ge [sflag:s0], s3  }
0x2e3: {  	s1 =	ssub.s32 $0x0, s3;
	[sflag:s0] =	ssyncset.done $0x0  }
0x2e4: {  	[sflag:s0] =	ssyncadd.s32 s1  }
0x2e5: {  	[sflag:s0] =	ssyncpa.u1 $0x1  }
.LBB3_54:
0x2e6: {  	_ =	sfence;
	s0 =	simm.s32 $0x1  }
0x2e7: {  	[sflag:s0] =	ssyncpa.u1 $0x1  }
0x2e8: {  	_ =	strace $0x9000004D  }
0x2e9: {  	[bflag:$0x2] =	sbarrier.arrive $0xFFFF  }
0x2ea: {  	s0 =	rddreg [dreg:$0x3]  }
0x2eb: {  	s0 =	sadd.s32 @!p0 $0x100000, s0  }
0x2ec: {  	[sflag:s0] =	ssyncadd.tile.s32 @!p0 $0x1;
	_ =	shalt  }
.Lfunc_end3:
_tile_overlayer_lowered:
.L_overlay_start_3:
0x2ed: {  	(tag) =	ssettag $0x3  }
0x2ee: {  	s0 =	rddreg [dreg:$0x0];
	s2 =	stileid.u32  }
0x2ef: {  	s1 =	rddreg [dreg:$0x1];
	p0 =	sne.s32 s2, $0x0  }
0x2f0: {  	s3 =	rddreg [dreg:$0x2];
	[bflag:$0x3] =	sbarrier.arrive $0xFFFF;
	s2 =	simm.s32 @!p0 $0x1C01  }
0x2f1: {  	[timem:s3], [sflag:s2] =	dma.local @!p0 [hbm:s0], s1  }
0x2f2: {  	s0 =	simm.s32 @!p0 $0x1  }
0x2f3: {  	_ =	swait.ge @!p0 [sflag:s0], s1  }
0x2f4: {  	s1 =	ssub.s32 @!p0 $0x0, s1;
	[sflag:s0] =	ssyncset.done @!p0 $0x0  }
0x2f5: {  	[sflag:s0] =	ssyncadd.s32 @!p0 s1  }
0x2f6: {  	[bflag:$0x3] =	sbarrier.arrive $0xFFFF  }
0x2f7: {  	_ =	shalt  }

</sc_bundles>
